<compile_context>
chip_gen: v7x
topology: tpu7x:2x2x1
jax: 0.10.2.dev20260603
libtpu: 0.0.44.dev20260713+nightly
codegen_flags: <defaults>
</compile_context>

<pallas_src>
import functools

import jax
import jax.numpy as jnp
from jax import lax
from jax.experimental import pallas as pl
from jax.experimental.pallas import tpu as pltpu
from jax.experimental.pallas import tpu_sc as plsc

N = 10000
E = 320000
F = 128
DE = 16
FILTERS = 128

NC, NS = 2, 16
NW = NC * NS
EPW = E // NW
C = 40
NCHUNK = EPW // C
RPT = 624
RPT_LAST = N - (NS - 1) * RPT

_EPS = 1e-3



def _proj_nodes_body(n_ref, w_ref, ps_ref, pd_ref):
    p = jnp.dot(n_ref[...], w_ref[...], preferred_element_type=jnp.float32)
    ps_ref[...] = p[:, :FILTERS]
    pd_ref[...] = p[:, FILTERS:]


def _proj_edges_body(ef_ref, w_ref, b_ref, pe_ref):
    pe_ref[...] = (
        jnp.dot(ef_ref[...], w_ref[...], preferred_element_type=jnp.float32)
        + b_ref[...]
    )


def _update_body(n_ref, p0_ref, p1_ref, w1_ref, w2_ref, b_ref, g_ref, bt_ref,
                 out_ref):
    agg = p0_ref[...] + p1_ref[...]
    h = (jnp.dot(n_ref[...], w1_ref[...], preferred_element_type=jnp.float32)
         + jnp.dot(agg, w2_ref[...], preferred_element_type=jnp.float32)
         + b_ref[...])
    r = jnp.maximum(h, 0.0)
    mean = jnp.mean(r, axis=-1, keepdims=True)
    var = jnp.mean(jnp.square(r - mean), axis=-1, keepdims=True)
    out_ref[...] = (r - mean) * lax.rsqrt(var + _EPS) * g_ref[...] + bt_ref[...]



def _tree_add(xs):
    while len(xs) > 1:
        xs = [a + b for a, b in zip(xs[::2], xs[1::2])]
    return xs[0]


def _lane_sum(x, iota):
    for k in (1, 2, 4, 8):
        x = x + x.at[iota ^ k].get(mode="promise_in_bounds")
    return x


def _sc_msg_body(ps_hbm, pd_hbm, pe_hbm, e2_hbm, gm_hbm, bt_hbm,
                 zer_hbm, m_hbm, part_hbm,
                 buf_gs0, buf_gs1, buf_gd0, buf_gd1,
                 buf_b0, buf_b1, buf_m0, buf_m1,
                 ebuf0, ebuf1, idx_s0, idx_s1, idx_d0, idx_d1,
                 gvec, bvec, acc,
                 sem_g0, sem_g1, sem_w0, sem_w1, sem_s0, sem_s1,
                 sem_i0, sem_i1):
    cid = lax.axis_index("c")
    sid = lax.axis_index("s")
    wid = cid * NS + sid

    buf_gs = (buf_gs0, buf_gs1)
    buf_gd = (buf_gd0, buf_gd1)
    buf_b = (buf_b0, buf_b1)
    buf_m = (buf_m0, buf_m1)
    ebuf = (ebuf0, ebuf1)
    idx_s = (idx_s0, idx_s1)
    idx_d = (idx_d0, idx_d1)
    sem_g = (sem_g0, sem_g1)
    sem_w = (sem_w0, sem_w1)
    sem_s = (sem_s0, sem_s1)
    sem_i = (sem_i0, sem_i1)

    @pl.when(sid < NS - 1)
    def _():
        pltpu.sync_copy(zer_hbm.at[pl.ds(0, RPT)], acc.at[pl.ds(sid * RPT, RPT)])

    @pl.when(sid == NS - 1)
    def _():
        pltpu.sync_copy(zer_hbm, acc.at[pl.ds((NS - 1) * RPT, RPT_LAST)])

    pltpu.sync_copy(gm_hbm, gvec)
    pltpu.sync_copy(bt_hbm, bvec)
    plsc.subcore_barrier()

    gs = [gvec[pl.ds(k * 16, 16)] for k in range(8)]
    bs = [bvec[pl.ds(k * 16, 16)] for k in range(8)]
    iota = lax.iota(jnp.int32, 16)

    def fire_echunk(g2, b):
        base2 = wid * EPW + g2 * C
        pltpu.async_copy(e2_hbm.at[pl.ds(2 * base2, 2 * C)], ebuf[b],
                         sem_i[b])

    evens = (iota * 2) & 15
    odds = (iota * 2 + 1) & 15
    lo_half = iota < 8

    def build_idx(b):
        for o in (0, 16, C - 16):
            v0 = ebuf[b][pl.ds(2 * o, 16)]
            v1 = ebuf[b][pl.ds(2 * o + 16, 16)]
            sv = jnp.where(lo_half,
                           v0.at[evens].get(mode="promise_in_bounds"),
                           v1.at[evens].get(mode="promise_in_bounds"))
            dv = jnp.where(lo_half,
                           v0.at[odds].get(mode="promise_in_bounds"),
                           v1.at[odds].get(mode="promise_in_bounds"))
            idx_s[b][0, pl.ds(o, 16)] = sv
            idx_d[b][0, pl.ds(o, 16)] = dv

    def fire_gathers(g1, b):
        base1 = wid * EPW + g1 * C
        pltpu.async_copy(ps_hbm.at[idx_s[b].at[0]], buf_gs[b], sem_g[b])
        pltpu.async_copy(pd_hbm.at[idx_d[b].at[0]], buf_gd[b], sem_g[b])
        pltpu.async_copy(pe_hbm.at[pl.ds(base1, C)], buf_b[b], sem_g[b])

    def drain(src, dst, sem):
        pltpu.make_async_copy(src, dst, sem).wait()

    def compute(b):
        def e2(i2, c2):
            for u in range(2):
                i = i2 * 2 + u
                xs = [buf_gs[b][i, pl.ds(k * 16, 16)]
                      + buf_gd[b][i, pl.ds(k * 16, 16)]
                      + buf_b[b][i, pl.ds(k * 16, 16)]
                      for k in range(8)]
                xs = [jnp.maximum(x, 0.0) for x in xs]
                mv = _lane_sum(_tree_add(xs), iota) * (1.0 / 128.0)
                s2 = _lane_sum(_tree_add([x * x for x in xs]), iota)
                v = s2 * (1.0 / 128.0) - mv * mv + _EPS
                y = lax.bitcast_convert_type(
                    jnp.int32(0x5F3759DF)
                    - (lax.bitcast_convert_type(v, jnp.int32) >> 1),
                    jnp.float32)
                h = v * 0.5
                y = y * (1.5 - h * y * y)
                y = y * (1.5 - h * y * y)
                y = y * (1.5 - h * y * y)
                for k in range(8):
                    buf_m[b][i, pl.ds(k * 16, 16)] = \
                        (xs[k] - mv) * y * gs[k] + bs[k]
            return c2

        lax.fori_loop(0, C // 2, e2, 0)

    def run_chunk(g, b):
        base = wid * EPW + g * C
        nb = 1 - b
        drain(ps_hbm.at[idx_s[b].at[0]], buf_gs[b], sem_g[b])
        drain(pd_hbm.at[idx_d[b].at[0]], buf_gd[b], sem_g[b])
        drain(pe_hbm.at[pl.ds(base, C)], buf_b[b], sem_g[b])

        @pl.when(g >= 1)
        def _():
            drain(buf_m[nb], acc.at[idx_d[nb].at[0]], sem_s[nb])

        @pl.when(g + 1 < NCHUNK)
        def _():
            drain(e2_hbm.at[pl.ds(2 * (base + C), 2 * C)], ebuf[nb],
                  sem_i[nb])
            build_idx(nb)
            fire_gathers(g + 1, nb)

        @pl.when(g + 2 < NCHUNK)
        def _():
            fire_echunk(g + 2, b)

        @pl.when(g >= 2)
        def _():
            drain(buf_m[b], m_hbm.at[pl.ds(base, C)], sem_w[b])

        compute(b)
        pltpu.async_copy(buf_m[b], m_hbm.at[pl.ds(base, C)], sem_w[b])
        pltpu.async_copy(buf_m[b], acc.at[idx_d[b].at[0]], sem_s[b],
                         add=True)

    pltpu.sync_copy(e2_hbm.at[pl.ds(2 * wid * EPW, 2 * C)], ebuf[0])
    build_idx(0)
    fire_gathers(0, 0)
    fire_echunk(1, 1)

    def pair(j, carry):
        run_chunk(2 * j, 0)
        run_chunk(2 * j + 1, 1)
        return carry

    lax.fori_loop(0, NCHUNK // 2, pair, 0)
    if NCHUNK % 2:
        run_chunk(NCHUNK - 1, 0)

    sl = (NCHUNK - 1) % 2
    last = wid * EPW + (NCHUNK - 1) * C
    drain(buf_m[1 - sl], m_hbm.at[pl.ds(last, C)], sem_w[1 - sl])
    drain(buf_m[sl], m_hbm.at[pl.ds(last, C)], sem_w[sl])
    drain(buf_m[sl], acc.at[idx_d[sl].at[0]], sem_s[sl])

    plsc.subcore_barrier()

    @pl.when(sid < NS - 1)
    def _():
        pltpu.sync_copy(acc.at[pl.ds(sid * RPT, RPT)],
                        part_hbm.at[cid, pl.ds(sid * RPT, RPT)])

    @pl.when(sid == NS - 1)
    def _():
        pltpu.sync_copy(acc.at[pl.ds((NS - 1) * RPT, RPT_LAST)],
                        part_hbm.at[cid, pl.ds((NS - 1) * RPT, RPT_LAST)])


def _make_sc_call():
    mesh = plsc.VectorSubcoreMesh(core_axis_name="c", subcore_axis_name="s",
                                  num_cores=NC, num_subcores=NS)
    return pl.kernel(
        _sc_msg_body,
        out_type=(
            jax.ShapeDtypeStruct((E, FILTERS), jnp.float32),
            jax.ShapeDtypeStruct((NC, N, FILTERS), jnp.float32),
        ),
        mesh=mesh,
        scratch_types=(
            pltpu.VMEM((C, FILTERS), jnp.float32),
            pltpu.VMEM((C, FILTERS), jnp.float32),
            pltpu.VMEM((C, FILTERS), jnp.float32),
            pltpu.VMEM((C, FILTERS), jnp.float32),
            pltpu.VMEM((C, FILTERS), jnp.float32),
            pltpu.VMEM((C, FILTERS), jnp.float32),
            pltpu.VMEM((C, FILTERS), jnp.float32),
            pltpu.VMEM((C, FILTERS), jnp.float32),
            pltpu.VMEM((2 * C,), jnp.int32),
            pltpu.VMEM((2 * C,), jnp.int32),
            pltpu.VMEM((1, C), jnp.int32),
            pltpu.VMEM((1, C), jnp.int32),
            pltpu.VMEM((1, C), jnp.int32),
            pltpu.VMEM((1, C), jnp.int32),
            pltpu.VMEM((FILTERS,), jnp.float32),
            pltpu.VMEM((FILTERS,), jnp.float32),
            pltpu.VMEM_SHARED((N, FILTERS), jnp.float32),
            pltpu.SemaphoreType.DMA,
            pltpu.SemaphoreType.DMA,
            pltpu.SemaphoreType.DMA,
            pltpu.SemaphoreType.DMA,
            pltpu.SemaphoreType.DMA,
            pltpu.SemaphoreType.DMA,
            pltpu.SemaphoreType.DMA,
            pltpu.SemaphoreType.DMA,
        ),
    )


_sc_call = _make_sc_call()


def kernel(nodes, edge_features, edges, Wm, bm, gm, beta_m, Wu, bu, gu,
           beta_u):
    n = nodes.reshape(N, F)
    ef = edge_features.reshape(E, DE)
    e2 = edges.reshape(E, 2)

    w_sd = jnp.concatenate([Wm[:F], Wm[F:2 * F]], axis=1)
    ps, pd = pl.pallas_call(
        _proj_nodes_body,
        grid=(5,),
        in_specs=[
            pl.BlockSpec((N // 5, F), lambda i: (i, 0)),
            pl.BlockSpec((F, 2 * FILTERS), lambda i: (0, 0)),
        ],
        out_specs=[
            pl.BlockSpec((N // 5, FILTERS), lambda i: (i, 0)),
            pl.BlockSpec((N // 5, FILTERS), lambda i: (i, 0)),
        ],
        out_shape=[
            jax.ShapeDtypeStruct((N, FILTERS), jnp.float32),
            jax.ShapeDtypeStruct((N, FILTERS), jnp.float32),
        ],
    )(n, w_sd)

    be = E // 50
    pe = pl.pallas_call(
        _proj_edges_body,
        grid=(50,),
        in_specs=[
            pl.BlockSpec((be, DE), lambda i: (i, 0)),
            pl.BlockSpec((DE, FILTERS), lambda i: (0, 0)),
            pl.BlockSpec((1, FILTERS), lambda i: (0, 0)),
        ],
        out_specs=pl.BlockSpec((be, FILTERS), lambda i: (i, 0)),
        out_shape=jax.ShapeDtypeStruct((E, FILTERS), jnp.float32),
    )(ef, Wm[2 * F:], bm.reshape(1, FILTERS))

    zer = jnp.zeros((RPT_LAST, FILTERS), dtype=jnp.float32)
    m, parts = _sc_call(ps, pd, pe, e2.reshape(2 * E), gm, beta_m, zer)

    bn = N // 5
    u = pl.pallas_call(
        _update_body,
        grid=(5,),
        in_specs=[
            pl.BlockSpec((bn, F), lambda i: (i, 0)),
            pl.BlockSpec((bn, FILTERS), lambda i: (i, 0)),
            pl.BlockSpec((bn, FILTERS), lambda i: (i, 0)),
            pl.BlockSpec((F, FILTERS), lambda i: (0, 0)),
            pl.BlockSpec((FILTERS, FILTERS), lambda i: (0, 0)),
            pl.BlockSpec((1, FILTERS), lambda i: (0, 0)),
            pl.BlockSpec((1, FILTERS), lambda i: (0, 0)),
            pl.BlockSpec((1, FILTERS), lambda i: (0, 0)),
        ],
        out_specs=pl.BlockSpec((bn, FILTERS), lambda i: (i, 0)),
        out_shape=jax.ShapeDtypeStruct((N, FILTERS), jnp.float32),
    )(n, parts[0], parts[1], Wu[:F], Wu[F:], bu.reshape(1, FILTERS),
      gu.reshape(1, FILTERS), beta_u.reshape(1, FILTERS))

    return (u.reshape(1, N, FILTERS), m.reshape(1, E, FILTERS), edges)

# --- scband reference (transcript-rebuilt; emitter-appended) ---
"""Pipeline reference for scband-keras-gnnlayer-wrapper-66159676227859 (READ-ONLY COPY).

The authoritative reference and input builder live on the scoring server;
editing this copy changes nothing except your own understanding.
"""

import jax, jax.numpy as jnp
import numpy as np

N = 10000
E = 320000
F = 128
DE = 16
FILTERS = 128


def _layernorm(x, g, b, eps=1e-3):
    # keras LayerNormalization default epsilon=1e-3
    m = jnp.mean(x, axis=-1, keepdims=True)
    v = jnp.var(x, axis=-1, keepdims=True)
    return (x - m) / jnp.sqrt(v + eps) * g + b


def setup_inputs(seed: int = 0) -> dict:
    key = jax.random.key(seed)
    ks = jax.random.split(key, 6)
    nodes = jax.random.normal(ks[0], (1, N, F), dtype=jnp.float32)
    edge_features = jax.random.normal(ks[1], (1, E, DE), dtype=jnp.float32)
    edges = jax.random.randint(ks[2], (1, E, 2), 0, N, dtype=jnp.int32)
    # message_layer: Dense(2*F+DE -> FILTERS)
    Wm = jax.random.normal(ks[3], (2 * F + DE, FILTERS), dtype=jnp.float32) * 0.05
    bm = jnp.zeros((FILTERS,), dtype=jnp.float32)
    gm = jnp.ones((FILTERS,), dtype=jnp.float32)
    beta_m = jnp.zeros((FILTERS,), dtype=jnp.float32)
    # update_layer: Dense(F+FILTERS -> FILTERS) applied to concat([nodes, aggregated])
    Wu = jax.random.normal(ks[4], (F + FILTERS, FILTERS), dtype=jnp.float32) * 0.05
    bu = jnp.zeros((FILTERS,), dtype=jnp.float32)
    gu = jnp.ones((FILTERS,), dtype=jnp.float32)
    beta_u = jnp.zeros((FILTERS,), dtype=jnp.float32)
    return {"nodes": nodes, "edge_features": edge_features, "edges": edges,
            "Wm": Wm, "bm": bm, "gm": gm, "beta_m": beta_m,
            "Wu": Wu, "bu": bu, "gu": gu, "beta_u": beta_u}


def reference(nodes, edge_features, edges, Wm, bm, gm, beta_m, Wu, bu, gu, beta_u):
    # edge_weights is None in this configuration -> unweighted segment-sum path
    def per_graph(n, ef, e):
        # gather src/dst node features per edge: [E, 2, F] -> [E, 2F]
        message_inputs = jnp.take(n, e, axis=0)
        msg_in = jnp.concatenate([message_inputs.reshape(E, 2 * F), ef], axis=-1)
        # message layer -> activation -> layer norm
        m = _layernorm(jax.nn.relu(msg_in @ Wm + bm), gm, beta_m)
        # aggregate messages at destination nodes (edges[:, 1])
        agg = jax.ops.segment_sum(m, e[:, 1], num_segments=N)
        # update layer on concat([nodes, aggregated]) -> activation -> layer norm
        upd_in = jnp.concatenate([n, agg], axis=-1)
        u = _layernorm(jax.nn.relu(upd_in @ Wu + bu), gu, beta_u)
        return u, m

    updated_nodes, messages = jax.vmap(per_graph)(nodes, edge_features, edges)
    return (updated_nodes, messages, edges)

if __name__ == "__main__":
    import jax
    _d = setup_inputs()
    print(jax.jit(kernel)(*tuple(_d.values())))

</pallas_src>

<mosaic_0001>
#map = affine_map<(d0, d1) -> (0, 0)>
#map1 = affine_map<(d0, d1) -> (0)>
#map2 = affine_map<(d0, d1) -> (0, 0, 0)>
module attributes {stable_mosaic.version = 14 : i64} {
  func.func @_sc_msg_body(%arg0: i32, %arg1: i32, %arg2: memref<10000x128xf32, #tpu.memory_space<hbm>>, %arg3: memref<10000x128xf32, #tpu.memory_space<hbm>>, %arg4: memref<320000x128xf32, #tpu.memory_space<hbm>>, %arg5: memref<640000xi32, #tpu.memory_space<hbm>>, %arg6: memref<128xf32, #tpu.memory_space<hbm>>, %arg7: memref<128xf32, #tpu.memory_space<hbm>>, %arg8: memref<640x128xf32, #tpu.memory_space<hbm>>, %arg9: memref<320000x128xf32, #tpu.memory_space<hbm>>, %arg10: memref<2x10000x128xf32, #tpu.memory_space<hbm>>, %arg11: memref<40x128xf32, #tpu.memory_space<vmem>>, %arg12: memref<40x128xf32, #tpu.memory_space<vmem>>, %arg13: memref<40x128xf32, #tpu.memory_space<vmem>>, %arg14: memref<40x128xf32, #tpu.memory_space<vmem>>, %arg15: memref<40x128xf32, #tpu.memory_space<vmem>>, %arg16: memref<40x128xf32, #tpu.memory_space<vmem>>, %arg17: memref<40x128xf32, #tpu.memory_space<vmem>>, %arg18: memref<40x128xf32, #tpu.memory_space<vmem>>, %arg19: memref<80xi32, #tpu.memory_space<vmem>>, %arg20: memref<80xi32, #tpu.memory_space<vmem>>, %arg21: memref<1x40xi32, #tpu.memory_space<vmem>>, %arg22: memref<1x40xi32, #tpu.memory_space<vmem>>, %arg23: memref<1x40xi32, #tpu.memory_space<vmem>>, %arg24: memref<1x40xi32, #tpu.memory_space<vmem>>, %arg25: memref<128xf32, #tpu.memory_space<vmem>>, %arg26: memref<128xf32, #tpu.memory_space<vmem>>, %arg27: memref<10000x128xf32, #tpu.memory_space<vmem_shared>>, %arg28: memref<!tpu.dma_semaphore, #tpu.memory_space<semaphore_mem>>, %arg29: memref<!tpu.dma_semaphore, #tpu.memory_space<semaphore_mem>>, %arg30: memref<!tpu.dma_semaphore, #tpu.memory_space<semaphore_mem>>, %arg31: memref<!tpu.dma_semaphore, #tpu.memory_space<semaphore_mem>>, %arg32: memref<!tpu.dma_semaphore, #tpu.memory_space<semaphore_mem>>, %arg33: memref<!tpu.dma_semaphore, #tpu.memory_space<semaphore_mem>>, %arg34: memref<!tpu.dma_semaphore, #tpu.memory_space<semaphore_mem>>, %arg35: memref<!tpu.dma_semaphore, #tpu.memory_space<semaphore_mem>>) attributes {dimension_semantics = [#tpu.dimension_semantics<core_parallel>, #tpu.dimension_semantics<subcore_parallel>], iteration_bounds = array<i64: 2, 16>, scalar_prefetch = 0 : i64, scratch_operands = 25 : i64, tpu.core_type = #tpu.core_type<sc_vector_subcore>, window_params = [{transform_indices = #map}, {transform_indices = #map}, {transform_indices = #map}, {transform_indices = #map1}, {transform_indices = #map1}, {transform_indices = #map1}, {transform_indices = #map}, {transform_indices = #map}, {transform_indices = #map2}]} {
    %mul3A = arith.constant 16 : i32
    %mul3A_0 = arith.muli %arg0, %mul3A : i32
    %add3A = arith.addi %mul3A_0, %arg1 : i32
    %lt3A = arith.constant 15 : i32
    %lt3A_1 = arith.cmpi slt, %arg1, %lt3A : i32
    %convert_element_type3A = arith.extui %lt3A_1 : i1 to i32
    %cond3A = arith.constant 0 : i32
    %cond3A_2 = arith.cmpi ne, %convert_element_type3A, %cond3A : i32
    scf.if %cond3A_2 {
      %mul3A_314 = arith.constant 624 : i32
      %mul3A_315 = arith.muli %arg1, %mul3A_314 : i32
      "tpu.region"() ({
        %run_scoped3A = tpu.sem_alloc : memref<!tpu.dma_semaphore, #tpu.memory_space<semaphore_mem>>
        %dma_start3A_316 = arith.constant 0 : i32
        %dma_start3A_317 = tpu.memref_slice %arg27[%mul3A_315, %dma_start3A_316] : memref<10000x128xf32, #tpu.memory_space<vmem_shared>> -> memref<624x128xf32, #tpu.memory_space<vmem_shared>>
        %dma_start3A_318 = arith.constant 0 : i32
        %dma_start3A_319 = arith.constant 0 : i32
        %dma_start3A_320 = tpu.memref_slice %arg8[%dma_start3A_318, %dma_start3A_319] : memref<640x128xf32, #tpu.memory_space<hbm>> -> memref<624x128xf32, #tpu.memory_space<hbm>>
        tpu.enqueue_dma source(%dma_start3A_320 : memref<624x128xf32, #tpu.memory_space<hbm>>) target(%dma_start3A_317 : memref<624x128xf32, #tpu.memory_space<vmem_shared>>) target_semaphore(%run_scoped3A : memref<!tpu.dma_semaphore, #tpu.memory_space<semaphore_mem>>)
        %dma_wait3A_321 = arith.constant 0 : i32
        %dma_wait3A_322 = tpu.memref_slice %arg27[%mul3A_315, %dma_wait3A_321] : memref<10000x128xf32, #tpu.memory_space<vmem_shared>> -> memref<624x128xf32, #tpu.memory_space<vmem_shared>>
        %dma_wait3A_323 = arith.constant 0 : i32
        %dma_wait3A_324 = arith.constant 0 : i32
        %dma_wait3A_325 = tpu.memref_slice %arg8[%dma_wait3A_323, %dma_wait3A_324] : memref<640x128xf32, #tpu.memory_space<hbm>> -> memref<624x128xf32, #tpu.memory_space<hbm>>
        tpu.wait_dma2 semaphore(%run_scoped3A : memref<!tpu.dma_semaphore, #tpu.memory_space<semaphore_mem>>) src(%dma_wait3A_325 : memref<624x128xf32, #tpu.memory_space<hbm>>) dst(%dma_wait3A_322 : memref<624x128xf32, #tpu.memory_space<vmem_shared>>)
        tpu.yield
      }) : () -> ()
    } else {
    }
    %eq3A = arith.constant 15 : i32
    %eq3A_3 = arith.cmpi eq, %arg1, %eq3A : i32
    %convert_element_type3A_4 = arith.extui %eq3A_3 : i1 to i32
    %cond3A_5 = arith.constant 0 : i32
    %cond3A_6 = arith.cmpi ne, %convert_element_type3A_4, %cond3A_5 : i32
    scf.if %cond3A_6 {
      "tpu.region"() ({
        %run_scoped3A = tpu.sem_alloc : memref<!tpu.dma_semaphore, #tpu.memory_space<semaphore_mem>>
        %dma_start3A_314 = arith.constant 9360 : i32
        %dma_start3A_315 = arith.constant 0 : i32
        %dma_start3A_316 = tpu.memref_slice %arg27[%dma_start3A_314, %dma_start3A_315] : memref<10000x128xf32, #tpu.memory_space<vmem_shared>> -> memref<640x128xf32, #tpu.memory_space<vmem_shared>>
        tpu.enqueue_dma source(%arg8 : memref<640x128xf32, #tpu.memory_space<hbm>>) target(%dma_start3A_316 : memref<640x128xf32, #tpu.memory_space<vmem_shared>>) target_semaphore(%run_scoped3A : memref<!tpu.dma_semaphore, #tpu.memory_space<semaphore_mem>>)
        %dma_wait3A_317 = arith.constant 9360 : i32
        %dma_wait3A_318 = arith.constant 0 : i32
        %dma_wait3A_319 = tpu.memref_slice %arg27[%dma_wait3A_317, %dma_wait3A_318] : memref<10000x128xf32, #tpu.memory_space<vmem_shared>> -> memref<640x128xf32, #tpu.memory_space<vmem_shared>>
        tpu.wait_dma2 semaphore(%run_scoped3A : memref<!tpu.dma_semaphore, #tpu.memory_space<semaphore_mem>>) src(%arg8 : memref<640x128xf32, #tpu.memory_space<hbm>>) dst(%dma_wait3A_319 : memref<640x128xf32, #tpu.memory_space<vmem_shared>>)
        tpu.yield
      }) : () -> ()
    } else {
    }
    "tpu.region"() ({
      %run_scoped3A = tpu.sem_alloc : memref<!tpu.dma_semaphore, #tpu.memory_space<semaphore_mem>>
      tpu.enqueue_dma source(%arg6 : memref<128xf32, #tpu.memory_space<hbm>>) target(%arg25 : memref<128xf32, #tpu.memory_space<vmem>>) target_semaphore(%run_scoped3A : memref<!tpu.dma_semaphore, #tpu.memory_space<semaphore_mem>>)
      tpu.wait_dma2 semaphore(%run_scoped3A : memref<!tpu.dma_semaphore, #tpu.memory_space<semaphore_mem>>) src(%arg6 : memref<128xf32, #tpu.memory_space<hbm>>) dst(%arg25 : memref<128xf32, #tpu.memory_space<vmem>>)
      tpu.yield
    }) : () -> ()
    "tpu.region"() ({
      %run_scoped3A = tpu.sem_alloc : memref<!tpu.dma_semaphore, #tpu.memory_space<semaphore_mem>>
      tpu.enqueue_dma source(%arg7 : memref<128xf32, #tpu.memory_space<hbm>>) target(%arg26 : memref<128xf32, #tpu.memory_space<vmem>>) target_semaphore(%run_scoped3A : memref<!tpu.dma_semaphore, #tpu.memory_space<semaphore_mem>>)
      tpu.wait_dma2 semaphore(%run_scoped3A : memref<!tpu.dma_semaphore, #tpu.memory_space<semaphore_mem>>) src(%arg7 : memref<128xf32, #tpu.memory_space<hbm>>) dst(%arg26 : memref<128xf32, #tpu.memory_space<vmem>>)
      tpu.yield
    }) : () -> ()
    %barrier3A = arith.constant 0 : index
    tpu.barrier barrier_id(%barrier3A)
    %get3A = arith.constant 0 : index
    %get3A_7 = tpu.vector_load %arg25[%get3A] {strides = array<i32>} : memref<128xf32, #tpu.memory_space<vmem>>, vector<16xf32>,
    %get3A_8 = vector.shape_cast %get3A_7 : vector<16xf32> to vector<16xf32>
    %get3A_9 = arith.constant 16 : index
    %get3A_10 = tpu.vector_load %arg25[%get3A_9] {strides = array<i32>} : memref<128xf32, #tpu.memory_space<vmem>>, vector<16xf32>,
    %get3A_11 = vector.shape_cast %get3A_10 : vector<16xf32> to vector<16xf32>
    %get3A_12 = arith.constant 32 : index
    %get3A_13 = tpu.vector_load %arg25[%get3A_12] {strides = array<i32>} : memref<128xf32, #tpu.memory_space<vmem>>, vector<16xf32>,
    %get3A_14 = vector.shape_cast %get3A_13 : vector<16xf32> to vector<16xf32>
    %get3A_15 = arith.constant 48 : index
    %get3A_16 = tpu.vector_load %arg25[%get3A_15] {strides = array<i32>} : memref<128xf32, #tpu.memory_space<vmem>>, vector<16xf32>,
    %get3A_17 = vector.shape_cast %get3A_16 : vector<16xf32> to vector<16xf32>
    %get3A_18 = arith.constant 64 : index
    %get3A_19 = tpu.vector_load %arg25[%get3A_18] {strides = array<i32>} : memref<128xf32, #tpu.memory_space<vmem>>, vector<16xf32>,
    %get3A_20 = vector.shape_cast %get3A_19 : vector<16xf32> to vector<16xf32>
    %get3A_21 = arith.constant 80 : index
    %get3A_22 = tpu.vector_load %arg25[%get3A_21] {strides = array<i32>} : memref<128xf32, #tpu.memory_space<vmem>>, vector<16xf32>,
    %get3A_23 = vector.shape_cast %get3A_22 : vector<16xf32> to vector<16xf32>
    %get3A_24 = arith.constant 96 : index
    %get3A_25 = tpu.vector_load %arg25[%get3A_24] {strides = array<i32>} : memref<128xf32, #tpu.memory_space<vmem>>, vector<16xf32>,
    %get3A_26 = vector.shape_cast %get3A_25 : vector<16xf32> to vector<16xf32>
    %get3A_27 = arith.constant 112 : index
    %get3A_28 = tpu.vector_load %arg25[%get3A_27] {strides = array<i32>} : memref<128xf32, #tpu.memory_space<vmem>>, vector<16xf32>,
    %get3A_29 = vector.shape_cast %get3A_28 : vector<16xf32> to vector<16xf32>
    %get3A_30 = arith.constant 0 : index
    %get3A_31 = tpu.vector_load %arg26[%get3A_30] {strides = array<i32>} : memref<128xf32, #tpu.memory_space<vmem>>, vector<16xf32>,
    %get3A_32 = vector.shape_cast %get3A_31 : vector<16xf32> to vector<16xf32>
    %get3A_33 = arith.constant 16 : index
    %get3A_34 = tpu.vector_load %arg26[%get3A_33] {strides = array<i32>} : memref<128xf32, #tpu.memory_space<vmem>>, vector<16xf32>,
    %get3A_35 = vector.shape_cast %get3A_34 : vector<16xf32> to vector<16xf32>
    %get3A_36 = arith.constant 32 : index
    %get3A_37 = tpu.vector_load %arg26[%get3A_36] {strides = array<i32>} : memref<128xf32, #tpu.memory_space<vmem>>, vector<16xf32>,
    %get3A_38 = vector.shape_cast %get3A_37 : vector<16xf32> to vector<16xf32>
    %get3A_39 = arith.constant 48 : index
    %get3A_40 = tpu.vector_load %arg26[%get3A_39] {strides = array<i32>} : memref<128xf32, #tpu.memory_space<vmem>>, vector<16xf32>,
    %get3A_41 = vector.shape_cast %get3A_40 : vector<16xf32> to vector<16xf32>
    %get3A_42 = arith.constant 64 : index
    %get3A_43 = tpu.vector_load %arg26[%get3A_42] {strides = array<i32>} : memref<128xf32, #tpu.memory_space<vmem>>, vector<16xf32>,
    %get3A_44 = vector.shape_cast %get3A_43 : vector<16xf32> to vector<16xf32>
    %get3A_45 = arith.constant 80 : index
    %get3A_46 = tpu.vector_load %arg26[%get3A_45] {strides = array<i32>} : memref<128xf32, #tpu.memory_space<vmem>>, vector<16xf32>,
    %get3A_47 = vector.shape_cast %get3A_46 : vector<16xf32> to vector<16xf32>
    %get3A_48 = arith.constant 96 : index
    %get3A_49 = tpu.vector_load %arg26[%get3A_48] {strides = array<i32>} : memref<128xf32, #tpu.memory_space<vmem>>, vector<16xf32>,
    %get3A_50 = vector.shape_cast %get3A_49 : vector<16xf32> to vector<16xf32>
    %get3A_51 = arith.constant 112 : index
    %get3A_52 = tpu.vector_load %arg26[%get3A_51] {strides = array<i32>} : memref<128xf32, #tpu.memory_space<vmem>>, vector<16xf32>,
    %get3A_53 = vector.shape_cast %get3A_52 : vector<16xf32> to vector<16xf32>
    %iota3A = tpu.iota {dimensions = array<i32: 0>} : vector<16xi32>
    %mul3A_54 = arith.constant 2 : i32
    %mul3A_55 = vector.broadcast %mul3A_54 : i32 to vector<16xi32>
    %mul3A_56 = arith.muli %iota3A, %mul3A_55 : vector<16xi32>
    %and3A = arith.constant 15 : i32
    %and3A_57 = vector.broadcast %and3A : i32 to vector<16xi32>
    %and3A_58 = arith.andi %mul3A_56, %and3A_57 : vector<16xi32>
    %mul3A_59 = arith.constant 2 : i32
    %mul3A_60 = vector.broadcast %mul3A_59 : i32 to vector<16xi32>
    %mul3A_61 = arith.muli %iota3A, %mul3A_60 : vector<16xi32>
    %add3A_62 = arith.constant 1 : i32
    %add3A_63 = vector.broadcast %add3A_62 : i32 to vector<16xi32>
    %add3A_64 = arith.addi %mul3A_61, %add3A_63 : vector<16xi32>
    %and3A_65 = arith.constant 15 : i32
    %and3A_66 = vector.broadcast %and3A_65 : i32 to vector<16xi32>
    %and3A_67 = arith.andi %add3A_64, %and3A_66 : vector<16xi32>
    %lt3A_68 = arith.constant 8 : i32
    %lt3A_69 = vector.broadcast %lt3A_68 : i32 to vector<16xi32>
    %lt3A_70 = arith.cmpi slt, %iota3A, %lt3A_69 : vector<16xi32>
    %mul3A_71 = arith.constant 2 : i32
    %mul3A_72 = arith.muli %mul3A_71, %add3A : i32
    %mul3A_73 = arith.constant 10000 : i32
    %mul3A_74 = arith.muli %mul3A_72, %mul3A_73 : i32
    "tpu.region"() ({
      %run_scoped3A = tpu.sem_alloc : memref<!tpu.dma_semaphore, #tpu.memory_space<semaphore_mem>>
      %dma_start3A_314 = tpu.memref_slice %arg5[%mul3A_74] : memref<640000xi32, #tpu.memory_space<hbm>> -> memref<80xi32, #tpu.memory_space<hbm>>
      %dma_start3A_315 = tpu.memref_slice %arg5[%mul3A_74] : memref<640000xi32, #tpu.memory_space<hbm>> -> memref<80xi32, #tpu.memory_space<hbm>>
      tpu.enqueue_dma source(%dma_start3A_315 : memref<80xi32, #tpu.memory_space<hbm>>) target(%arg19 : memref<80xi32, #tpu.memory_space<vmem>>) target_semaphore(%run_scoped3A : memref<!tpu.dma_semaphore, #tpu.memory_space<semaphore_mem>>)
      %dma_wait3A_316 = tpu.memref_slice %arg5[%mul3A_74] : memref<640000xi32, #tpu.memory_space<hbm>> -> memref<80xi32, #tpu.memory_space<hbm>>
      %dma_wait3A_317 = tpu.memref_slice %arg5[%mul3A_74] : memref<640000xi32, #tpu.memory_space<hbm>> -> memref<80xi32, #tpu.memory_space<hbm>>
      tpu.wait_dma2 semaphore(%run_scoped3A : memref<!tpu.dma_semaphore, #tpu.memory_space<semaphore_mem>>) src(%dma_wait3A_317 : memref<80xi32, #tpu.memory_space<hbm>>) dst(%arg19 : memref<80xi32, #tpu.memory_space<vmem>>)
      tpu.yield
    }) : () -> ()
    %get3A_75 = arith.constant 0 : index
    %get3A_76 = tpu.vector_load %arg19[%get3A_75] {strides = array<i32>} : memref<80xi32, #tpu.memory_space<vmem>>, vector<16xi32>,
    %get3A_77 = vector.shape_cast %get3A_76 : vector<16xi32> to vector<16xi32>
    %get3A_78 = arith.constant 16 : index
    %get3A_79 = tpu.vector_load %arg19[%get3A_78] {strides = array<i32>} : memref<80xi32, #tpu.memory_space<vmem>>, vector<16xi32>,
    %get3A_80 = vector.shape_cast %get3A_79 : vector<16xi32> to vector<16xi32>
    %lt3A_81 = arith.constant 0 : i32
    %lt3A_82 = vector.broadcast %lt3A_81 : i32 to vector<16xi32>
    %lt3A_83 = arith.cmpi slt, %and3A_58, %lt3A_82 : vector<16xi32>
    %add3A_84 = arith.constant 16 : i32
    %add3A_85 = vector.broadcast %add3A_84 : i32 to vector<16xi32>
    %add3A_86 = arith.addi %and3A_58, %add3A_85 : vector<16xi32>
    %select_n3A = arith.select %lt3A_83, %add3A_86, %and3A_58 : vector<16xi1>, vector<16xi32>
    %broadcast_in_dim3A = vector.shape_cast %select_n3A : vector<16xi32> to vector<16x1xi32>
    %gather3A = vector.shape_cast %broadcast_in_dim3A : vector<16x1xi32> to vector<16xi32>
    %gather3A_87 = tpu.dynamic_gather %get3A_77[%gather3A] in [0] : vector<16xi32>, vector<16xi32> -> vector<16xi32>
    %lt3A_88 = arith.constant 0 : i32
    %lt3A_89 = vector.broadcast %lt3A_88 : i32 to vector<16xi32>
    %lt3A_90 = arith.cmpi slt, %and3A_58, %lt3A_89 : vector<16xi32>
    %add3A_91 = arith.constant 16 : i32
    %add3A_92 = vector.broadcast %add3A_91 : i32 to vector<16xi32>
    %add3A_93 = arith.addi %and3A_58, %add3A_92 : vector<16xi32>
    %select_n3A_94 = arith.select %lt3A_90, %add3A_93, %and3A_58 : vector<16xi1>, vector<16xi32>
    %broadcast_in_dim3A_95 = vector.shape_cast %select_n3A_94 : vector<16xi32> to vector<16x1xi32>
    %gather3A_96 = vector.shape_cast %broadcast_in_dim3A_95 : vector<16x1xi32> to vector<16xi32>
    %gather3A_97 = tpu.dynamic_gather %get3A_80[%gather3A_96] in [0] : vector<16xi32>, vector<16xi32> -> vector<16xi32>
    %select_n3A_98 = arith.select %lt3A_70, %gather3A_87, %gather3A_97 : vector<16xi1>, vector<16xi32>
    %lt3A_99 = arith.constant 0 : i32
    %lt3A_100 = vector.broadcast %lt3A_99 : i32 to vector<16xi32>
    %lt3A_101 = arith.cmpi slt, %and3A_67, %lt3A_100 : vector<16xi32>
    %add3A_102 = arith.constant 16 : i32
    %add3A_103 = vector.broadcast %add3A_102 : i32 to vector<16xi32>
    %add3A_104 = arith.addi %and3A_67, %add3A_103 : vector<16xi32>
    %select_n3A_105 = arith.select %lt3A_101, %add3A_104, %and3A_67 : vector<16xi1>, vector<16xi32>
    %broadcast_in_dim3A_106 = vector.shape_cast %select_n3A_105 : vector<16xi32> to vector<16x1xi32>
    %gather3A_107 = vector.shape_cast %broadcast_in_dim3A_106 : vector<16x1xi32> to vector<16xi32>
    %gather3A_108 = tpu.dynamic_gather %get3A_77[%gather3A_107] in [0] : vector<16xi32>, vector<16xi32> -> vector<16xi32>
    %lt3A_109 = arith.constant 0 : i32
    %lt3A_110 = vector.broadcast %lt3A_109 : i32 to vector<16xi32>
    %lt3A_111 = arith.cmpi slt, %and3A_67, %lt3A_110 : vector<16xi32>
    %add3A_112 = arith.constant 16 : i32
    %add3A_113 = vector.broadcast %add3A_112 : i32 to vector<16xi32>
    %add3A_114 = arith.addi %and3A_67, %add3A_113 : vector<16xi32>
    %select_n3A_115 = arith.select %lt3A_111, %add3A_114, %and3A_67 : vector<16xi1>, vector<16xi32>
    %broadcast_in_dim3A_116 = vector.shape_cast %select_n3A_115 : vector<16xi32> to vector<16x1xi32>
    %gather3A_117 = vector.shape_cast %broadcast_in_dim3A_116 : vector<16x1xi32> to vector<16xi32>
    %gather3A_118 = tpu.dynamic_gather %get3A_80[%gather3A_117] in [0] : vector<16xi32>, vector<16xi32> -> vector<16xi32>
    %select_n3A_119 = arith.select %lt3A_70, %gather3A_108, %gather3A_118 : vector<16xi1>, vector<16xi32>
    %swap3A = arith.constant 0 : i32
    %swap3A_120 = arith.index_cast %swap3A : i32 to index
    %swap3A_121 = arith.constant 0 : index
    %swap3A_122 = tpu.vector_load %arg21[%swap3A_120, %swap3A_121] {strides = array<i32>} : memref<1x40xi32, #tpu.memory_space<vmem>>, vector<1x16xi32>,
    %swap3A_123 = vector.shape_cast %swap3A_122 : vector<1x16xi32> to vector<16xi32>
    %swap3A_124 = vector.shape_cast %select_n3A_98 : vector<16xi32> to vector<1x16xi32>
    tpu.vector_store %arg21[%swap3A_120, %swap3A_121], %swap3A_124 {strides = array<i32>} : memref<1x40xi32, #tpu.memory_space<vmem>>, vector<1x16xi32>,
    %swap3A_125 = arith.constant 0 : i32
    %swap3A_126 = arith.index_cast %swap3A_125 : i32 to index
    %swap3A_127 = arith.constant 0 : index
    %swap3A_128 = tpu.vector_load %arg23[%swap3A_126, %swap3A_127] {strides = array<i32>} : memref<1x40xi32, #tpu.memory_space<vmem>>, vector<1x16xi32>,
    %swap3A_129 = vector.shape_cast %swap3A_128 : vector<1x16xi32> to vector<16xi32>
    %swap3A_130 = vector.shape_cast %select_n3A_119 : vector<16xi32> to vector<1x16xi32>
    tpu.vector_store %arg23[%swap3A_126, %swap3A_127], %swap3A_130 {strides = array<i32>} : memref<1x40xi32, #tpu.memory_space<vmem>>, vector<1x16xi32>,
    %get3A_131 = arith.constant 32 : index
    %get3A_132 = tpu.vector_load %arg19[%get3A_131] {strides = array<i32>} : memref<80xi32, #tpu.memory_space<vmem>>, vector<16xi32>,
    %get3A_133 = vector.shape_cast %get3A_132 : vector<16xi32> to vector<16xi32>
    %get3A_134 = arith.constant 48 : index
    %get3A_135 = tpu.vector_load %arg19[%get3A_134] {strides = array<i32>} : memref<80xi32, #tpu.memory_space<vmem>>, vector<16xi32>,
    %get3A_136 = vector.shape_cast %get3A_135 : vector<16xi32> to vector<16xi32>
    %lt3A_137 = arith.constant 0 : i32
    %lt3A_138 = vector.broadcast %lt3A_137 : i32 to vector<16xi32>
    %lt3A_139 = arith.cmpi slt, %and3A_58, %lt3A_138 : vector<16xi32>
    %add3A_140 = arith.constant 16 : i32
    %add3A_141 = vector.broadcast %add3A_140 : i32 to vector<16xi32>
    %add3A_142 = arith.addi %and3A_58, %add3A_141 : vector<16xi32>
    %select_n3A_143 = arith.select %lt3A_139, %add3A_142, %and3A_58 : vector<16xi1>, vector<16xi32>
    %broadcast_in_dim3A_144 = vector.shape_cast %select_n3A_143 : vector<16xi32> to vector<16x1xi32>
    %gather3A_145 = vector.shape_cast %broadcast_in_dim3A_144 : vector<16x1xi32> to vector<16xi32>
    %gather3A_146 = tpu.dynamic_gather %get3A_133[%gather3A_145] in [0] : vector<16xi32>, vector<16xi32> -> vector<16xi32>
    %lt3A_147 = arith.constant 0 : i32
    %lt3A_148 = vector.broadcast %lt3A_147 : i32 to vector<16xi32>
    %lt3A_149 = arith.cmpi slt, %and3A_58, %lt3A_148 : vector<16xi32>
    %add3A_150 = arith.constant 16 : i32
    %add3A_151 = vector.broadcast %add3A_150 : i32 to vector<16xi32>
    %add3A_152 = arith.addi %and3A_58, %add3A_151 : vector<16xi32>
    %select_n3A_153 = arith.select %lt3A_149, %add3A_152, %and3A_58 : vector<16xi1>, vector<16xi32>
    %broadcast_in_dim3A_154 = vector.shape_cast %select_n3A_153 : vector<16xi32> to vector<16x1xi32>
    %gather3A_155 = vector.shape_cast %broadcast_in_dim3A_154 : vector<16x1xi32> to vector<16xi32>
    %gather3A_156 = tpu.dynamic_gather %get3A_136[%gather3A_155] in [0] : vector<16xi32>, vector<16xi32> -> vector<16xi32>
    %select_n3A_157 = arith.select %lt3A_70, %gather3A_146, %gather3A_156 : vector<16xi1>, vector<16xi32>
    %lt3A_158 = arith.constant 0 : i32
    %lt3A_159 = vector.broadcast %lt3A_158 : i32 to vector<16xi32>
    %lt3A_160 = arith.cmpi slt, %and3A_67, %lt3A_159 : vector<16xi32>
    %add3A_161 = arith.constant 16 : i32
    %add3A_162 = vector.broadcast %add3A_161 : i32 to vector<16xi32>
    %add3A_163 = arith.addi %and3A_67, %add3A_162 : vector<16xi32>
    %select_n3A_164 = arith.select %lt3A_160, %add3A_163, %and3A_67 : vector<16xi1>, vector<16xi32>
    %broadcast_in_dim3A_165 = vector.shape_cast %select_n3A_164 : vector<16xi32> to vector<16x1xi32>
    %gather3A_166 = vector.shape_cast %broadcast_in_dim3A_165 : vector<16x1xi32> to vector<16xi32>
    %gather3A_167 = tpu.dynamic_gather %get3A_133[%gather3A_166] in [0] : vector<16xi32>, vector<16xi32> -> vector<16xi32>
    %lt3A_168 = arith.constant 0 : i32
    %lt3A_169 = vector.broadcast %lt3A_168 : i32 to vector<16xi32>
    %lt3A_170 = arith.cmpi slt, %and3A_67, %lt3A_169 : vector<16xi32>
    %add3A_171 = arith.constant 16 : i32
    %add3A_172 = vector.broadcast %add3A_171 : i32 to vector<16xi32>
    %add3A_173 = arith.addi %and3A_67, %add3A_172 : vector<16xi32>
    %select_n3A_174 = arith.select %lt3A_170, %add3A_173, %and3A_67 : vector<16xi1>, vector<16xi32>
    %broadcast_in_dim3A_175 = vector.shape_cast %select_n3A_174 : vector<16xi32> to vector<16x1xi32>
    %gather3A_176 = vector.shape_cast %broadcast_in_dim3A_175 : vector<16x1xi32> to vector<16xi32>
    %gather3A_177 = tpu.dynamic_gather %get3A_136[%gather3A_176] in [0] : vector<16xi32>, vector<16xi32> -> vector<16xi32>
    %select_n3A_178 = arith.select %lt3A_70, %gather3A_167, %gather3A_177 : vector<16xi1>, vector<16xi32>
    %swap3A_179 = arith.constant 0 : i32
    %swap3A_180 = arith.index_cast %swap3A_179 : i32 to index
    %swap3A_181 = arith.constant 16 : index
    %swap3A_182 = tpu.vector_load %arg21[%swap3A_180, %swap3A_181] {strides = array<i32>} : memref<1x40xi32, #tpu.memory_space<vmem>>, vector<1x16xi32>,
    %swap3A_183 = vector.shape_cast %swap3A_182 : vector<1x16xi32> to vector<16xi32>
    %swap3A_184 = vector.shape_cast %select_n3A_157 : vector<16xi32> to vector<1x16xi32>
    tpu.vector_store %arg21[%swap3A_180, %swap3A_181], %swap3A_184 {strides = array<i32>} : memref<1x40xi32, #tpu.memory_space<vmem>>, vector<1x16xi32>,
    %swap3A_185 = arith.constant 0 : i32
    %swap3A_186 = arith.index_cast %swap3A_185 : i32 to index
    %swap3A_187 = arith.constant 16 : index
    %swap3A_188 = tpu.vector_load %arg23[%swap3A_186, %swap3A_187] {strides = array<i32>} : memref<1x40xi32, #tpu.memory_space<vmem>>, vector<1x16xi32>,
    %swap3A_189 = vector.shape_cast %swap3A_188 : vector<1x16xi32> to vector<16xi32>
    %swap3A_190 = vector.shape_cast %select_n3A_178 : vector<16xi32> to vector<1x16xi32>
    tpu.vector_store %arg23[%swap3A_186, %swap3A_187], %swap3A_190 {strides = array<i32>} : memref<1x40xi32, #tpu.memory_space<vmem>>, vector<1x16xi32>,
    %get3A_191 = arith.constant 48 : index
    %get3A_192 = tpu.vector_load %arg19[%get3A_191] {strides = array<i32>} : memref<80xi32, #tpu.memory_space<vmem>>, vector<16xi32>,
    %get3A_193 = vector.shape_cast %get3A_192 : vector<16xi32> to vector<16xi32>
    %get3A_194 = arith.constant 64 : index
    %get3A_195 = tpu.vector_load %arg19[%get3A_194] {strides = array<i32>} : memref<80xi32, #tpu.memory_space<vmem>>, vector<16xi32>,
    %get3A_196 = vector.shape_cast %get3A_195 : vector<16xi32> to vector<16xi32>
    %lt3A_197 = arith.constant 0 : i32
    %lt3A_198 = vector.broadcast %lt3A_197 : i32 to vector<16xi32>
    %lt3A_199 = arith.cmpi slt, %and3A_58, %lt3A_198 : vector<16xi32>
    %add3A_200 = arith.constant 16 : i32
    %add3A_201 = vector.broadcast %add3A_200 : i32 to vector<16xi32>
    %add3A_202 = arith.addi %and3A_58, %add3A_201 : vector<16xi32>
    %select_n3A_203 = arith.select %lt3A_199, %add3A_202, %and3A_58 : vector<16xi1>, vector<16xi32>
    %broadcast_in_dim3A_204 = vector.shape_cast %select_n3A_203 : vector<16xi32> to vector<16x1xi32>
    %gather3A_205 = vector.shape_cast %broadcast_in_dim3A_204 : vector<16x1xi32> to vector<16xi32>
    %gather3A_206 = tpu.dynamic_gather %get3A_193[%gather3A_205] in [0] : vector<16xi32>, vector<16xi32> -> vector<16xi32>
    %lt3A_207 = arith.constant 0 : i32
    %lt3A_208 = vector.broadcast %lt3A_207 : i32 to vector<16xi32>
    %lt3A_209 = arith.cmpi slt, %and3A_58, %lt3A_208 : vector<16xi32>
    %add3A_210 = arith.constant 16 : i32
    %add3A_211 = vector.broadcast %add3A_210 : i32 to vector<16xi32>
    %add3A_212 = arith.addi %and3A_58, %add3A_211 : vector<16xi32>
    %select_n3A_213 = arith.select %lt3A_209, %add3A_212, %and3A_58 : vector<16xi1>, vector<16xi32>
    %broadcast_in_dim3A_214 = vector.shape_cast %select_n3A_213 : vector<16xi32> to vector<16x1xi32>
    %gather3A_215 = vector.shape_cast %broadcast_in_dim3A_214 : vector<16x1xi32> to vector<16xi32>
    %gather3A_216 = tpu.dynamic_gather %get3A_196[%gather3A_215] in [0] : vector<16xi32>, vector<16xi32> -> vector<16xi32>
    %select_n3A_217 = arith.select %lt3A_70, %gather3A_206, %gather3A_216 : vector<16xi1>, vector<16xi32>
    %lt3A_218 = arith.constant 0 : i32
    %lt3A_219 = vector.broadcast %lt3A_218 : i32 to vector<16xi32>
    %lt3A_220 = arith.cmpi slt, %and3A_67, %lt3A_219 : vector<16xi32>
    %add3A_221 = arith.constant 16 : i32
    %add3A_222 = vector.broadcast %add3A_221 : i32 to vector<16xi32>
    %add3A_223 = arith.addi %and3A_67, %add3A_222 : vector<16xi32>
    %select_n3A_224 = arith.select %lt3A_220, %add3A_223, %and3A_67 : vector<16xi1>, vector<16xi32>
    %broadcast_in_dim3A_225 = vector.shape_cast %select_n3A_224 : vector<16xi32> to vector<16x1xi32>
    %gather3A_226 = vector.shape_cast %broadcast_in_dim3A_225 : vector<16x1xi32> to vector<16xi32>
    %gather3A_227 = tpu.dynamic_gather %get3A_193[%gather3A_226] in [0] : vector<16xi32>, vector<16xi32> -> vector<16xi32>
    %lt3A_228 = arith.constant 0 : i32
    %lt3A_229 = vector.broadcast %lt3A_228 : i32 to vector<16xi32>
    %lt3A_230 = arith.cmpi slt, %and3A_67, %lt3A_229 : vector<16xi32>
    %add3A_231 = arith.constant 16 : i32
    %add3A_232 = vector.broadcast %add3A_231 : i32 to vector<16xi32>
    %add3A_233 = arith.addi %and3A_67, %add3A_232 : vector<16xi32>
    %select_n3A_234 = arith.select %lt3A_230, %add3A_233, %and3A_67 : vector<16xi1>, vector<16xi32>
    %broadcast_in_dim3A_235 = vector.shape_cast %select_n3A_234 : vector<16xi32> to vector<16x1xi32>
    %gather3A_236 = vector.shape_cast %broadcast_in_dim3A_235 : vector<16x1xi32> to vector<16xi32>
    %gather3A_237 = tpu.dynamic_gather %get3A_196[%gather3A_236] in [0] : vector<16xi32>, vector<16xi32> -> vector<16xi32>
    %select_n3A_238 = arith.select %lt3A_70, %gather3A_227, %gather3A_237 : vector<16xi1>, vector<16xi32>
    %swap3A_239 = arith.constant 0 : i32
    %swap3A_240 = arith.index_cast %swap3A_239 : i32 to index
    %swap3A_241 = arith.constant 24 : index
    %swap3A_242 = tpu.vector_load %arg21[%swap3A_240, %swap3A_241] {strides = array<i32>} : memref<1x40xi32, #tpu.memory_space<vmem>>, vector<1x16xi32>,
    %swap3A_243 = vector.shape_cast %swap3A_242 : vector<1x16xi32> to vector<16xi32>
    %swap3A_244 = vector.shape_cast %select_n3A_217 : vector<16xi32> to vector<1x16xi32>
    tpu.vector_store %arg21[%swap3A_240, %swap3A_241], %swap3A_244 {strides = array<i32>} : memref<1x40xi32, #tpu.memory_space<vmem>>, vector<1x16xi32>,
    %swap3A_245 = arith.constant 0 : i32
    %swap3A_246 = arith.index_cast %swap3A_245 : i32 to index
    %swap3A_247 = arith.constant 24 : index
    %swap3A_248 = tpu.vector_load %arg23[%swap3A_246, %swap3A_247] {strides = array<i32>} : memref<1x40xi32, #tpu.memory_space<vmem>>, vector<1x16xi32>,
    %swap3A_249 = vector.shape_cast %swap3A_248 : vector<1x16xi32> to vector<16xi32>
    %swap3A_250 = vector.shape_cast %select_n3A_238 : vector<16xi32> to vector<1x16xi32>
    tpu.vector_store %arg23[%swap3A_246, %swap3A_247], %swap3A_250 {strides = array<i32>} : memref<1x40xi32, #tpu.memory_space<vmem>>, vector<1x16xi32>,
    %mul3A_251 = arith.constant 10000 : i32
    %mul3A_252 = arith.muli %add3A, %mul3A_251 : i32
    %add3A_253 = arith.constant 0 : i32
    %add3A_254 = arith.addi %mul3A_252, %add3A_253 : i32
    %dma_start3A = arith.constant 0 : i32
    %dma_start3A_255 = arith.constant 0 : i32
    %dma_start3A_256 = tpu.memref_slice %arg21[%dma_start3A, %dma_start3A_255] : memref<1x40xi32, #tpu.memory_space<vmem>> -> memref<1x40xi32, #tpu.memory_space<vmem>>
    %dma_start3A_257 = tpu.memref_squeeze %dma_start3A_256 : memref<1x40xi32, #tpu.memory_space<vmem>> -> memref<40xi32, #tpu.memory_space<vmem>>
    %dma_start3A_258 = arith.constant 0 : i32
    %dma_start3A_259 = arith.constant 0 : i32
    %dma_start3A_260 = tpu.memref_slice %arg2[%dma_start3A_258, %dma_start3A_259] : memref<10000x128xf32, #tpu.memory_space<hbm>> -> memref<10000x128xf32, #tpu.memory_space<hbm>>
    tpu.enqueue_indirect_dma source(%dma_start3A_260 : memref<10000x128xf32, #tpu.memory_space<hbm>>) target(%arg11 : memref<40x128xf32, #tpu.memory_space<vmem>>) offsets(%dma_start3A_257 : memref<40xi32, #tpu.memory_space<vmem>>) semaphore(%arg28 : memref<!tpu.dma_semaphore, #tpu.memory_space<semaphore_mem>>)
    %dma_start3A_261 = arith.constant 0 : i32
    %dma_start3A_262 = arith.constant 0 : i32
    %dma_start3A_263 = tpu.memref_slice %arg23[%dma_start3A_261, %dma_start3A_262] : memref<1x40xi32, #tpu.memory_space<vmem>> -> memref<1x40xi32, #tpu.memory_space<vmem>>
    %dma_start3A_264 = tpu.memref_squeeze %dma_start3A_263 : memref<1x40xi32, #tpu.memory_space<vmem>> -> memref<40xi32, #tpu.memory_space<vmem>>
    %dma_start3A_265 = arith.constant 0 : i32
    %dma_start3A_266 = arith.constant 0 : i32
    %dma_start3A_267 = tpu.memref_slice %arg3[%dma_start3A_265, %dma_start3A_266] : memref<10000x128xf32, #tpu.memory_space<hbm>> -> memref<10000x128xf32, #tpu.memory_space<hbm>>
    tpu.enqueue_indirect_dma source(%dma_start3A_267 : memref<10000x128xf32, #tpu.memory_space<hbm>>) target(%arg13 : memref<40x128xf32, #tpu.memory_space<vmem>>) offsets(%dma_start3A_264 : memref<40xi32, #tpu.memory_space<vmem>>) semaphore(%arg28 : memref<!tpu.dma_semaphore, #tpu.memory_space<semaphore_mem>>)
    %dma_start3A_268 = arith.constant 0 : i32
    %dma_start3A_269 = tpu.memref_slice %arg4[%add3A_254, %dma_start3A_268] : memref<320000x128xf32, #tpu.memory_space<hbm>> -> memref<40x128xf32, #tpu.memory_space<hbm>>
    %dma_start3A_270 = arith.constant 0 : i32
    %dma_start3A_271 = tpu.memref_slice %arg4[%add3A_254, %dma_start3A_270] : memref<320000x128xf32, #tpu.memory_space<hbm>> -> memref<40x128xf32, #tpu.memory_space<hbm>>
    tpu.enqueue_dma source(%dma_start3A_271 : memref<40x128xf32, #tpu.memory_space<hbm>>) target(%arg15 : memref<40x128xf32, #tpu.memory_space<vmem>>) target_semaphore(%arg28 : memref<!tpu.dma_semaphore, #tpu.memory_space<semaphore_mem>>)
    %mul3A_272 = arith.constant 10000 : i32
    %mul3A_273 = arith.muli %add3A, %mul3A_272 : i32
    %add3A_274 = arith.constant 40 : i32
    %add3A_275 = arith.addi %mul3A_273, %add3A_274 : i32
    %mul3A_276 = arith.constant 2 : i32
    %mul3A_277 = arith.muli %mul3A_276, %add3A_275 : i32
    %dma_start3A_278 = tpu.memref_slice %arg5[%mul3A_277] : memref<640000xi32, #tpu.memory_space<hbm>> -> memref<80xi32, #tpu.memory_space<hbm>>
    %dma_start3A_279 = tpu.memref_slice %arg5[%mul3A_277] : memref<640000xi32, #tpu.memory_space<hbm>> -> memref<80xi32, #tpu.memory_space<hbm>>
    tpu.enqueue_dma source(%dma_start3A_279 : memref<80xi32, #tpu.memory_space<hbm>>) target(%arg20 : memref<80xi32, #tpu.memory_space<vmem>>) target_semaphore(%arg35 : memref<!tpu.dma_semaphore, #tpu.memory_space<semaphore_mem>>)
    %scan3A = arith.constant 0 : i32
    %scan3A_280 = arith.constant 0 : i32
    %scan3A_281 = arith.constant 125 : i32
    %scan3A_282 = arith.addi %scan3A_280, %scan3A_281 : i32
    %scan3A_283 = arith.constant 1 : i32
    scf.for %scan3A_314 = %scan3A_280 to %scan3A_282 step %scan3A_283  : i32 {
      %mul3A_315 = arith.constant 2 : i32
      %mul3A_316 = arith.muli %mul3A_315, %scan3A_314 : i32
      %mul3A_317 = arith.constant 10000 : i32
      %mul3A_318 = arith.muli %add3A, %mul3A_317 : i32
      %mul3A_319 = arith.constant 40 : i32
      %mul3A_320 = arith.muli %mul3A_316, %mul3A_319 : i32
      %add3A_321 = arith.addi %mul3A_318, %mul3A_320 : i32
      %dma_wait3A_322 = arith.constant 0 : i32
      %dma_wait3A_323 = arith.constant 0 : i32
      %dma_wait3A_324 = tpu.memref_slice %arg21[%dma_wait3A_322, %dma_wait3A_323] : memref<1x40xi32, #tpu.memory_space<vmem>> -> memref<1x40xi32, #tpu.memory_space<vmem>>
      %dma_wait3A_325 = tpu.memref_squeeze %dma_wait3A_324 : memref<1x40xi32, #tpu.memory_space<vmem>> -> memref<40xi32, #tpu.memory_space<vmem>>
      %dma_wait3A_326 = arith.constant 0 : i32
      %dma_wait3A_327 = arith.constant 0 : i32
      %dma_wait3A_328 = tpu.memref_slice %arg2[%dma_wait3A_326, %dma_wait3A_327] : memref<10000x128xf32, #tpu.memory_space<hbm>> -> memref<10000x128xf32, #tpu.memory_space<hbm>>
      tpu.wait_indirect_dma semaphore(%arg28 : memref<!tpu.dma_semaphore, #tpu.memory_space<semaphore_mem>>) src(%dma_wait3A_328 : memref<10000x128xf32, #tpu.memory_space<hbm>>) dst(%arg11 : memref<40x128xf32, #tpu.memory_space<vmem>>)
      %dma_wait3A_329 = arith.constant 0 : i32
      %dma_wait3A_330 = arith.constant 0 : i32
      %dma_wait3A_331 = tpu.memref_slice %arg23[%dma_wait3A_329, %dma_wait3A_330] : memref<1x40xi32, #tpu.memory_space<vmem>> -> memref<1x40xi32, #tpu.memory_space<vmem>>
      %dma_wait3A_332 = tpu.memref_squeeze %dma_wait3A_331 : memref<1x40xi32, #tpu.memory_space<vmem>> -> memref<40xi32, #tpu.memory_space<vmem>>
      %dma_wait3A_333 = arith.constant 0 : i32
      %dma_wait3A_334 = arith.constant 0 : i32
      %dma_wait3A_335 = tpu.memref_slice %arg3[%dma_wait3A_333, %dma_wait3A_334] : memref<10000x128xf32, #tpu.memory_space<hbm>> -> memref<10000x128xf32, #tpu.memory_space<hbm>>
      tpu.wait_indirect_dma semaphore(%arg28 : memref<!tpu.dma_semaphore, #tpu.memory_space<semaphore_mem>>) src(%dma_wait3A_335 : memref<10000x128xf32, #tpu.memory_space<hbm>>) dst(%arg13 : memref<40x128xf32, #tpu.memory_space<vmem>>)
      %dma_wait3A_336 = arith.constant 0 : i32
      %dma_wait3A_337 = tpu.memref_slice %arg4[%add3A_321, %dma_wait3A_336] : memref<320000x128xf32, #tpu.memory_space<hbm>> -> memref<40x128xf32, #tpu.memory_space<hbm>>
      %dma_wait3A_338 = arith.constant 0 : i32
      %dma_wait3A_339 = tpu.memref_slice %arg4[%add3A_321, %dma_wait3A_338] : memref<320000x128xf32, #tpu.memory_space<hbm>> -> memref<40x128xf32, #tpu.memory_space<hbm>>
      tpu.wait_dma2 semaphore(%arg28 : memref<!tpu.dma_semaphore, #tpu.memory_space<semaphore_mem>>) src(%dma_wait3A_339 : memref<40x128xf32, #tpu.memory_space<hbm>>) dst(%arg15 : memref<40x128xf32, #tpu.memory_space<vmem>>)
      %ge3A = arith.constant 1 : i32
      %ge3A_340 = arith.cmpi sge, %mul3A_316, %ge3A : i32
      %convert_element_type3A_341 = arith.extui %ge3A_340 : i1 to i32
      %cond3A_342 = arith.constant 0 : i32
      %cond3A_343 = arith.cmpi ne, %convert_element_type3A_341, %cond3A_342 : i32
      scf.if %cond3A_343 {
        %dma_wait3A_448 = arith.constant 0 : i32
        %dma_wait3A_449 = arith.constant 0 : i32
        %dma_wait3A_450 = tpu.memref_slice %arg24[%dma_wait3A_448, %dma_wait3A_449] : memref<1x40xi32, #tpu.memory_space<vmem>> -> memref<1x40xi32, #tpu.memory_space<vmem>>
        %dma_wait3A_451 = tpu.memref_squeeze %dma_wait3A_450 : memref<1x40xi32, #tpu.memory_space<vmem>> -> memref<40xi32, #tpu.memory_space<vmem>>
        %dma_wait3A_452 = arith.constant 0 : i32
        %dma_wait3A_453 = arith.constant 0 : i32
        %dma_wait3A_454 = tpu.memref_slice %arg27[%dma_wait3A_452, %dma_wait3A_453] : memref<10000x128xf32, #tpu.memory_space<vmem_shared>> -> memref<10000x128xf32, #tpu.memory_space<vmem_shared>>
        tpu.wait_indirect_dma semaphore(%arg33 : memref<!tpu.dma_semaphore, #tpu.memory_space<semaphore_mem>>) src(%arg18 : memref<40x128xf32, #tpu.memory_space<vmem>>) dst(%dma_wait3A_454 : memref<10000x128xf32, #tpu.memory_space<vmem_shared>>)
      } else {
      }
      %add3A_344 = arith.constant 1 : i32
      %add3A_345 = arith.addi %mul3A_316, %add3A_344 : i32
      %lt3A_346 = arith.constant 250 : i32
      %lt3A_347 = arith.cmpi slt, %add3A_345, %lt3A_346 : i32
      %convert_element_type3A_348 = arith.extui %lt3A_347 : i1 to i32
      %cond3A_349 = arith.constant 0 : i32
      %cond3A_350 = arith.cmpi ne, %convert_element_type3A_348, %cond3A_349 : i32
      scf.if %cond3A_350 {
        %add3A_448 = arith.constant 40 : i32
        %add3A_449 = arith.addi %add3A_321, %add3A_448 : i32
        %mul3A_450 = arith.constant 2 : i32
        %mul3A_451 = arith.muli %mul3A_450, %add3A_449 : i32
        %dma_wait3A_452 = tpu.memref_slice %arg5[%mul3A_451] : memref<640000xi32, #tpu.memory_space<hbm>> -> memref<80xi32, #tpu.memory_space<hbm>>
        %dma_wait3A_453 = tpu.memref_slice %arg5[%mul3A_451] : memref<640000xi32, #tpu.memory_space<hbm>> -> memref<80xi32, #tpu.memory_space<hbm>>
        tpu.wait_dma2 semaphore(%arg35 : memref<!tpu.dma_semaphore, #tpu.memory_space<semaphore_mem>>) src(%dma_wait3A_453 : memref<80xi32, #tpu.memory_space<hbm>>) dst(%arg20 : memref<80xi32, #tpu.memory_space<vmem>>)
        %get3A_454 = arith.constant 0 : index
        %get3A_455 = tpu.vector_load %arg20[%get3A_454] {strides = array<i32>} : memref<80xi32, #tpu.memory_space<vmem>>, vector<16xi32>,
        %get3A_456 = vector.shape_cast %get3A_455 : vector<16xi32> to vector<16xi32>
        %get3A_457 = arith.constant 16 : index
        %get3A_458 = tpu.vector_load %arg20[%get3A_457] {strides = array<i32>} : memref<80xi32, #tpu.memory_space<vmem>>, vector<16xi32>,
        %get3A_459 = vector.shape_cast %get3A_458 : vector<16xi32> to vector<16xi32>
        %lt3A_460 = arith.constant 0 : i32
        %lt3A_461 = vector.broadcast %lt3A_460 : i32 to vector<16xi32>
        %lt3A_462 = arith.cmpi slt, %and3A_58, %lt3A_461 : vector<16xi32>
        %add3A_463 = arith.constant 16 : i32
        %add3A_464 = vector.broadcast %add3A_463 : i32 to vector<16xi32>
        %add3A_465 = arith.addi %and3A_58, %add3A_464 : vector<16xi32>
        %select_n3A_466 = arith.select %lt3A_462, %add3A_465, %and3A_58 : vector<16xi1>, vector<16xi32>
        %broadcast_in_dim3A_467 = vector.shape_cast %select_n3A_466 : vector<16xi32> to vector<16x1xi32>
        %gather3A_468 = vector.shape_cast %broadcast_in_dim3A_467 : vector<16x1xi32> to vector<16xi32>
        %gather3A_469 = tpu.dynamic_gather %get3A_456[%gather3A_468] in [0] : vector<16xi32>, vector<16xi32> -> vector<16xi32>
        %lt3A_470 = arith.constant 0 : i32
        %lt3A_471 = vector.broadcast %lt3A_470 : i32 to vector<16xi32>
        %lt3A_472 = arith.cmpi slt, %and3A_58, %lt3A_471 : vector<16xi32>
        %add3A_473 = arith.constant 16 : i32
        %add3A_474 = vector.broadcast %add3A_473 : i32 to vector<16xi32>
        %add3A_475 = arith.addi %and3A_58, %add3A_474 : vector<16xi32>
        %select_n3A_476 = arith.select %lt3A_472, %add3A_475, %and3A_58 : vector<16xi1>, vector<16xi32>
        %broadcast_in_dim3A_477 = vector.shape_cast %select_n3A_476 : vector<16xi32> to vector<16x1xi32>
        %gather3A_478 = vector.shape_cast %broadcast_in_dim3A_477 : vector<16x1xi32> to vector<16xi32>
        %gather3A_479 = tpu.dynamic_gather %get3A_459[%gather3A_478] in [0] : vector<16xi32>, vector<16xi32> -> vector<16xi32>
        %select_n3A_480 = arith.select %lt3A_70, %gather3A_469, %gather3A_479 : vector<16xi1>, vector<16xi32>
        %lt3A_481 = arith.constant 0 : i32
        %lt3A_482 = vector.broadcast %lt3A_481 : i32 to vector<16xi32>
        %lt3A_483 = arith.cmpi slt, %and3A_67, %lt3A_482 : vector<16xi32>
        %add3A_484 = arith.constant 16 : i32
        %add3A_485 = vector.broadcast %add3A_484 : i32 to vector<16xi32>
        %add3A_486 = arith.addi %and3A_67, %add3A_485 : vector<16xi32>
        %select_n3A_487 = arith.select %lt3A_483, %add3A_486, %and3A_67 : vector<16xi1>, vector<16xi32>
        %broadcast_in_dim3A_488 = vector.shape_cast %select_n3A_487 : vector<16xi32> to vector<16x1xi32>
        %gather3A_489 = vector.shape_cast %broadcast_in_dim3A_488 : vector<16x1xi32> to vector<16xi32>
        %gather3A_490 = tpu.dynamic_gather %get3A_456[%gather3A_489] in [0] : vector<16xi32>, vector<16xi32> -> vector<16xi32>
        %lt3A_491 = arith.constant 0 : i32
        %lt3A_492 = vector.broadcast %lt3A_491 : i32 to vector<16xi32>
        %lt3A_493 = arith.cmpi slt, %and3A_67, %lt3A_492 : vector<16xi32>
        %add3A_494 = arith.constant 16 : i32
        %add3A_495 = vector.broadcast %add3A_494 : i32 to vector<16xi32>
        %add3A_496 = arith.addi %and3A_67, %add3A_495 : vector<16xi32>
        %select_n3A_497 = arith.select %lt3A_493, %add3A_496, %and3A_67 : vector<16xi1>, vector<16xi32>
        %broadcast_in_dim3A_498 = vector.shape_cast %select_n3A_497 : vector<16xi32> to vector<16x1xi32>
        %gather3A_499 = vector.shape_cast %broadcast_in_dim3A_498 : vector<16x1xi32> to vector<16xi32>
        %gather3A_500 = tpu.dynamic_gather %get3A_459[%gather3A_499] in [0] : vector<16xi32>, vector<16xi32> -> vector<16xi32>
        %select_n3A_501 = arith.select %lt3A_70, %gather3A_490, %gather3A_500 : vector<16xi1>, vector<16xi32>
        %swap3A_502 = arith.constant 0 : i32
        %swap3A_503 = arith.index_cast %swap3A_502 : i32 to index
        %swap3A_504 = arith.constant 0 : index
        %swap3A_505 = tpu.vector_load %arg22[%swap3A_503, %swap3A_504] {strides = array<i32>} : memref<1x40xi32, #tpu.memory_space<vmem>>, vector<1x16xi32>,
        %swap3A_506 = vector.shape_cast %swap3A_505 : vector<1x16xi32> to vector<16xi32>
        %swap3A_507 = vector.shape_cast %select_n3A_480 : vector<16xi32> to vector<1x16xi32>
        tpu.vector_store %arg22[%swap3A_503, %swap3A_504], %swap3A_507 {strides = array<i32>} : memref<1x40xi32, #tpu.memory_space<vmem>>, vector<1x16xi32>,
        %swap3A_508 = arith.constant 0 : i32
        %swap3A_509 = arith.index_cast %swap3A_508 : i32 to index
        %swap3A_510 = arith.constant 0 : index
        %swap3A_511 = tpu.vector_load %arg24[%swap3A_509, %swap3A_510] {strides = array<i32>} : memref<1x40xi32, #tpu.memory_space<vmem>>, vector<1x16xi32>,
        %swap3A_512 = vector.shape_cast %swap3A_511 : vector<1x16xi32> to vector<16xi32>
        %swap3A_513 = vector.shape_cast %select_n3A_501 : vector<16xi32> to vector<1x16xi32>
        tpu.vector_store %arg24[%swap3A_509, %swap3A_510], %swap3A_513 {strides = array<i32>} : memref<1x40xi32, #tpu.memory_space<vmem>>, vector<1x16xi32>,
        %get3A_514 = arith.constant 32 : index
        %get3A_515 = tpu.vector_load %arg20[%get3A_514] {strides = array<i32>} : memref<80xi32, #tpu.memory_space<vmem>>, vector<16xi32>,
        %get3A_516 = vector.shape_cast %get3A_515 : vector<16xi32> to vector<16xi32>
        %get3A_517 = arith.constant 48 : index
        %get3A_518 = tpu.vector_load %arg20[%get3A_517] {strides = array<i32>} : memref<80xi32, #tpu.memory_space<vmem>>, vector<16xi32>,
        %get3A_519 = vector.shape_cast %get3A_518 : vector<16xi32> to vector<16xi32>
        %lt3A_520 = arith.constant 0 : i32
        %lt3A_521 = vector.broadcast %lt3A_520 : i32 to vector<16xi32>
        %lt3A_522 = arith.cmpi slt, %and3A_58, %lt3A_521 : vector<16xi32>
        %add3A_523 = arith.constant 16 : i32
        %add3A_524 = vector.broadcast %add3A_523 : i32 to vector<16xi32>
        %add3A_525 = arith.addi %and3A_58, %add3A_524 : vector<16xi32>
        %select_n3A_526 = arith.select %lt3A_522, %add3A_525, %and3A_58 : vector<16xi1>, vector<16xi32>
        %broadcast_in_dim3A_527 = vector.shape_cast %select_n3A_526 : vector<16xi32> to vector<16x1xi32>
        %gather3A_528 = vector.shape_cast %broadcast_in_dim3A_527 : vector<16x1xi32> to vector<16xi32>
        %gather3A_529 = tpu.dynamic_gather %get3A_516[%gather3A_528] in [0] : vector<16xi32>, vector<16xi32> -> vector<16xi32>
        %lt3A_530 = arith.constant 0 : i32
        %lt3A_531 = vector.broadcast %lt3A_530 : i32 to vector<16xi32>
        %lt3A_532 = arith.cmpi slt, %and3A_58, %lt3A_531 : vector<16xi32>
        %add3A_533 = arith.constant 16 : i32
        %add3A_534 = vector.broadcast %add3A_533 : i32 to vector<16xi32>
        %add3A_535 = arith.addi %and3A_58, %add3A_534 : vector<16xi32>
        %select_n3A_536 = arith.select %lt3A_532, %add3A_535, %and3A_58 : vector<16xi1>, vector<16xi32>
        %broadcast_in_dim3A_537 = vector.shape_cast %select_n3A_536 : vector<16xi32> to vector<16x1xi32>
        %gather3A_538 = vector.shape_cast %broadcast_in_dim3A_537 : vector<16x1xi32> to vector<16xi32>
        %gather3A_539 = tpu.dynamic_gather %get3A_519[%gather3A_538] in [0] : vector<16xi32>, vector<16xi32> -> vector<16xi32>
        %select_n3A_540 = arith.select %lt3A_70, %gather3A_529, %gather3A_539 : vector<16xi1>, vector<16xi32>
        %lt3A_541 = arith.constant 0 : i32
        %lt3A_542 = vector.broadcast %lt3A_541 : i32 to vector<16xi32>
        %lt3A_543 = arith.cmpi slt, %and3A_67, %lt3A_542 : vector<16xi32>
        %add3A_544 = arith.constant 16 : i32
        %add3A_545 = vector.broadcast %add3A_544 : i32 to vector<16xi32>
        %add3A_546 = arith.addi %and3A_67, %add3A_545 : vector<16xi32>
        %select_n3A_547 = arith.select %lt3A_543, %add3A_546, %and3A_67 : vector<16xi1>, vector<16xi32>
        %broadcast_in_dim3A_548 = vector.shape_cast %select_n3A_547 : vector<16xi32> to vector<16x1xi32>
        %gather3A_549 = vector.shape_cast %broadcast_in_dim3A_548 : vector<16x1xi32> to vector<16xi32>
        %gather3A_550 = tpu.dynamic_gather %get3A_516[%gather3A_549] in [0] : vector<16xi32>, vector<16xi32> -> vector<16xi32>
        %lt3A_551 = arith.constant 0 : i32
        %lt3A_552 = vector.broadcast %lt3A_551 : i32 to vector<16xi32>
        %lt3A_553 = arith.cmpi slt, %and3A_67, %lt3A_552 : vector<16xi32>
        %add3A_554 = arith.constant 16 : i32
        %add3A_555 = vector.broadcast %add3A_554 : i32 to vector<16xi32>
        %add3A_556 = arith.addi %and3A_67, %add3A_555 : vector<16xi32>
        %select_n3A_557 = arith.select %lt3A_553, %add3A_556, %and3A_67 : vector<16xi1>, vector<16xi32>
        %broadcast_in_dim3A_558 = vector.shape_cast %select_n3A_557 : vector<16xi32> to vector<16x1xi32>
        %gather3A_559 = vector.shape_cast %broadcast_in_dim3A_558 : vector<16x1xi32> to vector<16xi32>
        %gather3A_560 = tpu.dynamic_gather %get3A_519[%gather3A_559] in [0] : vector<16xi32>, vector<16xi32> -> vector<16xi32>
        %select_n3A_561 = arith.select %lt3A_70, %gather3A_550, %gather3A_560 : vector<16xi1>, vector<16xi32>
        %swap3A_562 = arith.constant 0 : i32
        %swap3A_563 = arith.index_cast %swap3A_562 : i32 to index
        %swap3A_564 = arith.constant 16 : index
        %swap3A_565 = tpu.vector_load %arg22[%swap3A_563, %swap3A_564] {strides = array<i32>} : memref<1x40xi32, #tpu.memory_space<vmem>>, vector<1x16xi32>,
        %swap3A_566 = vector.shape_cast %swap3A_565 : vector<1x16xi32> to vector<16xi32>
        %swap3A_567 = vector.shape_cast %select_n3A_540 : vector<16xi32> to vector<1x16xi32>
        tpu.vector_store %arg22[%swap3A_563, %swap3A_564], %swap3A_567 {strides = array<i32>} : memref<1x40xi32, #tpu.memory_space<vmem>>, vector<1x16xi32>,
        %swap3A_568 = arith.constant 0 : i32
        %swap3A_569 = arith.index_cast %swap3A_568 : i32 to index
        %swap3A_570 = arith.constant 16 : index
        %swap3A_571 = tpu.vector_load %arg24[%swap3A_569, %swap3A_570] {strides = array<i32>} : memref<1x40xi32, #tpu.memory_space<vmem>>, vector<1x16xi32>,
        %swap3A_572 = vector.shape_cast %swap3A_571 : vector<1x16xi32> to vector<16xi32>
        %swap3A_573 = vector.shape_cast %select_n3A_561 : vector<16xi32> to vector<1x16xi32>
        tpu.vector_store %arg24[%swap3A_569, %swap3A_570], %swap3A_573 {strides = array<i32>} : memref<1x40xi32, #tpu.memory_space<vmem>>, vector<1x16xi32>,
        %get3A_574 = arith.constant 48 : index
        %get3A_575 = tpu.vector_load %arg20[%get3A_574] {strides = array<i32>} : memref<80xi32, #tpu.memory_space<vmem>>, vector<16xi32>,
        %get3A_576 = vector.shape_cast %get3A_575 : vector<16xi32> to vector<16xi32>
        %get3A_577 = arith.constant 64 : index
        %get3A_578 = tpu.vector_load %arg20[%get3A_577] {strides = array<i32>} : memref<80xi32, #tpu.memory_space<vmem>>, vector<16xi32>,
        %get3A_579 = vector.shape_cast %get3A_578 : vector<16xi32> to vector<16xi32>
        %lt3A_580 = arith.constant 0 : i32
        %lt3A_581 = vector.broadcast %lt3A_580 : i32 to vector<16xi32>
        %lt3A_582 = arith.cmpi slt, %and3A_58, %lt3A_581 : vector<16xi32>
        %add3A_583 = arith.constant 16 : i32
        %add3A_584 = vector.broadcast %add3A_583 : i32 to vector<16xi32>
        %add3A_585 = arith.addi %and3A_58, %add3A_584 : vector<16xi32>
        %select_n3A_586 = arith.select %lt3A_582, %add3A_585, %and3A_58 : vector<16xi1>, vector<16xi32>
        %broadcast_in_dim3A_587 = vector.shape_cast %select_n3A_586 : vector<16xi32> to vector<16x1xi32>
        %gather3A_588 = vector.shape_cast %broadcast_in_dim3A_587 : vector<16x1xi32> to vector<16xi32>
        %gather3A_589 = tpu.dynamic_gather %get3A_576[%gather3A_588] in [0] : vector<16xi32>, vector<16xi32> -> vector<16xi32>
        %lt3A_590 = arith.constant 0 : i32
        %lt3A_591 = vector.broadcast %lt3A_590 : i32 to vector<16xi32>
        %lt3A_592 = arith.cmpi slt, %and3A_58, %lt3A_591 : vector<16xi32>
        %add3A_593 = arith.constant 16 : i32
        %add3A_594 = vector.broadcast %add3A_593 : i32 to vector<16xi32>
        %add3A_595 = arith.addi %and3A_58, %add3A_594 : vector<16xi32>
        %select_n3A_596 = arith.select %lt3A_592, %add3A_595, %and3A_58 : vector<16xi1>, vector<16xi32>
        %broadcast_in_dim3A_597 = vector.shape_cast %select_n3A_596 : vector<16xi32> to vector<16x1xi32>
        %gather3A_598 = vector.shape_cast %broadcast_in_dim3A_597 : vector<16x1xi32> to vector<16xi32>
        %gather3A_599 = tpu.dynamic_gather %get3A_579[%gather3A_598] in [0] : vector<16xi32>, vector<16xi32> -> vector<16xi32>
        %select_n3A_600 = arith.select %lt3A_70, %gather3A_589, %gather3A_599 : vector<16xi1>, vector<16xi32>
        %lt3A_601 = arith.constant 0 : i32
        %lt3A_602 = vector.broadcast %lt3A_601 : i32 to vector<16xi32>
        %lt3A_603 = arith.cmpi slt, %and3A_67, %lt3A_602 : vector<16xi32>
        %add3A_604 = arith.constant 16 : i32
        %add3A_605 = vector.broadcast %add3A_604 : i32 to vector<16xi32>
        %add3A_606 = arith.addi %and3A_67, %add3A_605 : vector<16xi32>
        %select_n3A_607 = arith.select %lt3A_603, %add3A_606, %and3A_67 : vector<16xi1>, vector<16xi32>
        %broadcast_in_dim3A_608 = vector.shape_cast %select_n3A_607 : vector<16xi32> to vector<16x1xi32>
        %gather3A_609 = vector.shape_cast %broadcast_in_dim3A_608 : vector<16x1xi32> to vector<16xi32>
        %gather3A_610 = tpu.dynamic_gather %get3A_576[%gather3A_609] in [0] : vector<16xi32>, vector<16xi32> -> vector<16xi32>
        %lt3A_611 = arith.constant 0 : i32
        %lt3A_612 = vector.broadcast %lt3A_611 : i32 to vector<16xi32>
        %lt3A_613 = arith.cmpi slt, %and3A_67, %lt3A_612 : vector<16xi32>
        %add3A_614 = arith.constant 16 : i32
        %add3A_615 = vector.broadcast %add3A_614 : i32 to vector<16xi32>
        %add3A_616 = arith.addi %and3A_67, %add3A_615 : vector<16xi32>
        %select_n3A_617 = arith.select %lt3A_613, %add3A_616, %and3A_67 : vector<16xi1>, vector<16xi32>
        %broadcast_in_dim3A_618 = vector.shape_cast %select_n3A_617 : vector<16xi32> to vector<16x1xi32>
        %gather3A_619 = vector.shape_cast %broadcast_in_dim3A_618 : vector<16x1xi32> to vector<16xi32>
        %gather3A_620 = tpu.dynamic_gather %get3A_579[%gather3A_619] in [0] : vector<16xi32>, vector<16xi32> -> vector<16xi32>
        %select_n3A_621 = arith.select %lt3A_70, %gather3A_610, %gather3A_620 : vector<16xi1>, vector<16xi32>
        %swap3A_622 = arith.constant 0 : i32
        %swap3A_623 = arith.index_cast %swap3A_622 : i32 to index
        %swap3A_624 = arith.constant 24 : index
        %swap3A_625 = tpu.vector_load %arg22[%swap3A_623, %swap3A_624] {strides = array<i32>} : memref<1x40xi32, #tpu.memory_space<vmem>>, vector<1x16xi32>,
        %swap3A_626 = vector.shape_cast %swap3A_625 : vector<1x16xi32> to vector<16xi32>
        %swap3A_627 = vector.shape_cast %select_n3A_600 : vector<16xi32> to vector<1x16xi32>
        tpu.vector_store %arg22[%swap3A_623, %swap3A_624], %swap3A_627 {strides = array<i32>} : memref<1x40xi32, #tpu.memory_space<vmem>>, vector<1x16xi32>,
        %swap3A_628 = arith.constant 0 : i32
        %swap3A_629 = arith.index_cast %swap3A_628 : i32 to index
        %swap3A_630 = arith.constant 24 : index
        %swap3A_631 = tpu.vector_load %arg24[%swap3A_629, %swap3A_630] {strides = array<i32>} : memref<1x40xi32, #tpu.memory_space<vmem>>, vector<1x16xi32>,
        %swap3A_632 = vector.shape_cast %swap3A_631 : vector<1x16xi32> to vector<16xi32>
        %swap3A_633 = vector.shape_cast %select_n3A_621 : vector<16xi32> to vector<1x16xi32>
        tpu.vector_store %arg24[%swap3A_629, %swap3A_630], %swap3A_633 {strides = array<i32>} : memref<1x40xi32, #tpu.memory_space<vmem>>, vector<1x16xi32>,
        %add3A_634 = arith.constant 1 : i32
        %add3A_635 = arith.addi %mul3A_316, %add3A_634 : i32
        %mul3A_636 = arith.constant 10000 : i32
        %mul3A_637 = arith.muli %add3A, %mul3A_636 : i32
        %mul3A_638 = arith.constant 40 : i32
        %mul3A_639 = arith.muli %add3A_635, %mul3A_638 : i32
        %add3A_640 = arith.addi %mul3A_637, %mul3A_639 : i32
        %dma_start3A_641 = arith.constant 0 : i32
        %dma_start3A_642 = arith.constant 0 : i32
        %dma_start3A_643 = tpu.memref_slice %arg22[%dma_start3A_641, %dma_start3A_642] : memref<1x40xi32, #tpu.memory_space<vmem>> -> memref<1x40xi32, #tpu.memory_space<vmem>>
        %dma_start3A_644 = tpu.memref_squeeze %dma_start3A_643 : memref<1x40xi32, #tpu.memory_space<vmem>> -> memref<40xi32, #tpu.memory_space<vmem>>
        %dma_start3A_645 = arith.constant 0 : i32
        %dma_start3A_646 = arith.constant 0 : i32
        %dma_start3A_647 = tpu.memref_slice %arg2[%dma_start3A_645, %dma_start3A_646] : memref<10000x128xf32, #tpu.memory_space<hbm>> -> memref<10000x128xf32, #tpu.memory_space<hbm>>
        tpu.enqueue_indirect_dma source(%dma_start3A_647 : memref<10000x128xf32, #tpu.memory_space<hbm>>) target(%arg12 : memref<40x128xf32, #tpu.memory_space<vmem>>) offsets(%dma_start3A_644 : memref<40xi32, #tpu.memory_space<vmem>>) semaphore(%arg29 : memref<!tpu.dma_semaphore, #tpu.memory_space<semaphore_mem>>)
        %dma_start3A_648 = arith.constant 0 : i32
        %dma_start3A_649 = arith.constant 0 : i32
        %dma_start3A_650 = tpu.memref_slice %arg24[%dma_start3A_648, %dma_start3A_649] : memref<1x40xi32, #tpu.memory_space<vmem>> -> memref<1x40xi32, #tpu.memory_space<vmem>>
        %dma_start3A_651 = tpu.memref_squeeze %dma_start3A_650 : memref<1x40xi32, #tpu.memory_space<vmem>> -> memref<40xi32, #tpu.memory_space<vmem>>
        %dma_start3A_652 = arith.constant 0 : i32
        %dma_start3A_653 = arith.constant 0 : i32
        %dma_start3A_654 = tpu.memref_slice %arg3[%dma_start3A_652, %dma_start3A_653] : memref<10000x128xf32, #tpu.memory_space<hbm>> -> memref<10000x128xf32, #tpu.memory_space<hbm>>
        tpu.enqueue_indirect_dma source(%dma_start3A_654 : memref<10000x128xf32, #tpu.memory_space<hbm>>) target(%arg14 : memref<40x128xf32, #tpu.memory_space<vmem>>) offsets(%dma_start3A_651 : memref<40xi32, #tpu.memory_space<vmem>>) semaphore(%arg29 : memref<!tpu.dma_semaphore, #tpu.memory_space<semaphore_mem>>)
        %dma_start3A_655 = arith.constant 0 : i32
        %dma_start3A_656 = tpu.memref_slice %arg4[%add3A_640, %dma_start3A_655] : memref<320000x128xf32, #tpu.memory_space<hbm>> -> memref<40x128xf32, #tpu.memory_space<hbm>>
        %dma_start3A_657 = arith.constant 0 : i32
        %dma_start3A_658 = tpu.memref_slice %arg4[%add3A_640, %dma_start3A_657] : memref<320000x128xf32, #tpu.memory_space<hbm>> -> memref<40x128xf32, #tpu.memory_space<hbm>>
        tpu.enqueue_dma source(%dma_start3A_658 : memref<40x128xf32, #tpu.memory_space<hbm>>) target(%arg16 : memref<40x128xf32, #tpu.memory_space<vmem>>) target_semaphore(%arg29 : memref<!tpu.dma_semaphore, #tpu.memory_space<semaphore_mem>>)
      } else {
      }
      %add3A_351 = arith.constant 2 : i32
      %add3A_352 = arith.addi %mul3A_316, %add3A_351 : i32
      %lt3A_353 = arith.constant 250 : i32
      %lt3A_354 = arith.cmpi slt, %add3A_352, %lt3A_353 : i32
      %convert_element_type3A_355 = arith.extui %lt3A_354 : i1 to i32
      %cond3A_356 = arith.constant 0 : i32
      %cond3A_357 = arith.cmpi ne, %convert_element_type3A_355, %cond3A_356 : i32
      scf.if %cond3A_357 {
        %add3A_448 = arith.constant 2 : i32
        %add3A_449 = arith.addi %mul3A_316, %add3A_448 : i32
        %mul3A_450 = arith.constant 10000 : i32
        %mul3A_451 = arith.muli %add3A, %mul3A_450 : i32
        %mul3A_452 = arith.constant 40 : i32
        %mul3A_453 = arith.muli %add3A_449, %mul3A_452 : i32
        %add3A_454 = arith.addi %mul3A_451, %mul3A_453 : i32
        %mul3A_455 = arith.constant 2 : i32
        %mul3A_456 = arith.muli %mul3A_455, %add3A_454 : i32
        %dma_start3A_457 = tpu.memref_slice %arg5[%mul3A_456] : memref<640000xi32, #tpu.memory_space<hbm>> -> memref<80xi32, #tpu.memory_space<hbm>>
        %dma_start3A_458 = tpu.memref_slice %arg5[%mul3A_456] : memref<640000xi32, #tpu.memory_space<hbm>> -> memref<80xi32, #tpu.memory_space<hbm>>
        tpu.enqueue_dma source(%dma_start3A_458 : memref<80xi32, #tpu.memory_space<hbm>>) target(%arg19 : memref<80xi32, #tpu.memory_space<vmem>>) target_semaphore(%arg34 : memref<!tpu.dma_semaphore, #tpu.memory_space<semaphore_mem>>)
      } else {
      }
      %ge3A_358 = arith.constant 2 : i32
      %ge3A_359 = arith.cmpi sge, %mul3A_316, %ge3A_358 : i32
      %convert_element_type3A_360 = arith.extui %ge3A_359 : i1 to i32
      %cond3A_361 = arith.constant 0 : i32
      %cond3A_362 = arith.cmpi ne, %convert_element_type3A_360, %cond3A_361 : i32
      scf.if %cond3A_362 {
        %dma_wait3A_448 = arith.constant 0 : i32
        %dma_wait3A_449 = tpu.memref_slice %arg9[%add3A_321, %dma_wait3A_448] : memref<320000x128xf32, #tpu.memory_space<hbm>> -> memref<40x128xf32, #tpu.memory_space<hbm>>
        %dma_wait3A_450 = arith.constant 0 : i32
        %dma_wait3A_451 = tpu.memref_slice %arg9[%add3A_321, %dma_wait3A_450] : memref<320000x128xf32, #tpu.memory_space<hbm>> -> memref<40x128xf32, #tpu.memory_space<hbm>>
        tpu.wait_dma2 semaphore(%arg30 : memref<!tpu.dma_semaphore, #tpu.memory_space<semaphore_mem>>) src(%arg17 : memref<40x128xf32, #tpu.memory_space<vmem>>) dst(%dma_wait3A_451 : memref<40x128xf32, #tpu.memory_space<hbm>>)
      } else {
      }
      %scan3A_363 = arith.constant 0 : i32
      %scan3A_364 = arith.constant 0 : i32
      %scan3A_365 = arith.constant 20 : i32
      %scan3A_366 = arith.addi %scan3A_364, %scan3A_365 : i32
      %scan3A_367 = arith.constant 1 : i32
      scf.for %scan3A_448 = %scan3A_364 to %scan3A_366 step %scan3A_367  : i32 {
        %mul3A_449 = arith.constant 2 : i32
        %mul3A_450 = arith.muli %scan3A_448, %mul3A_449 : i32
        %add3A_451 = arith.constant 0 : i32
        %add3A_452 = arith.addi %mul3A_450, %add3A_451 : i32
        %get3A_453 = arith.index_cast %add3A_452 : i32 to index
        %get3A_454 = arith.constant 0 : index
        %get3A_455 = tpu.vector_load %arg11[%get3A_453, %get3A_454] {strides = array<i32>} : memref<40x128xf32, #tpu.memory_space<vmem>>, vector<1x16xf32>,
        %get3A_456 = vector.shape_cast %get3A_455 : vector<1x16xf32> to vector<16xf32>
        %get3A_457 = arith.index_cast %add3A_452 : i32 to index
        %get3A_458 = arith.constant 0 : index
        %get3A_459 = tpu.vector_load %arg13[%get3A_457, %get3A_458] {strides = array<i32>} : memref<40x128xf32, #tpu.memory_space<vmem>>, vector<1x16xf32>,
        %get3A_460 = vector.shape_cast %get3A_459 : vector<1x16xf32> to vector<16xf32>
        %add3A_461 = arith.addf %get3A_456, %get3A_460 : vector<16xf32>
        %get3A_462 = arith.index_cast %add3A_452 : i32 to index
        %get3A_463 = arith.constant 0 : index
        %get3A_464 = tpu.vector_load %arg15[%get3A_462, %get3A_463] {strides = array<i32>} : memref<40x128xf32, #tpu.memory_space<vmem>>, vector<1x16xf32>,
        %get3A_465 = vector.shape_cast %get3A_464 : vector<1x16xf32> to vector<16xf32>
        %add3A_466 = arith.addf %add3A_461, %get3A_465 : vector<16xf32>
        %get3A_467 = arith.index_cast %add3A_452 : i32 to index
        %get3A_468 = arith.constant 16 : index
        %get3A_469 = tpu.vector_load %arg11[%get3A_467, %get3A_468] {strides = array<i32>} : memref<40x128xf32, #tpu.memory_space<vmem>>, vector<1x16xf32>,
        %get3A_470 = vector.shape_cast %get3A_469 : vector<1x16xf32> to vector<16xf32>
        %get3A_471 = arith.index_cast %add3A_452 : i32 to index
        %get3A_472 = arith.constant 16 : index
        %get3A_473 = tpu.vector_load %arg13[%get3A_471, %get3A_472] {strides = array<i32>} : memref<40x128xf32, #tpu.memory_space<vmem>>, vector<1x16xf32>,
        %get3A_474 = vector.shape_cast %get3A_473 : vector<1x16xf32> to vector<16xf32>
        %add3A_475 = arith.addf %get3A_470, %get3A_474 : vector<16xf32>
        %get3A_476 = arith.index_cast %add3A_452 : i32 to index
        %get3A_477 = arith.constant 16 : index
        %get3A_478 = tpu.vector_load %arg15[%get3A_476, %get3A_477] {strides = array<i32>} : memref<40x128xf32, #tpu.memory_space<vmem>>, vector<1x16xf32>,
        %get3A_479 = vector.shape_cast %get3A_478 : vector<1x16xf32> to vector<16xf32>
        %add3A_480 = arith.addf %add3A_475, %get3A_479 : vector<16xf32>
        %get3A_481 = arith.index_cast %add3A_452 : i32 to index
        %get3A_482 = arith.constant 32 : index
        %get3A_483 = tpu.vector_load %arg11[%get3A_481, %get3A_482] {strides = array<i32>} : memref<40x128xf32, #tpu.memory_space<vmem>>, vector<1x16xf32>,
        %get3A_484 = vector.shape_cast %get3A_483 : vector<1x16xf32> to vector<16xf32>
        %get3A_485 = arith.index_cast %add3A_452 : i32 to index
        %get3A_486 = arith.constant 32 : index
        %get3A_487 = tpu.vector_load %arg13[%get3A_485, %get3A_486] {strides = array<i32>} : memref<40x128xf32, #tpu.memory_space<vmem>>, vector<1x16xf32>,
        %get3A_488 = vector.shape_cast %get3A_487 : vector<1x16xf32> to vector<16xf32>
        %add3A_489 = arith.addf %get3A_484, %get3A_488 : vector<16xf32>
        %get3A_490 = arith.index_cast %add3A_452 : i32 to index
        %get3A_491 = arith.constant 32 : index
        %get3A_492 = tpu.vector_load %arg15[%get3A_490, %get3A_491] {strides = array<i32>} : memref<40x128xf32, #tpu.memory_space<vmem>>, vector<1x16xf32>,
        %get3A_493 = vector.shape_cast %get3A_492 : vector<1x16xf32> to vector<16xf32>
        %add3A_494 = arith.addf %add3A_489, %get3A_493 : vector<16xf32>
        %get3A_495 = arith.index_cast %add3A_452 : i32 to index
        %get3A_496 = arith.constant 48 : index
        %get3A_497 = tpu.vector_load %arg11[%get3A_495, %get3A_496] {strides = array<i32>} : memref<40x128xf32, #tpu.memory_space<vmem>>, vector<1x16xf32>,
        %get3A_498 = vector.shape_cast %get3A_497 : vector<1x16xf32> to vector<16xf32>
        %get3A_499 = arith.index_cast %add3A_452 : i32 to index
        %get3A_500 = arith.constant 48 : index
        %get3A_501 = tpu.vector_load %arg13[%get3A_499, %get3A_500] {strides = array<i32>} : memref<40x128xf32, #tpu.memory_space<vmem>>, vector<1x16xf32>,
        %get3A_502 = vector.shape_cast %get3A_501 : vector<1x16xf32> to vector<16xf32>
        %add3A_503 = arith.addf %get3A_498, %get3A_502 : vector<16xf32>
        %get3A_504 = arith.index_cast %add3A_452 : i32 to index
        %get3A_505 = arith.constant 48 : index
        %get3A_506 = tpu.vector_load %arg15[%get3A_504, %get3A_505] {strides = array<i32>} : memref<40x128xf32, #tpu.memory_space<vmem>>, vector<1x16xf32>,
        %get3A_507 = vector.shape_cast %get3A_506 : vector<1x16xf32> to vector<16xf32>
        %add3A_508 = arith.addf %add3A_503, %get3A_507 : vector<16xf32>
        %get3A_509 = arith.index_cast %add3A_452 : i32 to index
        %get3A_510 = arith.constant 64 : index
        %get3A_511 = tpu.vector_load %arg11[%get3A_509, %get3A_510] {strides = array<i32>} : memref<40x128xf32, #tpu.memory_space<vmem>>, vector<1x16xf32>,
        %get3A_512 = vector.shape_cast %get3A_511 : vector<1x16xf32> to vector<16xf32>
        %get3A_513 = arith.index_cast %add3A_452 : i32 to index
        %get3A_514 = arith.constant 64 : index
        %get3A_515 = tpu.vector_load %arg13[%get3A_513, %get3A_514] {strides = array<i32>} : memref<40x128xf32, #tpu.memory_space<vmem>>, vector<1x16xf32>,
        %get3A_516 = vector.shape_cast %get3A_515 : vector<1x16xf32> to vector<16xf32>
        %add3A_517 = arith.addf %get3A_512, %get3A_516 : vector<16xf32>
        %get3A_518 = arith.index_cast %add3A_452 : i32 to index
        %get3A_519 = arith.constant 64 : index
        %get3A_520 = tpu.vector_load %arg15[%get3A_518, %get3A_519] {strides = array<i32>} : memref<40x128xf32, #tpu.memory_space<vmem>>, vector<1x16xf32>,
        %get3A_521 = vector.shape_cast %get3A_520 : vector<1x16xf32> to vector<16xf32>
        %add3A_522 = arith.addf %add3A_517, %get3A_521 : vector<16xf32>
        %get3A_523 = arith.index_cast %add3A_452 : i32 to index
        %get3A_524 = arith.constant 80 : index
        %get3A_525 = tpu.vector_load %arg11[%get3A_523, %get3A_524] {strides = array<i32>} : memref<40x128xf32, #tpu.memory_space<vmem>>, vector<1x16xf32>,
        %get3A_526 = vector.shape_cast %get3A_525 : vector<1x16xf32> to vector<16xf32>
        %get3A_527 = arith.index_cast %add3A_452 : i32 to index
        %get3A_528 = arith.constant 80 : index
        %get3A_529 = tpu.vector_load %arg13[%get3A_527, %get3A_528] {strides = array<i32>} : memref<40x128xf32, #tpu.memory_space<vmem>>, vector<1x16xf32>,
        %get3A_530 = vector.shape_cast %get3A_529 : vector<1x16xf32> to vector<16xf32>
        %add3A_531 = arith.addf %get3A_526, %get3A_530 : vector<16xf32>
        %get3A_532 = arith.index_cast %add3A_452 : i32 to index
        %get3A_533 = arith.constant 80 : index
        %get3A_534 = tpu.vector_load %arg15[%get3A_532, %get3A_533] {strides = array<i32>} : memref<40x128xf32, #tpu.memory_space<vmem>>, vector<1x16xf32>,
        %get3A_535 = vector.shape_cast %get3A_534 : vector<1x16xf32> to vector<16xf32>
        %add3A_536 = arith.addf %add3A_531, %get3A_535 : vector<16xf32>
        %get3A_537 = arith.index_cast %add3A_452 : i32 to index
        %get3A_538 = arith.constant 96 : index
        %get3A_539 = tpu.vector_load %arg11[%get3A_537, %get3A_538] {strides = array<i32>} : memref<40x128xf32, #tpu.memory_space<vmem>>, vector<1x16xf32>,
        %get3A_540 = vector.shape_cast %get3A_539 : vector<1x16xf32> to vector<16xf32>
        %get3A_541 = arith.index_cast %add3A_452 : i32 to index
        %get3A_542 = arith.constant 96 : index
        %get3A_543 = tpu.vector_load %arg13[%get3A_541, %get3A_542] {strides = array<i32>} : memref<40x128xf32, #tpu.memory_space<vmem>>, vector<1x16xf32>,
        %get3A_544 = vector.shape_cast %get3A_543 : vector<1x16xf32> to vector<16xf32>
        %add3A_545 = arith.addf %get3A_540, %get3A_544 : vector<16xf32>
        %get3A_546 = arith.index_cast %add3A_452 : i32 to index
        %get3A_547 = arith.constant 96 : index
        %get3A_548 = tpu.vector_load %arg15[%get3A_546, %get3A_547] {strides = array<i32>} : memref<40x128xf32, #tpu.memory_space<vmem>>, vector<1x16xf32>,
        %get3A_549 = vector.shape_cast %get3A_548 : vector<1x16xf32> to vector<16xf32>
        %add3A_550 = arith.addf %add3A_545, %get3A_549 : vector<16xf32>
        %get3A_551 = arith.index_cast %add3A_452 : i32 to index
        %get3A_552 = arith.constant 112 : index
        %get3A_553 = tpu.vector_load %arg11[%get3A_551, %get3A_552] {strides = array<i32>} : memref<40x128xf32, #tpu.memory_space<vmem>>, vector<1x16xf32>,
        %get3A_554 = vector.shape_cast %get3A_553 : vector<1x16xf32> to vector<16xf32>
        %get3A_555 = arith.index_cast %add3A_452 : i32 to index
        %get3A_556 = arith.constant 112 : index
        %get3A_557 = tpu.vector_load %arg13[%get3A_555, %get3A_556] {strides = array<i32>} : memref<40x128xf32, #tpu.memory_space<vmem>>, vector<1x16xf32>,
        %get3A_558 = vector.shape_cast %get3A_557 : vector<1x16xf32> to vector<16xf32>
        %add3A_559 = arith.addf %get3A_554, %get3A_558 : vector<16xf32>
        %get3A_560 = arith.index_cast %add3A_452 : i32 to index
        %get3A_561 = arith.constant 112 : index
        %get3A_562 = tpu.vector_load %arg15[%get3A_560, %get3A_561] {strides = array<i32>} : memref<40x128xf32, #tpu.memory_space<vmem>>, vector<1x16xf32>,
        %get3A_563 = vector.shape_cast %get3A_562 : vector<1x16xf32> to vector<16xf32>
        %add3A_564 = arith.addf %add3A_559, %get3A_563 : vector<16xf32>
        %max3A = arith.constant 0.000000e+00 : f32
        %max3A_565 = vector.broadcast %max3A : f32 to vector<16xf32>
        %max3A_566 = arith.maximumf %add3A_466, %max3A_565 : vector<16xf32>
        %max3A_567 = arith.constant 0.000000e+00 : f32
        %max3A_568 = vector.broadcast %max3A_567 : f32 to vector<16xf32>
        %max3A_569 = arith.maximumf %add3A_480, %max3A_568 : vector<16xf32>
        %max3A_570 = arith.constant 0.000000e+00 : f32
        %max3A_571 = vector.broadcast %max3A_570 : f32 to vector<16xf32>
        %max3A_572 = arith.maximumf %add3A_494, %max3A_571 : vector<16xf32>
        %max3A_573 = arith.constant 0.000000e+00 : f32
        %max3A_574 = vector.broadcast %max3A_573 : f32 to vector<16xf32>
        %max3A_575 = arith.maximumf %add3A_508, %max3A_574 : vector<16xf32>
        %max3A_576 = arith.constant 0.000000e+00 : f32
        %max3A_577 = vector.broadcast %max3A_576 : f32 to vector<16xf32>
        %max3A_578 = arith.maximumf %add3A_522, %max3A_577 : vector<16xf32>
        %max3A_579 = arith.constant 0.000000e+00 : f32
        %max3A_580 = vector.broadcast %max3A_579 : f32 to vector<16xf32>
        %max3A_581 = arith.maximumf %add3A_536, %max3A_580 : vector<16xf32>
        %max3A_582 = arith.constant 0.000000e+00 : f32
        %max3A_583 = vector.broadcast %max3A_582 : f32 to vector<16xf32>
        %max3A_584 = arith.maximumf %add3A_550, %max3A_583 : vector<16xf32>
        %max3A_585 = arith.constant 0.000000e+00 : f32
        %max3A_586 = vector.broadcast %max3A_585 : f32 to vector<16xf32>
        %max3A_587 = arith.maximumf %add3A_564, %max3A_586 : vector<16xf32>
        %add3A_588 = arith.addf %max3A_566, %max3A_569 : vector<16xf32>
        %add3A_589 = arith.addf %max3A_572, %max3A_575 : vector<16xf32>
        %add3A_590 = arith.addf %max3A_578, %max3A_581 : vector<16xf32>
        %add3A_591 = arith.addf %max3A_584, %max3A_587 : vector<16xf32>
        %add3A_592 = arith.addf %add3A_588, %add3A_589 : vector<16xf32>
        %add3A_593 = arith.addf %add3A_590, %add3A_591 : vector<16xf32>
        %add3A_594 = arith.addf %add3A_592, %add3A_593 : vector<16xf32>
        %xor3A = arith.constant 1 : i32
        %xor3A_595 = vector.broadcast %xor3A : i32 to vector<16xi32>
        %xor3A_596 = arith.xori %iota3A, %xor3A_595 : vector<16xi32>
        %lt3A_597 = arith.constant 0 : i32
        %lt3A_598 = vector.broadcast %lt3A_597 : i32 to vector<16xi32>
        %lt3A_599 = arith.cmpi slt, %xor3A_596, %lt3A_598 : vector<16xi32>
        %add3A_600 = arith.constant 16 : i32
        %add3A_601 = vector.broadcast %add3A_600 : i32 to vector<16xi32>
        %add3A_602 = arith.addi %xor3A_596, %add3A_601 : vector<16xi32>
        %select_n3A_603 = arith.select %lt3A_599, %add3A_602, %xor3A_596 : vector<16xi1>, vector<16xi32>
        %broadcast_in_dim3A_604 = vector.shape_cast %select_n3A_603 : vector<16xi32> to vector<16x1xi32>
        %gather3A_605 = vector.shape_cast %broadcast_in_dim3A_604 : vector<16x1xi32> to vector<16xi32>
        %gather3A_606 = tpu.dynamic_gather %add3A_594[%gather3A_605] in [0] : vector<16xf32>, vector<16xi32> -> vector<16xf32>
        %add3A_607 = arith.addf %add3A_594, %gather3A_606 : vector<16xf32>
        %xor3A_608 = arith.constant 2 : i32
        %xor3A_609 = vector.broadcast %xor3A_608 : i32 to vector<16xi32>
        %xor3A_610 = arith.xori %iota3A, %xor3A_609 : vector<16xi32>
        %lt3A_611 = arith.constant 0 : i32
        %lt3A_612 = vector.broadcast %lt3A_611 : i32 to vector<16xi32>
        %lt3A_613 = arith.cmpi slt, %xor3A_610, %lt3A_612 : vector<16xi32>
        %add3A_614 = arith.constant 16 : i32
        %add3A_615 = vector.broadcast %add3A_614 : i32 to vector<16xi32>
        %add3A_616 = arith.addi %xor3A_610, %add3A_615 : vector<16xi32>
        %select_n3A_617 = arith.select %lt3A_613, %add3A_616, %xor3A_610 : vector<16xi1>, vector<16xi32>
        %broadcast_in_dim3A_618 = vector.shape_cast %select_n3A_617 : vector<16xi32> to vector<16x1xi32>
        %gather3A_619 = vector.shape_cast %broadcast_in_dim3A_618 : vector<16x1xi32> to vector<16xi32>
        %gather3A_620 = tpu.dynamic_gather %add3A_607[%gather3A_619] in [0] : vector<16xf32>, vector<16xi32> -> vector<16xf32>
        %add3A_621 = arith.addf %add3A_607, %gather3A_620 : vector<16xf32>
        %xor3A_622 = arith.constant 4 : i32
        %xor3A_623 = vector.broadcast %xor3A_622 : i32 to vector<16xi32>
        %xor3A_624 = arith.xori %iota3A, %xor3A_623 : vector<16xi32>
        %lt3A_625 = arith.constant 0 : i32
        %lt3A_626 = vector.broadcast %lt3A_625 : i32 to vector<16xi32>
        %lt3A_627 = arith.cmpi slt, %xor3A_624, %lt3A_626 : vector<16xi32>
        %add3A_628 = arith.constant 16 : i32
        %add3A_629 = vector.broadcast %add3A_628 : i32 to vector<16xi32>
        %add3A_630 = arith.addi %xor3A_624, %add3A_629 : vector<16xi32>
        %select_n3A_631 = arith.select %lt3A_627, %add3A_630, %xor3A_624 : vector<16xi1>, vector<16xi32>
        %broadcast_in_dim3A_632 = vector.shape_cast %select_n3A_631 : vector<16xi32> to vector<16x1xi32>
        %gather3A_633 = vector.shape_cast %broadcast_in_dim3A_632 : vector<16x1xi32> to vector<16xi32>
        %gather3A_634 = tpu.dynamic_gather %add3A_621[%gather3A_633] in [0] : vector<16xf32>, vector<16xi32> -> vector<16xf32>
        %add3A_635 = arith.addf %add3A_621, %gather3A_634 : vector<16xf32>
        %xor3A_636 = arith.constant 8 : i32
        %xor3A_637 = vector.broadcast %xor3A_636 : i32 to vector<16xi32>
        %xor3A_638 = arith.xori %iota3A, %xor3A_637 : vector<16xi32>
        %lt3A_639 = arith.constant 0 : i32
        %lt3A_640 = vector.broadcast %lt3A_639 : i32 to vector<16xi32>
        %lt3A_641 = arith.cmpi slt, %xor3A_638, %lt3A_640 : vector<16xi32>
        %add3A_642 = arith.constant 16 : i32
        %add3A_643 = vector.broadcast %add3A_642 : i32 to vector<16xi32>
        %add3A_644 = arith.addi %xor3A_638, %add3A_643 : vector<16xi32>
        %select_n3A_645 = arith.select %lt3A_641, %add3A_644, %xor3A_638 : vector<16xi1>, vector<16xi32>
        %broadcast_in_dim3A_646 = vector.shape_cast %select_n3A_645 : vector<16xi32> to vector<16x1xi32>
        %gather3A_647 = vector.shape_cast %broadcast_in_dim3A_646 : vector<16x1xi32> to vector<16xi32>
        %gather3A_648 = tpu.dynamic_gather %add3A_635[%gather3A_647] in [0] : vector<16xf32>, vector<16xi32> -> vector<16xf32>
        %add3A_649 = arith.addf %add3A_635, %gather3A_648 : vector<16xf32>
        %mul3A_650 = arith.constant 7.812500e-03 : f32
        %mul3A_651 = vector.broadcast %mul3A_650 : f32 to vector<16xf32>
        %mul3A_652 = arith.mulf %add3A_649, %mul3A_651 : vector<16xf32>
        %mul3A_653 = arith.mulf %max3A_566, %max3A_566 : vector<16xf32>
        %mul3A_654 = arith.mulf %max3A_569, %max3A_569 : vector<16xf32>
        %mul3A_655 = arith.mulf %max3A_572, %max3A_572 : vector<16xf32>
        %mul3A_656 = arith.mulf %max3A_575, %max3A_575 : vector<16xf32>
        %mul3A_657 = arith.mulf %max3A_578, %max3A_578 : vector<16xf32>
        %mul3A_658 = arith.mulf %max3A_581, %max3A_581 : vector<16xf32>
        %mul3A_659 = arith.mulf %max3A_584, %max3A_584 : vector<16xf32>
        %mul3A_660 = arith.mulf %max3A_587, %max3A_587 : vector<16xf32>
        %add3A_661 = arith.addf %mul3A_653, %mul3A_654 : vector<16xf32>
        %add3A_662 = arith.addf %mul3A_655, %mul3A_656 : vector<16xf32>
        %add3A_663 = arith.addf %mul3A_657, %mul3A_658 : vector<16xf32>
        %add3A_664 = arith.addf %mul3A_659, %mul3A_660 : vector<16xf32>
        %add3A_665 = arith.addf %add3A_661, %add3A_662 : vector<16xf32>
        %add3A_666 = arith.addf %add3A_663, %add3A_664 : vector<16xf32>
        %add3A_667 = arith.addf %add3A_665, %add3A_666 : vector<16xf32>
        %xor3A_668 = arith.constant 1 : i32
        %xor3A_669 = vector.broadcast %xor3A_668 : i32 to vector<16xi32>
        %xor3A_670 = arith.xori %iota3A, %xor3A_669 : vector<16xi32>
        %lt3A_671 = arith.constant 0 : i32
        %lt3A_672 = vector.broadcast %lt3A_671 : i32 to vector<16xi32>
        %lt3A_673 = arith.cmpi slt, %xor3A_670, %lt3A_672 : vector<16xi32>
        %add3A_674 = arith.constant 16 : i32
        %add3A_675 = vector.broadcast %add3A_674 : i32 to vector<16xi32>
        %add3A_676 = arith.addi %xor3A_670, %add3A_675 : vector<16xi32>
        %select_n3A_677 = arith.select %lt3A_673, %add3A_676, %xor3A_670 : vector<16xi1>, vector<16xi32>
        %broadcast_in_dim3A_678 = vector.shape_cast %select_n3A_677 : vector<16xi32> to vector<16x1xi32>
        %gather3A_679 = vector.shape_cast %broadcast_in_dim3A_678 : vector<16x1xi32> to vector<16xi32>
        %gather3A_680 = tpu.dynamic_gather %add3A_667[%gather3A_679] in [0] : vector<16xf32>, vector<16xi32> -> vector<16xf32>
        %add3A_681 = arith.addf %add3A_667, %gather3A_680 : vector<16xf32>
        %xor3A_682 = arith.constant 2 : i32
        %xor3A_683 = vector.broadcast %xor3A_682 : i32 to vector<16xi32>
        %xor3A_684 = arith.xori %iota3A, %xor3A_683 : vector<16xi32>
        %lt3A_685 = arith.constant 0 : i32
        %lt3A_686 = vector.broadcast %lt3A_685 : i32 to vector<16xi32>
        %lt3A_687 = arith.cmpi slt, %xor3A_684, %lt3A_686 : vector<16xi32>
        %add3A_688 = arith.constant 16 : i32
        %add3A_689 = vector.broadcast %add3A_688 : i32 to vector<16xi32>
        %add3A_690 = arith.addi %xor3A_684, %add3A_689 : vector<16xi32>
        %select_n3A_691 = arith.select %lt3A_687, %add3A_690, %xor3A_684 : vector<16xi1>, vector<16xi32>
        %broadcast_in_dim3A_692 = vector.shape_cast %select_n3A_691 : vector<16xi32> to vector<16x1xi32>
        %gather3A_693 = vector.shape_cast %broadcast_in_dim3A_692 : vector<16x1xi32> to vector<16xi32>
        %gather3A_694 = tpu.dynamic_gather %add3A_681[%gather3A_693] in [0] : vector<16xf32>, vector<16xi32> -> vector<16xf32>
        %add3A_695 = arith.addf %add3A_681, %gather3A_694 : vector<16xf32>
        %xor3A_696 = arith.constant 4 : i32
        %xor3A_697 = vector.broadcast %xor3A_696 : i32 to vector<16xi32>
        %xor3A_698 = arith.xori %iota3A, %xor3A_697 : vector<16xi32>
        %lt3A_699 = arith.constant 0 : i32
        %lt3A_700 = vector.broadcast %lt3A_699 : i32 to vector<16xi32>
        %lt3A_701 = arith.cmpi slt, %xor3A_698, %lt3A_700 : vector<16xi32>
        %add3A_702 = arith.constant 16 : i32
        %add3A_703 = vector.broadcast %add3A_702 : i32 to vector<16xi32>
        %add3A_704 = arith.addi %xor3A_698, %add3A_703 : vector<16xi32>
        %select_n3A_705 = arith.select %lt3A_701, %add3A_704, %xor3A_698 : vector<16xi1>, vector<16xi32>
        %broadcast_in_dim3A_706 = vector.shape_cast %select_n3A_705 : vector<16xi32> to vector<16x1xi32>
        %gather3A_707 = vector.shape_cast %broadcast_in_dim3A_706 : vector<16x1xi32> to vector<16xi32>
        %gather3A_708 = tpu.dynamic_gather %add3A_695[%gather3A_707] in [0] : vector<16xf32>, vector<16xi32> -> vector<16xf32>
        %add3A_709 = arith.addf %add3A_695, %gather3A_708 : vector<16xf32>
        %xor3A_710 = arith.constant 8 : i32
        %xor3A_711 = vector.broadcast %xor3A_710 : i32 to vector<16xi32>
        %xor3A_712 = arith.xori %iota3A, %xor3A_711 : vector<16xi32>
        %lt3A_713 = arith.constant 0 : i32
        %lt3A_714 = vector.broadcast %lt3A_713 : i32 to vector<16xi32>
        %lt3A_715 = arith.cmpi slt, %xor3A_712, %lt3A_714 : vector<16xi32>
        %add3A_716 = arith.constant 16 : i32
        %add3A_717 = vector.broadcast %add3A_716 : i32 to vector<16xi32>
        %add3A_718 = arith.addi %xor3A_712, %add3A_717 : vector<16xi32>
        %select_n3A_719 = arith.select %lt3A_715, %add3A_718, %xor3A_712 : vector<16xi1>, vector<16xi32>
        %broadcast_in_dim3A_720 = vector.shape_cast %select_n3A_719 : vector<16xi32> to vector<16x1xi32>
        %gather3A_721 = vector.shape_cast %broadcast_in_dim3A_720 : vector<16x1xi32> to vector<16xi32>
        %gather3A_722 = tpu.dynamic_gather %add3A_709[%gather3A_721] in [0] : vector<16xf32>, vector<16xi32> -> vector<16xf32>
        %add3A_723 = arith.addf %add3A_709, %gather3A_722 : vector<16xf32>
        %mul3A_724 = arith.constant 7.812500e-03 : f32
        %mul3A_725 = vector.broadcast %mul3A_724 : f32 to vector<16xf32>
        %mul3A_726 = arith.mulf %add3A_723, %mul3A_725 : vector<16xf32>
        %mul3A_727 = arith.mulf %mul3A_652, %mul3A_652 : vector<16xf32>
        %sub3A = arith.subf %mul3A_726, %mul3A_727 : vector<16xf32>
        %add3A_728 = arith.constant 1.000000e-03 : f32
        %add3A_729 = vector.broadcast %add3A_728 : f32 to vector<16xf32>
        %add3A_730 = arith.addf %sub3A, %add3A_729 : vector<16xf32>
        %bitcast_convert_type3A = tpu.bitcast %add3A_730 : vector<16xf32> -> vector<16xi32>
        %shift_right_arithmetic3A = arith.constant 1 : i32
        %shift_right_arithmetic3A_731 = vector.broadcast %shift_right_arithmetic3A : i32 to vector<16xi32>
        %shift_right_arithmetic3A_732 = arith.shrsi %bitcast_convert_type3A, %shift_right_arithmetic3A_731 : vector<16xi32>
        %sub3A_733 = arith.constant 1597463007 : i32
        %sub3A_734 = vector.broadcast %sub3A_733 : i32 to vector<16xi32>
        %sub3A_735 = arith.subi %sub3A_734, %shift_right_arithmetic3A_732 : vector<16xi32>
        %bitcast_convert_type3A_736 = tpu.bitcast %sub3A_735 : vector<16xi32> -> vector<16xf32>
        %mul3A_737 = arith.constant 5.000000e-01 : f32
        %mul3A_738 = vector.broadcast %mul3A_737 : f32 to vector<16xf32>
        %mul3A_739 = arith.mulf %add3A_730, %mul3A_738 : vector<16xf32>
        %mul3A_740 = arith.mulf %mul3A_739, %bitcast_convert_type3A_736 : vector<16xf32>
        %mul3A_741 = arith.mulf %mul3A_740, %bitcast_convert_type3A_736 : vector<16xf32>
        %sub3A_742 = arith.constant 1.500000e+00 : f32
        %sub3A_743 = vector.broadcast %sub3A_742 : f32 to vector<16xf32>
        %sub3A_744 = arith.subf %sub3A_743, %mul3A_741 : vector<16xf32>
        %mul3A_745 = arith.mulf %bitcast_convert_type3A_736, %sub3A_744 : vector<16xf32>
        %mul3A_746 = arith.mulf %mul3A_739, %mul3A_745 : vector<16xf32>
        %mul3A_747 = arith.mulf %mul3A_746, %mul3A_745 : vector<16xf32>
        %sub3A_748 = arith.constant 1.500000e+00 : f32
        %sub3A_749 = vector.broadcast %sub3A_748 : f32 to vector<16xf32>
        %sub3A_750 = arith.subf %sub3A_749, %mul3A_747 : vector<16xf32>
        %mul3A_751 = arith.mulf %mul3A_745, %sub3A_750 : vector<16xf32>
        %mul3A_752 = arith.mulf %mul3A_739, %mul3A_751 : vector<16xf32>
        %mul3A_753 = arith.mulf %mul3A_752, %mul3A_751 : vector<16xf32>
        %sub3A_754 = arith.constant 1.500000e+00 : f32
        %sub3A_755 = vector.broadcast %sub3A_754 : f32 to vector<16xf32>
        %sub3A_756 = arith.subf %sub3A_755, %mul3A_753 : vector<16xf32>
        %mul3A_757 = arith.mulf %mul3A_751, %sub3A_756 : vector<16xf32>
        %sub3A_758 = arith.subf %max3A_566, %mul3A_652 : vector<16xf32>
        %mul3A_759 = arith.mulf %sub3A_758, %mul3A_757 : vector<16xf32>
        %mul3A_760 = arith.mulf %mul3A_759, %get3A_8 : vector<16xf32>
        %add3A_761 = arith.addf %mul3A_760, %get3A_32 : vector<16xf32>
        %swap3A_762 = arith.index_cast %add3A_452 : i32 to index
        %swap3A_763 = arith.constant 0 : index
        %swap3A_764 = tpu.vector_load %arg17[%swap3A_762, %swap3A_763] {strides = array<i32>} : memref<40x128xf32, #tpu.memory_space<vmem>>, vector<1x16xf32>,
        %swap3A_765 = vector.shape_cast %swap3A_764 : vector<1x16xf32> to vector<16xf32>
        %swap3A_766 = vector.shape_cast %add3A_761 : vector<16xf32> to vector<1x16xf32>
        tpu.vector_store %arg17[%swap3A_762, %swap3A_763], %swap3A_766 {strides = array<i32>} : memref<40x128xf32, #tpu.memory_space<vmem>>, vector<1x16xf32>,
        %sub3A_767 = arith.subf %max3A_569, %mul3A_652 : vector<16xf32>
        %mul3A_768 = arith.mulf %sub3A_767, %mul3A_757 : vector<16xf32>
        %mul3A_769 = arith.mulf %mul3A_768, %get3A_11 : vector<16xf32>
        %add3A_770 = arith.addf %mul3A_769, %get3A_35 : vector<16xf32>
        %swap3A_771 = arith.index_cast %add3A_452 : i32 to index
        %swap3A_772 = arith.constant 16 : index
        %swap3A_773 = tpu.vector_load %arg17[%swap3A_771, %swap3A_772] {strides = array<i32>} : memref<40x128xf32, #tpu.memory_space<vmem>>, vector<1x16xf32>,
        %swap3A_774 = vector.shape_cast %swap3A_773 : vector<1x16xf32> to vector<16xf32>
        %swap3A_775 = vector.shape_cast %add3A_770 : vector<16xf32> to vector<1x16xf32>
        tpu.vector_store %arg17[%swap3A_771, %swap3A_772], %swap3A_775 {strides = array<i32>} : memref<40x128xf32, #tpu.memory_space<vmem>>, vector<1x16xf32>,
        %sub3A_776 = arith.subf %max3A_572, %mul3A_652 : vector<16xf32>
        %mul3A_777 = arith.mulf %sub3A_776, %mul3A_757 : vector<16xf32>
        %mul3A_778 = arith.mulf %mul3A_777, %get3A_14 : vector<16xf32>
        %add3A_779 = arith.addf %mul3A_778, %get3A_38 : vector<16xf32>
        %swap3A_780 = arith.index_cast %add3A_452 : i32 to index
        %swap3A_781 = arith.constant 32 : index
        %swap3A_782 = tpu.vector_load %arg17[%swap3A_780, %swap3A_781] {strides = array<i32>} : memref<40x128xf32, #tpu.memory_space<vmem>>, vector<1x16xf32>,
        %swap3A_783 = vector.shape_cast %swap3A_782 : vector<1x16xf32> to vector<16xf32>
        %swap3A_784 = vector.shape_cast %add3A_779 : vector<16xf32> to vector<1x16xf32>
        tpu.vector_store %arg17[%swap3A_780, %swap3A_781], %swap3A_784 {strides = array<i32>} : memref<40x128xf32, #tpu.memory_space<vmem>>, vector<1x16xf32>,
        %sub3A_785 = arith.subf %max3A_575, %mul3A_652 : vector<16xf32>
        %mul3A_786 = arith.mulf %sub3A_785, %mul3A_757 : vector<16xf32>
        %mul3A_787 = arith.mulf %mul3A_786, %get3A_17 : vector<16xf32>
        %add3A_788 = arith.addf %mul3A_787, %get3A_41 : vector<16xf32>
        %swap3A_789 = arith.index_cast %add3A_452 : i32 to index
        %swap3A_790 = arith.constant 48 : index
        %swap3A_791 = tpu.vector_load %arg17[%swap3A_789, %swap3A_790] {strides = array<i32>} : memref<40x128xf32, #tpu.memory_space<vmem>>, vector<1x16xf32>,
        %swap3A_792 = vector.shape_cast %swap3A_791 : vector<1x16xf32> to vector<16xf32>
        %swap3A_793 = vector.shape_cast %add3A_788 : vector<16xf32> to vector<1x16xf32>
        tpu.vector_store %arg17[%swap3A_789, %swap3A_790], %swap3A_793 {strides = array<i32>} : memref<40x128xf32, #tpu.memory_space<vmem>>, vector<1x16xf32>,
        %sub3A_794 = arith.subf %max3A_578, %mul3A_652 : vector<16xf32>
        %mul3A_795 = arith.mulf %sub3A_794, %mul3A_757 : vector<16xf32>
        %mul3A_796 = arith.mulf %mul3A_795, %get3A_20 : vector<16xf32>
        %add3A_797 = arith.addf %mul3A_796, %get3A_44 : vector<16xf32>
        %swap3A_798 = arith.index_cast %add3A_452 : i32 to index
        %swap3A_799 = arith.constant 64 : index
        %swap3A_800 = tpu.vector_load %arg17[%swap3A_798, %swap3A_799] {strides = array<i32>} : memref<40x128xf32, #tpu.memory_space<vmem>>, vector<1x16xf32>,
        %swap3A_801 = vector.shape_cast %swap3A_800 : vector<1x16xf32> to vector<16xf32>
        %swap3A_802 = vector.shape_cast %add3A_797 : vector<16xf32> to vector<1x16xf32>
        tpu.vector_store %arg17[%swap3A_798, %swap3A_799], %swap3A_802 {strides = array<i32>} : memref<40x128xf32, #tpu.memory_space<vmem>>, vector<1x16xf32>,
        %sub3A_803 = arith.subf %max3A_581, %mul3A_652 : vector<16xf32>
        %mul3A_804 = arith.mulf %sub3A_803, %mul3A_757 : vector<16xf32>
        %mul3A_805 = arith.mulf %mul3A_804, %get3A_23 : vector<16xf32>
        %add3A_806 = arith.addf %mul3A_805, %get3A_47 : vector<16xf32>
        %swap3A_807 = arith.index_cast %add3A_452 : i32 to index
        %swap3A_808 = arith.constant 80 : index
        %swap3A_809 = tpu.vector_load %arg17[%swap3A_807, %swap3A_808] {strides = array<i32>} : memref<40x128xf32, #tpu.memory_space<vmem>>, vector<1x16xf32>,
        %swap3A_810 = vector.shape_cast %swap3A_809 : vector<1x16xf32> to vector<16xf32>
        %swap3A_811 = vector.shape_cast %add3A_806 : vector<16xf32> to vector<1x16xf32>
        tpu.vector_store %arg17[%swap3A_807, %swap3A_808], %swap3A_811 {strides = array<i32>} : memref<40x128xf32, #tpu.memory_space<vmem>>, vector<1x16xf32>,
        %sub3A_812 = arith.subf %max3A_584, %mul3A_652 : vector<16xf32>
        %mul3A_813 = arith.mulf %sub3A_812, %mul3A_757 : vector<16xf32>
        %mul3A_814 = arith.mulf %mul3A_813, %get3A_26 : vector<16xf32>
        %add3A_815 = arith.addf %mul3A_814, %get3A_50 : vector<16xf32>
        %swap3A_816 = arith.index_cast %add3A_452 : i32 to index
        %swap3A_817 = arith.constant 96 : index
        %swap3A_818 = tpu.vector_load %arg17[%swap3A_816, %swap3A_817] {strides = array<i32>} : memref<40x128xf32, #tpu.memory_space<vmem>>, vector<1x16xf32>,
        %swap3A_819 = vector.shape_cast %swap3A_818 : vector<1x16xf32> to vector<16xf32>
        %swap3A_820 = vector.shape_cast %add3A_815 : vector<16xf32> to vector<1x16xf32>
        tpu.vector_store %arg17[%swap3A_816, %swap3A_817], %swap3A_820 {strides = array<i32>} : memref<40x128xf32, #tpu.memory_space<vmem>>, vector<1x16xf32>,
        %sub3A_821 = arith.subf %max3A_587, %mul3A_652 : vector<16xf32>
        %mul3A_822 = arith.mulf %sub3A_821, %mul3A_757 : vector<16xf32>
        %mul3A_823 = arith.mulf %mul3A_822, %get3A_29 : vector<16xf32>
        %add3A_824 = arith.addf %mul3A_823, %get3A_53 : vector<16xf32>
        %swap3A_825 = arith.index_cast %add3A_452 : i32 to index
        %swap3A_826 = arith.constant 112 : index
        %swap3A_827 = tpu.vector_load %arg17[%swap3A_825, %swap3A_826] {strides = array<i32>} : memref<40x128xf32, #tpu.memory_space<vmem>>, vector<1x16xf32>,
        %swap3A_828 = vector.shape_cast %swap3A_827 : vector<1x16xf32> to vector<16xf32>
        %swap3A_829 = vector.shape_cast %add3A_824 : vector<16xf32> to vector<1x16xf32>
        tpu.vector_store %arg17[%swap3A_825, %swap3A_826], %swap3A_829 {strides = array<i32>} : memref<40x128xf32, #tpu.memory_space<vmem>>, vector<1x16xf32>,
        %mul3A_830 = arith.constant 2 : i32
        %mul3A_831 = arith.muli %scan3A_448, %mul3A_830 : i32
        %add3A_832 = arith.constant 1 : i32
        %add3A_833 = arith.addi %mul3A_831, %add3A_832 : i32
        %get3A_834 = arith.index_cast %add3A_833 : i32 to index
        %get3A_835 = arith.constant 0 : index
        %get3A_836 = tpu.vector_load %arg11[%get3A_834, %get3A_835] {strides = array<i32>} : memref<40x128xf32, #tpu.memory_space<vmem>>, vector<1x16xf32>,
        %get3A_837 = vector.shape_cast %get3A_836 : vector<1x16xf32> to vector<16xf32>
        %get3A_838 = arith.index_cast %add3A_833 : i32 to index
        %get3A_839 = arith.constant 0 : index
        %get3A_840 = tpu.vector_load %arg13[%get3A_838, %get3A_839] {strides = array<i32>} : memref<40x128xf32, #tpu.memory_space<vmem>>, vector<1x16xf32>,
        %get3A_841 = vector.shape_cast %get3A_840 : vector<1x16xf32> to vector<16xf32>
        %add3A_842 = arith.addf %get3A_837, %get3A_841 : vector<16xf32>
        %get3A_843 = arith.index_cast %add3A_833 : i32 to index
        %get3A_844 = arith.constant 0 : index
        %get3A_845 = tpu.vector_load %arg15[%get3A_843, %get3A_844] {strides = array<i32>} : memref<40x128xf32, #tpu.memory_space<vmem>>, vector<1x16xf32>,
        %get3A_846 = vector.shape_cast %get3A_845 : vector<1x16xf32> to vector<16xf32>
        %add3A_847 = arith.addf %add3A_842, %get3A_846 : vector<16xf32>
        %get3A_848 = arith.index_cast %add3A_833 : i32 to index
        %get3A_849 = arith.constant 16 : index
        %get3A_850 = tpu.vector_load %arg11[%get3A_848, %get3A_849] {strides = array<i32>} : memref<40x128xf32, #tpu.memory_space<vmem>>, vector<1x16xf32>,
        %get3A_851 = vector.shape_cast %get3A_850 : vector<1x16xf32> to vector<16xf32>
        %get3A_852 = arith.index_cast %add3A_833 : i32 to index
        %get3A_853 = arith.constant 16 : index
        %get3A_854 = tpu.vector_load %arg13[%get3A_852, %get3A_853] {strides = array<i32>} : memref<40x128xf32, #tpu.memory_space<vmem>>, vector<1x16xf32>,
        %get3A_855 = vector.shape_cast %get3A_854 : vector<1x16xf32> to vector<16xf32>
        %add3A_856 = arith.addf %get3A_851, %get3A_855 : vector<16xf32>
        %get3A_857 = arith.index_cast %add3A_833 : i32 to index
        %get3A_858 = arith.constant 16 : index
        %get3A_859 = tpu.vector_load %arg15[%get3A_857, %get3A_858] {strides = array<i32>} : memref<40x128xf32, #tpu.memory_space<vmem>>, vector<1x16xf32>,
        %get3A_860 = vector.shape_cast %get3A_859 : vector<1x16xf32> to vector<16xf32>
        %add3A_861 = arith.addf %add3A_856, %get3A_860 : vector<16xf32>
        %get3A_862 = arith.index_cast %add3A_833 : i32 to index
        %get3A_863 = arith.constant 32 : index
        %get3A_864 = tpu.vector_load %arg11[%get3A_862, %get3A_863] {strides = array<i32>} : memref<40x128xf32, #tpu.memory_space<vmem>>, vector<1x16xf32>,
        %get3A_865 = vector.shape_cast %get3A_864 : vector<1x16xf32> to vector<16xf32>
        %get3A_866 = arith.index_cast %add3A_833 : i32 to index
        %get3A_867 = arith.constant 32 : index
        %get3A_868 = tpu.vector_load %arg13[%get3A_866, %get3A_867] {strides = array<i32>} : memref<40x128xf32, #tpu.memory_space<vmem>>, vector<1x16xf32>,
        %get3A_869 = vector.shape_cast %get3A_868 : vector<1x16xf32> to vector<16xf32>
        %add3A_870 = arith.addf %get3A_865, %get3A_869 : vector<16xf32>
        %get3A_871 = arith.index_cast %add3A_833 : i32 to index
        %get3A_872 = arith.constant 32 : index
        %get3A_873 = tpu.vector_load %arg15[%get3A_871, %get3A_872] {strides = array<i32>} : memref<40x128xf32, #tpu.memory_space<vmem>>, vector<1x16xf32>,
        %get3A_874 = vector.shape_cast %get3A_873 : vector<1x16xf32> to vector<16xf32>
        %add3A_875 = arith.addf %add3A_870, %get3A_874 : vector<16xf32>
        %get3A_876 = arith.index_cast %add3A_833 : i32 to index
        %get3A_877 = arith.constant 48 : index
        %get3A_878 = tpu.vector_load %arg11[%get3A_876, %get3A_877] {strides = array<i32>} : memref<40x128xf32, #tpu.memory_space<vmem>>, vector<1x16xf32>,
        %get3A_879 = vector.shape_cast %get3A_878 : vector<1x16xf32> to vector<16xf32>
        %get3A_880 = arith.index_cast %add3A_833 : i32 to index
        %get3A_881 = arith.constant 48 : index
        %get3A_882 = tpu.vector_load %arg13[%get3A_880, %get3A_881] {strides = array<i32>} : memref<40x128xf32, #tpu.memory_space<vmem>>, vector<1x16xf32>,
        %get3A_883 = vector.shape_cast %get3A_882 : vector<1x16xf32> to vector<16xf32>
        %add3A_884 = arith.addf %get3A_879, %get3A_883 : vector<16xf32>
        %get3A_885 = arith.index_cast %add3A_833 : i32 to index
        %get3A_886 = arith.constant 48 : index
        %get3A_887 = tpu.vector_load %arg15[%get3A_885, %get3A_886] {strides = array<i32>} : memref<40x128xf32, #tpu.memory_space<vmem>>, vector<1x16xf32>,
        %get3A_888 = vector.shape_cast %get3A_887 : vector<1x16xf32> to vector<16xf32>
        %add3A_889 = arith.addf %add3A_884, %get3A_888 : vector<16xf32>
        %get3A_890 = arith.index_cast %add3A_833 : i32 to index
        %get3A_891 = arith.constant 64 : index
        %get3A_892 = tpu.vector_load %arg11[%get3A_890, %get3A_891] {strides = array<i32>} : memref<40x128xf32, #tpu.memory_space<vmem>>, vector<1x16xf32>,
        %get3A_893 = vector.shape_cast %get3A_892 : vector<1x16xf32> to vector<16xf32>
        %get3A_894 = arith.index_cast %add3A_833 : i32 to index
        %get3A_895 = arith.constant 64 : index
        %get3A_896 = tpu.vector_load %arg13[%get3A_894, %get3A_895] {strides = array<i32>} : memref<40x128xf32, #tpu.memory_space<vmem>>, vector<1x16xf32>,
        %get3A_897 = vector.shape_cast %get3A_896 : vector<1x16xf32> to vector<16xf32>
        %add3A_898 = arith.addf %get3A_893, %get3A_897 : vector<16xf32>
        %get3A_899 = arith.index_cast %add3A_833 : i32 to index
        %get3A_900 = arith.constant 64 : index
        %get3A_901 = tpu.vector_load %arg15[%get3A_899, %get3A_900] {strides = array<i32>} : memref<40x128xf32, #tpu.memory_space<vmem>>, vector<1x16xf32>,
        %get3A_902 = vector.shape_cast %get3A_901 : vector<1x16xf32> to vector<16xf32>
        %add3A_903 = arith.addf %add3A_898, %get3A_902 : vector<16xf32>
        %get3A_904 = arith.index_cast %add3A_833 : i32 to index
        %get3A_905 = arith.constant 80 : index
        %get3A_906 = tpu.vector_load %arg11[%get3A_904, %get3A_905] {strides = array<i32>} : memref<40x128xf32, #tpu.memory_space<vmem>>, vector<1x16xf32>,
        %get3A_907 = vector.shape_cast %get3A_906 : vector<1x16xf32> to vector<16xf32>
        %get3A_908 = arith.index_cast %add3A_833 : i32 to index
        %get3A_909 = arith.constant 80 : index
        %get3A_910 = tpu.vector_load %arg13[%get3A_908, %get3A_909] {strides = array<i32>} : memref<40x128xf32, #tpu.memory_space<vmem>>, vector<1x16xf32>,
        %get3A_911 = vector.shape_cast %get3A_910 : vector<1x16xf32> to vector<16xf32>
        %add3A_912 = arith.addf %get3A_907, %get3A_911 : vector<16xf32>
        %get3A_913 = arith.index_cast %add3A_833 : i32 to index
        %get3A_914 = arith.constant 80 : index
        %get3A_915 = tpu.vector_load %arg15[%get3A_913, %get3A_914] {strides = array<i32>} : memref<40x128xf32, #tpu.memory_space<vmem>>, vector<1x16xf32>,
        %get3A_916 = vector.shape_cast %get3A_915 : vector<1x16xf32> to vector<16xf32>
        %add3A_917 = arith.addf %add3A_912, %get3A_916 : vector<16xf32>
        %get3A_918 = arith.index_cast %add3A_833 : i32 to index
        %get3A_919 = arith.constant 96 : index
        %get3A_920 = tpu.vector_load %arg11[%get3A_918, %get3A_919] {strides = array<i32>} : memref<40x128xf32, #tpu.memory_space<vmem>>, vector<1x16xf32>,
        %get3A_921 = vector.shape_cast %get3A_920 : vector<1x16xf32> to vector<16xf32>
        %get3A_922 = arith.index_cast %add3A_833 : i32 to index
        %get3A_923 = arith.constant 96 : index
        %get3A_924 = tpu.vector_load %arg13[%get3A_922, %get3A_923] {strides = array<i32>} : memref<40x128xf32, #tpu.memory_space<vmem>>, vector<1x16xf32>,
        %get3A_925 = vector.shape_cast %get3A_924 : vector<1x16xf32> to vector<16xf32>
        %add3A_926 = arith.addf %get3A_921, %get3A_925 : vector<16xf32>
        %get3A_927 = arith.index_cast %add3A_833 : i32 to index
        %get3A_928 = arith.constant 96 : index
        %get3A_929 = tpu.vector_load %arg15[%get3A_927, %get3A_928] {strides = array<i32>} : memref<40x128xf32, #tpu.memory_space<vmem>>, vector<1x16xf32>,
        %get3A_930 = vector.shape_cast %get3A_929 : vector<1x16xf32> to vector<16xf32>
        %add3A_931 = arith.addf %add3A_926, %get3A_930 : vector<16xf32>
        %get3A_932 = arith.index_cast %add3A_833 : i32 to index
        %get3A_933 = arith.constant 112 : index
        %get3A_934 = tpu.vector_load %arg11[%get3A_932, %get3A_933] {strides = array<i32>} : memref<40x128xf32, #tpu.memory_space<vmem>>, vector<1x16xf32>,
        %get3A_935 = vector.shape_cast %get3A_934 : vector<1x16xf32> to vector<16xf32>
        %get3A_936 = arith.index_cast %add3A_833 : i32 to index
        %get3A_937 = arith.constant 112 : index
        %get3A_938 = tpu.vector_load %arg13[%get3A_936, %get3A_937] {strides = array<i32>} : memref<40x128xf32, #tpu.memory_space<vmem>>, vector<1x16xf32>,
        %get3A_939 = vector.shape_cast %get3A_938 : vector<1x16xf32> to vector<16xf32>
        %add3A_940 = arith.addf %get3A_935, %get3A_939 : vector<16xf32>
        %get3A_941 = arith.index_cast %add3A_833 : i32 to index
        %get3A_942 = arith.constant 112 : index
        %get3A_943 = tpu.vector_load %arg15[%get3A_941, %get3A_942] {strides = array<i32>} : memref<40x128xf32, #tpu.memory_space<vmem>>, vector<1x16xf32>,
        %get3A_944 = vector.shape_cast %get3A_943 : vector<1x16xf32> to vector<16xf32>
        %add3A_945 = arith.addf %add3A_940, %get3A_944 : vector<16xf32>
        %max3A_946 = arith.constant 0.000000e+00 : f32
        %max3A_947 = vector.broadcast %max3A_946 : f32 to vector<16xf32>
        %max3A_948 = arith.maximumf %add3A_847, %max3A_947 : vector<16xf32>
        %max3A_949 = arith.constant 0.000000e+00 : f32
        %max3A_950 = vector.broadcast %max3A_949 : f32 to vector<16xf32>
        %max3A_951 = arith.maximumf %add3A_861, %max3A_950 : vector<16xf32>
        %max3A_952 = arith.constant 0.000000e+00 : f32
        %max3A_953 = vector.broadcast %max3A_952 : f32 to vector<16xf32>
        %max3A_954 = arith.maximumf %add3A_875, %max3A_953 : vector<16xf32>
        %max3A_955 = arith.constant 0.000000e+00 : f32
        %max3A_956 = vector.broadcast %max3A_955 : f32 to vector<16xf32>
        %max3A_957 = arith.maximumf %add3A_889, %max3A_956 : vector<16xf32>
        %max3A_958 = arith.constant 0.000000e+00 : f32
        %max3A_959 = vector.broadcast %max3A_958 : f32 to vector<16xf32>
        %max3A_960 = arith.maximumf %add3A_903, %max3A_959 : vector<16xf32>
        %max3A_961 = arith.constant 0.000000e+00 : f32
        %max3A_962 = vector.broadcast %max3A_961 : f32 to vector<16xf32>
        %max3A_963 = arith.maximumf %add3A_917, %max3A_962 : vector<16xf32>
        %max3A_964 = arith.constant 0.000000e+00 : f32
        %max3A_965 = vector.broadcast %max3A_964 : f32 to vector<16xf32>
        %max3A_966 = arith.maximumf %add3A_931, %max3A_965 : vector<16xf32>
        %max3A_967 = arith.constant 0.000000e+00 : f32
        %max3A_968 = vector.broadcast %max3A_967 : f32 to vector<16xf32>
        %max3A_969 = arith.maximumf %add3A_945, %max3A_968 : vector<16xf32>
        %add3A_970 = arith.addf %max3A_948, %max3A_951 : vector<16xf32>
        %add3A_971 = arith.addf %max3A_954, %max3A_957 : vector<16xf32>
        %add3A_972 = arith.addf %max3A_960, %max3A_963 : vector<16xf32>
        %add3A_973 = arith.addf %max3A_966, %max3A_969 : vector<16xf32>
        %add3A_974 = arith.addf %add3A_970, %add3A_971 : vector<16xf32>
        %add3A_975 = arith.addf %add3A_972, %add3A_973 : vector<16xf32>
        %add3A_976 = arith.addf %add3A_974, %add3A_975 : vector<16xf32>
        %xor3A_977 = arith.constant 1 : i32
        %xor3A_978 = vector.broadcast %xor3A_977 : i32 to vector<16xi32>
        %xor3A_979 = arith.xori %iota3A, %xor3A_978 : vector<16xi32>
        %lt3A_980 = arith.constant 0 : i32
        %lt3A_981 = vector.broadcast %lt3A_980 : i32 to vector<16xi32>
        %lt3A_982 = arith.cmpi slt, %xor3A_979, %lt3A_981 : vector<16xi32>
        %add3A_983 = arith.constant 16 : i32
        %add3A_984 = vector.broadcast %add3A_983 : i32 to vector<16xi32>
        %add3A_985 = arith.addi %xor3A_979, %add3A_984 : vector<16xi32>
        %select_n3A_986 = arith.select %lt3A_982, %add3A_985, %xor3A_979 : vector<16xi1>, vector<16xi32>
        %broadcast_in_dim3A_987 = vector.shape_cast %select_n3A_986 : vector<16xi32> to vector<16x1xi32>
        %gather3A_988 = vector.shape_cast %broadcast_in_dim3A_987 : vector<16x1xi32> to vector<16xi32>
        %gather3A_989 = tpu.dynamic_gather %add3A_976[%gather3A_988] in [0] : vector<16xf32>, vector<16xi32> -> vector<16xf32>
        %add3A_990 = arith.addf %add3A_976, %gather3A_989 : vector<16xf32>
        %xor3A_991 = arith.constant 2 : i32
        %xor3A_992 = vector.broadcast %xor3A_991 : i32 to vector<16xi32>
        %xor3A_993 = arith.xori %iota3A, %xor3A_992 : vector<16xi32>
        %lt3A_994 = arith.constant 0 : i32
        %lt3A_995 = vector.broadcast %lt3A_994 : i32 to vector<16xi32>
        %lt3A_996 = arith.cmpi slt, %xor3A_993, %lt3A_995 : vector<16xi32>
        %add3A_997 = arith.constant 16 : i32
        %add3A_998 = vector.broadcast %add3A_997 : i32 to vector<16xi32>
        %add3A_999 = arith.addi %xor3A_993, %add3A_998 : vector<16xi32>
        %select_n3A_1000 = arith.select %lt3A_996, %add3A_999, %xor3A_993 : vector<16xi1>, vector<16xi32>
        %broadcast_in_dim3A_1001 = vector.shape_cast %select_n3A_1000 : vector<16xi32> to vector<16x1xi32>
        %gather3A_1002 = vector.shape_cast %broadcast_in_dim3A_1001 : vector<16x1xi32> to vector<16xi32>
        %gather3A_1003 = tpu.dynamic_gather %add3A_990[%gather3A_1002] in [0] : vector<16xf32>, vector<16xi32> -> vector<16xf32>
        %add3A_1004 = arith.addf %add3A_990, %gather3A_1003 : vector<16xf32>
        %xor3A_1005 = arith.constant 4 : i32
        %xor3A_1006 = vector.broadcast %xor3A_1005 : i32 to vector<16xi32>
        %xor3A_1007 = arith.xori %iota3A, %xor3A_1006 : vector<16xi32>
        %lt3A_1008 = arith.constant 0 : i32
        %lt3A_1009 = vector.broadcast %lt3A_1008 : i32 to vector<16xi32>
        %lt3A_1010 = arith.cmpi slt, %xor3A_1007, %lt3A_1009 : vector<16xi32>
        %add3A_1011 = arith.constant 16 : i32
        %add3A_1012 = vector.broadcast %add3A_1011 : i32 to vector<16xi32>
        %add3A_1013 = arith.addi %xor3A_1007, %add3A_1012 : vector<16xi32>
        %select_n3A_1014 = arith.select %lt3A_1010, %add3A_1013, %xor3A_1007 : vector<16xi1>, vector<16xi32>
        %broadcast_in_dim3A_1015 = vector.shape_cast %select_n3A_1014 : vector<16xi32> to vector<16x1xi32>
        %gather3A_1016 = vector.shape_cast %broadcast_in_dim3A_1015 : vector<16x1xi32> to vector<16xi32>
        %gather3A_1017 = tpu.dynamic_gather %add3A_1004[%gather3A_1016] in [0] : vector<16xf32>, vector<16xi32> -> vector<16xf32>
        %add3A_1018 = arith.addf %add3A_1004, %gather3A_1017 : vector<16xf32>
        %xor3A_1019 = arith.constant 8 : i32
        %xor3A_1020 = vector.broadcast %xor3A_1019 : i32 to vector<16xi32>
        %xor3A_1021 = arith.xori %iota3A, %xor3A_1020 : vector<16xi32>
        %lt3A_1022 = arith.constant 0 : i32
        %lt3A_1023 = vector.broadcast %lt3A_1022 : i32 to vector<16xi32>
        %lt3A_1024 = arith.cmpi slt, %xor3A_1021, %lt3A_1023 : vector<16xi32>
        %add3A_1025 = arith.constant 16 : i32
        %add3A_1026 = vector.broadcast %add3A_1025 : i32 to vector<16xi32>
        %add3A_1027 = arith.addi %xor3A_1021, %add3A_1026 : vector<16xi32>
        %select_n3A_1028 = arith.select %lt3A_1024, %add3A_1027, %xor3A_1021 : vector<16xi1>, vector<16xi32>
        %broadcast_in_dim3A_1029 = vector.shape_cast %select_n3A_1028 : vector<16xi32> to vector<16x1xi32>
        %gather3A_1030 = vector.shape_cast %broadcast_in_dim3A_1029 : vector<16x1xi32> to vector<16xi32>
        %gather3A_1031 = tpu.dynamic_gather %add3A_1018[%gather3A_1030] in [0] : vector<16xf32>, vector<16xi32> -> vector<16xf32>
        %add3A_1032 = arith.addf %add3A_1018, %gather3A_1031 : vector<16xf32>
        %mul3A_1033 = arith.constant 7.812500e-03 : f32
        %mul3A_1034 = vector.broadcast %mul3A_1033 : f32 to vector<16xf32>
        %mul3A_1035 = arith.mulf %add3A_1032, %mul3A_1034 : vector<16xf32>
        %mul3A_1036 = arith.mulf %max3A_948, %max3A_948 : vector<16xf32>
        %mul3A_1037 = arith.mulf %max3A_951, %max3A_951 : vector<16xf32>
        %mul3A_1038 = arith.mulf %max3A_954, %max3A_954 : vector<16xf32>
        %mul3A_1039 = arith.mulf %max3A_957, %max3A_957 : vector<16xf32>
        %mul3A_1040 = arith.mulf %max3A_960, %max3A_960 : vector<16xf32>
        %mul3A_1041 = arith.mulf %max3A_963, %max3A_963 : vector<16xf32>
        %mul3A_1042 = arith.mulf %max3A_966, %max3A_966 : vector<16xf32>
        %mul3A_1043 = arith.mulf %max3A_969, %max3A_969 : vector<16xf32>
        %add3A_1044 = arith.addf %mul3A_1036, %mul3A_1037 : vector<16xf32>
        %add3A_1045 = arith.addf %mul3A_1038, %mul3A_1039 : vector<16xf32>
        %add3A_1046 = arith.addf %mul3A_1040, %mul3A_1041 : vector<16xf32>
        %add3A_1047 = arith.addf %mul3A_1042, %mul3A_1043 : vector<16xf32>
        %add3A_1048 = arith.addf %add3A_1044, %add3A_1045 : vector<16xf32>
        %add3A_1049 = arith.addf %add3A_1046, %add3A_1047 : vector<16xf32>
        %add3A_1050 = arith.addf %add3A_1048, %add3A_1049 : vector<16xf32>
        %xor3A_1051 = arith.constant 1 : i32
        %xor3A_1052 = vector.broadcast %xor3A_1051 : i32 to vector<16xi32>
        %xor3A_1053 = arith.xori %iota3A, %xor3A_1052 : vector<16xi32>
        %lt3A_1054 = arith.constant 0 : i32
        %lt3A_1055 = vector.broadcast %lt3A_1054 : i32 to vector<16xi32>
        %lt3A_1056 = arith.cmpi slt, %xor3A_1053, %lt3A_1055 : vector<16xi32>
        %add3A_1057 = arith.constant 16 : i32
        %add3A_1058 = vector.broadcast %add3A_1057 : i32 to vector<16xi32>
        %add3A_1059 = arith.addi %xor3A_1053, %add3A_1058 : vector<16xi32>
        %select_n3A_1060 = arith.select %lt3A_1056, %add3A_1059, %xor3A_1053 : vector<16xi1>, vector<16xi32>
        %broadcast_in_dim3A_1061 = vector.shape_cast %select_n3A_1060 : vector<16xi32> to vector<16x1xi32>
        %gather3A_1062 = vector.shape_cast %broadcast_in_dim3A_1061 : vector<16x1xi32> to vector<16xi32>
        %gather3A_1063 = tpu.dynamic_gather %add3A_1050[%gather3A_1062] in [0] : vector<16xf32>, vector<16xi32> -> vector<16xf32>
        %add3A_1064 = arith.addf %add3A_1050, %gather3A_1063 : vector<16xf32>
        %xor3A_1065 = arith.constant 2 : i32
        %xor3A_1066 = vector.broadcast %xor3A_1065 : i32 to vector<16xi32>
        %xor3A_1067 = arith.xori %iota3A, %xor3A_1066 : vector<16xi32>
        %lt3A_1068 = arith.constant 0 : i32
        %lt3A_1069 = vector.broadcast %lt3A_1068 : i32 to vector<16xi32>
        %lt3A_1070 = arith.cmpi slt, %xor3A_1067, %lt3A_1069 : vector<16xi32>
        %add3A_1071 = arith.constant 16 : i32
        %add3A_1072 = vector.broadcast %add3A_1071 : i32 to vector<16xi32>
        %add3A_1073 = arith.addi %xor3A_1067, %add3A_1072 : vector<16xi32>
        %select_n3A_1074 = arith.select %lt3A_1070, %add3A_1073, %xor3A_1067 : vector<16xi1>, vector<16xi32>
        %broadcast_in_dim3A_1075 = vector.shape_cast %select_n3A_1074 : vector<16xi32> to vector<16x1xi32>
        %gather3A_1076 = vector.shape_cast %broadcast_in_dim3A_1075 : vector<16x1xi32> to vector<16xi32>
        %gather3A_1077 = tpu.dynamic_gather %add3A_1064[%gather3A_1076] in [0] : vector<16xf32>, vector<16xi32> -> vector<16xf32>
        %add3A_1078 = arith.addf %add3A_1064, %gather3A_1077 : vector<16xf32>
        %xor3A_1079 = arith.constant 4 : i32
        %xor3A_1080 = vector.broadcast %xor3A_1079 : i32 to vector<16xi32>
        %xor3A_1081 = arith.xori %iota3A, %xor3A_1080 : vector<16xi32>
        %lt3A_1082 = arith.constant 0 : i32
        %lt3A_1083 = vector.broadcast %lt3A_1082 : i32 to vector<16xi32>
        %lt3A_1084 = arith.cmpi slt, %xor3A_1081, %lt3A_1083 : vector<16xi32>
        %add3A_1085 = arith.constant 16 : i32
        %add3A_1086 = vector.broadcast %add3A_1085 : i32 to vector<16xi32>
        %add3A_1087 = arith.addi %xor3A_1081, %add3A_1086 : vector<16xi32>
        %select_n3A_1088 = arith.select %lt3A_1084, %add3A_1087, %xor3A_1081 : vector<16xi1>, vector<16xi32>
        %broadcast_in_dim3A_1089 = vector.shape_cast %select_n3A_1088 : vector<16xi32> to vector<16x1xi32>
        %gather3A_1090 = vector.shape_cast %broadcast_in_dim3A_1089 : vector<16x1xi32> to vector<16xi32>
        %gather3A_1091 = tpu.dynamic_gather %add3A_1078[%gather3A_1090] in [0] : vector<16xf32>, vector<16xi32> -> vector<16xf32>
        %add3A_1092 = arith.addf %add3A_1078, %gather3A_1091 : vector<16xf32>
        %xor3A_1093 = arith.constant 8 : i32
        %xor3A_1094 = vector.broadcast %xor3A_1093 : i32 to vector<16xi32>
        %xor3A_1095 = arith.xori %iota3A, %xor3A_1094 : vector<16xi32>
        %lt3A_1096 = arith.constant 0 : i32
        %lt3A_1097 = vector.broadcast %lt3A_1096 : i32 to vector<16xi32>
        %lt3A_1098 = arith.cmpi slt, %xor3A_1095, %lt3A_1097 : vector<16xi32>
        %add3A_1099 = arith.constant 16 : i32
        %add3A_1100 = vector.broadcast %add3A_1099 : i32 to vector<16xi32>
        %add3A_1101 = arith.addi %xor3A_1095, %add3A_1100 : vector<16xi32>
        %select_n3A_1102 = arith.select %lt3A_1098, %add3A_1101, %xor3A_1095 : vector<16xi1>, vector<16xi32>
        %broadcast_in_dim3A_1103 = vector.shape_cast %select_n3A_1102 : vector<16xi32> to vector<16x1xi32>
        %gather3A_1104 = vector.shape_cast %broadcast_in_dim3A_1103 : vector<16x1xi32> to vector<16xi32>
        %gather3A_1105 = tpu.dynamic_gather %add3A_1092[%gather3A_1104] in [0] : vector<16xf32>, vector<16xi32> -> vector<16xf32>
        %add3A_1106 = arith.addf %add3A_1092, %gather3A_1105 : vector<16xf32>
        %mul3A_1107 = arith.constant 7.812500e-03 : f32
        %mul3A_1108 = vector.broadcast %mul3A_1107 : f32 to vector<16xf32>
        %mul3A_1109 = arith.mulf %add3A_1106, %mul3A_1108 : vector<16xf32>
        %mul3A_1110 = arith.mulf %mul3A_1035, %mul3A_1035 : vector<16xf32>
        %sub3A_1111 = arith.subf %mul3A_1109, %mul3A_1110 : vector<16xf32>
        %add3A_1112 = arith.constant 1.000000e-03 : f32
        %add3A_1113 = vector.broadcast %add3A_1112 : f32 to vector<16xf32>
        %add3A_1114 = arith.addf %sub3A_1111, %add3A_1113 : vector<16xf32>
        %bitcast_convert_type3A_1115 = tpu.bitcast %add3A_1114 : vector<16xf32> -> vector<16xi32>
        %shift_right_arithmetic3A_1116 = arith.constant 1 : i32
        %shift_right_arithmetic3A_1117 = vector.broadcast %shift_right_arithmetic3A_1116 : i32 to vector<16xi32>
        %shift_right_arithmetic3A_1118 = arith.shrsi %bitcast_convert_type3A_1115, %shift_right_arithmetic3A_1117 : vector<16xi32>
        %sub3A_1119 = arith.constant 1597463007 : i32
        %sub3A_1120 = vector.broadcast %sub3A_1119 : i32 to vector<16xi32>
        %sub3A_1121 = arith.subi %sub3A_1120, %shift_right_arithmetic3A_1118 : vector<16xi32>
        %bitcast_convert_type3A_1122 = tpu.bitcast %sub3A_1121 : vector<16xi32> -> vector<16xf32>
        %mul3A_1123 = arith.constant 5.000000e-01 : f32
        %mul3A_1124 = vector.broadcast %mul3A_1123 : f32 to vector<16xf32>
        %mul3A_1125 = arith.mulf %add3A_1114, %mul3A_1124 : vector<16xf32>
        %mul3A_1126 = arith.mulf %mul3A_1125, %bitcast_convert_type3A_1122 : vector<16xf32>
        %mul3A_1127 = arith.mulf %mul3A_1126, %bitcast_convert_type3A_1122 : vector<16xf32>
        %sub3A_1128 = arith.constant 1.500000e+00 : f32
        %sub3A_1129 = vector.broadcast %sub3A_1128 : f32 to vector<16xf32>
        %sub3A_1130 = arith.subf %sub3A_1129, %mul3A_1127 : vector<16xf32>
        %mul3A_1131 = arith.mulf %bitcast_convert_type3A_1122, %sub3A_1130 : vector<16xf32>
        %mul3A_1132 = arith.mulf %mul3A_1125, %mul3A_1131 : vector<16xf32>
        %mul3A_1133 = arith.mulf %mul3A_1132, %mul3A_1131 : vector<16xf32>
        %sub3A_1134 = arith.constant 1.500000e+00 : f32
        %sub3A_1135 = vector.broadcast %sub3A_1134 : f32 to vector<16xf32>
        %sub3A_1136 = arith.subf %sub3A_1135, %mul3A_1133 : vector<16xf32>
        %mul3A_1137 = arith.mulf %mul3A_1131, %sub3A_1136 : vector<16xf32>
        %mul3A_1138 = arith.mulf %mul3A_1125, %mul3A_1137 : vector<16xf32>
        %mul3A_1139 = arith.mulf %mul3A_1138, %mul3A_1137 : vector<16xf32>
        %sub3A_1140 = arith.constant 1.500000e+00 : f32
        %sub3A_1141 = vector.broadcast %sub3A_1140 : f32 to vector<16xf32>
        %sub3A_1142 = arith.subf %sub3A_1141, %mul3A_1139 : vector<16xf32>
        %mul3A_1143 = arith.mulf %mul3A_1137, %sub3A_1142 : vector<16xf32>
        %sub3A_1144 = arith.subf %max3A_948, %mul3A_1035 : vector<16xf32>
        %mul3A_1145 = arith.mulf %sub3A_1144, %mul3A_1143 : vector<16xf32>
        %mul3A_1146 = arith.mulf %mul3A_1145, %get3A_8 : vector<16xf32>
        %add3A_1147 = arith.addf %mul3A_1146, %get3A_32 : vector<16xf32>
        %swap3A_1148 = arith.index_cast %add3A_833 : i32 to index
        %swap3A_1149 = arith.constant 0 : index
        %swap3A_1150 = tpu.vector_load %arg17[%swap3A_1148, %swap3A_1149] {strides = array<i32>} : memref<40x128xf32, #tpu.memory_space<vmem>>, vector<1x16xf32>,
        %swap3A_1151 = vector.shape_cast %swap3A_1150 : vector<1x16xf32> to vector<16xf32>
        %swap3A_1152 = vector.shape_cast %add3A_1147 : vector<16xf32> to vector<1x16xf32>
        tpu.vector_store %arg17[%swap3A_1148, %swap3A_1149], %swap3A_1152 {strides = array<i32>} : memref<40x128xf32, #tpu.memory_space<vmem>>, vector<1x16xf32>,
        %sub3A_1153 = arith.subf %max3A_951, %mul3A_1035 : vector<16xf32>
        %mul3A_1154 = arith.mulf %sub3A_1153, %mul3A_1143 : vector<16xf32>
        %mul3A_1155 = arith.mulf %mul3A_1154, %get3A_11 : vector<16xf32>
        %add3A_1156 = arith.addf %mul3A_1155, %get3A_35 : vector<16xf32>
        %swap3A_1157 = arith.index_cast %add3A_833 : i32 to index
        %swap3A_1158 = arith.constant 16 : index
        %swap3A_1159 = tpu.vector_load %arg17[%swap3A_1157, %swap3A_1158] {strides = array<i32>} : memref<40x128xf32, #tpu.memory_space<vmem>>, vector<1x16xf32>,
        %swap3A_1160 = vector.shape_cast %swap3A_1159 : vector<1x16xf32> to vector<16xf32>
        %swap3A_1161 = vector.shape_cast %add3A_1156 : vector<16xf32> to vector<1x16xf32>
        tpu.vector_store %arg17[%swap3A_1157, %swap3A_1158], %swap3A_1161 {strides = array<i32>} : memref<40x128xf32, #tpu.memory_space<vmem>>, vector<1x16xf32>,
        %sub3A_1162 = arith.subf %max3A_954, %mul3A_1035 : vector<16xf32>
        %mul3A_1163 = arith.mulf %sub3A_1162, %mul3A_1143 : vector<16xf32>
        %mul3A_1164 = arith.mulf %mul3A_1163, %get3A_14 : vector<16xf32>
        %add3A_1165 = arith.addf %mul3A_1164, %get3A_38 : vector<16xf32>
        %swap3A_1166 = arith.index_cast %add3A_833 : i32 to index
        %swap3A_1167 = arith.constant 32 : index
        %swap3A_1168 = tpu.vector_load %arg17[%swap3A_1166, %swap3A_1167] {strides = array<i32>} : memref<40x128xf32, #tpu.memory_space<vmem>>, vector<1x16xf32>,
        %swap3A_1169 = vector.shape_cast %swap3A_1168 : vector<1x16xf32> to vector<16xf32>
        %swap3A_1170 = vector.shape_cast %add3A_1165 : vector<16xf32> to vector<1x16xf32>
        tpu.vector_store %arg17[%swap3A_1166, %swap3A_1167], %swap3A_1170 {strides = array<i32>} : memref<40x128xf32, #tpu.memory_space<vmem>>, vector<1x16xf32>,
        %sub3A_1171 = arith.subf %max3A_957, %mul3A_1035 : vector<16xf32>
        %mul3A_1172 = arith.mulf %sub3A_1171, %mul3A_1143 : vector<16xf32>
        %mul3A_1173 = arith.mulf %mul3A_1172, %get3A_17 : vector<16xf32>
        %add3A_1174 = arith.addf %mul3A_1173, %get3A_41 : vector<16xf32>
        %swap3A_1175 = arith.index_cast %add3A_833 : i32 to index
        %swap3A_1176 = arith.constant 48 : index
        %swap3A_1177 = tpu.vector_load %arg17[%swap3A_1175, %swap3A_1176] {strides = array<i32>} : memref<40x128xf32, #tpu.memory_space<vmem>>, vector<1x16xf32>,
        %swap3A_1178 = vector.shape_cast %swap3A_1177 : vector<1x16xf32> to vector<16xf32>
        %swap3A_1179 = vector.shape_cast %add3A_1174 : vector<16xf32> to vector<1x16xf32>
        tpu.vector_store %arg17[%swap3A_1175, %swap3A_1176], %swap3A_1179 {strides = array<i32>} : memref<40x128xf32, #tpu.memory_space<vmem>>, vector<1x16xf32>,
        %sub3A_1180 = arith.subf %max3A_960, %mul3A_1035 : vector<16xf32>
        %mul3A_1181 = arith.mulf %sub3A_1180, %mul3A_1143 : vector<16xf32>
        %mul3A_1182 = arith.mulf %mul3A_1181, %get3A_20 : vector<16xf32>
        %add3A_1183 = arith.addf %mul3A_1182, %get3A_44 : vector<16xf32>
        %swap3A_1184 = arith.index_cast %add3A_833 : i32 to index
        %swap3A_1185 = arith.constant 64 : index
        %swap3A_1186 = tpu.vector_load %arg17[%swap3A_1184, %swap3A_1185] {strides = array<i32>} : memref<40x128xf32, #tpu.memory_space<vmem>>, vector<1x16xf32>,
        %swap3A_1187 = vector.shape_cast %swap3A_1186 : vector<1x16xf32> to vector<16xf32>
        %swap3A_1188 = vector.shape_cast %add3A_1183 : vector<16xf32> to vector<1x16xf32>
        tpu.vector_store %arg17[%swap3A_1184, %swap3A_1185], %swap3A_1188 {strides = array<i32>} : memref<40x128xf32, #tpu.memory_space<vmem>>, vector<1x16xf32>,
        %sub3A_1189 = arith.subf %max3A_963, %mul3A_1035 : vector<16xf32>
        %mul3A_1190 = arith.mulf %sub3A_1189, %mul3A_1143 : vector<16xf32>
        %mul3A_1191 = arith.mulf %mul3A_1190, %get3A_23 : vector<16xf32>
        %add3A_1192 = arith.addf %mul3A_1191, %get3A_47 : vector<16xf32>
        %swap3A_1193 = arith.index_cast %add3A_833 : i32 to index
        %swap3A_1194 = arith.constant 80 : index
        %swap3A_1195 = tpu.vector_load %arg17[%swap3A_1193, %swap3A_1194] {strides = array<i32>} : memref<40x128xf32, #tpu.memory_space<vmem>>, vector<1x16xf32>,
        %swap3A_1196 = vector.shape_cast %swap3A_1195 : vector<1x16xf32> to vector<16xf32>
        %swap3A_1197 = vector.shape_cast %add3A_1192 : vector<16xf32> to vector<1x16xf32>
        tpu.vector_store %arg17[%swap3A_1193, %swap3A_1194], %swap3A_1197 {strides = array<i32>} : memref<40x128xf32, #tpu.memory_space<vmem>>, vector<1x16xf32>,
        %sub3A_1198 = arith.subf %max3A_966, %mul3A_1035 : vector<16xf32>
        %mul3A_1199 = arith.mulf %sub3A_1198, %mul3A_1143 : vector<16xf32>
        %mul3A_1200 = arith.mulf %mul3A_1199, %get3A_26 : vector<16xf32>
        %add3A_1201 = arith.addf %mul3A_1200, %get3A_50 : vector<16xf32>
        %swap3A_1202 = arith.index_cast %add3A_833 : i32 to index
        %swap3A_1203 = arith.constant 96 : index
        %swap3A_1204 = tpu.vector_load %arg17[%swap3A_1202, %swap3A_1203] {strides = array<i32>} : memref<40x128xf32, #tpu.memory_space<vmem>>, vector<1x16xf32>,
        %swap3A_1205 = vector.shape_cast %swap3A_1204 : vector<1x16xf32> to vector<16xf32>
        %swap3A_1206 = vector.shape_cast %add3A_1201 : vector<16xf32> to vector<1x16xf32>
        tpu.vector_store %arg17[%swap3A_1202, %swap3A_1203], %swap3A_1206 {strides = array<i32>} : memref<40x128xf32, #tpu.memory_space<vmem>>, vector<1x16xf32>,
        %sub3A_1207 = arith.subf %max3A_969, %mul3A_1035 : vector<16xf32>
        %mul3A_1208 = arith.mulf %sub3A_1207, %mul3A_1143 : vector<16xf32>
        %mul3A_1209 = arith.mulf %mul3A_1208, %get3A_29 : vector<16xf32>
        %add3A_1210 = arith.addf %mul3A_1209, %get3A_53 : vector<16xf32>
        %swap3A_1211 = arith.index_cast %add3A_833 : i32 to index
        %swap3A_1212 = arith.constant 112 : index
        %swap3A_1213 = tpu.vector_load %arg17[%swap3A_1211, %swap3A_1212] {strides = array<i32>} : memref<40x128xf32, #tpu.memory_space<vmem>>, vector<1x16xf32>,
        %swap3A_1214 = vector.shape_cast %swap3A_1213 : vector<1x16xf32> to vector<16xf32>
        %swap3A_1215 = vector.shape_cast %add3A_1210 : vector<16xf32> to vector<1x16xf32>
        tpu.vector_store %arg17[%swap3A_1211, %swap3A_1212], %swap3A_1215 {strides = array<i32>} : memref<40x128xf32, #tpu.memory_space<vmem>>, vector<1x16xf32>,
      }
      %scan3A_368 = arith.constant 20 : i32
      %dma_start3A_369 = arith.constant 0 : i32
      %dma_start3A_370 = tpu.memref_slice %arg9[%add3A_321, %dma_start3A_369] : memref<320000x128xf32, #tpu.memory_space<hbm>> -> memref<40x128xf32, #tpu.memory_space<hbm>>
      %dma_start3A_371 = arith.constant 0 : i32
      %dma_start3A_372 = tpu.memref_slice %arg9[%add3A_321, %dma_start3A_371] : memref<320000x128xf32, #tpu.memory_space<hbm>> -> memref<40x128xf32, #tpu.memory_space<hbm>>
      tpu.enqueue_dma source(%arg17 : memref<40x128xf32, #tpu.memory_space<vmem>>) target(%dma_start3A_372 : memref<40x128xf32, #tpu.memory_space<hbm>>) target_semaphore(%arg30 : memref<!tpu.dma_semaphore, #tpu.memory_space<semaphore_mem>>)
      %dma_start3A_373 = arith.constant 0 : i32
      %dma_start3A_374 = arith.constant 0 : i32
      %dma_start3A_375 = tpu.memref_slice %arg23[%dma_start3A_373, %dma_start3A_374] : memref<1x40xi32, #tpu.memory_space<vmem>> -> memref<1x40xi32, #tpu.memory_space<vmem>>
      %dma_start3A_376 = tpu.memref_squeeze %dma_start3A_375 : memref<1x40xi32, #tpu.memory_space<vmem>> -> memref<40xi32, #tpu.memory_space<vmem>>
      %dma_start3A_377 = arith.constant 0 : i32
      %dma_start3A_378 = arith.constant 0 : i32
      %dma_start3A_379 = tpu.memref_slice %arg27[%dma_start3A_377, %dma_start3A_378] : memref<10000x128xf32, #tpu.memory_space<vmem_shared>> -> memref<10000x128xf32, #tpu.memory_space<vmem_shared>>
      tpu.enqueue_indirect_dma source(%arg17 : memref<40x128xf32, #tpu.memory_space<vmem>>) target(%dma_start3A_379 : memref<10000x128xf32, #tpu.memory_space<vmem_shared>>) offsets(%dma_start3A_376 : memref<40xi32, #tpu.memory_space<vmem>>) semaphore(%arg32 : memref<!tpu.dma_semaphore, #tpu.memory_space<semaphore_mem>>) {add = true}
      %mul3A_380 = arith.constant 2 : i32
      %mul3A_381 = arith.muli %mul3A_380, %scan3A_314 : i32
      %add3A_382 = arith.constant 1 : i32
      %add3A_383 = arith.addi %mul3A_381, %add3A_382 : i32
      %mul3A_384 = arith.constant 10000 : i32
      %mul3A_385 = arith.muli %add3A, %mul3A_384 : i32
      %mul3A_386 = arith.constant 40 : i32
      %mul3A_387 = arith.muli %add3A_383, %mul3A_386 : i32
      %add3A_388 = arith.addi %mul3A_385, %mul3A_387 : i32
      %dma_wait3A_389 = arith.constant 0 : i32
      %dma_wait3A_390 = arith.constant 0 : i32
      %dma_wait3A_391 = tpu.memref_slice %arg22[%dma_wait3A_389, %dma_wait3A_390] : memref<1x40xi32, #tpu.memory_space<vmem>> -> memref<1x40xi32, #tpu.memory_space<vmem>>
      %dma_wait3A_392 = tpu.memref_squeeze %dma_wait3A_391 : memref<1x40xi32, #tpu.memory_space<vmem>> -> memref<40xi32, #tpu.memory_space<vmem>>
      %dma_wait3A_393 = arith.constant 0 : i32
      %dma_wait3A_394 = arith.constant 0 : i32
      %dma_wait3A_395 = tpu.memref_slice %arg2[%dma_wait3A_393, %dma_wait3A_394] : memref<10000x128xf32, #tpu.memory_space<hbm>> -> memref<10000x128xf32, #tpu.memory_space<hbm>>
      tpu.wait_indirect_dma semaphore(%arg29 : memref<!tpu.dma_semaphore, #tpu.memory_space<semaphore_mem>>) src(%dma_wait3A_395 : memref<10000x128xf32, #tpu.memory_space<hbm>>) dst(%arg12 : memref<40x128xf32, #tpu.memory_space<vmem>>)
      %dma_wait3A_396 = arith.constant 0 : i32
      %dma_wait3A_397 = arith.constant 0 : i32
      %dma_wait3A_398 = tpu.memref_slice %arg24[%dma_wait3A_396, %dma_wait3A_397] : memref<1x40xi32, #tpu.memory_space<vmem>> -> memref<1x40xi32, #tpu.memory_space<vmem>>
      %dma_wait3A_399 = tpu.memref_squeeze %dma_wait3A_398 : memref<1x40xi32, #tpu.memory_space<vmem>> -> memref<40xi32, #tpu.memory_space<vmem>>
      %dma_wait3A_400 = arith.constant 0 : i32
      %dma_wait3A_401 = arith.constant 0 : i32
      %dma_wait3A_402 = tpu.memref_slice %arg3[%dma_wait3A_400, %dma_wait3A_401] : memref<10000x128xf32, #tpu.memory_space<hbm>> -> memref<10000x128xf32, #tpu.memory_space<hbm>>
      tpu.wait_indirect_dma semaphore(%arg29 : memref<!tpu.dma_semaphore, #tpu.memory_space<semaphore_mem>>) src(%dma_wait3A_402 : memref<10000x128xf32, #tpu.memory_space<hbm>>) dst(%arg14 : memref<40x128xf32, #tpu.memory_space<vmem>>)
      %dma_wait3A_403 = arith.constant 0 : i32
      %dma_wait3A_404 = tpu.memref_slice %arg4[%add3A_388, %dma_wait3A_403] : memref<320000x128xf32, #tpu.memory_space<hbm>> -> memref<40x128xf32, #tpu.memory_space<hbm>>
      %dma_wait3A_405 = arith.constant 0 : i32
      %dma_wait3A_406 = tpu.memref_slice %arg4[%add3A_388, %dma_wait3A_405] : memref<320000x128xf32, #tpu.memory_space<hbm>> -> memref<40x128xf32, #tpu.memory_space<hbm>>
      tpu.wait_dma2 semaphore(%arg29 : memref<!tpu.dma_semaphore, #tpu.memory_space<semaphore_mem>>) src(%dma_wait3A_406 : memref<40x128xf32, #tpu.memory_space<hbm>>) dst(%arg16 : memref<40x128xf32, #tpu.memory_space<vmem>>)
      %ge3A_407 = arith.constant 1 : i32
      %ge3A_408 = arith.cmpi sge, %add3A_383, %ge3A_407 : i32
      %convert_element_type3A_409 = arith.extui %ge3A_408 : i1 to i32
      %cond3A_410 = arith.constant 0 : i32
      %cond3A_411 = arith.cmpi ne, %convert_element_type3A_409, %cond3A_410 : i32
      scf.if %cond3A_411 {
        %dma_wait3A_448 = arith.constant 0 : i32
        %dma_wait3A_449 = arith.constant 0 : i32
        %dma_wait3A_450 = tpu.memref_slice %arg23[%dma_wait3A_448, %dma_wait3A_449] : memref<1x40xi32, #tpu.memory_space<vmem>> -> memref<1x40xi32, #tpu.memory_space<vmem>>
        %dma_wait3A_451 = tpu.memref_squeeze %dma_wait3A_450 : memref<1x40xi32, #tpu.memory_space<vmem>> -> memref<40xi32, #tpu.memory_space<vmem>>
        %dma_wait3A_452 = arith.constant 0 : i32
        %dma_wait3A_453 = arith.constant 0 : i32
        %dma_wait3A_454 = tpu.memref_slice %arg27[%dma_wait3A_452, %dma_wait3A_453] : memref<10000x128xf32, #tpu.memory_space<vmem_shared>> -> memref<10000x128xf32, #tpu.memory_space<vmem_shared>>
        tpu.wait_indirect_dma semaphore(%arg32 : memref<!tpu.dma_semaphore, #tpu.memory_space<semaphore_mem>>) src(%arg17 : memref<40x128xf32, #tpu.memory_space<vmem>>) dst(%dma_wait3A_454 : memref<10000x128xf32, #tpu.memory_space<vmem_shared>>)
      } else {
      }
      %add3A_412 = arith.constant 1 : i32
      %add3A_413 = arith.addi %add3A_383, %add3A_412 : i32
      %lt3A_414 = arith.constant 250 : i32
      %lt3A_415 = arith.cmpi slt, %add3A_413, %lt3A_414 : i32
      %convert_element_type3A_416 = arith.extui %lt3A_415 : i1 to i32
      %cond3A_417 = arith.constant 0 : i32
      %cond3A_418 = arith.cmpi ne, %convert_element_type3A_416, %cond3A_417 : i32
      scf.if %cond3A_418 {
        %add3A_448 = arith.constant 40 : i32
        %add3A_449 = arith.addi %add3A_388, %add3A_448 : i32
        %mul3A_450 = arith.constant 2 : i32
        %mul3A_451 = arith.muli %mul3A_450, %add3A_449 : i32
        %dma_wait3A_452 = tpu.memref_slice %arg5[%mul3A_451] : memref<640000xi32, #tpu.memory_space<hbm>> -> memref<80xi32, #tpu.memory_space<hbm>>
        %dma_wait3A_453 = tpu.memref_slice %arg5[%mul3A_451] : memref<640000xi32, #tpu.memory_space<hbm>> -> memref<80xi32, #tpu.memory_space<hbm>>
        tpu.wait_dma2 semaphore(%arg34 : memref<!tpu.dma_semaphore, #tpu.memory_space<semaphore_mem>>) src(%dma_wait3A_453 : memref<80xi32, #tpu.memory_space<hbm>>) dst(%arg19 : memref<80xi32, #tpu.memory_space<vmem>>)
        %get3A_454 = arith.constant 0 : index
        %get3A_455 = tpu.vector_load %arg19[%get3A_454] {strides = array<i32>} : memref<80xi32, #tpu.memory_space<vmem>>, vector<16xi32>,
        %get3A_456 = vector.shape_cast %get3A_455 : vector<16xi32> to vector<16xi32>
        %get3A_457 = arith.constant 16 : index
        %get3A_458 = tpu.vector_load %arg19[%get3A_457] {strides = array<i32>} : memref<80xi32, #tpu.memory_space<vmem>>, vector<16xi32>,
        %get3A_459 = vector.shape_cast %get3A_458 : vector<16xi32> to vector<16xi32>
        %lt3A_460 = arith.constant 0 : i32
        %lt3A_461 = vector.broadcast %lt3A_460 : i32 to vector<16xi32>
        %lt3A_462 = arith.cmpi slt, %and3A_58, %lt3A_461 : vector<16xi32>
        %add3A_463 = arith.constant 16 : i32
        %add3A_464 = vector.broadcast %add3A_463 : i32 to vector<16xi32>
        %add3A_465 = arith.addi %and3A_58, %add3A_464 : vector<16xi32>
        %select_n3A_466 = arith.select %lt3A_462, %add3A_465, %and3A_58 : vector<16xi1>, vector<16xi32>
        %broadcast_in_dim3A_467 = vector.shape_cast %select_n3A_466 : vector<16xi32> to vector<16x1xi32>
        %gather3A_468 = vector.shape_cast %broadcast_in_dim3A_467 : vector<16x1xi32> to vector<16xi32>
        %gather3A_469 = tpu.dynamic_gather %get3A_456[%gather3A_468] in [0] : vector<16xi32>, vector<16xi32> -> vector<16xi32>
        %lt3A_470 = arith.constant 0 : i32
        %lt3A_471 = vector.broadcast %lt3A_470 : i32 to vector<16xi32>
        %lt3A_472 = arith.cmpi slt, %and3A_58, %lt3A_471 : vector<16xi32>
        %add3A_473 = arith.constant 16 : i32
        %add3A_474 = vector.broadcast %add3A_473 : i32 to vector<16xi32>
        %add3A_475 = arith.addi %and3A_58, %add3A_474 : vector<16xi32>
        %select_n3A_476 = arith.select %lt3A_472, %add3A_475, %and3A_58 : vector<16xi1>, vector<16xi32>
        %broadcast_in_dim3A_477 = vector.shape_cast %select_n3A_476 : vector<16xi32> to vector<16x1xi32>
        %gather3A_478 = vector.shape_cast %broadcast_in_dim3A_477 : vector<16x1xi32> to vector<16xi32>
        %gather3A_479 = tpu.dynamic_gather %get3A_459[%gather3A_478] in [0] : vector<16xi32>, vector<16xi32> -> vector<16xi32>
        %select_n3A_480 = arith.select %lt3A_70, %gather3A_469, %gather3A_479 : vector<16xi1>, vector<16xi32>
        %lt3A_481 = arith.constant 0 : i32
        %lt3A_482 = vector.broadcast %lt3A_481 : i32 to vector<16xi32>
        %lt3A_483 = arith.cmpi slt, %and3A_67, %lt3A_482 : vector<16xi32>
        %add3A_484 = arith.constant 16 : i32
        %add3A_485 = vector.broadcast %add3A_484 : i32 to vector<16xi32>
        %add3A_486 = arith.addi %and3A_67, %add3A_485 : vector<16xi32>
        %select_n3A_487 = arith.select %lt3A_483, %add3A_486, %and3A_67 : vector<16xi1>, vector<16xi32>
        %broadcast_in_dim3A_488 = vector.shape_cast %select_n3A_487 : vector<16xi32> to vector<16x1xi32>
        %gather3A_489 = vector.shape_cast %broadcast_in_dim3A_488 : vector<16x1xi32> to vector<16xi32>
        %gather3A_490 = tpu.dynamic_gather %get3A_456[%gather3A_489] in [0] : vector<16xi32>, vector<16xi32> -> vector<16xi32>
        %lt3A_491 = arith.constant 0 : i32
        %lt3A_492 = vector.broadcast %lt3A_491 : i32 to vector<16xi32>
        %lt3A_493 = arith.cmpi slt, %and3A_67, %lt3A_492 : vector<16xi32>
        %add3A_494 = arith.constant 16 : i32
        %add3A_495 = vector.broadcast %add3A_494 : i32 to vector<16xi32>
        %add3A_496 = arith.addi %and3A_67, %add3A_495 : vector<16xi32>
        %select_n3A_497 = arith.select %lt3A_493, %add3A_496, %and3A_67 : vector<16xi1>, vector<16xi32>
        %broadcast_in_dim3A_498 = vector.shape_cast %select_n3A_497 : vector<16xi32> to vector<16x1xi32>
        %gather3A_499 = vector.shape_cast %broadcast_in_dim3A_498 : vector<16x1xi32> to vector<16xi32>
        %gather3A_500 = tpu.dynamic_gather %get3A_459[%gather3A_499] in [0] : vector<16xi32>, vector<16xi32> -> vector<16xi32>
        %select_n3A_501 = arith.select %lt3A_70, %gather3A_490, %gather3A_500 : vector<16xi1>, vector<16xi32>
        %swap3A_502 = arith.constant 0 : i32
        %swap3A_503 = arith.index_cast %swap3A_502 : i32 to index
        %swap3A_504 = arith.constant 0 : index
        %swap3A_505 = tpu.vector_load %arg21[%swap3A_503, %swap3A_504] {strides = array<i32>} : memref<1x40xi32, #tpu.memory_space<vmem>>, vector<1x16xi32>,
        %swap3A_506 = vector.shape_cast %swap3A_505 : vector<1x16xi32> to vector<16xi32>
        %swap3A_507 = vector.shape_cast %select_n3A_480 : vector<16xi32> to vector<1x16xi32>
        tpu.vector_store %arg21[%swap3A_503, %swap3A_504], %swap3A_507 {strides = array<i32>} : memref<1x40xi32, #tpu.memory_space<vmem>>, vector<1x16xi32>,
        %swap3A_508 = arith.constant 0 : i32
        %swap3A_509 = arith.index_cast %swap3A_508 : i32 to index
        %swap3A_510 = arith.constant 0 : index
        %swap3A_511 = tpu.vector_load %arg23[%swap3A_509, %swap3A_510] {strides = array<i32>} : memref<1x40xi32, #tpu.memory_space<vmem>>, vector<1x16xi32>,
        %swap3A_512 = vector.shape_cast %swap3A_511 : vector<1x16xi32> to vector<16xi32>
        %swap3A_513 = vector.shape_cast %select_n3A_501 : vector<16xi32> to vector<1x16xi32>
        tpu.vector_store %arg23[%swap3A_509, %swap3A_510], %swap3A_513 {strides = array<i32>} : memref<1x40xi32, #tpu.memory_space<vmem>>, vector<1x16xi32>,
        %get3A_514 = arith.constant 32 : index
        %get3A_515 = tpu.vector_load %arg19[%get3A_514] {strides = array<i32>} : memref<80xi32, #tpu.memory_space<vmem>>, vector<16xi32>,
        %get3A_516 = vector.shape_cast %get3A_515 : vector<16xi32> to vector<16xi32>
        %get3A_517 = arith.constant 48 : index
        %get3A_518 = tpu.vector_load %arg19[%get3A_517] {strides = array<i32>} : memref<80xi32, #tpu.memory_space<vmem>>, vector<16xi32>,
        %get3A_519 = vector.shape_cast %get3A_518 : vector<16xi32> to vector<16xi32>
        %lt3A_520 = arith.constant 0 : i32
        %lt3A_521 = vector.broadcast %lt3A_520 : i32 to vector<16xi32>
        %lt3A_522 = arith.cmpi slt, %and3A_58, %lt3A_521 : vector<16xi32>
        %add3A_523 = arith.constant 16 : i32
        %add3A_524 = vector.broadcast %add3A_523 : i32 to vector<16xi32>
        %add3A_525 = arith.addi %and3A_58, %add3A_524 : vector<16xi32>
        %select_n3A_526 = arith.select %lt3A_522, %add3A_525, %and3A_58 : vector<16xi1>, vector<16xi32>
        %broadcast_in_dim3A_527 = vector.shape_cast %select_n3A_526 : vector<16xi32> to vector<16x1xi32>
        %gather3A_528 = vector.shape_cast %broadcast_in_dim3A_527 : vector<16x1xi32> to vector<16xi32>
        %gather3A_529 = tpu.dynamic_gather %get3A_516[%gather3A_528] in [0] : vector<16xi32>, vector<16xi32> -> vector<16xi32>
        %lt3A_530 = arith.constant 0 : i32
        %lt3A_531 = vector.broadcast %lt3A_530 : i32 to vector<16xi32>
        %lt3A_532 = arith.cmpi slt, %and3A_58, %lt3A_531 : vector<16xi32>
        %add3A_533 = arith.constant 16 : i32
        %add3A_534 = vector.broadcast %add3A_533 : i32 to vector<16xi32>
        %add3A_535 = arith.addi %and3A_58, %add3A_534 : vector<16xi32>
        %select_n3A_536 = arith.select %lt3A_532, %add3A_535, %and3A_58 : vector<16xi1>, vector<16xi32>
        %broadcast_in_dim3A_537 = vector.shape_cast %select_n3A_536 : vector<16xi32> to vector<16x1xi32>
        %gather3A_538 = vector.shape_cast %broadcast_in_dim3A_537 : vector<16x1xi32> to vector<16xi32>
        %gather3A_539 = tpu.dynamic_gather %get3A_519[%gather3A_538] in [0] : vector<16xi32>, vector<16xi32> -> vector<16xi32>
        %select_n3A_540 = arith.select %lt3A_70, %gather3A_529, %gather3A_539 : vector<16xi1>, vector<16xi32>
        %lt3A_541 = arith.constant 0 : i32
        %lt3A_542 = vector.broadcast %lt3A_541 : i32 to vector<16xi32>
        %lt3A_543 = arith.cmpi slt, %and3A_67, %lt3A_542 : vector<16xi32>
        %add3A_544 = arith.constant 16 : i32
        %add3A_545 = vector.broadcast %add3A_544 : i32 to vector<16xi32>
        %add3A_546 = arith.addi %and3A_67, %add3A_545 : vector<16xi32>
        %select_n3A_547 = arith.select %lt3A_543, %add3A_546, %and3A_67 : vector<16xi1>, vector<16xi32>
        %broadcast_in_dim3A_548 = vector.shape_cast %select_n3A_547 : vector<16xi32> to vector<16x1xi32>
        %gather3A_549 = vector.shape_cast %broadcast_in_dim3A_548 : vector<16x1xi32> to vector<16xi32>
        %gather3A_550 = tpu.dynamic_gather %get3A_516[%gather3A_549] in [0] : vector<16xi32>, vector<16xi32> -> vector<16xi32>
        %lt3A_551 = arith.constant 0 : i32
        %lt3A_552 = vector.broadcast %lt3A_551 : i32 to vector<16xi32>
        %lt3A_553 = arith.cmpi slt, %and3A_67, %lt3A_552 : vector<16xi32>
        %add3A_554 = arith.constant 16 : i32
        %add3A_555 = vector.broadcast %add3A_554 : i32 to vector<16xi32>
        %add3A_556 = arith.addi %and3A_67, %add3A_555 : vector<16xi32>
        %select_n3A_557 = arith.select %lt3A_553, %add3A_556, %and3A_67 : vector<16xi1>, vector<16xi32>
        %broadcast_in_dim3A_558 = vector.shape_cast %select_n3A_557 : vector<16xi32> to vector<16x1xi32>
        %gather3A_559 = vector.shape_cast %broadcast_in_dim3A_558 : vector<16x1xi32> to vector<16xi32>
        %gather3A_560 = tpu.dynamic_gather %get3A_519[%gather3A_559] in [0] : vector<16xi32>, vector<16xi32> -> vector<16xi32>
        %select_n3A_561 = arith.select %lt3A_70, %gather3A_550, %gather3A_560 : vector<16xi1>, vector<16xi32>
        %swap3A_562 = arith.constant 0 : i32
        %swap3A_563 = arith.index_cast %swap3A_562 : i32 to index
        %swap3A_564 = arith.constant 16 : index
        %swap3A_565 = tpu.vector_load %arg21[%swap3A_563, %swap3A_564] {strides = array<i32>} : memref<1x40xi32, #tpu.memory_space<vmem>>, vector<1x16xi32>,
        %swap3A_566 = vector.shape_cast %swap3A_565 : vector<1x16xi32> to vector<16xi32>
        %swap3A_567 = vector.shape_cast %select_n3A_540 : vector<16xi32> to vector<1x16xi32>
        tpu.vector_store %arg21[%swap3A_563, %swap3A_564], %swap3A_567 {strides = array<i32>} : memref<1x40xi32, #tpu.memory_space<vmem>>, vector<1x16xi32>,
        %swap3A_568 = arith.constant 0 : i32
        %swap3A_569 = arith.index_cast %swap3A_568 : i32 to index
        %swap3A_570 = arith.constant 16 : index
        %swap3A_571 = tpu.vector_load %arg23[%swap3A_569, %swap3A_570] {strides = array<i32>} : memref<1x40xi32, #tpu.memory_space<vmem>>, vector<1x16xi32>,
        %swap3A_572 = vector.shape_cast %swap3A_571 : vector<1x16xi32> to vector<16xi32>
        %swap3A_573 = vector.shape_cast %select_n3A_561 : vector<16xi32> to vector<1x16xi32>
        tpu.vector_store %arg23[%swap3A_569, %swap3A_570], %swap3A_573 {strides = array<i32>} : memref<1x40xi32, #tpu.memory_space<vmem>>, vector<1x16xi32>,
        %get3A_574 = arith.constant 48 : index
        %get3A_575 = tpu.vector_load %arg19[%get3A_574] {strides = array<i32>} : memref<80xi32, #tpu.memory_space<vmem>>, vector<16xi32>,
        %get3A_576 = vector.shape_cast %get3A_575 : vector<16xi32> to vector<16xi32>
        %get3A_577 = arith.constant 64 : index
        %get3A_578 = tpu.vector_load %arg19[%get3A_577] {strides = array<i32>} : memref<80xi32, #tpu.memory_space<vmem>>, vector<16xi32>,
        %get3A_579 = vector.shape_cast %get3A_578 : vector<16xi32> to vector<16xi32>
        %lt3A_580 = arith.constant 0 : i32
        %lt3A_581 = vector.broadcast %lt3A_580 : i32 to vector<16xi32>
        %lt3A_582 = arith.cmpi slt, %and3A_58, %lt3A_581 : vector<16xi32>
        %add3A_583 = arith.constant 16 : i32
        %add3A_584 = vector.broadcast %add3A_583 : i32 to vector<16xi32>
        %add3A_585 = arith.addi %and3A_58, %add3A_584 : vector<16xi32>
        %select_n3A_586 = arith.select %lt3A_582, %add3A_585, %and3A_58 : vector<16xi1>, vector<16xi32>
        %broadcast_in_dim3A_587 = vector.shape_cast %select_n3A_586 : vector<16xi32> to vector<16x1xi32>
        %gather3A_588 = vector.shape_cast %broadcast_in_dim3A_587 : vector<16x1xi32> to vector<16xi32>
        %gather3A_589 = tpu.dynamic_gather %get3A_576[%gather3A_588] in [0] : vector<16xi32>, vector<16xi32> -> vector<16xi32>
        %lt3A_590 = arith.constant 0 : i32
        %lt3A_591 = vector.broadcast %lt3A_590 : i32 to vector<16xi32>
        %lt3A_592 = arith.cmpi slt, %and3A_58, %lt3A_591 : vector<16xi32>
        %add3A_593 = arith.constant 16 : i32
        %add3A_594 = vector.broadcast %add3A_593 : i32 to vector<16xi32>
        %add3A_595 = arith.addi %and3A_58, %add3A_594 : vector<16xi32>
        %select_n3A_596 = arith.select %lt3A_592, %add3A_595, %and3A_58 : vector<16xi1>, vector<16xi32>
        %broadcast_in_dim3A_597 = vector.shape_cast %select_n3A_596 : vector<16xi32> to vector<16x1xi32>
        %gather3A_598 = vector.shape_cast %broadcast_in_dim3A_597 : vector<16x1xi32> to vector<16xi32>
        %gather3A_599 = tpu.dynamic_gather %get3A_579[%gather3A_598] in [0] : vector<16xi32>, vector<16xi32> -> vector<16xi32>
        %select_n3A_600 = arith.select %lt3A_70, %gather3A_589, %gather3A_599 : vector<16xi1>, vector<16xi32>
        %lt3A_601 = arith.constant 0 : i32
        %lt3A_602 = vector.broadcast %lt3A_601 : i32 to vector<16xi32>
        %lt3A_603 = arith.cmpi slt, %and3A_67, %lt3A_602 : vector<16xi32>
        %add3A_604 = arith.constant 16 : i32
        %add3A_605 = vector.broadcast %add3A_604 : i32 to vector<16xi32>
        %add3A_606 = arith.addi %and3A_67, %add3A_605 : vector<16xi32>
        %select_n3A_607 = arith.select %lt3A_603, %add3A_606, %and3A_67 : vector<16xi1>, vector<16xi32>
        %broadcast_in_dim3A_608 = vector.shape_cast %select_n3A_607 : vector<16xi32> to vector<16x1xi32>
        %gather3A_609 = vector.shape_cast %broadcast_in_dim3A_608 : vector<16x1xi32> to vector<16xi32>
        %gather3A_610 = tpu.dynamic_gather %get3A_576[%gather3A_609] in [0] : vector<16xi32>, vector<16xi32> -> vector<16xi32>
        %lt3A_611 = arith.constant 0 : i32
        %lt3A_612 = vector.broadcast %lt3A_611 : i32 to vector<16xi32>
        %lt3A_613 = arith.cmpi slt, %and3A_67, %lt3A_612 : vector<16xi32>
        %add3A_614 = arith.constant 16 : i32
        %add3A_615 = vector.broadcast %add3A_614 : i32 to vector<16xi32>
        %add3A_616 = arith.addi %and3A_67, %add3A_615 : vector<16xi32>
        %select_n3A_617 = arith.select %lt3A_613, %add3A_616, %and3A_67 : vector<16xi1>, vector<16xi32>
        %broadcast_in_dim3A_618 = vector.shape_cast %select_n3A_617 : vector<16xi32> to vector<16x1xi32>
        %gather3A_619 = vector.shape_cast %broadcast_in_dim3A_618 : vector<16x1xi32> to vector<16xi32>
        %gather3A_620 = tpu.dynamic_gather %get3A_579[%gather3A_619] in [0] : vector<16xi32>, vector<16xi32> -> vector<16xi32>
        %select_n3A_621 = arith.select %lt3A_70, %gather3A_610, %gather3A_620 : vector<16xi1>, vector<16xi32>
        %swap3A_622 = arith.constant 0 : i32
        %swap3A_623 = arith.index_cast %swap3A_622 : i32 to index
        %swap3A_624 = arith.constant 24 : index
        %swap3A_625 = tpu.vector_load %arg21[%swap3A_623, %swap3A_624] {strides = array<i32>} : memref<1x40xi32, #tpu.memory_space<vmem>>, vector<1x16xi32>,
        %swap3A_626 = vector.shape_cast %swap3A_625 : vector<1x16xi32> to vector<16xi32>
        %swap3A_627 = vector.shape_cast %select_n3A_600 : vector<16xi32> to vector<1x16xi32>
        tpu.vector_store %arg21[%swap3A_623, %swap3A_624], %swap3A_627 {strides = array<i32>} : memref<1x40xi32, #tpu.memory_space<vmem>>, vector<1x16xi32>,
        %swap3A_628 = arith.constant 0 : i32
        %swap3A_629 = arith.index_cast %swap3A_628 : i32 to index
        %swap3A_630 = arith.constant 24 : index
        %swap3A_631 = tpu.vector_load %arg23[%swap3A_629, %swap3A_630] {strides = array<i32>} : memref<1x40xi32, #tpu.memory_space<vmem>>, vector<1x16xi32>,
        %swap3A_632 = vector.shape_cast %swap3A_631 : vector<1x16xi32> to vector<16xi32>
        %swap3A_633 = vector.shape_cast %select_n3A_621 : vector<16xi32> to vector<1x16xi32>
        tpu.vector_store %arg23[%swap3A_629, %swap3A_630], %swap3A_633 {strides = array<i32>} : memref<1x40xi32, #tpu.memory_space<vmem>>, vector<1x16xi32>,
        %add3A_634 = arith.constant 1 : i32
        %add3A_635 = arith.addi %add3A_383, %add3A_634 : i32
        %mul3A_636 = arith.constant 10000 : i32
        %mul3A_637 = arith.muli %add3A, %mul3A_636 : i32
        %mul3A_638 = arith.constant 40 : i32
        %mul3A_639 = arith.muli %add3A_635, %mul3A_638 : i32
        %add3A_640 = arith.addi %mul3A_637, %mul3A_639 : i32
        %dma_start3A_641 = arith.constant 0 : i32
        %dma_start3A_642 = arith.constant 0 : i32
        %dma_start3A_643 = tpu.memref_slice %arg21[%dma_start3A_641, %dma_start3A_642] : memref<1x40xi32, #tpu.memory_space<vmem>> -> memref<1x40xi32, #tpu.memory_space<vmem>>
        %dma_start3A_644 = tpu.memref_squeeze %dma_start3A_643 : memref<1x40xi32, #tpu.memory_space<vmem>> -> memref<40xi32, #tpu.memory_space<vmem>>
        %dma_start3A_645 = arith.constant 0 : i32
        %dma_start3A_646 = arith.constant 0 : i32
        %dma_start3A_647 = tpu.memref_slice %arg2[%dma_start3A_645, %dma_start3A_646] : memref<10000x128xf32, #tpu.memory_space<hbm>> -> memref<10000x128xf32, #tpu.memory_space<hbm>>
        tpu.enqueue_indirect_dma source(%dma_start3A_647 : memref<10000x128xf32, #tpu.memory_space<hbm>>) target(%arg11 : memref<40x128xf32, #tpu.memory_space<vmem>>) offsets(%dma_start3A_644 : memref<40xi32, #tpu.memory_space<vmem>>) semaphore(%arg28 : memref<!tpu.dma_semaphore, #tpu.memory_space<semaphore_mem>>)
        %dma_start3A_648 = arith.constant 0 : i32
        %dma_start3A_649 = arith.constant 0 : i32
        %dma_start3A_650 = tpu.memref_slice %arg23[%dma_start3A_648, %dma_start3A_649] : memref<1x40xi32, #tpu.memory_space<vmem>> -> memref<1x40xi32, #tpu.memory_space<vmem>>
        %dma_start3A_651 = tpu.memref_squeeze %dma_start3A_650 : memref<1x40xi32, #tpu.memory_space<vmem>> -> memref<40xi32, #tpu.memory_space<vmem>>
        %dma_start3A_652 = arith.constant 0 : i32
        %dma_start3A_653 = arith.constant 0 : i32
        %dma_start3A_654 = tpu.memref_slice %arg3[%dma_start3A_652, %dma_start3A_653] : memref<10000x128xf32, #tpu.memory_space<hbm>> -> memref<10000x128xf32, #tpu.memory_space<hbm>>
        tpu.enqueue_indirect_dma source(%dma_start3A_654 : memref<10000x128xf32, #tpu.memory_space<hbm>>) target(%arg13 : memref<40x128xf32, #tpu.memory_space<vmem>>) offsets(%dma_start3A_651 : memref<40xi32, #tpu.memory_space<vmem>>) semaphore(%arg28 : memref<!tpu.dma_semaphore, #tpu.memory_space<semaphore_mem>>)
        %dma_start3A_655 = arith.constant 0 : i32
        %dma_start3A_656 = tpu.memref_slice %arg4[%add3A_640, %dma_start3A_655] : memref<320000x128xf32, #tpu.memory_space<hbm>> -> memref<40x128xf32, #tpu.memory_space<hbm>>
        %dma_start3A_657 = arith.constant 0 : i32
        %dma_start3A_658 = tpu.memref_slice %arg4[%add3A_640, %dma_start3A_657] : memref<320000x128xf32, #tpu.memory_space<hbm>> -> memref<40x128xf32, #tpu.memory_space<hbm>>
        tpu.enqueue_dma source(%dma_start3A_658 : memref<40x128xf32, #tpu.memory_space<hbm>>) target(%arg15 : memref<40x128xf32, #tpu.memory_space<vmem>>) target_semaphore(%arg28 : memref<!tpu.dma_semaphore, #tpu.memory_space<semaphore_mem>>)
      } else {
      }
      %add3A_419 = arith.constant 2 : i32
      %add3A_420 = arith.addi %add3A_383, %add3A_419 : i32
      %lt3A_421 = arith.constant 250 : i32
      %lt3A_422 = arith.cmpi slt, %add3A_420, %lt3A_421 : i32
      %convert_element_type3A_423 = arith.extui %lt3A_422 : i1 to i32
      %cond3A_424 = arith.constant 0 : i32
      %cond3A_425 = arith.cmpi ne, %convert_element_type3A_423, %cond3A_424 : i32
      scf.if %cond3A_425 {
        %add3A_448 = arith.constant 2 : i32
        %add3A_449 = arith.addi %add3A_383, %add3A_448 : i32
        %mul3A_450 = arith.constant 10000 : i32
        %mul3A_451 = arith.muli %add3A, %mul3A_450 : i32
        %mul3A_452 = arith.constant 40 : i32
        %mul3A_453 = arith.muli %add3A_449, %mul3A_452 : i32
        %add3A_454 = arith.addi %mul3A_451, %mul3A_453 : i32
        %mul3A_455 = arith.constant 2 : i32
        %mul3A_456 = arith.muli %mul3A_455, %add3A_454 : i32
        %dma_start3A_457 = tpu.memref_slice %arg5[%mul3A_456] : memref<640000xi32, #tpu.memory_space<hbm>> -> memref<80xi32, #tpu.memory_space<hbm>>
        %dma_start3A_458 = tpu.memref_slice %arg5[%mul3A_456] : memref<640000xi32, #tpu.memory_space<hbm>> -> memref<80xi32, #tpu.memory_space<hbm>>
        tpu.enqueue_dma source(%dma_start3A_458 : memref<80xi32, #tpu.memory_space<hbm>>) target(%arg20 : memref<80xi32, #tpu.memory_space<vmem>>) target_semaphore(%arg35 : memref<!tpu.dma_semaphore, #tpu.memory_space<semaphore_mem>>)
      } else {
      }
      %ge3A_426 = arith.constant 2 : i32
      %ge3A_427 = arith.cmpi sge, %add3A_383, %ge3A_426 : i32
      %convert_element_type3A_428 = arith.extui %ge3A_427 : i1 to i32
      %cond3A_429 = arith.constant 0 : i32
      %cond3A_430 = arith.cmpi ne, %convert_element_type3A_428, %cond3A_429 : i32
      scf.if %cond3A_430 {
        %dma_wait3A_448 = arith.constant 0 : i32
        %dma_wait3A_449 = tpu.memref_slice %arg9[%add3A_388, %dma_wait3A_448] : memref<320000x128xf32, #tpu.memory_space<hbm>> -> memref<40x128xf32, #tpu.memory_space<hbm>>
        %dma_wait3A_450 = arith.constant 0 : i32
        %dma_wait3A_451 = tpu.memref_slice %arg9[%add3A_388, %dma_wait3A_450] : memref<320000x128xf32, #tpu.memory_space<hbm>> -> memref<40x128xf32, #tpu.memory_space<hbm>>
        tpu.wait_dma2 semaphore(%arg31 : memref<!tpu.dma_semaphore, #tpu.memory_space<semaphore_mem>>) src(%arg18 : memref<40x128xf32, #tpu.memory_space<vmem>>) dst(%dma_wait3A_451 : memref<40x128xf32, #tpu.memory_space<hbm>>)
      } else {
      }
      %scan3A_431 = arith.constant 0 : i32
      %scan3A_432 = arith.constant 0 : i32
      %scan3A_433 = arith.constant 20 : i32
      %scan3A_434 = arith.addi %scan3A_432, %scan3A_433 : i32
      %scan3A_435 = arith.constant 1 : i32
      scf.for %scan3A_448 = %scan3A_432 to %scan3A_434 step %scan3A_435  : i32 {
        %mul3A_449 = arith.constant 2 : i32
        %mul3A_450 = arith.muli %scan3A_448, %mul3A_449 : i32
        %add3A_451 = arith.constant 0 : i32
        %add3A_452 = arith.addi %mul3A_450, %add3A_451 : i32
        %get3A_453 = arith.index_cast %add3A_452 : i32 to index
        %get3A_454 = arith.constant 0 : index
        %get3A_455 = tpu.vector_load %arg12[%get3A_453, %get3A_454] {strides = array<i32>} : memref<40x128xf32, #tpu.memory_space<vmem>>, vector<1x16xf32>,
        %get3A_456 = vector.shape_cast %get3A_455 : vector<1x16xf32> to vector<16xf32>
        %get3A_457 = arith.index_cast %add3A_452 : i32 to index
        %get3A_458 = arith.constant 0 : index
        %get3A_459 = tpu.vector_load %arg14[%get3A_457, %get3A_458] {strides = array<i32>} : memref<40x128xf32, #tpu.memory_space<vmem>>, vector<1x16xf32>,
        %get3A_460 = vector.shape_cast %get3A_459 : vector<1x16xf32> to vector<16xf32>
        %add3A_461 = arith.addf %get3A_456, %get3A_460 : vector<16xf32>
        %get3A_462 = arith.index_cast %add3A_452 : i32 to index
        %get3A_463 = arith.constant 0 : index
        %get3A_464 = tpu.vector_load %arg16[%get3A_462, %get3A_463] {strides = array<i32>} : memref<40x128xf32, #tpu.memory_space<vmem>>, vector<1x16xf32>,
        %get3A_465 = vector.shape_cast %get3A_464 : vector<1x16xf32> to vector<16xf32>
        %add3A_466 = arith.addf %add3A_461, %get3A_465 : vector<16xf32>
        %get3A_467 = arith.index_cast %add3A_452 : i32 to index
        %get3A_468 = arith.constant 16 : index
        %get3A_469 = tpu.vector_load %arg12[%get3A_467, %get3A_468] {strides = array<i32>} : memref<40x128xf32, #tpu.memory_space<vmem>>, vector<1x16xf32>,
        %get3A_470 = vector.shape_cast %get3A_469 : vector<1x16xf32> to vector<16xf32>
        %get3A_471 = arith.index_cast %add3A_452 : i32 to index
        %get3A_472 = arith.constant 16 : index
        %get3A_473 = tpu.vector_load %arg14[%get3A_471, %get3A_472] {strides = array<i32>} : memref<40x128xf32, #tpu.memory_space<vmem>>, vector<1x16xf32>,
        %get3A_474 = vector.shape_cast %get3A_473 : vector<1x16xf32> to vector<16xf32>
        %add3A_475 = arith.addf %get3A_470, %get3A_474 : vector<16xf32>
        %get3A_476 = arith.index_cast %add3A_452 : i32 to index
        %get3A_477 = arith.constant 16 : index
        %get3A_478 = tpu.vector_load %arg16[%get3A_476, %get3A_477] {strides = array<i32>} : memref<40x128xf32, #tpu.memory_space<vmem>>, vector<1x16xf32>,
        %get3A_479 = vector.shape_cast %get3A_478 : vector<1x16xf32> to vector<16xf32>
        %add3A_480 = arith.addf %add3A_475, %get3A_479 : vector<16xf32>
        %get3A_481 = arith.index_cast %add3A_452 : i32 to index
        %get3A_482 = arith.constant 32 : index
        %get3A_483 = tpu.vector_load %arg12[%get3A_481, %get3A_482] {strides = array<i32>} : memref<40x128xf32, #tpu.memory_space<vmem>>, vector<1x16xf32>,
        %get3A_484 = vector.shape_cast %get3A_483 : vector<1x16xf32> to vector<16xf32>
        %get3A_485 = arith.index_cast %add3A_452 : i32 to index
        %get3A_486 = arith.constant 32 : index
        %get3A_487 = tpu.vector_load %arg14[%get3A_485, %get3A_486] {strides = array<i32>} : memref<40x128xf32, #tpu.memory_space<vmem>>, vector<1x16xf32>,
        %get3A_488 = vector.shape_cast %get3A_487 : vector<1x16xf32> to vector<16xf32>
        %add3A_489 = arith.addf %get3A_484, %get3A_488 : vector<16xf32>
        %get3A_490 = arith.index_cast %add3A_452 : i32 to index
        %get3A_491 = arith.constant 32 : index
        %get3A_492 = tpu.vector_load %arg16[%get3A_490, %get3A_491] {strides = array<i32>} : memref<40x128xf32, #tpu.memory_space<vmem>>, vector<1x16xf32>,
        %get3A_493 = vector.shape_cast %get3A_492 : vector<1x16xf32> to vector<16xf32>
        %add3A_494 = arith.addf %add3A_489, %get3A_493 : vector<16xf32>
        %get3A_495 = arith.index_cast %add3A_452 : i32 to index
        %get3A_496 = arith.constant 48 : index
        %get3A_497 = tpu.vector_load %arg12[%get3A_495, %get3A_496] {strides = array<i32>} : memref<40x128xf32, #tpu.memory_space<vmem>>, vector<1x16xf32>,
        %get3A_498 = vector.shape_cast %get3A_497 : vector<1x16xf32> to vector<16xf32>
        %get3A_499 = arith.index_cast %add3A_452 : i32 to index
        %get3A_500 = arith.constant 48 : index
        %get3A_501 = tpu.vector_load %arg14[%get3A_499, %get3A_500] {strides = array<i32>} : memref<40x128xf32, #tpu.memory_space<vmem>>, vector<1x16xf32>,
        %get3A_502 = vector.shape_cast %get3A_501 : vector<1x16xf32> to vector<16xf32>
        %add3A_503 = arith.addf %get3A_498, %get3A_502 : vector<16xf32>
        %get3A_504 = arith.index_cast %add3A_452 : i32 to index
        %get3A_505 = arith.constant 48 : index
        %get3A_506 = tpu.vector_load %arg16[%get3A_504, %get3A_505] {strides = array<i32>} : memref<40x128xf32, #tpu.memory_space<vmem>>, vector<1x16xf32>,
        %get3A_507 = vector.shape_cast %get3A_506 : vector<1x16xf32> to vector<16xf32>
        %add3A_508 = arith.addf %add3A_503, %get3A_507 : vector<16xf32>
        %get3A_509 = arith.index_cast %add3A_452 : i32 to index
        %get3A_510 = arith.constant 64 : index
        %get3A_511 = tpu.vector_load %arg12[%get3A_509, %get3A_510] {strides = array<i32>} : memref<40x128xf32, #tpu.memory_space<vmem>>, vector<1x16xf32>,
        %get3A_512 = vector.shape_cast %get3A_511 : vector<1x16xf32> to vector<16xf32>
        %get3A_513 = arith.index_cast %add3A_452 : i32 to index
        %get3A_514 = arith.constant 64 : index
        %get3A_515 = tpu.vector_load %arg14[%get3A_513, %get3A_514] {strides = array<i32>} : memref<40x128xf32, #tpu.memory_space<vmem>>, vector<1x16xf32>,
        %get3A_516 = vector.shape_cast %get3A_515 : vector<1x16xf32> to vector<16xf32>
        %add3A_517 = arith.addf %get3A_512, %get3A_516 : vector<16xf32>
        %get3A_518 = arith.index_cast %add3A_452 : i32 to index
        %get3A_519 = arith.constant 64 : index
        %get3A_520 = tpu.vector_load %arg16[%get3A_518, %get3A_519] {strides = array<i32>} : memref<40x128xf32, #tpu.memory_space<vmem>>, vector<1x16xf32>,
        %get3A_521 = vector.shape_cast %get3A_520 : vector<1x16xf32> to vector<16xf32>
        %add3A_522 = arith.addf %add3A_517, %get3A_521 : vector<16xf32>
        %get3A_523 = arith.index_cast %add3A_452 : i32 to index
        %get3A_524 = arith.constant 80 : index
        %get3A_525 = tpu.vector_load %arg12[%get3A_523, %get3A_524] {strides = array<i32>} : memref<40x128xf32, #tpu.memory_space<vmem>>, vector<1x16xf32>,
        %get3A_526 = vector.shape_cast %get3A_525 : vector<1x16xf32> to vector<16xf32>
        %get3A_527 = arith.index_cast %add3A_452 : i32 to index
        %get3A_528 = arith.constant 80 : index
        %get3A_529 = tpu.vector_load %arg14[%get3A_527, %get3A_528] {strides = array<i32>} : memref<40x128xf32, #tpu.memory_space<vmem>>, vector<1x16xf32>,
        %get3A_530 = vector.shape_cast %get3A_529 : vector<1x16xf32> to vector<16xf32>
        %add3A_531 = arith.addf %get3A_526, %get3A_530 : vector<16xf32>
        %get3A_532 = arith.index_cast %add3A_452 : i32 to index
        %get3A_533 = arith.constant 80 : index
        %get3A_534 = tpu.vector_load %arg16[%get3A_532, %get3A_533] {strides = array<i32>} : memref<40x128xf32, #tpu.memory_space<vmem>>, vector<1x16xf32>,
        %get3A_535 = vector.shape_cast %get3A_534 : vector<1x16xf32> to vector<16xf32>
        %add3A_536 = arith.addf %add3A_531, %get3A_535 : vector<16xf32>
        %get3A_537 = arith.index_cast %add3A_452 : i32 to index
        %get3A_538 = arith.constant 96 : index
        %get3A_539 = tpu.vector_load %arg12[%get3A_537, %get3A_538] {strides = array<i32>} : memref<40x128xf32, #tpu.memory_space<vmem>>, vector<1x16xf32>,
        %get3A_540 = vector.shape_cast %get3A_539 : vector<1x16xf32> to vector<16xf32>
        %get3A_541 = arith.index_cast %add3A_452 : i32 to index
        %get3A_542 = arith.constant 96 : index
        %get3A_543 = tpu.vector_load %arg14[%get3A_541, %get3A_542] {strides = array<i32>} : memref<40x128xf32, #tpu.memory_space<vmem>>, vector<1x16xf32>,
        %get3A_544 = vector.shape_cast %get3A_543 : vector<1x16xf32> to vector<16xf32>
        %add3A_545 = arith.addf %get3A_540, %get3A_544 : vector<16xf32>
        %get3A_546 = arith.index_cast %add3A_452 : i32 to index
        %get3A_547 = arith.constant 96 : index
        %get3A_548 = tpu.vector_load %arg16[%get3A_546, %get3A_547] {strides = array<i32>} : memref<40x128xf32, #tpu.memory_space<vmem>>, vector<1x16xf32>,
        %get3A_549 = vector.shape_cast %get3A_548 : vector<1x16xf32> to vector<16xf32>
        %add3A_550 = arith.addf %add3A_545, %get3A_549 : vector<16xf32>
        %get3A_551 = arith.index_cast %add3A_452 : i32 to index
        %get3A_552 = arith.constant 112 : index
        %get3A_553 = tpu.vector_load %arg12[%get3A_551, %get3A_552] {strides = array<i32>} : memref<40x128xf32, #tpu.memory_space<vmem>>, vector<1x16xf32>,
        %get3A_554 = vector.shape_cast %get3A_553 : vector<1x16xf32> to vector<16xf32>
        %get3A_555 = arith.index_cast %add3A_452 : i32 to index
        %get3A_556 = arith.constant 112 : index
        %get3A_557 = tpu.vector_load %arg14[%get3A_555, %get3A_556] {strides = array<i32>} : memref<40x128xf32, #tpu.memory_space<vmem>>, vector<1x16xf32>,
        %get3A_558 = vector.shape_cast %get3A_557 : vector<1x16xf32> to vector<16xf32>
        %add3A_559 = arith.addf %get3A_554, %get3A_558 : vector<16xf32>
        %get3A_560 = arith.index_cast %add3A_452 : i32 to index
        %get3A_561 = arith.constant 112 : index
        %get3A_562 = tpu.vector_load %arg16[%get3A_560, %get3A_561] {strides = array<i32>} : memref<40x128xf32, #tpu.memory_space<vmem>>, vector<1x16xf32>,
        %get3A_563 = vector.shape_cast %get3A_562 : vector<1x16xf32> to vector<16xf32>
        %add3A_564 = arith.addf %add3A_559, %get3A_563 : vector<16xf32>
        %max3A = arith.constant 0.000000e+00 : f32
        %max3A_565 = vector.broadcast %max3A : f32 to vector<16xf32>
        %max3A_566 = arith.maximumf %add3A_466, %max3A_565 : vector<16xf32>
        %max3A_567 = arith.constant 0.000000e+00 : f32
        %max3A_568 = vector.broadcast %max3A_567 : f32 to vector<16xf32>
        %max3A_569 = arith.maximumf %add3A_480, %max3A_568 : vector<16xf32>
        %max3A_570 = arith.constant 0.000000e+00 : f32
        %max3A_571 = vector.broadcast %max3A_570 : f32 to vector<16xf32>
        %max3A_572 = arith.maximumf %add3A_494, %max3A_571 : vector<16xf32>
        %max3A_573 = arith.constant 0.000000e+00 : f32
        %max3A_574 = vector.broadcast %max3A_573 : f32 to vector<16xf32>
        %max3A_575 = arith.maximumf %add3A_508, %max3A_574 : vector<16xf32>
        %max3A_576 = arith.constant 0.000000e+00 : f32
        %max3A_577 = vector.broadcast %max3A_576 : f32 to vector<16xf32>
        %max3A_578 = arith.maximumf %add3A_522, %max3A_577 : vector<16xf32>
        %max3A_579 = arith.constant 0.000000e+00 : f32
        %max3A_580 = vector.broadcast %max3A_579 : f32 to vector<16xf32>
        %max3A_581 = arith.maximumf %add3A_536, %max3A_580 : vector<16xf32>
        %max3A_582 = arith.constant 0.000000e+00 : f32
        %max3A_583 = vector.broadcast %max3A_582 : f32 to vector<16xf32>
        %max3A_584 = arith.maximumf %add3A_550, %max3A_583 : vector<16xf32>
        %max3A_585 = arith.constant 0.000000e+00 : f32
        %max3A_586 = vector.broadcast %max3A_585 : f32 to vector<16xf32>
        %max3A_587 = arith.maximumf %add3A_564, %max3A_586 : vector<16xf32>
        %add3A_588 = arith.addf %max3A_566, %max3A_569 : vector<16xf32>
        %add3A_589 = arith.addf %max3A_572, %max3A_575 : vector<16xf32>
        %add3A_590 = arith.addf %max3A_578, %max3A_581 : vector<16xf32>
        %add3A_591 = arith.addf %max3A_584, %max3A_587 : vector<16xf32>
        %add3A_592 = arith.addf %add3A_588, %add3A_589 : vector<16xf32>
        %add3A_593 = arith.addf %add3A_590, %add3A_591 : vector<16xf32>
        %add3A_594 = arith.addf %add3A_592, %add3A_593 : vector<16xf32>
        %xor3A = arith.constant 1 : i32
        %xor3A_595 = vector.broadcast %xor3A : i32 to vector<16xi32>
        %xor3A_596 = arith.xori %iota3A, %xor3A_595 : vector<16xi32>
        %lt3A_597 = arith.constant 0 : i32
        %lt3A_598 = vector.broadcast %lt3A_597 : i32 to vector<16xi32>
        %lt3A_599 = arith.cmpi slt, %xor3A_596, %lt3A_598 : vector<16xi32>
        %add3A_600 = arith.constant 16 : i32
        %add3A_601 = vector.broadcast %add3A_600 : i32 to vector<16xi32>
        %add3A_602 = arith.addi %xor3A_596, %add3A_601 : vector<16xi32>
        %select_n3A_603 = arith.select %lt3A_599, %add3A_602, %xor3A_596 : vector<16xi1>, vector<16xi32>
        %broadcast_in_dim3A_604 = vector.shape_cast %select_n3A_603 : vector<16xi32> to vector<16x1xi32>
        %gather3A_605 = vector.shape_cast %broadcast_in_dim3A_604 : vector<16x1xi32> to vector<16xi32>
        %gather3A_606 = tpu.dynamic_gather %add3A_594[%gather3A_605] in [0] : vector<16xf32>, vector<16xi32> -> vector<16xf32>
        %add3A_607 = arith.addf %add3A_594, %gather3A_606 : vector<16xf32>
        %xor3A_608 = arith.constant 2 : i32
        %xor3A_609 = vector.broadcast %xor3A_608 : i32 to vector<16xi32>
        %xor3A_610 = arith.xori %iota3A, %xor3A_609 : vector<16xi32>
        %lt3A_611 = arith.constant 0 : i32
        %lt3A_612 = vector.broadcast %lt3A_611 : i32 to vector<16xi32>
        %lt3A_613 = arith.cmpi slt, %xor3A_610, %lt3A_612 : vector<16xi32>
        %add3A_614 = arith.constant 16 : i32
        %add3A_615 = vector.broadcast %add3A_614 : i32 to vector<16xi32>
        %add3A_616 = arith.addi %xor3A_610, %add3A_615 : vector<16xi32>
        %select_n3A_617 = arith.select %lt3A_613, %add3A_616, %xor3A_610 : vector<16xi1>, vector<16xi32>
        %broadcast_in_dim3A_618 = vector.shape_cast %select_n3A_617 : vector<16xi32> to vector<16x1xi32>
        %gather3A_619 = vector.shape_cast %broadcast_in_dim3A_618 : vector<16x1xi32> to vector<16xi32>
        %gather3A_620 = tpu.dynamic_gather %add3A_607[%gather3A_619] in [0] : vector<16xf32>, vector<16xi32> -> vector<16xf32>
        %add3A_621 = arith.addf %add3A_607, %gather3A_620 : vector<16xf32>
        %xor3A_622 = arith.constant 4 : i32
        %xor3A_623 = vector.broadcast %xor3A_622 : i32 to vector<16xi32>
        %xor3A_624 = arith.xori %iota3A, %xor3A_623 : vector<16xi32>
        %lt3A_625 = arith.constant 0 : i32
        %lt3A_626 = vector.broadcast %lt3A_625 : i32 to vector<16xi32>
        %lt3A_627 = arith.cmpi slt, %xor3A_624, %lt3A_626 : vector<16xi32>
        %add3A_628 = arith.constant 16 : i32
        %add3A_629 = vector.broadcast %add3A_628 : i32 to vector<16xi32>
        %add3A_630 = arith.addi %xor3A_624, %add3A_629 : vector<16xi32>
        %select_n3A_631 = arith.select %lt3A_627, %add3A_630, %xor3A_624 : vector<16xi1>, vector<16xi32>
        %broadcast_in_dim3A_632 = vector.shape_cast %select_n3A_631 : vector<16xi32> to vector<16x1xi32>
        %gather3A_633 = vector.shape_cast %broadcast_in_dim3A_632 : vector<16x1xi32> to vector<16xi32>
        %gather3A_634 = tpu.dynamic_gather %add3A_621[%gather3A_633] in [0] : vector<16xf32>, vector<16xi32> -> vector<16xf32>
        %add3A_635 = arith.addf %add3A_621, %gather3A_634 : vector<16xf32>
        %xor3A_636 = arith.constant 8 : i32
        %xor3A_637 = vector.broadcast %xor3A_636 : i32 to vector<16xi32>
        %xor3A_638 = arith.xori %iota3A, %xor3A_637 : vector<16xi32>
        %lt3A_639 = arith.constant 0 : i32
        %lt3A_640 = vector.broadcast %lt3A_639 : i32 to vector<16xi32>
        %lt3A_641 = arith.cmpi slt, %xor3A_638, %lt3A_640 : vector<16xi32>
        %add3A_642 = arith.constant 16 : i32
        %add3A_643 = vector.broadcast %add3A_642 : i32 to vector<16xi32>
        %add3A_644 = arith.addi %xor3A_638, %add3A_643 : vector<16xi32>
        %select_n3A_645 = arith.select %lt3A_641, %add3A_644, %xor3A_638 : vector<16xi1>, vector<16xi32>
        %broadcast_in_dim3A_646 = vector.shape_cast %select_n3A_645 : vector<16xi32> to vector<16x1xi32>
        %gather3A_647 = vector.shape_cast %broadcast_in_dim3A_646 : vector<16x1xi32> to vector<16xi32>
        %gather3A_648 = tpu.dynamic_gather %add3A_635[%gather3A_647] in [0] : vector<16xf32>, vector<16xi32> -> vector<16xf32>
        %add3A_649 = arith.addf %add3A_635, %gather3A_648 : vector<16xf32>
        %mul3A_650 = arith.constant 7.812500e-03 : f32
        %mul3A_651 = vector.broadcast %mul3A_650 : f32 to vector<16xf32>
        %mul3A_652 = arith.mulf %add3A_649, %mul3A_651 : vector<16xf32>
        %mul3A_653 = arith.mulf %max3A_566, %max3A_566 : vector<16xf32>
        %mul3A_654 = arith.mulf %max3A_569, %max3A_569 : vector<16xf32>
        %mul3A_655 = arith.mulf %max3A_572, %max3A_572 : vector<16xf32>
        %mul3A_656 = arith.mulf %max3A_575, %max3A_575 : vector<16xf32>
        %mul3A_657 = arith.mulf %max3A_578, %max3A_578 : vector<16xf32>
        %mul3A_658 = arith.mulf %max3A_581, %max3A_581 : vector<16xf32>
        %mul3A_659 = arith.mulf %max3A_584, %max3A_584 : vector<16xf32>
        %mul3A_660 = arith.mulf %max3A_587, %max3A_587 : vector<16xf32>
        %add3A_661 = arith.addf %mul3A_653, %mul3A_654 : vector<16xf32>
        %add3A_662 = arith.addf %mul3A_655, %mul3A_656 : vector<16xf32>
        %add3A_663 = arith.addf %mul3A_657, %mul3A_658 : vector<16xf32>
        %add3A_664 = arith.addf %mul3A_659, %mul3A_660 : vector<16xf32>
        %add3A_665 = arith.addf %add3A_661, %add3A_662 : vector<16xf32>
        %add3A_666 = arith.addf %add3A_663, %add3A_664 : vector<16xf32>
        %add3A_667 = arith.addf %add3A_665, %add3A_666 : vector<16xf32>
        %xor3A_668 = arith.constant 1 : i32
        %xor3A_669 = vector.broadcast %xor3A_668 : i32 to vector<16xi32>
        %xor3A_670 = arith.xori %iota3A, %xor3A_669 : vector<16xi32>
        %lt3A_671 = arith.constant 0 : i32
        %lt3A_672 = vector.broadcast %lt3A_671 : i32 to vector<16xi32>
        %lt3A_673 = arith.cmpi slt, %xor3A_670, %lt3A_672 : vector<16xi32>
        %add3A_674 = arith.constant 16 : i32
        %add3A_675 = vector.broadcast %add3A_674 : i32 to vector<16xi32>
        %add3A_676 = arith.addi %xor3A_670, %add3A_675 : vector<16xi32>
        %select_n3A_677 = arith.select %lt3A_673, %add3A_676, %xor3A_670 : vector<16xi1>, vector<16xi32>
        %broadcast_in_dim3A_678 = vector.shape_cast %select_n3A_677 : vector<16xi32> to vector<16x1xi32>
        %gather3A_679 = vector.shape_cast %broadcast_in_dim3A_678 : vector<16x1xi32> to vector<16xi32>
        %gather3A_680 = tpu.dynamic_gather %add3A_667[%gather3A_679] in [0] : vector<16xf32>, vector<16xi32> -> vector<16xf32>
        %add3A_681 = arith.addf %add3A_667, %gather3A_680 : vector<16xf32>
        %xor3A_682 = arith.constant 2 : i32
        %xor3A_683 = vector.broadcast %xor3A_682 : i32 to vector<16xi32>
        %xor3A_684 = arith.xori %iota3A, %xor3A_683 : vector<16xi32>
        %lt3A_685 = arith.constant 0 : i32
        %lt3A_686 = vector.broadcast %lt3A_685 : i32 to vector<16xi32>
        %lt3A_687 = arith.cmpi slt, %xor3A_684, %lt3A_686 : vector<16xi32>
        %add3A_688 = arith.constant 16 : i32
        %add3A_689 = vector.broadcast %add3A_688 : i32 to vector<16xi32>
        %add3A_690 = arith.addi %xor3A_684, %add3A_689 : vector<16xi32>
        %select_n3A_691 = arith.select %lt3A_687, %add3A_690, %xor3A_684 : vector<16xi1>, vector<16xi32>
        %broadcast_in_dim3A_692 = vector.shape_cast %select_n3A_691 : vector<16xi32> to vector<16x1xi32>
        %gather3A_693 = vector.shape_cast %broadcast_in_dim3A_692 : vector<16x1xi32> to vector<16xi32>
        %gather3A_694 = tpu.dynamic_gather %add3A_681[%gather3A_693] in [0] : vector<16xf32>, vector<16xi32> -> vector<16xf32>
        %add3A_695 = arith.addf %add3A_681, %gather3A_694 : vector<16xf32>
        %xor3A_696 = arith.constant 4 : i32
        %xor3A_697 = vector.broadcast %xor3A_696 : i32 to vector<16xi32>
        %xor3A_698 = arith.xori %iota3A, %xor3A_697 : vector<16xi32>
        %lt3A_699 = arith.constant 0 : i32
        %lt3A_700 = vector.broadcast %lt3A_699 : i32 to vector<16xi32>
        %lt3A_701 = arith.cmpi slt, %xor3A_698, %lt3A_700 : vector<16xi32>
        %add3A_702 = arith.constant 16 : i32
        %add3A_703 = vector.broadcast %add3A_702 : i32 to vector<16xi32>
        %add3A_704 = arith.addi %xor3A_698, %add3A_703 : vector<16xi32>
        %select_n3A_705 = arith.select %lt3A_701, %add3A_704, %xor3A_698 : vector<16xi1>, vector<16xi32>
        %broadcast_in_dim3A_706 = vector.shape_cast %select_n3A_705 : vector<16xi32> to vector<16x1xi32>
        %gather3A_707 = vector.shape_cast %broadcast_in_dim3A_706 : vector<16x1xi32> to vector<16xi32>
        %gather3A_708 = tpu.dynamic_gather %add3A_695[%gather3A_707] in [0] : vector<16xf32>, vector<16xi32> -> vector<16xf32>
        %add3A_709 = arith.addf %add3A_695, %gather3A_708 : vector<16xf32>
        %xor3A_710 = arith.constant 8 : i32
        %xor3A_711 = vector.broadcast %xor3A_710 : i32 to vector<16xi32>
        %xor3A_712 = arith.xori %iota3A, %xor3A_711 : vector<16xi32>
        %lt3A_713 = arith.constant 0 : i32
        %lt3A_714 = vector.broadcast %lt3A_713 : i32 to vector<16xi32>
        %lt3A_715 = arith.cmpi slt, %xor3A_712, %lt3A_714 : vector<16xi32>
        %add3A_716 = arith.constant 16 : i32
        %add3A_717 = vector.broadcast %add3A_716 : i32 to vector<16xi32>
        %add3A_718 = arith.addi %xor3A_712, %add3A_717 : vector<16xi32>
        %select_n3A_719 = arith.select %lt3A_715, %add3A_718, %xor3A_712 : vector<16xi1>, vector<16xi32>
        %broadcast_in_dim3A_720 = vector.shape_cast %select_n3A_719 : vector<16xi32> to vector<16x1xi32>
        %gather3A_721 = vector.shape_cast %broadcast_in_dim3A_720 : vector<16x1xi32> to vector<16xi32>
        %gather3A_722 = tpu.dynamic_gather %add3A_709[%gather3A_721] in [0] : vector<16xf32>, vector<16xi32> -> vector<16xf32>
        %add3A_723 = arith.addf %add3A_709, %gather3A_722 : vector<16xf32>
        %mul3A_724 = arith.constant 7.812500e-03 : f32
        %mul3A_725 = vector.broadcast %mul3A_724 : f32 to vector<16xf32>
        %mul3A_726 = arith.mulf %add3A_723, %mul3A_725 : vector<16xf32>
        %mul3A_727 = arith.mulf %mul3A_652, %mul3A_652 : vector<16xf32>
        %sub3A = arith.subf %mul3A_726, %mul3A_727 : vector<16xf32>
        %add3A_728 = arith.constant 1.000000e-03 : f32
        %add3A_729 = vector.broadcast %add3A_728 : f32 to vector<16xf32>
        %add3A_730 = arith.addf %sub3A, %add3A_729 : vector<16xf32>
        %bitcast_convert_type3A = tpu.bitcast %add3A_730 : vector<16xf32> -> vector<16xi32>
        %shift_right_arithmetic3A = arith.constant 1 : i32
        %shift_right_arithmetic3A_731 = vector.broadcast %shift_right_arithmetic3A : i32 to vector<16xi32>
        %shift_right_arithmetic3A_732 = arith.shrsi %bitcast_convert_type3A, %shift_right_arithmetic3A_731 : vector<16xi32>
        %sub3A_733 = arith.constant 1597463007 : i32
        %sub3A_734 = vector.broadcast %sub3A_733 : i32 to vector<16xi32>
        %sub3A_735 = arith.subi %sub3A_734, %shift_right_arithmetic3A_732 : vector<16xi32>
        %bitcast_convert_type3A_736 = tpu.bitcast %sub3A_735 : vector<16xi32> -> vector<16xf32>
        %mul3A_737 = arith.constant 5.000000e-01 : f32
        %mul3A_738 = vector.broadcast %mul3A_737 : f32 to vector<16xf32>
        %mul3A_739 = arith.mulf %add3A_730, %mul3A_738 : vector<16xf32>
        %mul3A_740 = arith.mulf %mul3A_739, %bitcast_convert_type3A_736 : vector<16xf32>
        %mul3A_741 = arith.mulf %mul3A_740, %bitcast_convert_type3A_736 : vector<16xf32>
        %sub3A_742 = arith.constant 1.500000e+00 : f32
        %sub3A_743 = vector.broadcast %sub3A_742 : f32 to vector<16xf32>
        %sub3A_744 = arith.subf %sub3A_743, %mul3A_741 : vector<16xf32>
        %mul3A_745 = arith.mulf %bitcast_convert_type3A_736, %sub3A_744 : vector<16xf32>
        %mul3A_746 = arith.mulf %mul3A_739, %mul3A_745 : vector<16xf32>
        %mul3A_747 = arith.mulf %mul3A_746, %mul3A_745 : vector<16xf32>
        %sub3A_748 = arith.constant 1.500000e+00 : f32
        %sub3A_749 = vector.broadcast %sub3A_748 : f32 to vector<16xf32>
        %sub3A_750 = arith.subf %sub3A_749, %mul3A_747 : vector<16xf32>
        %mul3A_751 = arith.mulf %mul3A_745, %sub3A_750 : vector<16xf32>
        %mul3A_752 = arith.mulf %mul3A_739, %mul3A_751 : vector<16xf32>
        %mul3A_753 = arith.mulf %mul3A_752, %mul3A_751 : vector<16xf32>
        %sub3A_754 = arith.constant 1.500000e+00 : f32
        %sub3A_755 = vector.broadcast %sub3A_754 : f32 to vector<16xf32>
        %sub3A_756 = arith.subf %sub3A_755, %mul3A_753 : vector<16xf32>
        %mul3A_757 = arith.mulf %mul3A_751, %sub3A_756 : vector<16xf32>
        %sub3A_758 = arith.subf %max3A_566, %mul3A_652 : vector<16xf32>
        %mul3A_759 = arith.mulf %sub3A_758, %mul3A_757 : vector<16xf32>
        %mul3A_760 = arith.mulf %mul3A_759, %get3A_8 : vector<16xf32>
        %add3A_761 = arith.addf %mul3A_760, %get3A_32 : vector<16xf32>
        %swap3A_762 = arith.index_cast %add3A_452 : i32 to index
        %swap3A_763 = arith.constant 0 : index
        %swap3A_764 = tpu.vector_load %arg18[%swap3A_762, %swap3A_763] {strides = array<i32>} : memref<40x128xf32, #tpu.memory_space<vmem>>, vector<1x16xf32>,
        %swap3A_765 = vector.shape_cast %swap3A_764 : vector<1x16xf32> to vector<16xf32>
        %swap3A_766 = vector.shape_cast %add3A_761 : vector<16xf32> to vector<1x16xf32>
        tpu.vector_store %arg18[%swap3A_762, %swap3A_763], %swap3A_766 {strides = array<i32>} : memref<40x128xf32, #tpu.memory_space<vmem>>, vector<1x16xf32>,
        %sub3A_767 = arith.subf %max3A_569, %mul3A_652 : vector<16xf32>
        %mul3A_768 = arith.mulf %sub3A_767, %mul3A_757 : vector<16xf32>
        %mul3A_769 = arith.mulf %mul3A_768, %get3A_11 : vector<16xf32>
        %add3A_770 = arith.addf %mul3A_769, %get3A_35 : vector<16xf32>
        %swap3A_771 = arith.index_cast %add3A_452 : i32 to index
        %swap3A_772 = arith.constant 16 : index
        %swap3A_773 = tpu.vector_load %arg18[%swap3A_771, %swap3A_772] {strides = array<i32>} : memref<40x128xf32, #tpu.memory_space<vmem>>, vector<1x16xf32>,
        %swap3A_774 = vector.shape_cast %swap3A_773 : vector<1x16xf32> to vector<16xf32>
        %swap3A_775 = vector.shape_cast %add3A_770 : vector<16xf32> to vector<1x16xf32>
        tpu.vector_store %arg18[%swap3A_771, %swap3A_772], %swap3A_775 {strides = array<i32>} : memref<40x128xf32, #tpu.memory_space<vmem>>, vector<1x16xf32>,
        %sub3A_776 = arith.subf %max3A_572, %mul3A_652 : vector<16xf32>
        %mul3A_777 = arith.mulf %sub3A_776, %mul3A_757 : vector<16xf32>
        %mul3A_778 = arith.mulf %mul3A_777, %get3A_14 : vector<16xf32>
        %add3A_779 = arith.addf %mul3A_778, %get3A_38 : vector<16xf32>
        %swap3A_780 = arith.index_cast %add3A_452 : i32 to index
        %swap3A_781 = arith.constant 32 : index
        %swap3A_782 = tpu.vector_load %arg18[%swap3A_780, %swap3A_781] {strides = array<i32>} : memref<40x128xf32, #tpu.memory_space<vmem>>, vector<1x16xf32>,
        %swap3A_783 = vector.shape_cast %swap3A_782 : vector<1x16xf32> to vector<16xf32>
        %swap3A_784 = vector.shape_cast %add3A_779 : vector<16xf32> to vector<1x16xf32>
        tpu.vector_store %arg18[%swap3A_780, %swap3A_781], %swap3A_784 {strides = array<i32>} : memref<40x128xf32, #tpu.memory_space<vmem>>, vector<1x16xf32>,
        %sub3A_785 = arith.subf %max3A_575, %mul3A_652 : vector<16xf32>
        %mul3A_786 = arith.mulf %sub3A_785, %mul3A_757 : vector<16xf32>
        %mul3A_787 = arith.mulf %mul3A_786, %get3A_17 : vector<16xf32>
        %add3A_788 = arith.addf %mul3A_787, %get3A_41 : vector<16xf32>
        %swap3A_789 = arith.index_cast %add3A_452 : i32 to index
        %swap3A_790 = arith.constant 48 : index
        %swap3A_791 = tpu.vector_load %arg18[%swap3A_789, %swap3A_790] {strides = array<i32>} : memref<40x128xf32, #tpu.memory_space<vmem>>, vector<1x16xf32>,
        %swap3A_792 = vector.shape_cast %swap3A_791 : vector<1x16xf32> to vector<16xf32>
        %swap3A_793 = vector.shape_cast %add3A_788 : vector<16xf32> to vector<1x16xf32>
        tpu.vector_store %arg18[%swap3A_789, %swap3A_790], %swap3A_793 {strides = array<i32>} : memref<40x128xf32, #tpu.memory_space<vmem>>, vector<1x16xf32>,
        %sub3A_794 = arith.subf %max3A_578, %mul3A_652 : vector<16xf32>
        %mul3A_795 = arith.mulf %sub3A_794, %mul3A_757 : vector<16xf32>
        %mul3A_796 = arith.mulf %mul3A_795, %get3A_20 : vector<16xf32>
        %add3A_797 = arith.addf %mul3A_796, %get3A_44 : vector<16xf32>
        %swap3A_798 = arith.index_cast %add3A_452 : i32 to index
        %swap3A_799 = arith.constant 64 : index
        %swap3A_800 = tpu.vector_load %arg18[%swap3A_798, %swap3A_799] {strides = array<i32>} : memref<40x128xf32, #tpu.memory_space<vmem>>, vector<1x16xf32>,
        %swap3A_801 = vector.shape_cast %swap3A_800 : vector<1x16xf32> to vector<16xf32>
        %swap3A_802 = vector.shape_cast %add3A_797 : vector<16xf32> to vector<1x16xf32>
        tpu.vector_store %arg18[%swap3A_798, %swap3A_799], %swap3A_802 {strides = array<i32>} : memref<40x128xf32, #tpu.memory_space<vmem>>, vector<1x16xf32>,
        %sub3A_803 = arith.subf %max3A_581, %mul3A_652 : vector<16xf32>
        %mul3A_804 = arith.mulf %sub3A_803, %mul3A_757 : vector<16xf32>
        %mul3A_805 = arith.mulf %mul3A_804, %get3A_23 : vector<16xf32>
        %add3A_806 = arith.addf %mul3A_805, %get3A_47 : vector<16xf32>
        %swap3A_807 = arith.index_cast %add3A_452 : i32 to index
        %swap3A_808 = arith.constant 80 : index
        %swap3A_809 = tpu.vector_load %arg18[%swap3A_807, %swap3A_808] {strides = array<i32>} : memref<40x128xf32, #tpu.memory_space<vmem>>, vector<1x16xf32>,
        %swap3A_810 = vector.shape_cast %swap3A_809 : vector<1x16xf32> to vector<16xf32>
        %swap3A_811 = vector.shape_cast %add3A_806 : vector<16xf32> to vector<1x16xf32>
        tpu.vector_store %arg18[%swap3A_807, %swap3A_808], %swap3A_811 {strides = array<i32>} : memref<40x128xf32, #tpu.memory_space<vmem>>, vector<1x16xf32>,
        %sub3A_812 = arith.subf %max3A_584, %mul3A_652 : vector<16xf32>
        %mul3A_813 = arith.mulf %sub3A_812, %mul3A_757 : vector<16xf32>
        %mul3A_814 = arith.mulf %mul3A_813, %get3A_26 : vector<16xf32>
        %add3A_815 = arith.addf %mul3A_814, %get3A_50 : vector<16xf32>
        %swap3A_816 = arith.index_cast %add3A_452 : i32 to index
        %swap3A_817 = arith.constant 96 : index
        %swap3A_818 = tpu.vector_load %arg18[%swap3A_816, %swap3A_817] {strides = array<i32>} : memref<40x128xf32, #tpu.memory_space<vmem>>, vector<1x16xf32>,
        %swap3A_819 = vector.shape_cast %swap3A_818 : vector<1x16xf32> to vector<16xf32>
        %swap3A_820 = vector.shape_cast %add3A_815 : vector<16xf32> to vector<1x16xf32>
        tpu.vector_store %arg18[%swap3A_816, %swap3A_817], %swap3A_820 {strides = array<i32>} : memref<40x128xf32, #tpu.memory_space<vmem>>, vector<1x16xf32>,
        %sub3A_821 = arith.subf %max3A_587, %mul3A_652 : vector<16xf32>
        %mul3A_822 = arith.mulf %sub3A_821, %mul3A_757 : vector<16xf32>
        %mul3A_823 = arith.mulf %mul3A_822, %get3A_29 : vector<16xf32>
        %add3A_824 = arith.addf %mul3A_823, %get3A_53 : vector<16xf32>
        %swap3A_825 = arith.index_cast %add3A_452 : i32 to index
        %swap3A_826 = arith.constant 112 : index
        %swap3A_827 = tpu.vector_load %arg18[%swap3A_825, %swap3A_826] {strides = array<i32>} : memref<40x128xf32, #tpu.memory_space<vmem>>, vector<1x16xf32>,
        %swap3A_828 = vector.shape_cast %swap3A_827 : vector<1x16xf32> to vector<16xf32>
        %swap3A_829 = vector.shape_cast %add3A_824 : vector<16xf32> to vector<1x16xf32>
        tpu.vector_store %arg18[%swap3A_825, %swap3A_826], %swap3A_829 {strides = array<i32>} : memref<40x128xf32, #tpu.memory_space<vmem>>, vector<1x16xf32>,
        %mul3A_830 = arith.constant 2 : i32
        %mul3A_831 = arith.muli %scan3A_448, %mul3A_830 : i32
        %add3A_832 = arith.constant 1 : i32
        %add3A_833 = arith.addi %mul3A_831, %add3A_832 : i32
        %get3A_834 = arith.index_cast %add3A_833 : i32 to index
        %get3A_835 = arith.constant 0 : index
        %get3A_836 = tpu.vector_load %arg12[%get3A_834, %get3A_835] {strides = array<i32>} : memref<40x128xf32, #tpu.memory_space<vmem>>, vector<1x16xf32>,
        %get3A_837 = vector.shape_cast %get3A_836 : vector<1x16xf32> to vector<16xf32>
        %get3A_838 = arith.index_cast %add3A_833 : i32 to index
        %get3A_839 = arith.constant 0 : index
        %get3A_840 = tpu.vector_load %arg14[%get3A_838, %get3A_839] {strides = array<i32>} : memref<40x128xf32, #tpu.memory_space<vmem>>, vector<1x16xf32>,
        %get3A_841 = vector.shape_cast %get3A_840 : vector<1x16xf32> to vector<16xf32>
        %add3A_842 = arith.addf %get3A_837, %get3A_841 : vector<16xf32>
        %get3A_843 = arith.index_cast %add3A_833 : i32 to index
        %get3A_844 = arith.constant 0 : index
        %get3A_845 = tpu.vector_load %arg16[%get3A_843, %get3A_844] {strides = array<i32>} : memref<40x128xf32, #tpu.memory_space<vmem>>, vector<1x16xf32>,
        %get3A_846 = vector.shape_cast %get3A_845 : vector<1x16xf32> to vector<16xf32>
        %add3A_847 = arith.addf %add3A_842, %get3A_846 : vector<16xf32>
        %get3A_848 = arith.index_cast %add3A_833 : i32 to index
        %get3A_849 = arith.constant 16 : index
        %get3A_850 = tpu.vector_load %arg12[%get3A_848, %get3A_849] {strides = array<i32>} : memref<40x128xf32, #tpu.memory_space<vmem>>, vector<1x16xf32>,
        %get3A_851 = vector.shape_cast %get3A_850 : vector<1x16xf32> to vector<16xf32>
        %get3A_852 = arith.index_cast %add3A_833 : i32 to index
        %get3A_853 = arith.constant 16 : index
        %get3A_854 = tpu.vector_load %arg14[%get3A_852, %get3A_853] {strides = array<i32>} : memref<40x128xf32, #tpu.memory_space<vmem>>, vector<1x16xf32>,
        %get3A_855 = vector.shape_cast %get3A_854 : vector<1x16xf32> to vector<16xf32>
        %add3A_856 = arith.addf %get3A_851, %get3A_855 : vector<16xf32>
        %get3A_857 = arith.index_cast %add3A_833 : i32 to index
        %get3A_858 = arith.constant 16 : index
        %get3A_859 = tpu.vector_load %arg16[%get3A_857, %get3A_858] {strides = array<i32>} : memref<40x128xf32, #tpu.memory_space<vmem>>, vector<1x16xf32>,
        %get3A_860 = vector.shape_cast %get3A_859 : vector<1x16xf32> to vector<16xf32>
        %add3A_861 = arith.addf %add3A_856, %get3A_860 : vector<16xf32>
        %get3A_862 = arith.index_cast %add3A_833 : i32 to index
        %get3A_863 = arith.constant 32 : index
        %get3A_864 = tpu.vector_load %arg12[%get3A_862, %get3A_863] {strides = array<i32>} : memref<40x128xf32, #tpu.memory_space<vmem>>, vector<1x16xf32>,
        %get3A_865 = vector.shape_cast %get3A_864 : vector<1x16xf32> to vector<16xf32>
        %get3A_866 = arith.index_cast %add3A_833 : i32 to index
        %get3A_867 = arith.constant 32 : index
        %get3A_868 = tpu.vector_load %arg14[%get3A_866, %get3A_867] {strides = array<i32>} : memref<40x128xf32, #tpu.memory_space<vmem>>, vector<1x16xf32>,
        %get3A_869 = vector.shape_cast %get3A_868 : vector<1x16xf32> to vector<16xf32>
        %add3A_870 = arith.addf %get3A_865, %get3A_869 : vector<16xf32>
        %get3A_871 = arith.index_cast %add3A_833 : i32 to index
        %get3A_872 = arith.constant 32 : index
        %get3A_873 = tpu.vector_load %arg16[%get3A_871, %get3A_872] {strides = array<i32>} : memref<40x128xf32, #tpu.memory_space<vmem>>, vector<1x16xf32>,
        %get3A_874 = vector.shape_cast %get3A_873 : vector<1x16xf32> to vector<16xf32>
        %add3A_875 = arith.addf %add3A_870, %get3A_874 : vector<16xf32>
        %get3A_876 = arith.index_cast %add3A_833 : i32 to index
        %get3A_877 = arith.constant 48 : index
        %get3A_878 = tpu.vector_load %arg12[%get3A_876, %get3A_877] {strides = array<i32>} : memref<40x128xf32, #tpu.memory_space<vmem>>, vector<1x16xf32>,
        %get3A_879 = vector.shape_cast %get3A_878 : vector<1x16xf32> to vector<16xf32>
        %get3A_880 = arith.index_cast %add3A_833 : i32 to index
        %get3A_881 = arith.constant 48 : index
        %get3A_882 = tpu.vector_load %arg14[%get3A_880, %get3A_881] {strides = array<i32>} : memref<40x128xf32, #tpu.memory_space<vmem>>, vector<1x16xf32>,
        %get3A_883 = vector.shape_cast %get3A_882 : vector<1x16xf32> to vector<16xf32>
        %add3A_884 = arith.addf %get3A_879, %get3A_883 : vector<16xf32>
        %get3A_885 = arith.index_cast %add3A_833 : i32 to index
        %get3A_886 = arith.constant 48 : index
        %get3A_887 = tpu.vector_load %arg16[%get3A_885, %get3A_886] {strides = array<i32>} : memref<40x128xf32, #tpu.memory_space<vmem>>, vector<1x16xf32>,
        %get3A_888 = vector.shape_cast %get3A_887 : vector<1x16xf32> to vector<16xf32>
        %add3A_889 = arith.addf %add3A_884, %get3A_888 : vector<16xf32>
        %get3A_890 = arith.index_cast %add3A_833 : i32 to index
        %get3A_891 = arith.constant 64 : index
        %get3A_892 = tpu.vector_load %arg12[%get3A_890, %get3A_891] {strides = array<i32>} : memref<40x128xf32, #tpu.memory_space<vmem>>, vector<1x16xf32>,
        %get3A_893 = vector.shape_cast %get3A_892 : vector<1x16xf32> to vector<16xf32>
        %get3A_894 = arith.index_cast %add3A_833 : i32 to index
        %get3A_895 = arith.constant 64 : index
        %get3A_896 = tpu.vector_load %arg14[%get3A_894, %get3A_895] {strides = array<i32>} : memref<40x128xf32, #tpu.memory_space<vmem>>, vector<1x16xf32>,
        %get3A_897 = vector.shape_cast %get3A_896 : vector<1x16xf32> to vector<16xf32>
        %add3A_898 = arith.addf %get3A_893, %get3A_897 : vector<16xf32>
        %get3A_899 = arith.index_cast %add3A_833 : i32 to index
        %get3A_900 = arith.constant 64 : index
        %get3A_901 = tpu.vector_load %arg16[%get3A_899, %get3A_900] {strides = array<i32>} : memref<40x128xf32, #tpu.memory_space<vmem>>, vector<1x16xf32>,
        %get3A_902 = vector.shape_cast %get3A_901 : vector<1x16xf32> to vector<16xf32>
        %add3A_903 = arith.addf %add3A_898, %get3A_902 : vector<16xf32>
        %get3A_904 = arith.index_cast %add3A_833 : i32 to index
        %get3A_905 = arith.constant 80 : index
        %get3A_906 = tpu.vector_load %arg12[%get3A_904, %get3A_905] {strides = array<i32>} : memref<40x128xf32, #tpu.memory_space<vmem>>, vector<1x16xf32>,
        %get3A_907 = vector.shape_cast %get3A_906 : vector<1x16xf32> to vector<16xf32>
        %get3A_908 = arith.index_cast %add3A_833 : i32 to index
        %get3A_909 = arith.constant 80 : index
        %get3A_910 = tpu.vector_load %arg14[%get3A_908, %get3A_909] {strides = array<i32>} : memref<40x128xf32, #tpu.memory_space<vmem>>, vector<1x16xf32>,
        %get3A_911 = vector.shape_cast %get3A_910 : vector<1x16xf32> to vector<16xf32>
        %add3A_912 = arith.addf %get3A_907, %get3A_911 : vector<16xf32>
        %get3A_913 = arith.index_cast %add3A_833 : i32 to index
        %get3A_914 = arith.constant 80 : index
        %get3A_915 = tpu.vector_load %arg16[%get3A_913, %get3A_914] {strides = array<i32>} : memref<40x128xf32, #tpu.memory_space<vmem>>, vector<1x16xf32>,
        %get3A_916 = vector.shape_cast %get3A_915 : vector<1x16xf32> to vector<16xf32>
        %add3A_917 = arith.addf %add3A_912, %get3A_916 : vector<16xf32>
        %get3A_918 = arith.index_cast %add3A_833 : i32 to index
        %get3A_919 = arith.constant 96 : index
        %get3A_920 = tpu.vector_load %arg12[%get3A_918, %get3A_919] {strides = array<i32>} : memref<40x128xf32, #tpu.memory_space<vmem>>, vector<1x16xf32>,
        %get3A_921 = vector.shape_cast %get3A_920 : vector<1x16xf32> to vector<16xf32>
        %get3A_922 = arith.index_cast %add3A_833 : i32 to index
        %get3A_923 = arith.constant 96 : index
        %get3A_924 = tpu.vector_load %arg14[%get3A_922, %get3A_923] {strides = array<i32>} : memref<40x128xf32, #tpu.memory_space<vmem>>, vector<1x16xf32>,
        %get3A_925 = vector.shape_cast %get3A_924 : vector<1x16xf32> to vector<16xf32>
        %add3A_926 = arith.addf %get3A_921, %get3A_925 : vector<16xf32>
        %get3A_927 = arith.index_cast %add3A_833 : i32 to index
        %get3A_928 = arith.constant 96 : index
        %get3A_929 = tpu.vector_load %arg16[%get3A_927, %get3A_928] {strides = array<i32>} : memref<40x128xf32, #tpu.memory_space<vmem>>, vector<1x16xf32>,
        %get3A_930 = vector.shape_cast %get3A_929 : vector<1x16xf32> to vector<16xf32>
        %add3A_931 = arith.addf %add3A_926, %get3A_930 : vector<16xf32>
        %get3A_932 = arith.index_cast %add3A_833 : i32 to index
        %get3A_933 = arith.constant 112 : index
        %get3A_934 = tpu.vector_load %arg12[%get3A_932, %get3A_933] {strides = array<i32>} : memref<40x128xf32, #tpu.memory_space<vmem>>, vector<1x16xf32>,
        %get3A_935 = vector.shape_cast %get3A_934 : vector<1x16xf32> to vector<16xf32>
        %get3A_936 = arith.index_cast %add3A_833 : i32 to index
        %get3A_937 = arith.constant 112 : index
        %get3A_938 = tpu.vector_load %arg14[%get3A_936, %get3A_937] {strides = array<i32>} : memref<40x128xf32, #tpu.memory_space<vmem>>, vector<1x16xf32>,
        %get3A_939 = vector.shape_cast %get3A_938 : vector<1x16xf32> to vector<16xf32>
        %add3A_940 = arith.addf %get3A_935, %get3A_939 : vector<16xf32>
        %get3A_941 = arith.index_cast %add3A_833 : i32 to index
        %get3A_942 = arith.constant 112 : index
        %get3A_943 = tpu.vector_load %arg16[%get3A_941, %get3A_942] {strides = array<i32>} : memref<40x128xf32, #tpu.memory_space<vmem>>, vector<1x16xf32>,
        %get3A_944 = vector.shape_cast %get3A_943 : vector<1x16xf32> to vector<16xf32>
        %add3A_945 = arith.addf %add3A_940, %get3A_944 : vector<16xf32>
        %max3A_946 = arith.constant 0.000000e+00 : f32
        %max3A_947 = vector.broadcast %max3A_946 : f32 to vector<16xf32>
        %max3A_948 = arith.maximumf %add3A_847, %max3A_947 : vector<16xf32>
        %max3A_949 = arith.constant 0.000000e+00 : f32
        %max3A_950 = vector.broadcast %max3A_949 : f32 to vector<16xf32>
        %max3A_951 = arith.maximumf %add3A_861, %max3A_950 : vector<16xf32>
        %max3A_952 = arith.constant 0.000000e+00 : f32
        %max3A_953 = vector.broadcast %max3A_952 : f32 to vector<16xf32>
        %max3A_954 = arith.maximumf %add3A_875, %max3A_953 : vector<16xf32>
        %max3A_955 = arith.constant 0.000000e+00 : f32
        %max3A_956 = vector.broadcast %max3A_955 : f32 to vector<16xf32>
        %max3A_957 = arith.maximumf %add3A_889, %max3A_956 : vector<16xf32>
        %max3A_958 = arith.constant 0.000000e+00 : f32
        %max3A_959 = vector.broadcast %max3A_958 : f32 to vector<16xf32>
        %max3A_960 = arith.maximumf %add3A_903, %max3A_959 : vector<16xf32>
        %max3A_961 = arith.constant 0.000000e+00 : f32
        %max3A_962 = vector.broadcast %max3A_961 : f32 to vector<16xf32>
        %max3A_963 = arith.maximumf %add3A_917, %max3A_962 : vector<16xf32>
        %max3A_964 = arith.constant 0.000000e+00 : f32
        %max3A_965 = vector.broadcast %max3A_964 : f32 to vector<16xf32>
        %max3A_966 = arith.maximumf %add3A_931, %max3A_965 : vector<16xf32>
        %max3A_967 = arith.constant 0.000000e+00 : f32
        %max3A_968 = vector.broadcast %max3A_967 : f32 to vector<16xf32>
        %max3A_969 = arith.maximumf %add3A_945, %max3A_968 : vector<16xf32>
        %add3A_970 = arith.addf %max3A_948, %max3A_951 : vector<16xf32>
        %add3A_971 = arith.addf %max3A_954, %max3A_957 : vector<16xf32>
        %add3A_972 = arith.addf %max3A_960, %max3A_963 : vector<16xf32>
        %add3A_973 = arith.addf %max3A_966, %max3A_969 : vector<16xf32>
        %add3A_974 = arith.addf %add3A_970, %add3A_971 : vector<16xf32>
        %add3A_975 = arith.addf %add3A_972, %add3A_973 : vector<16xf32>
        %add3A_976 = arith.addf %add3A_974, %add3A_975 : vector<16xf32>
        %xor3A_977 = arith.constant 1 : i32
        %xor3A_978 = vector.broadcast %xor3A_977 : i32 to vector<16xi32>
        %xor3A_979 = arith.xori %iota3A, %xor3A_978 : vector<16xi32>
        %lt3A_980 = arith.constant 0 : i32
        %lt3A_981 = vector.broadcast %lt3A_980 : i32 to vector<16xi32>
        %lt3A_982 = arith.cmpi slt, %xor3A_979, %lt3A_981 : vector<16xi32>
        %add3A_983 = arith.constant 16 : i32
        %add3A_984 = vector.broadcast %add3A_983 : i32 to vector<16xi32>
        %add3A_985 = arith.addi %xor3A_979, %add3A_984 : vector<16xi32>
        %select_n3A_986 = arith.select %lt3A_982, %add3A_985, %xor3A_979 : vector<16xi1>, vector<16xi32>
        %broadcast_in_dim3A_987 = vector.shape_cast %select_n3A_986 : vector<16xi32> to vector<16x1xi32>
        %gather3A_988 = vector.shape_cast %broadcast_in_dim3A_987 : vector<16x1xi32> to vector<16xi32>
        %gather3A_989 = tpu.dynamic_gather %add3A_976[%gather3A_988] in [0] : vector<16xf32>, vector<16xi32> -> vector<16xf32>
        %add3A_990 = arith.addf %add3A_976, %gather3A_989 : vector<16xf32>
        %xor3A_991 = arith.constant 2 : i32
        %xor3A_992 = vector.broadcast %xor3A_991 : i32 to vector<16xi32>
        %xor3A_993 = arith.xori %iota3A, %xor3A_992 : vector<16xi32>
        %lt3A_994 = arith.constant 0 : i32
        %lt3A_995 = vector.broadcast %lt3A_994 : i32 to vector<16xi32>
        %lt3A_996 = arith.cmpi slt, %xor3A_993, %lt3A_995 : vector<16xi32>
        %add3A_997 = arith.constant 16 : i32
        %add3A_998 = vector.broadcast %add3A_997 : i32 to vector<16xi32>
        %add3A_999 = arith.addi %xor3A_993, %add3A_998 : vector<16xi32>
        %select_n3A_1000 = arith.select %lt3A_996, %add3A_999, %xor3A_993 : vector<16xi1>, vector<16xi32>
        %broadcast_in_dim3A_1001 = vector.shape_cast %select_n3A_1000 : vector<16xi32> to vector<16x1xi32>
        %gather3A_1002 = vector.shape_cast %broadcast_in_dim3A_1001 : vector<16x1xi32> to vector<16xi32>
        %gather3A_1003 = tpu.dynamic_gather %add3A_990[%gather3A_1002] in [0] : vector<16xf32>, vector<16xi32> -> vector<16xf32>
        %add3A_1004 = arith.addf %add3A_990, %gather3A_1003 : vector<16xf32>
        %xor3A_1005 = arith.constant 4 : i32
        %xor3A_1006 = vector.broadcast %xor3A_1005 : i32 to vector<16xi32>
        %xor3A_1007 = arith.xori %iota3A, %xor3A_1006 : vector<16xi32>
        %lt3A_1008 = arith.constant 0 : i32
        %lt3A_1009 = vector.broadcast %lt3A_1008 : i32 to vector<16xi32>
        %lt3A_1010 = arith.cmpi slt, %xor3A_1007, %lt3A_1009 : vector<16xi32>
        %add3A_1011 = arith.constant 16 : i32
        %add3A_1012 = vector.broadcast %add3A_1011 : i32 to vector<16xi32>
        %add3A_1013 = arith.addi %xor3A_1007, %add3A_1012 : vector<16xi32>
        %select_n3A_1014 = arith.select %lt3A_1010, %add3A_1013, %xor3A_1007 : vector<16xi1>, vector<16xi32>
        %broadcast_in_dim3A_1015 = vector.shape_cast %select_n3A_1014 : vector<16xi32> to vector<16x1xi32>
        %gather3A_1016 = vector.shape_cast %broadcast_in_dim3A_1015 : vector<16x1xi32> to vector<16xi32>
        %gather3A_1017 = tpu.dynamic_gather %add3A_1004[%gather3A_1016] in [0] : vector<16xf32>, vector<16xi32> -> vector<16xf32>
        %add3A_1018 = arith.addf %add3A_1004, %gather3A_1017 : vector<16xf32>
        %xor3A_1019 = arith.constant 8 : i32
        %xor3A_1020 = vector.broadcast %xor3A_1019 : i32 to vector<16xi32>
        %xor3A_1021 = arith.xori %iota3A, %xor3A_1020 : vector<16xi32>
        %lt3A_1022 = arith.constant 0 : i32
        %lt3A_1023 = vector.broadcast %lt3A_1022 : i32 to vector<16xi32>
        %lt3A_1024 = arith.cmpi slt, %xor3A_1021, %lt3A_1023 : vector<16xi32>
        %add3A_1025 = arith.constant 16 : i32
        %add3A_1026 = vector.broadcast %add3A_1025 : i32 to vector<16xi32>
        %add3A_1027 = arith.addi %xor3A_1021, %add3A_1026 : vector<16xi32>
        %select_n3A_1028 = arith.select %lt3A_1024, %add3A_1027, %xor3A_1021 : vector<16xi1>, vector<16xi32>
        %broadcast_in_dim3A_1029 = vector.shape_cast %select_n3A_1028 : vector<16xi32> to vector<16x1xi32>
        %gather3A_1030 = vector.shape_cast %broadcast_in_dim3A_1029 : vector<16x1xi32> to vector<16xi32>
        %gather3A_1031 = tpu.dynamic_gather %add3A_1018[%gather3A_1030] in [0] : vector<16xf32>, vector<16xi32> -> vector<16xf32>
        %add3A_1032 = arith.addf %add3A_1018, %gather3A_1031 : vector<16xf32>
        %mul3A_1033 = arith.constant 7.812500e-03 : f32
        %mul3A_1034 = vector.broadcast %mul3A_1033 : f32 to vector<16xf32>
        %mul3A_1035 = arith.mulf %add3A_1032, %mul3A_1034 : vector<16xf32>
        %mul3A_1036 = arith.mulf %max3A_948, %max3A_948 : vector<16xf32>
        %mul3A_1037 = arith.mulf %max3A_951, %max3A_951 : vector<16xf32>
        %mul3A_1038 = arith.mulf %max3A_954, %max3A_954 : vector<16xf32>
        %mul3A_1039 = arith.mulf %max3A_957, %max3A_957 : vector<16xf32>
        %mul3A_1040 = arith.mulf %max3A_960, %max3A_960 : vector<16xf32>
        %mul3A_1041 = arith.mulf %max3A_963, %max3A_963 : vector<16xf32>
        %mul3A_1042 = arith.mulf %max3A_966, %max3A_966 : vector<16xf32>
        %mul3A_1043 = arith.mulf %max3A_969, %max3A_969 : vector<16xf32>
        %add3A_1044 = arith.addf %mul3A_1036, %mul3A_1037 : vector<16xf32>
        %add3A_1045 = arith.addf %mul3A_1038, %mul3A_1039 : vector<16xf32>
        %add3A_1046 = arith.addf %mul3A_1040, %mul3A_1041 : vector<16xf32>
        %add3A_1047 = arith.addf %mul3A_1042, %mul3A_1043 : vector<16xf32>
        %add3A_1048 = arith.addf %add3A_1044, %add3A_1045 : vector<16xf32>
        %add3A_1049 = arith.addf %add3A_1046, %add3A_1047 : vector<16xf32>
        %add3A_1050 = arith.addf %add3A_1048, %add3A_1049 : vector<16xf32>
        %xor3A_1051 = arith.constant 1 : i32
        %xor3A_1052 = vector.broadcast %xor3A_1051 : i32 to vector<16xi32>
        %xor3A_1053 = arith.xori %iota3A, %xor3A_1052 : vector<16xi32>
        %lt3A_1054 = arith.constant 0 : i32
        %lt3A_1055 = vector.broadcast %lt3A_1054 : i32 to vector<16xi32>
        %lt3A_1056 = arith.cmpi slt, %xor3A_1053, %lt3A_1055 : vector<16xi32>
        %add3A_1057 = arith.constant 16 : i32
        %add3A_1058 = vector.broadcast %add3A_1057 : i32 to vector<16xi32>
        %add3A_1059 = arith.addi %xor3A_1053, %add3A_1058 : vector<16xi32>
        %select_n3A_1060 = arith.select %lt3A_1056, %add3A_1059, %xor3A_1053 : vector<16xi1>, vector<16xi32>
        %broadcast_in_dim3A_1061 = vector.shape_cast %select_n3A_1060 : vector<16xi32> to vector<16x1xi32>
        %gather3A_1062 = vector.shape_cast %broadcast_in_dim3A_1061 : vector<16x1xi32> to vector<16xi32>
        %gather3A_1063 = tpu.dynamic_gather %add3A_1050[%gather3A_1062] in [0] : vector<16xf32>, vector<16xi32> -> vector<16xf32>
        %add3A_1064 = arith.addf %add3A_1050, %gather3A_1063 : vector<16xf32>
        %xor3A_1065 = arith.constant 2 : i32
        %xor3A_1066 = vector.broadcast %xor3A_1065 : i32 to vector<16xi32>
        %xor3A_1067 = arith.xori %iota3A, %xor3A_1066 : vector<16xi32>
        %lt3A_1068 = arith.constant 0 : i32
        %lt3A_1069 = vector.broadcast %lt3A_1068 : i32 to vector<16xi32>
        %lt3A_1070 = arith.cmpi slt, %xor3A_1067, %lt3A_1069 : vector<16xi32>
        %add3A_1071 = arith.constant 16 : i32
        %add3A_1072 = vector.broadcast %add3A_1071 : i32 to vector<16xi32>
        %add3A_1073 = arith.addi %xor3A_1067, %add3A_1072 : vector<16xi32>
        %select_n3A_1074 = arith.select %lt3A_1070, %add3A_1073, %xor3A_1067 : vector<16xi1>, vector<16xi32>
        %broadcast_in_dim3A_1075 = vector.shape_cast %select_n3A_1074 : vector<16xi32> to vector<16x1xi32>
        %gather3A_1076 = vector.shape_cast %broadcast_in_dim3A_1075 : vector<16x1xi32> to vector<16xi32>
        %gather3A_1077 = tpu.dynamic_gather %add3A_1064[%gather3A_1076] in [0] : vector<16xf32>, vector<16xi32> -> vector<16xf32>
        %add3A_1078 = arith.addf %add3A_1064, %gather3A_1077 : vector<16xf32>
        %xor3A_1079 = arith.constant 4 : i32
        %xor3A_1080 = vector.broadcast %xor3A_1079 : i32 to vector<16xi32>
        %xor3A_1081 = arith.xori %iota3A, %xor3A_1080 : vector<16xi32>
        %lt3A_1082 = arith.constant 0 : i32
        %lt3A_1083 = vector.broadcast %lt3A_1082 : i32 to vector<16xi32>
        %lt3A_1084 = arith.cmpi slt, %xor3A_1081, %lt3A_1083 : vector<16xi32>
        %add3A_1085 = arith.constant 16 : i32
        %add3A_1086 = vector.broadcast %add3A_1085 : i32 to vector<16xi32>
        %add3A_1087 = arith.addi %xor3A_1081, %add3A_1086 : vector<16xi32>
        %select_n3A_1088 = arith.select %lt3A_1084, %add3A_1087, %xor3A_1081 : vector<16xi1>, vector<16xi32>
        %broadcast_in_dim3A_1089 = vector.shape_cast %select_n3A_1088 : vector<16xi32> to vector<16x1xi32>
        %gather3A_1090 = vector.shape_cast %broadcast_in_dim3A_1089 : vector<16x1xi32> to vector<16xi32>
        %gather3A_1091 = tpu.dynamic_gather %add3A_1078[%gather3A_1090] in [0] : vector<16xf32>, vector<16xi32> -> vector<16xf32>
        %add3A_1092 = arith.addf %add3A_1078, %gather3A_1091 : vector<16xf32>
        %xor3A_1093 = arith.constant 8 : i32
        %xor3A_1094 = vector.broadcast %xor3A_1093 : i32 to vector<16xi32>
        %xor3A_1095 = arith.xori %iota3A, %xor3A_1094 : vector<16xi32>
        %lt3A_1096 = arith.constant 0 : i32
        %lt3A_1097 = vector.broadcast %lt3A_1096 : i32 to vector<16xi32>
        %lt3A_1098 = arith.cmpi slt, %xor3A_1095, %lt3A_1097 : vector<16xi32>
        %add3A_1099 = arith.constant 16 : i32
        %add3A_1100 = vector.broadcast %add3A_1099 : i32 to vector<16xi32>
        %add3A_1101 = arith.addi %xor3A_1095, %add3A_1100 : vector<16xi32>
        %select_n3A_1102 = arith.select %lt3A_1098, %add3A_1101, %xor3A_1095 : vector<16xi1>, vector<16xi32>
        %broadcast_in_dim3A_1103 = vector.shape_cast %select_n3A_1102 : vector<16xi32> to vector<16x1xi32>
        %gather3A_1104 = vector.shape_cast %broadcast_in_dim3A_1103 : vector<16x1xi32> to vector<16xi32>
        %gather3A_1105 = tpu.dynamic_gather %add3A_1092[%gather3A_1104] in [0] : vector<16xf32>, vector<16xi32> -> vector<16xf32>
        %add3A_1106 = arith.addf %add3A_1092, %gather3A_1105 : vector<16xf32>
        %mul3A_1107 = arith.constant 7.812500e-03 : f32
        %mul3A_1108 = vector.broadcast %mul3A_1107 : f32 to vector<16xf32>
        %mul3A_1109 = arith.mulf %add3A_1106, %mul3A_1108 : vector<16xf32>
        %mul3A_1110 = arith.mulf %mul3A_1035, %mul3A_1035 : vector<16xf32>
        %sub3A_1111 = arith.subf %mul3A_1109, %mul3A_1110 : vector<16xf32>
        %add3A_1112 = arith.constant 1.000000e-03 : f32
        %add3A_1113 = vector.broadcast %add3A_1112 : f32 to vector<16xf32>
        %add3A_1114 = arith.addf %sub3A_1111, %add3A_1113 : vector<16xf32>
        %bitcast_convert_type3A_1115 = tpu.bitcast %add3A_1114 : vector<16xf32> -> vector<16xi32>
        %shift_right_arithmetic3A_1116 = arith.constant 1 : i32
        %shift_right_arithmetic3A_1117 = vector.broadcast %shift_right_arithmetic3A_1116 : i32 to vector<16xi32>
        %shift_right_arithmetic3A_1118 = arith.shrsi %bitcast_convert_type3A_1115, %shift_right_arithmetic3A_1117 : vector<16xi32>
        %sub3A_1119 = arith.constant 1597463007 : i32
        %sub3A_1120 = vector.broadcast %sub3A_1119 : i32 to vector<16xi32>
        %sub3A_1121 = arith.subi %sub3A_1120, %shift_right_arithmetic3A_1118 : vector<16xi32>
        %bitcast_convert_type3A_1122 = tpu.bitcast %sub3A_1121 : vector<16xi32> -> vector<16xf32>
        %mul3A_1123 = arith.constant 5.000000e-01 : f32
        %mul3A_1124 = vector.broadcast %mul3A_1123 : f32 to vector<16xf32>
        %mul3A_1125 = arith.mulf %add3A_1114, %mul3A_1124 : vector<16xf32>
        %mul3A_1126 = arith.mulf %mul3A_1125, %bitcast_convert_type3A_1122 : vector<16xf32>
        %mul3A_1127 = arith.mulf %mul3A_1126, %bitcast_convert_type3A_1122 : vector<16xf32>
        %sub3A_1128 = arith.constant 1.500000e+00 : f32
        %sub3A_1129 = vector.broadcast %sub3A_1128 : f32 to vector<16xf32>
        %sub3A_1130 = arith.subf %sub3A_1129, %mul3A_1127 : vector<16xf32>
        %mul3A_1131 = arith.mulf %bitcast_convert_type3A_1122, %sub3A_1130 : vector<16xf32>
        %mul3A_1132 = arith.mulf %mul3A_1125, %mul3A_1131 : vector<16xf32>
        %mul3A_1133 = arith.mulf %mul3A_1132, %mul3A_1131 : vector<16xf32>
        %sub3A_1134 = arith.constant 1.500000e+00 : f32
        %sub3A_1135 = vector.broadcast %sub3A_1134 : f32 to vector<16xf32>
        %sub3A_1136 = arith.subf %sub3A_1135, %mul3A_1133 : vector<16xf32>
        %mul3A_1137 = arith.mulf %mul3A_1131, %sub3A_1136 : vector<16xf32>
        %mul3A_1138 = arith.mulf %mul3A_1125, %mul3A_1137 : vector<16xf32>
        %mul3A_1139 = arith.mulf %mul3A_1138, %mul3A_1137 : vector<16xf32>
        %sub3A_1140 = arith.constant 1.500000e+00 : f32
        %sub3A_1141 = vector.broadcast %sub3A_1140 : f32 to vector<16xf32>
        %sub3A_1142 = arith.subf %sub3A_1141, %mul3A_1139 : vector<16xf32>
        %mul3A_1143 = arith.mulf %mul3A_1137, %sub3A_1142 : vector<16xf32>
        %sub3A_1144 = arith.subf %max3A_948, %mul3A_1035 : vector<16xf32>
        %mul3A_1145 = arith.mulf %sub3A_1144, %mul3A_1143 : vector<16xf32>
        %mul3A_1146 = arith.mulf %mul3A_1145, %get3A_8 : vector<16xf32>
        %add3A_1147 = arith.addf %mul3A_1146, %get3A_32 : vector<16xf32>
        %swap3A_1148 = arith.index_cast %add3A_833 : i32 to index
        %swap3A_1149 = arith.constant 0 : index
        %swap3A_1150 = tpu.vector_load %arg18[%swap3A_1148, %swap3A_1149] {strides = array<i32>} : memref<40x128xf32, #tpu.memory_space<vmem>>, vector<1x16xf32>,
        %swap3A_1151 = vector.shape_cast %swap3A_1150 : vector<1x16xf32> to vector<16xf32>
        %swap3A_1152 = vector.shape_cast %add3A_1147 : vector<16xf32> to vector<1x16xf32>
        tpu.vector_store %arg18[%swap3A_1148, %swap3A_1149], %swap3A_1152 {strides = array<i32>} : memref<40x128xf32, #tpu.memory_space<vmem>>, vector<1x16xf32>,
        %sub3A_1153 = arith.subf %max3A_951, %mul3A_1035 : vector<16xf32>
        %mul3A_1154 = arith.mulf %sub3A_1153, %mul3A_1143 : vector<16xf32>
        %mul3A_1155 = arith.mulf %mul3A_1154, %get3A_11 : vector<16xf32>
        %add3A_1156 = arith.addf %mul3A_1155, %get3A_35 : vector<16xf32>
        %swap3A_1157 = arith.index_cast %add3A_833 : i32 to index
        %swap3A_1158 = arith.constant 16 : index
        %swap3A_1159 = tpu.vector_load %arg18[%swap3A_1157, %swap3A_1158] {strides = array<i32>} : memref<40x128xf32, #tpu.memory_space<vmem>>, vector<1x16xf32>,
        %swap3A_1160 = vector.shape_cast %swap3A_1159 : vector<1x16xf32> to vector<16xf32>
        %swap3A_1161 = vector.shape_cast %add3A_1156 : vector<16xf32> to vector<1x16xf32>
        tpu.vector_store %arg18[%swap3A_1157, %swap3A_1158], %swap3A_1161 {strides = array<i32>} : memref<40x128xf32, #tpu.memory_space<vmem>>, vector<1x16xf32>,
        %sub3A_1162 = arith.subf %max3A_954, %mul3A_1035 : vector<16xf32>
        %mul3A_1163 = arith.mulf %sub3A_1162, %mul3A_1143 : vector<16xf32>
        %mul3A_1164 = arith.mulf %mul3A_1163, %get3A_14 : vector<16xf32>
        %add3A_1165 = arith.addf %mul3A_1164, %get3A_38 : vector<16xf32>
        %swap3A_1166 = arith.index_cast %add3A_833 : i32 to index
        %swap3A_1167 = arith.constant 32 : index
        %swap3A_1168 = tpu.vector_load %arg18[%swap3A_1166, %swap3A_1167] {strides = array<i32>} : memref<40x128xf32, #tpu.memory_space<vmem>>, vector<1x16xf32>,
        %swap3A_1169 = vector.shape_cast %swap3A_1168 : vector<1x16xf32> to vector<16xf32>
        %swap3A_1170 = vector.shape_cast %add3A_1165 : vector<16xf32> to vector<1x16xf32>
        tpu.vector_store %arg18[%swap3A_1166, %swap3A_1167], %swap3A_1170 {strides = array<i32>} : memref<40x128xf32, #tpu.memory_space<vmem>>, vector<1x16xf32>,
        %sub3A_1171 = arith.subf %max3A_957, %mul3A_1035 : vector<16xf32>
        %mul3A_1172 = arith.mulf %sub3A_1171, %mul3A_1143 : vector<16xf32>
        %mul3A_1173 = arith.mulf %mul3A_1172, %get3A_17 : vector<16xf32>
        %add3A_1174 = arith.addf %mul3A_1173, %get3A_41 : vector<16xf32>
        %swap3A_1175 = arith.index_cast %add3A_833 : i32 to index
        %swap3A_1176 = arith.constant 48 : index
        %swap3A_1177 = tpu.vector_load %arg18[%swap3A_1175, %swap3A_1176] {strides = array<i32>} : memref<40x128xf32, #tpu.memory_space<vmem>>, vector<1x16xf32>,
        %swap3A_1178 = vector.shape_cast %swap3A_1177 : vector<1x16xf32> to vector<16xf32>
        %swap3A_1179 = vector.shape_cast %add3A_1174 : vector<16xf32> to vector<1x16xf32>
        tpu.vector_store %arg18[%swap3A_1175, %swap3A_1176], %swap3A_1179 {strides = array<i32>} : memref<40x128xf32, #tpu.memory_space<vmem>>, vector<1x16xf32>,
        %sub3A_1180 = arith.subf %max3A_960, %mul3A_1035 : vector<16xf32>
        %mul3A_1181 = arith.mulf %sub3A_1180, %mul3A_1143 : vector<16xf32>
        %mul3A_1182 = arith.mulf %mul3A_1181, %get3A_20 : vector<16xf32>
        %add3A_1183 = arith.addf %mul3A_1182, %get3A_44 : vector<16xf32>
        %swap3A_1184 = arith.index_cast %add3A_833 : i32 to index
        %swap3A_1185 = arith.constant 64 : index
        %swap3A_1186 = tpu.vector_load %arg18[%swap3A_1184, %swap3A_1185] {strides = array<i32>} : memref<40x128xf32, #tpu.memory_space<vmem>>, vector<1x16xf32>,
        %swap3A_1187 = vector.shape_cast %swap3A_1186 : vector<1x16xf32> to vector<16xf32>
        %swap3A_1188 = vector.shape_cast %add3A_1183 : vector<16xf32> to vector<1x16xf32>
        tpu.vector_store %arg18[%swap3A_1184, %swap3A_1185], %swap3A_1188 {strides = array<i32>} : memref<40x128xf32, #tpu.memory_space<vmem>>, vector<1x16xf32>,
        %sub3A_1189 = arith.subf %max3A_963, %mul3A_1035 : vector<16xf32>
        %mul3A_1190 = arith.mulf %sub3A_1189, %mul3A_1143 : vector<16xf32>
        %mul3A_1191 = arith.mulf %mul3A_1190, %get3A_23 : vector<16xf32>
        %add3A_1192 = arith.addf %mul3A_1191, %get3A_47 : vector<16xf32>
        %swap3A_1193 = arith.index_cast %add3A_833 : i32 to index
        %swap3A_1194 = arith.constant 80 : index
        %swap3A_1195 = tpu.vector_load %arg18[%swap3A_1193, %swap3A_1194] {strides = array<i32>} : memref<40x128xf32, #tpu.memory_space<vmem>>, vector<1x16xf32>,
        %swap3A_1196 = vector.shape_cast %swap3A_1195 : vector<1x16xf32> to vector<16xf32>
        %swap3A_1197 = vector.shape_cast %add3A_1192 : vector<16xf32> to vector<1x16xf32>
        tpu.vector_store %arg18[%swap3A_1193, %swap3A_1194], %swap3A_1197 {strides = array<i32>} : memref<40x128xf32, #tpu.memory_space<vmem>>, vector<1x16xf32>,
        %sub3A_1198 = arith.subf %max3A_966, %mul3A_1035 : vector<16xf32>
        %mul3A_1199 = arith.mulf %sub3A_1198, %mul3A_1143 : vector<16xf32>
        %mul3A_1200 = arith.mulf %mul3A_1199, %get3A_26 : vector<16xf32>
        %add3A_1201 = arith.addf %mul3A_1200, %get3A_50 : vector<16xf32>
        %swap3A_1202 = arith.index_cast %add3A_833 : i32 to index
        %swap3A_1203 = arith.constant 96 : index
        %swap3A_1204 = tpu.vector_load %arg18[%swap3A_1202, %swap3A_1203] {strides = array<i32>} : memref<40x128xf32, #tpu.memory_space<vmem>>, vector<1x16xf32>,
        %swap3A_1205 = vector.shape_cast %swap3A_1204 : vector<1x16xf32> to vector<16xf32>
        %swap3A_1206 = vector.shape_cast %add3A_1201 : vector<16xf32> to vector<1x16xf32>
        tpu.vector_store %arg18[%swap3A_1202, %swap3A_1203], %swap3A_1206 {strides = array<i32>} : memref<40x128xf32, #tpu.memory_space<vmem>>, vector<1x16xf32>,
        %sub3A_1207 = arith.subf %max3A_969, %mul3A_1035 : vector<16xf32>
        %mul3A_1208 = arith.mulf %sub3A_1207, %mul3A_1143 : vector<16xf32>
        %mul3A_1209 = arith.mulf %mul3A_1208, %get3A_29 : vector<16xf32>
        %add3A_1210 = arith.addf %mul3A_1209, %get3A_53 : vector<16xf32>
        %swap3A_1211 = arith.index_cast %add3A_833 : i32 to index
        %swap3A_1212 = arith.constant 112 : index
        %swap3A_1213 = tpu.vector_load %arg18[%swap3A_1211, %swap3A_1212] {strides = array<i32>} : memref<40x128xf32, #tpu.memory_space<vmem>>, vector<1x16xf32>,
        %swap3A_1214 = vector.shape_cast %swap3A_1213 : vector<1x16xf32> to vector<16xf32>
        %swap3A_1215 = vector.shape_cast %add3A_1210 : vector<16xf32> to vector<1x16xf32>
        tpu.vector_store %arg18[%swap3A_1211, %swap3A_1212], %swap3A_1215 {strides = array<i32>} : memref<40x128xf32, #tpu.memory_space<vmem>>, vector<1x16xf32>,
      }
      %scan3A_436 = arith.constant 20 : i32
      %dma_start3A_437 = arith.constant 0 : i32
      %dma_start3A_438 = tpu.memref_slice %arg9[%add3A_388, %dma_start3A_437] : memref<320000x128xf32, #tpu.memory_space<hbm>> -> memref<40x128xf32, #tpu.memory_space<hbm>>
      %dma_start3A_439 = arith.constant 0 : i32
      %dma_start3A_440 = tpu.memref_slice %arg9[%add3A_388, %dma_start3A_439] : memref<320000x128xf32, #tpu.memory_space<hbm>> -> memref<40x128xf32, #tpu.memory_space<hbm>>
      tpu.enqueue_dma source(%arg18 : memref<40x128xf32, #tpu.memory_space<vmem>>) target(%dma_start3A_440 : memref<40x128xf32, #tpu.memory_space<hbm>>) target_semaphore(%arg31 : memref<!tpu.dma_semaphore, #tpu.memory_space<semaphore_mem>>)
      %dma_start3A_441 = arith.constant 0 : i32
      %dma_start3A_442 = arith.constant 0 : i32
      %dma_start3A_443 = tpu.memref_slice %arg24[%dma_start3A_441, %dma_start3A_442] : memref<1x40xi32, #tpu.memory_space<vmem>> -> memref<1x40xi32, #tpu.memory_space<vmem>>
      %dma_start3A_444 = tpu.memref_squeeze %dma_start3A_443 : memref<1x40xi32, #tpu.memory_space<vmem>> -> memref<40xi32, #tpu.memory_space<vmem>>
      %dma_start3A_445 = arith.constant 0 : i32
      %dma_start3A_446 = arith.constant 0 : i32
      %dma_start3A_447 = tpu.memref_slice %arg27[%dma_start3A_445, %dma_start3A_446] : memref<10000x128xf32, #tpu.memory_space<vmem_shared>> -> memref<10000x128xf32, #tpu.memory_space<vmem_shared>>
      tpu.enqueue_indirect_dma source(%arg18 : memref<40x128xf32, #tpu.memory_space<vmem>>) target(%dma_start3A_447 : memref<10000x128xf32, #tpu.memory_space<vmem_shared>>) offsets(%dma_start3A_444 : memref<40xi32, #tpu.memory_space<vmem>>) semaphore(%arg33 : memref<!tpu.dma_semaphore, #tpu.memory_space<semaphore_mem>>) {add = true}
    }
    %scan3A_284 = arith.constant 125 : i32
    %mul3A_285 = arith.constant 10000 : i32
    %mul3A_286 = arith.muli %add3A, %mul3A_285 : i32
    %add3A_287 = arith.constant 9960 : i32
    %add3A_288 = arith.addi %mul3A_286, %add3A_287 : i32
    %dma_wait3A = arith.constant 0 : i32
    %dma_wait3A_289 = tpu.memref_slice %arg9[%add3A_288, %dma_wait3A] : memref<320000x128xf32, #tpu.memory_space<hbm>> -> memref<40x128xf32, #tpu.memory_space<hbm>>
    %dma_wait3A_290 = arith.constant 0 : i32
    %dma_wait3A_291 = tpu.memref_slice %arg9[%add3A_288, %dma_wait3A_290] : memref<320000x128xf32, #tpu.memory_space<hbm>> -> memref<40x128xf32, #tpu.memory_space<hbm>>
    tpu.wait_dma2 semaphore(%arg30 : memref<!tpu.dma_semaphore, #tpu.memory_space<semaphore_mem>>) src(%arg17 : memref<40x128xf32, #tpu.memory_space<vmem>>) dst(%dma_wait3A_291 : memref<40x128xf32, #tpu.memory_space<hbm>>)
    %dma_wait3A_292 = arith.constant 0 : i32
    %dma_wait3A_293 = tpu.memref_slice %arg9[%add3A_288, %dma_wait3A_292] : memref<320000x128xf32, #tpu.memory_space<hbm>> -> memref<40x128xf32, #tpu.memory_space<hbm>>
    %dma_wait3A_294 = arith.constant 0 : i32
    %dma_wait3A_295 = tpu.memref_slice %arg9[%add3A_288, %dma_wait3A_294] : memref<320000x128xf32, #tpu.memory_space<hbm>> -> memref<40x128xf32, #tpu.memory_space<hbm>>
    tpu.wait_dma2 semaphore(%arg31 : memref<!tpu.dma_semaphore, #tpu.memory_space<semaphore_mem>>) src(%arg18 : memref<40x128xf32, #tpu.memory_space<vmem>>) dst(%dma_wait3A_295 : memref<40x128xf32, #tpu.memory_space<hbm>>)
    %dma_wait3A_296 = arith.constant 0 : i32
    %dma_wait3A_297 = arith.constant 0 : i32
    %dma_wait3A_298 = tpu.memref_slice %arg24[%dma_wait3A_296, %dma_wait3A_297] : memref<1x40xi32, #tpu.memory_space<vmem>> -> memref<1x40xi32, #tpu.memory_space<vmem>>
    %dma_wait3A_299 = tpu.memref_squeeze %dma_wait3A_298 : memref<1x40xi32, #tpu.memory_space<vmem>> -> memref<40xi32, #tpu.memory_space<vmem>>
    %dma_wait3A_300 = arith.constant 0 : i32
    %dma_wait3A_301 = arith.constant 0 : i32
    %dma_wait3A_302 = tpu.memref_slice %arg27[%dma_wait3A_300, %dma_wait3A_301] : memref<10000x128xf32, #tpu.memory_space<vmem_shared>> -> memref<10000x128xf32, #tpu.memory_space<vmem_shared>>
    tpu.wait_indirect_dma semaphore(%arg33 : memref<!tpu.dma_semaphore, #tpu.memory_space<semaphore_mem>>) src(%arg18 : memref<40x128xf32, #tpu.memory_space<vmem>>) dst(%dma_wait3A_302 : memref<10000x128xf32, #tpu.memory_space<vmem_shared>>)
    %barrier3A_303 = arith.constant 0 : index
    tpu.barrier barrier_id(%barrier3A_303)
    %lt3A_304 = arith.constant 15 : i32
    %lt3A_305 = arith.cmpi slt, %arg1, %lt3A_304 : i32
    %convert_element_type3A_306 = arith.extui %lt3A_305 : i1 to i32
    %cond3A_307 = arith.constant 0 : i32
    %cond3A_308 = arith.cmpi ne, %convert_element_type3A_306, %cond3A_307 : i32
    scf.if %cond3A_308 {
      %mul3A_314 = arith.constant 624 : i32
      %mul3A_315 = arith.muli %arg1, %mul3A_314 : i32
      %mul3A_316 = arith.constant 624 : i32
      %mul3A_317 = arith.muli %arg1, %mul3A_316 : i32
      "tpu.region"() ({
        %run_scoped3A = tpu.sem_alloc : memref<!tpu.dma_semaphore, #tpu.memory_space<semaphore_mem>>
        %dma_start3A_318 = arith.constant 0 : i32
        %dma_start3A_319 = tpu.memref_slice %arg10[%arg0, %mul3A_317, %dma_start3A_318] : memref<2x10000x128xf32, #tpu.memory_space<hbm>> -> memref<1x624x128xf32, #tpu.memory_space<hbm>>
        %dma_start3A_320 = tpu.memref_squeeze %dma_start3A_319 : memref<1x624x128xf32, #tpu.memory_space<hbm>> -> memref<624x128xf32, #tpu.memory_space<hbm>>
        %dma_start3A_321 = arith.constant 0 : i32
        %dma_start3A_322 = tpu.memref_slice %arg27[%mul3A_315, %dma_start3A_321] : memref<10000x128xf32, #tpu.memory_space<vmem_shared>> -> memref<624x128xf32, #tpu.memory_space<vmem_shared>>
        tpu.enqueue_dma source(%dma_start3A_322 : memref<624x128xf32, #tpu.memory_space<vmem_shared>>) target(%dma_start3A_320 : memref<624x128xf32, #tpu.memory_space<hbm>>) target_semaphore(%run_scoped3A : memref<!tpu.dma_semaphore, #tpu.memory_space<semaphore_mem>>)
        %dma_wait3A_323 = arith.constant 0 : i32
        %dma_wait3A_324 = tpu.memref_slice %arg10[%arg0, %mul3A_317, %dma_wait3A_323] : memref<2x10000x128xf32, #tpu.memory_space<hbm>> -> memref<1x624x128xf32, #tpu.memory_space<hbm>>
        %dma_wait3A_325 = tpu.memref_squeeze %dma_wait3A_324 : memref<1x624x128xf32, #tpu.memory_space<hbm>> -> memref<624x128xf32, #tpu.memory_space<hbm>>
        %dma_wait3A_326 = arith.constant 0 : i32
        %dma_wait3A_327 = tpu.memref_slice %arg27[%mul3A_315, %dma_wait3A_326] : memref<10000x128xf32, #tpu.memory_space<vmem_shared>> -> memref<624x128xf32, #tpu.memory_space<vmem_shared>>
        tpu.wait_dma2 semaphore(%run_scoped3A : memref<!tpu.dma_semaphore, #tpu.memory_space<semaphore_mem>>) src(%dma_wait3A_327 : memref<624x128xf32, #tpu.memory_space<vmem_shared>>) dst(%dma_wait3A_325 : memref<624x128xf32, #tpu.memory_space<hbm>>)
        tpu.yield
      }) : () -> ()
    } else {
    }
    %eq3A_309 = arith.constant 15 : i32
    %eq3A_310 = arith.cmpi eq, %arg1, %eq3A_309 : i32
    %convert_element_type3A_311 = arith.extui %eq3A_310 : i1 to i32
    %cond3A_312 = arith.constant 0 : i32
    %cond3A_313 = arith.cmpi ne, %convert_element_type3A_311, %cond3A_312 : i32
    scf.if %cond3A_313 {
      "tpu.region"() ({
        %run_scoped3A = tpu.sem_alloc : memref<!tpu.dma_semaphore, #tpu.memory_space<semaphore_mem>>
        %dma_start3A_314 = arith.constant 9360 : i32
        %dma_start3A_315 = arith.constant 0 : i32
        %dma_start3A_316 = tpu.memref_slice %arg10[%arg0, %dma_start3A_314, %dma_start3A_315] : memref<2x10000x128xf32, #tpu.memory_space<hbm>> -> memref<1x640x128xf32, #tpu.memory_space<hbm>>
        %dma_start3A_317 = tpu.memref_squeeze %dma_start3A_316 : memref<1x640x128xf32, #tpu.memory_space<hbm>> -> memref<640x128xf32, #tpu.memory_space<hbm>>
        %dma_start3A_318 = arith.constant 9360 : i32
        %dma_start3A_319 = arith.constant 0 : i32
        %dma_start3A_320 = tpu.memref_slice %arg27[%dma_start3A_318, %dma_start3A_319] : memref<10000x128xf32, #tpu.memory_space<vmem_shared>> -> memref<640x128xf32, #tpu.memory_space<vmem_shared>>
        tpu.enqueue_dma source(%dma_start3A_320 : memref<640x128xf32, #tpu.memory_space<vmem_shared>>) target(%dma_start3A_317 : memref<640x128xf32, #tpu.memory_space<hbm>>) target_semaphore(%run_scoped3A : memref<!tpu.dma_semaphore, #tpu.memory_space<semaphore_mem>>)
        %dma_wait3A_321 = arith.constant 9360 : i32
        %dma_wait3A_322 = arith.constant 0 : i32
        %dma_wait3A_323 = tpu.memref_slice %arg10[%arg0, %dma_wait3A_321, %dma_wait3A_322] : memref<2x10000x128xf32, #tpu.memory_space<hbm>> -> memref<1x640x128xf32, #tpu.memory_space<hbm>>
        %dma_wait3A_324 = tpu.memref_squeeze %dma_wait3A_323 : memref<1x640x128xf32, #tpu.memory_space<hbm>> -> memref<640x128xf32, #tpu.memory_space<hbm>>
        %dma_wait3A_325 = arith.constant 9360 : i32
        %dma_wait3A_326 = arith.constant 0 : i32
        %dma_wait3A_327 = tpu.memref_slice %arg27[%dma_wait3A_325, %dma_wait3A_326] : memref<10000x128xf32, #tpu.memory_space<vmem_shared>> -> memref<640x128xf32, #tpu.memory_space<vmem_shared>>
        tpu.wait_dma2 semaphore(%run_scoped3A : memref<!tpu.dma_semaphore, #tpu.memory_space<semaphore_mem>>) src(%dma_wait3A_327 : memref<640x128xf32, #tpu.memory_space<vmem_shared>>) dst(%dma_wait3A_324 : memref<640x128xf32, #tpu.memory_space<hbm>>)
        tpu.yield
      }) : () -> ()
    } else {
    }
    return
  }
}

module attributes {stable_mosaic.version = 14 : i64} {
  func.func @_proj_nodes_body(%arg0: i32, %arg1: memref<2000x128xf32, #tpu.memory_space<vmem>>, %arg2: memref<128x256xf32, #tpu.memory_space<vmem>>, %arg3: memref<2000x128xf32, #tpu.memory_space<vmem>>, %arg4: memref<2000x128xf32, #tpu.memory_space<vmem>>) attributes {dimension_semantics = [#tpu.dimension_semantics<arbitrary>], iteration_bounds = array<i64: 5>, scalar_prefetch = 0 : i64, scratch_operands = 0 : i64, tpu.core_type = #tpu.core_type<tc>, window_params = [{transform_indices = @transform_0, window_bounds = array<i64: 2000, 128>}, {pipeline_mode = #tpu.pipeline_mode<synchronous>, transform_indices = @transform_1, window_bounds = array<i64: 128, 256>}, {transform_indices = @transform_2, window_bounds = array<i64: 2000, 128>}, {transform_indices = @transform_3, window_bounds = array<i64: 2000, 128>}]} {
    %get3A = arith.constant 0 : index
    %get3A_0 = arith.constant 0 : index
    %get3A_1 = vector.load %arg1[%get3A, %get3A_0] : memref<2000x128xf32, #tpu.memory_space<vmem>>, vector<2000x128xf32>
    %get3A_2 = arith.constant 0 : index
    %get3A_3 = arith.constant 0 : index
    %get3A_4 = vector.load %arg2[%get3A_2, %get3A_3] : memref<128x256xf32, #tpu.memory_space<vmem>>, vector<128x256xf32>
    %dot_general3A = arith.constant dense<0.000000e+00> : vector<2000x256xf32>
    %dot_general3A_5 = tpu.matmul %get3A_1, %get3A_4, %dot_general3A {dimension_numbers = #tpu.dot_dimension_numbers<[1], [0], [0], [1], [0, 0, 1, 1], [], []>, transpose_lhs_hint = false} : vector<2000x128xf32>, vector<128x256xf32>, vector<2000x256xf32> -> vector<2000x256xf32>
    %slice3A = vector.extract_strided_slice %dot_general3A_5 {offsets = [0, 0], sizes = [2000, 128], strides = [1, 1]} : vector<2000x256xf32> to vector<2000x128xf32>
    %swap3A = arith.constant 0 : index
    %swap3A_6 = arith.constant 0 : index
    %swap3A_7 = vector.load %arg3[%swap3A, %swap3A_6] : memref<2000x128xf32, #tpu.memory_space<vmem>>, vector<2000x128xf32>
    tpu.vector_store %arg3[%swap3A, %swap3A_6], %slice3A {strides = array<i32>} : memref<2000x128xf32, #tpu.memory_space<vmem>>, vector<2000x128xf32>,
    %slice3A_8 = vector.extract_strided_slice %dot_general3A_5 {offsets = [0, 128], sizes = [2000, 128], strides = [1, 1]} : vector<2000x256xf32> to vector<2000x128xf32>
    %swap3A_9 = arith.constant 0 : index
    %swap3A_10 = arith.constant 0 : index
    %swap3A_11 = vector.load %arg4[%swap3A_9, %swap3A_10] : memref<2000x128xf32, #tpu.memory_space<vmem>>, vector<2000x128xf32>
    tpu.vector_store %arg4[%swap3A_9, %swap3A_10], %slice3A_8 {strides = array<i32>} : memref<2000x128xf32, #tpu.memory_space<vmem>>, vector<2000x128xf32>,
    return
  }
  func.func @transform_0(%arg0: i32) -> (i32, i32) {
    %c0_i32 = arith.constant 0 : i32
    %c0_i32_0 = arith.constant 0 : i32
    return %arg0, %c0_i32 : i32, i32
  }
  func.func @transform_1(%arg0: i32) -> (i32, i32) {
    %c0_i32 = arith.constant 0 : i32
    %c0_i32_0 = arith.constant 0 : i32
    %c0_i32_1 = arith.constant 0 : i32
    return %c0_i32, %c0_i32_0 : i32, i32
  }
  func.func @transform_2(%arg0: i32) -> (i32, i32) {
    %c0_i32 = arith.constant 0 : i32
    %c0_i32_0 = arith.constant 0 : i32
    return %arg0, %c0_i32 : i32, i32
  }
  func.func @transform_3(%arg0: i32) -> (i32, i32) {
    %c0_i32 = arith.constant 0 : i32
    %c0_i32_0 = arith.constant 0 : i32
    return %arg0, %c0_i32 : i32, i32
  }
}

module attributes {stable_mosaic.version = 14 : i64} {
  func.func @_proj_edges_body(%arg0: i32, %arg1: memref<6400x16xf32, #tpu.memory_space<vmem>>, %arg2: memref<16x128xf32, #tpu.memory_space<vmem>>, %arg3: memref<1x128xf32, #tpu.memory_space<vmem>>, %arg4: memref<6400x128xf32, #tpu.memory_space<vmem>>) attributes {dimension_semantics = [#tpu.dimension_semantics<arbitrary>], iteration_bounds = array<i64: 50>, scalar_prefetch = 0 : i64, scratch_operands = 0 : i64, tpu.core_type = #tpu.core_type<tc>, window_params = [{transform_indices = @transform_0, window_bounds = array<i64: 6400, 16>}, {pipeline_mode = #tpu.pipeline_mode<synchronous>, transform_indices = @transform_1, window_bounds = array<i64: 16, 128>}, {pipeline_mode = #tpu.pipeline_mode<synchronous>, transform_indices = @transform_2, window_bounds = array<i64: 1, 128>}, {transform_indices = @transform_3, window_bounds = array<i64: 6400, 128>}]} {
    %get3A = arith.constant 0 : index
    %get3A_0 = arith.constant 0 : index
    %get3A_1 = vector.load %arg1[%get3A, %get3A_0] : memref<6400x16xf32, #tpu.memory_space<vmem>>, vector<6400x16xf32>
    %get3A_2 = arith.constant 0 : index
    %get3A_3 = arith.constant 0 : index
    %get3A_4 = vector.load %arg2[%get3A_2, %get3A_3] : memref<16x128xf32, #tpu.memory_space<vmem>>, vector<16x128xf32>
    %dot_general3A = arith.constant dense<0.000000e+00> : vector<6400x128xf32>
    %dot_general3A_5 = tpu.matmul %get3A_1, %get3A_4, %dot_general3A {dimension_numbers = #tpu.dot_dimension_numbers<[1], [0], [0], [1], [0, 0, 1, 1], [], []>, transpose_lhs_hint = false} : vector<6400x16xf32>, vector<16x128xf32>, vector<6400x128xf32> -> vector<6400x128xf32>
    %get3A_6 = arith.constant 0 : index
    %get3A_7 = arith.constant 0 : index
    %get3A_8 = vector.load %arg3[%get3A_6, %get3A_7] : memref<1x128xf32, #tpu.memory_space<vmem>>, vector<1x128xf32>
    %add3A = vector.broadcast %get3A_8 : vector<1x128xf32> to vector<6400x128xf32>
    %add3A_9 = arith.addf %dot_general3A_5, %add3A : vector<6400x128xf32>
    %swap3A = arith.constant 0 : index
    %swap3A_10 = arith.constant 0 : index
    %swap3A_11 = vector.load %arg4[%swap3A, %swap3A_10] : memref<6400x128xf32, #tpu.memory_space<vmem>>, vector<6400x128xf32>
    tpu.vector_store %arg4[%swap3A, %swap3A_10], %add3A_9 {strides = array<i32>} : memref<6400x128xf32, #tpu.memory_space<vmem>>, vector<6400x128xf32>,
    return
  }
  func.func @transform_0(%arg0: i32) -> (i32, i32) {
    %c0_i32 = arith.constant 0 : i32
    %c0_i32_0 = arith.constant 0 : i32
    return %arg0, %c0_i32 : i32, i32
  }
  func.func @transform_1(%arg0: i32) -> (i32, i32) {
    %c0_i32 = arith.constant 0 : i32
    %c0_i32_0 = arith.constant 0 : i32
    %c0_i32_1 = arith.constant 0 : i32
    return %c0_i32, %c0_i32_0 : i32, i32
  }
  func.func @transform_2(%arg0: i32) -> (i32, i32) {
    %c0_i32 = arith.constant 0 : i32
    %c0_i32_0 = arith.constant 0 : i32
    %c0_i32_1 = arith.constant 0 : i32
    return %c0_i32, %c0_i32_0 : i32, i32
  }
  func.func @transform_3(%arg0: i32) -> (i32, i32) {
    %c0_i32 = arith.constant 0 : i32
    %c0_i32_0 = arith.constant 0 : i32
    return %arg0, %c0_i32 : i32, i32
  }
}

module attributes {stable_mosaic.version = 14 : i64} {
  func.func @_update_body(%arg0: i32, %arg1: memref<2000x128xf32, #tpu.memory_space<vmem>>, %arg2: memref<2000x128xf32, #tpu.memory_space<vmem>>, %arg3: memref<2000x128xf32, #tpu.memory_space<vmem>>, %arg4: memref<128x128xf32, #tpu.memory_space<vmem>>, %arg5: memref<128x128xf32, #tpu.memory_space<vmem>>, %arg6: memref<1x128xf32, #tpu.memory_space<vmem>>, %arg7: memref<1x128xf32, #tpu.memory_space<vmem>>, %arg8: memref<1x128xf32, #tpu.memory_space<vmem>>, %arg9: memref<2000x128xf32, #tpu.memory_space<vmem>>) attributes {dimension_semantics = [#tpu.dimension_semantics<arbitrary>], iteration_bounds = array<i64: 5>, scalar_prefetch = 0 : i64, scratch_operands = 0 : i64, tpu.core_type = #tpu.core_type<tc>, window_params = [{transform_indices = @transform_0, window_bounds = array<i64: 2000, 128>}, {transform_indices = @transform_1, window_bounds = array<i64: 2000, 128>}, {transform_indices = @transform_2, window_bounds = array<i64: 2000, 128>}, {pipeline_mode = #tpu.pipeline_mode<synchronous>, transform_indices = @transform_3, window_bounds = array<i64: 128, 128>}, {pipeline_mode = #tpu.pipeline_mode<synchronous>, transform_indices = @transform_4, window_bounds = array<i64: 128, 128>}, {pipeline_mode = #tpu.pipeline_mode<synchronous>, transform_indices = @transform_5, window_bounds = array<i64: 1, 128>}, {pipeline_mode = #tpu.pipeline_mode<synchronous>, transform_indices = @transform_6, window_bounds = array<i64: 1, 128>}, {pipeline_mode = #tpu.pipeline_mode<synchronous>, transform_indices = @transform_7, window_bounds = array<i64: 1, 128>}, {transform_indices = @transform_8, window_bounds = array<i64: 2000, 128>}]} {
    %get3A = arith.constant 0 : index
    %get3A_0 = arith.constant 0 : index
    %get3A_1 = vector.load %arg2[%get3A, %get3A_0] : memref<2000x128xf32, #tpu.memory_space<vmem>>, vector<2000x128xf32>
    %get3A_2 = arith.constant 0 : index
    %get3A_3 = arith.constant 0 : index
    %get3A_4 = vector.load %arg3[%get3A_2, %get3A_3] : memref<2000x128xf32, #tpu.memory_space<vmem>>, vector<2000x128xf32>
    %add3A = arith.addf %get3A_1, %get3A_4 : vector<2000x128xf32>
    %get3A_5 = arith.constant 0 : index
    %get3A_6 = arith.constant 0 : index
    %get3A_7 = vector.load %arg1[%get3A_5, %get3A_6] : memref<2000x128xf32, #tpu.memory_space<vmem>>, vector<2000x128xf32>
    %get3A_8 = arith.constant 0 : index
    %get3A_9 = arith.constant 0 : index
    %get3A_10 = vector.load %arg4[%get3A_8, %get3A_9] : memref<128x128xf32, #tpu.memory_space<vmem>>, vector<128x128xf32>
    %dot_general3A = arith.constant dense<0.000000e+00> : vector<2000x128xf32>
    %dot_general3A_11 = tpu.matmul %get3A_7, %get3A_10, %dot_general3A {dimension_numbers = #tpu.dot_dimension_numbers<[1], [0], [0], [1], [0, 0, 1, 1], [], []>, transpose_lhs_hint = false} : vector<2000x128xf32>, vector<128x128xf32>, vector<2000x128xf32> -> vector<2000x128xf32>
    %get3A_12 = arith.constant 0 : index
    %get3A_13 = arith.constant 0 : index
    %get3A_14 = vector.load %arg5[%get3A_12, %get3A_13] : memref<128x128xf32, #tpu.memory_space<vmem>>, vector<128x128xf32>
    %dot_general3A_15 = arith.constant dense<0.000000e+00> : vector<2000x128xf32>
    %dot_general3A_16 = tpu.matmul %add3A, %get3A_14, %dot_general3A_15 {dimension_numbers = #tpu.dot_dimension_numbers<[1], [0], [0], [1], [0, 0, 1, 1], [], []>, transpose_lhs_hint = false} : vector<2000x128xf32>, vector<128x128xf32>, vector<2000x128xf32> -> vector<2000x128xf32>
    %add3A_17 = arith.addf %dot_general3A_11, %dot_general3A_16 : vector<2000x128xf32>
    %get3A_18 = arith.constant 0 : index
    %get3A_19 = arith.constant 0 : index
    %get3A_20 = vector.load %arg6[%get3A_18, %get3A_19] : memref<1x128xf32, #tpu.memory_space<vmem>>, vector<1x128xf32>
    %add3A_21 = vector.broadcast %get3A_20 : vector<1x128xf32> to vector<2000x128xf32>
    %add3A_22 = arith.addf %add3A_17, %add3A_21 : vector<2000x128xf32>
    %max3A = arith.constant 0.000000e+00 : f32
    %max3A_23 = vector.broadcast %max3A : f32 to vector<2000x128xf32>
    %max3A_24 = arith.maximumf %add3A_22, %max3A_23 : vector<2000x128xf32>
    %reduce_sum3A = arith.constant dense<0.000000e+00> : vector<2000xf32>
    %reduce_sum3A_25 = vector.multi_reduction <add>, %max3A_24, %reduce_sum3A [1] : vector<2000x128xf32> to vector<2000xf32>
    %broadcast_in_dim3A = vector.shape_cast %reduce_sum3A_25 : vector<2000xf32> to vector<2000x1xf32>
    %div3A = arith.constant 1.280000e+02 : f32
    %div3A_26 = vector.broadcast %div3A : f32 to vector<2000x1xf32>
    %div3A_27 = arith.divf %broadcast_in_dim3A, %div3A_26 : vector<2000x1xf32>
    %sub3A = vector.broadcast %div3A_27 : vector<2000x1xf32> to vector<2000x128xf32>
    %sub3A_28 = arith.subf %max3A_24, %sub3A : vector<2000x128xf32>
    %square3A = arith.mulf %sub3A_28, %sub3A_28 : vector<2000x128xf32>
    %reduce_sum3A_29 = arith.constant dense<0.000000e+00> : vector<2000xf32>
    %reduce_sum3A_30 = vector.multi_reduction <add>, %square3A, %reduce_sum3A_29 [1] : vector<2000x128xf32> to vector<2000xf32>
    %broadcast_in_dim3A_31 = vector.shape_cast %reduce_sum3A_30 : vector<2000xf32> to vector<2000x1xf32>
    %div3A_32 = arith.constant 1.280000e+02 : f32
    %div3A_33 = vector.broadcast %div3A_32 : f32 to vector<2000x1xf32>
    %div3A_34 = arith.divf %broadcast_in_dim3A_31, %div3A_33 : vector<2000x1xf32>
    %sub3A_35 = vector.broadcast %div3A_27 : vector<2000x1xf32> to vector<2000x128xf32>
    %sub3A_36 = arith.subf %max3A_24, %sub3A_35 : vector<2000x128xf32>
    %add3A_37 = arith.constant 1.000000e-03 : f32
    %add3A_38 = vector.broadcast %add3A_37 : f32 to vector<2000x1xf32>
    %add3A_39 = arith.addf %div3A_34, %add3A_38 : vector<2000x1xf32>
    %rsqrt3A = math.rsqrt %add3A_39 : vector<2000x1xf32>
    %mul3A = vector.broadcast %rsqrt3A : vector<2000x1xf32> to vector<2000x128xf32>
    %mul3A_40 = arith.mulf %sub3A_36, %mul3A : vector<2000x128xf32>
    %get3A_41 = arith.constant 0 : index
    %get3A_42 = arith.constant 0 : index
    %get3A_43 = vector.load %arg7[%get3A_41, %get3A_42] : memref<1x128xf32, #tpu.memory_space<vmem>>, vector<1x128xf32>
    %mul3A_44 = vector.broadcast %get3A_43 : vector<1x128xf32> to vector<2000x128xf32>
    %mul3A_45 = arith.mulf %mul3A_40, %mul3A_44 : vector<2000x128xf32>
    %get3A_46 = arith.constant 0 : index
    %get3A_47 = arith.constant 0 : index
    %get3A_48 = vector.load %arg8[%get3A_46, %get3A_47] : memref<1x128xf32, #tpu.memory_space<vmem>>, vector<1x128xf32>
    %add3A_49 = vector.broadcast %get3A_48 : vector<1x128xf32> to vector<2000x128xf32>
    %add3A_50 = arith.addf %mul3A_45, %add3A_49 : vector<2000x128xf32>
    %swap3A = arith.constant 0 : index
    %swap3A_51 = arith.constant 0 : index
    %swap3A_52 = vector.load %arg9[%swap3A, %swap3A_51] : memref<2000x128xf32, #tpu.memory_space<vmem>>, vector<2000x128xf32>
    tpu.vector_store %arg9[%swap3A, %swap3A_51], %add3A_50 {strides = array<i32>} : memref<2000x128xf32, #tpu.memory_space<vmem>>, vector<2000x128xf32>,
    return
  }
  func.func @transform_0(%arg0: i32) -> (i32, i32) {
    %c0_i32 = arith.constant 0 : i32
    %c0_i32_0 = arith.constant 0 : i32
    return %arg0, %c0_i32 : i32, i32
  }
  func.func @transform_1(%arg0: i32) -> (i32, i32) {
    %c0_i32 = arith.constant 0 : i32
    %c0_i32_0 = arith.constant 0 : i32
    return %arg0, %c0_i32 : i32, i32
  }
  func.func @transform_2(%arg0: i32) -> (i32, i32) {
    %c0_i32 = arith.constant 0 : i32
    %c0_i32_0 = arith.constant 0 : i32
    return %arg0, %c0_i32 : i32, i32
  }
  func.func @transform_3(%arg0: i32) -> (i32, i32) {
    %c0_i32 = arith.constant 0 : i32
    %c0_i32_0 = arith.constant 0 : i32
    %c0_i32_1 = arith.constant 0 : i32
    return %c0_i32, %c0_i32_0 : i32, i32
  }
  func.func @transform_4(%arg0: i32) -> (i32, i32) {
    %c0_i32 = arith.constant 0 : i32
    %c0_i32_0 = arith.constant 0 : i32
    %c0_i32_1 = arith.constant 0 : i32
    return %c0_i32, %c0_i32_0 : i32, i32
  }
  func.func @transform_5(%arg0: i32) -> (i32, i32) {
    %c0_i32 = arith.constant 0 : i32
    %c0_i32_0 = arith.constant 0 : i32
    %c0_i32_1 = arith.constant 0 : i32
    return %c0_i32, %c0_i32_0 : i32, i32
  }
  func.func @transform_6(%arg0: i32) -> (i32, i32) {
    %c0_i32 = arith.constant 0 : i32
    %c0_i32_0 = arith.constant 0 : i32
    %c0_i32_1 = arith.constant 0 : i32
    return %c0_i32, %c0_i32_0 : i32, i32
  }
  func.func @transform_7(%arg0: i32) -> (i32, i32) {
    %c0_i32 = arith.constant 0 : i32
    %c0_i32_0 = arith.constant 0 : i32
    %c0_i32_1 = arith.constant 0 : i32
    return %c0_i32, %c0_i32_0 : i32, i32
  }
  func.func @transform_8(%arg0: i32) -> (i32, i32) {
    %c0_i32 = arith.constant 0 : i32
    %c0_i32_0 = arith.constant 0 : i32
    return %arg0, %c0_i32 : i32, i32
  }
}

</mosaic_0001>

<sc_bundles>
// kernel: kernel.6.cloned.1.call-start
scs
__scs_entry_jumppad:
0x0: {  	(pc) =	sbr.rel $0x88, $3  }
0x1: {  	(tag) =	ssettag $0x0;
	lr =	simm.s32 $0x1  }
0x2: {  	[smem:$0x3F96] =	sst lr;
	_ =	strace $0xD0000000  }
0x3: {  	_ = 	snop  }
0x4: {  	_ = 	snop  }
0x5: {  	_ = 	snop  }
0x6: {  	_ = 	snop  }
0x7: {  	_ = 	snop  }
__scs_overlays_trampoline_lowered:
0x8: {  	[smem:$0x3FA5] =	sst s0  }
0x9: {  	[smem:$0x3FA6] =	sst s1  }
0xa: {  	[smem:$0x3FA7] =	sst s2  }
0xb: {  	[smem:$0x3FA8] =	sst s3  }
0xc: {  	[smem:$0x3FA9] =	sst s4  }
0xd: {  	[smem:$0x3FAA] =	sst s5  }
0xe: {  	[smem:$0x3FAB] =	sst s6  }
0xf: {  	[smem:$0x3FAC] =	sst s7  }
0x10: {  	[smem:$0x3FAD] =	sst s8  }
0x11: {  	[smem:$0x3FAE] =	sst s9;
	s0 =	simm.s32 @!p0 $0x0  }
0x12: {  	s1 =	sld [smem:$0x3F94];
	s0 =	simm.s32 @p0 $0x1  }
0x13: {  	[smem:$0x3FAF] =	sst s0;
	s0 =	simm.s32 @!p1 $0x0  }
0x14: {  	s2 =	sld [smem:$0x3F93];
	s0 =	simm.s32 @p1 $0x1  }
0x15: {  	[smem:$0x3FB0] =	sst s0;
	s0 =	simm.s32 @!p2 $0x0  }
0x16: {  	s3 =	sld [smem:$0x3FDB];
	s0 =	simm.s32 @p2 $0x1  }
0x17: {  	s4 =	simm.s32 $0x1BF5;
	[smem:$0x3FB2] =	sst s0  }
0x18: {  	s0 =	sld [smem:$0x3F95];
	_ =	swait.ge [sflag:s4], $0x0  }
0x19: {  	s7 =	sld [smem:$0x3F96]  }
0x1a: {  	s8 =	sadd.s32 $0xFFFFE003, lr  }
0x1b: {  	s9 =	sadd.s32 $0xFFFFFEF7, lr;
	s5 =	simm.s32 $0xFFFFFFFF;
	p2 =	slt.u32 s8, $0xFFFFF086  }
0x1c: {  	p1 =	slt.u32 s9, $0xF7A;
	s5 =	simm.s32 @!p2 $0x0  }
0x1d: {  	s5 =	simm.s32 @p1 $0x1;
	p0 =	seq.s32 s7, s2  }
0x1e: {  	s7 =	smul.u32 @!p0 $0xF7A, s2;
	p2 =	seq.s32 @!p0 s5, $0x0  }
0x1f: {  	s9 =	smul.u32 $0xF7A, s1;
	s8 =	simm.s32 @!p0 $0x1BF5;
	p2 =	por !p2, p0  }
0x20: {  	[sflag:s8] =	ssyncset.s32 @!p0 $0xFFFFF086;
	s6 =	sadd.s32 @!p0 s3, s7;
	s7 =	simm.s32 @!p0 $0x108  }
0x21: {  	s3 =	sadd.s32 s3, s9;
	s6 =	sadd.s32 @!p0 $0x88, s6;
	s7 =	simm.s32 @p2 $0x1082  }
0x22: {  	[simem:s7], [sflag:s8] =	dma.local @!p0 [hbm:s6], $0xF7A  }
0x23: {  	s9 =	sor.u32 $0xD0000000, s2;
	s6 =	simm.s32 $0x108;
	_ =	swait.ge @!p0 [sflag:s8], $0x0  }
0x24: {  	s3 =	sadd.s32 $0x88, s3;
	s6 =	simm.s32 @!p1 $0x1082;
	[sflag:s4] =	ssyncset.s32 $0xFFFFF086  }
0x25: {  	[simem:s6], [sflag:s4] =	dma.local [hbm:s3], $0xF7A  }
0x26: {  	[smem:$0x3F96] =	sst s1;
	(tag) =	ssettag s2;
	_ =	strace s9  }
0x27: {  	s1 =	sld [smem:$0x3FA6]  }
0x28: {  	s2 =	sld [smem:$0x3FA7]  }
0x29: {  	s4 =	sld [smem:$0x3FA9]  }
0x2a: {  	p0 =	seq.s32 s5, $0x0;
	s5 =	sld [smem:$0x3FAA]  }
0x2b: {  	s6 =	sld [smem:$0x3FAB]  }
0x2c: {  	s7 =	sld [smem:$0x3FAC]  }
0x2d: {  	s3 =	simm.s32 $0x108;
	s8 =	sld [smem:$0x3FAD]  }
0x2e: {  	s3 =	simm.s32 @!p0 $0x1082;
	s9 =	sld [smem:$0x3FAE]  }
0x2f: {  	lr =	sadd.s32 s0, s3;
	s0 =	sld [smem:$0x3FA5]  }
0x30: {  	s3 =	sld [smem:$0x3FA8]  }
0x31: {  	[smem:$0x3FB1] =	sst s10  }
0x32: {  	s10 =	sld [smem:$0x3FAF];
	_ =	sdelay $0x3  }
0x33: {  	p0 =	seq.s32 s10, $0x1;
	s10 =	sld [smem:$0x3FB1];
	_ =	sdelay $0x3  }
0x34: {  	[smem:$0x3FB1] =	sst s10  }
0x35: {  	s10 =	sld [smem:$0x3FB0];
	_ =	sdelay $0x3  }
0x36: {  	p1 =	seq.s32 s10, $0x1;
	s10 =	sld [smem:$0x3FB1];
	_ =	sdelay $0x3  }
0x37: {  	[smem:$0x3FB1] =	sst s10  }
0x38: {  	s10 =	sld [smem:$0x3FB2]  }
0x39: {  	_ = 	snop;
	(pc) =	sbr.ind lr, $3  }
0x3a: {  	_ = 	snop  }
0x3b: {  	_ = 	snop  }
0x3c: {  	p2 =	seq.s32 s10, $0x1;
	s10 =	sld [smem:$0x3FB1]  }
0x3d: {  	_ =	shalt  }
0x3e: {  	_ =	shalt  }
0x3f: {  	_ =	shalt  }
0x40: {  	_ =	shalt  }
0x41: {  	_ =	shalt  }
0x42: {  	_ =	shalt  }
0x43: {  	_ =	shalt  }
0x44: {  	_ =	shalt  }
0x45: {  	_ =	shalt  }
0x46: {  	_ =	shalt  }
0x47: {  	_ =	shalt  }
0x48: {  	_ =	shalt  }
0x49: {  	_ =	shalt  }
0x4a: {  	_ =	shalt  }
0x4b: {  	_ =	shalt  }
0x4c: {  	_ =	shalt  }
0x4d: {  	_ =	shalt  }
0x4e: {  	_ =	shalt  }
0x4f: {  	_ =	shalt  }
0x50: {  	_ =	shalt  }
0x51: {  	_ =	shalt  }
0x52: {  	_ =	shalt  }
0x53: {  	_ =	shalt  }
0x54: {  	_ =	shalt  }
0x55: {  	_ =	shalt  }
0x56: {  	_ =	shalt  }
0x57: {  	_ =	shalt  }
0x58: {  	_ =	shalt  }
0x59: {  	_ =	shalt  }
0x5a: {  	_ =	shalt  }
0x5b: {  	_ =	shalt  }
0x5c: {  	_ =	shalt  }
0x5d: {  	_ =	shalt  }
0x5e: {  	_ =	shalt  }
0x5f: {  	_ =	shalt  }
0x60: {  	_ =	shalt  }
0x61: {  	_ =	shalt  }
0x62: {  	_ =	shalt  }
0x63: {  	_ =	shalt  }
0x64: {  	_ =	shalt  }
0x65: {  	_ =	shalt  }
0x66: {  	_ =	shalt  }
0x67: {  	_ =	shalt  }
0x68: {  	_ =	shalt  }
0x69: {  	_ =	shalt  }
0x6a: {  	_ =	shalt  }
0x6b: {  	_ =	shalt  }
0x6c: {  	_ =	shalt  }
0x6d: {  	_ =	shalt  }
0x6e: {  	_ =	shalt  }
0x6f: {  	_ =	shalt  }
0x70: {  	_ =	shalt  }
0x71: {  	_ =	shalt  }
0x72: {  	_ =	shalt  }
0x73: {  	_ =	shalt  }
0x74: {  	_ =	shalt  }
0x75: {  	_ =	shalt  }
0x76: {  	_ =	shalt  }
0x77: {  	_ =	shalt  }
0x78: {  	_ =	shalt  }
0x79: {  	_ =	shalt  }
0x7a: {  	_ =	shalt  }
0x7b: {  	_ =	shalt  }
0x7c: {  	_ =	shalt  }
0x7d: {  	_ =	shalt  }
0x7e: {  	_ =	shalt  }
0x7f: {  	_ =	shalt  }
0x80: {  	_ =	shalt  }
0x81: {  	_ =	shalt  }
0x82: {  	_ =	shalt  }
0x83: {  	_ =	shalt  }
0x84: {  	_ =	shalt  }
0x85: {  	_ =	shalt  }
0x86: {  	_ =	shalt  }
0x87: {  	_ =	shalt  }
.Lfunc_end0:
.L_simem_size_0:
called_computation_lowered:
.L_overlay_start_0:
0x88: {  	s2 =	sld [smem:$0x3FD9]  }
0x89: {  	s3 =	sld [smem:$0x3FFE];
	_ =	sdelay $0x1  }
0x8a: {  	s1 =	srdreg.scid  }
0x8b: {  	s0 =	sand.u32 $0x1, s1  }
0x8c: {  	s14 =	sshll.u32 s0, $0xA;
	s2 =	sadd.s32 s3, s2  }
0x8d: {  	s2 =	sadd.s32 s2, s14  }
0x8e: {  	[smem:$0x3FBD] =	sst s2  }
0x8f: {  	_ = 	snop  }
0x90: {  	s2 =	sld [smem:$0x3FD0];
	_ =	sdelay $0x1  }
0x91: {  	s15 =	sld [smem:$0x3FC4]  }
0x92: {  	s5 =	simm.s32 $0xA;
	s6 =	simm.s32 $0x10;
	s4 =	sld [smem:$0x3FC3]  }
0x93: {  	[smem:s6], [sflag:s5] =	dma.local [hbm:s2], $0x1  }
0x94: {  	_ =	swait.eq [sflag:s5], $0x1  }
0x95: {  	s16 =	sld [smem:$0x10];
	[sflag:s5] =	ssyncset.done $0x0  }
0x96: {  	s17 =	sld [smem:$0x11];
	[sflag:s5] =	ssyncadd.s32 $0xFFFFFFFF  }
0x97: {  	s18 =	sld [smem:$0x12];
	(tm) =	ssettm $0x1  }
0x98: {  	s7 =	sld [smem:$0x3FFB];
	_ =	sdelay $0x3  }
0x99: {  	_ =	strace s7  }
0x9a: {  	s7 =	sld [smem:$0x3FFC];
	_ =	sdelay $0x3  }
0x9b: {  	_ =	strace s7  }
0x9c: {  	s7 =	sld [smem:$0x3FFD];
	_ =	sdelay $0x3  }
0x9d: {  	_ =	strace s7  }
0x9e: {  	_ =	strace $0x8FFFFFFF  }
0x9f: {  	s19 =	sld [smem:$0x3FDB];
	_ =	sdelay $0x1  }
0xa0: {  	s8 =	simm.s32 $_scs_section_size  }
0xa1: {  	s9 =	simm.s32 $_size__tile_overlayer_lowered;
	s10 =	simm.s32 $_tile_overlayer_lowered  }
0xa2: {  	s22 =	simm.s32 $0x1BFF;
	s21 =	sshll.u32 s10, $0x1;
	s7 =	sadd.s32 s8, s19  }
0xa3: {  	s11 =	simm.s32 $0x0;
	s20 =	sshll.u32 s9, $0x1;
	s9 =	sadd.s32 s21, s7  }
0xa4: {  	[timem:s11], [sflag:s22] =	dma.local [hbm:s9], s20  }
0xa5: {  	_ =	swait.ge [sflag:s22], s20  }
0xa6: {  	s8 =	ssub.s32 $0x0, s20;
	[sflag:s22] =	ssyncset.done $0x0  }
0xa7: {  	[sflag:s22] =	ssyncadd.s32 s8;
	_ =	sdelay $0x1  }
0xa8: {  	s23 =	simm.s32 $0x1B8B  }
0xa9: {  	_ =	swait.ge [sflag:s23], $0x1  }
0xaa: {  	[sflag:s23] =	ssyncset.done $0x0  }
0xab: {  	s25 =	simm.s32 $0x1B8E;
	s24 =	sld [smem:$0x3FFE];
	[sflag:s23] =	ssyncadd.s32 $0xFFFFFFFF  }
0xac: {  	s26 =	simm.s32 $execute0_lowered;
	[smem:$0x3FD2] =	sst s25  }
0xad: {  	s9 =	sshll.u32 s26, $0x1;
	_ =	strace $0x80000046;
	[dreg:$0x1] =	wrdreg $0xFFFFFFFF  }
0xae: {  	s28 =	simm.s32 $_size_execute0_lowered;
	s7 =	sadd.s32 s7, s9;
	[dreg:$0x0] =	wrdreg $0x0  }
0xaf: {  	s9 =	sshll.u32 s28, $0x1;
	[dreg:$0x2] =	wrdreg s7  }
0xb0: {  	[dreg:$0x3] =	wrdreg s9  }
0xb1: {  	[dreg:$0x4] =	wrdreg $0xC0  }
0xb2: {  	_ =	task [dreg:s11], $0x5FFFF  }
0xb3: {  	[dreg:$0x1] =	wrdreg $0xFFFFFFFF  }
0xb4: {  	[dreg:$0x0] =	wrdreg $0x60  }
0xb5: {  	[dreg:$0x2] =	wrdreg s16  }
0xb6: {  	[dreg:$0x3] =	wrdreg s24  }
0xb7: {  	[dreg:$0x4] =	wrdreg s18  }
0xb8: {  	[dreg:$0x5] =	wrdreg s15  }
0xb9: {  	[dreg:$0x6] =	wrdreg s4  }
0xba: {  	[dreg:$0x7] =	wrdreg s17  }
0xbb: {  	[dreg:$0x8] =	wrdreg $0xA4000  }
0xbc: {  	[dreg:$0x9] =	wrdreg $0x9  }
0xbd: {  	_ =	task.clear_ibuf [dreg:s11], $0xAFFFF;
	_ =	strace $0x90000046  }
0xbe: {  	s29 =	simm.s32 $0x9;
	_ =	strace $0x80000048  }
0xbf: {  	_ =	swait.ge [sflag:s29], $0x1  }
0xc0: {  	[sflag:s29] =	ssyncadd.s32 $0xFFFFFFFF  }
0xc1: {  	_ =	strace $0x90000048  }
0xc2: {  	_ =	sfence  }
0xc3: {  	s30 =	sld [smem:$0x0];
	_ =	sdelay $0x2  }
0xc4: {  	s31 =	sshll.u32 s1, $0xD;
	s1 =	sshrl.u32 s1, $0x2  }
0xc5: {  	s3 =	sand.u32 $0x4000, s31;
	s1 =	sadd.s32 s1, s30  }
0xc6: {  	s0 =	sor.u32 s3, s0;
	s1 =	sshll.u32 s1, $0x11  }
0xc7: {  	s0 =	sor.u32 s1, s0  }
0xc8: {  	s0 =	sadd.s32 $0x8F2B, s0  }
0xc9: {  	[sflag:s0] =	ssyncadd.remote.s32 $0x1  }
0xca: {  	_ =	sfence.sel $0xFFFF  }
0xcb: {  	[dreg:$0x0] =	wrdreg $0xFFFFFFFF;
	(pc) =	sbr.abs _section_cstart, $3  }
0xcc: {  	[dreg:$0x1] =	wrdreg $0xFFFFFFFF  }
0xcd: {  	_ =	task.clear_ibuf [dreg:s11], $0x2FFFF;
	_ =	strace $0x9FFFFFFF  }
0xce: {  	(tm) =	ssettm $0x7FFFFFFF  }
0xcf: {  	_ =	shalt  }
tec
execute0_lowered:
.L_overlay_start_1:
0x0: {  	(tag) =	ssettag $0x1  }
0x1: {  	s0 =	rddreg [dreg:$0x0]  }
0x2: {  	s1 =	rddreg [dreg:$0x1]  }
0x3: {  	s2 =	rddreg [dreg:$0x2]  }
0x4: {  	s5 =	rddreg [dreg:$0x5]  }
0x5: {  	s6 =	rddreg [dreg:$0x6]  }
0x6: {  	s3 =	srdreg.scid;
	s8 =	simm.s32 $0x0;
	s16 =	stileid.u32  }
0x7: {  	s29 =	simm.s32 $0x28;
	s31 =	simm.s32 $0xA200;
	s23 =	simm.s32 $0x8  }
0x8: {  	s30 =	simm.s32 $0xA280;
	s19 =	simm.s32 $0x4;
	s22 =	simm.s32 $0x0  }
0x9: {  	s3 =	sand.u32 $0x1, s3;
	[smem:$0x7FF] =	sst s8;
	s7 =	smul.u32 $0x4E000, s16  }
0xa: {  	s9 =	sadd.s32 $0x3200, s1;
	s24 =	smul.u32 $0x13800, s16;
	s4 =	sshll.u32 s3, $0x4  }
0xb: {  	s13 =	ssub.s32 $0x2, s3;
	s3 =	smul.u32 $0x138800, s3;
	s4 =	sor.u32 s16, s4  }
0xc: {  	s10 =	sadd.s32 $0x2A400, s1;
	s12 =	sadd.s32 $0x50C400, s1;
	s11 =	smul.u32 $0x9C4, s4  }
0xd: {  	v0 =	vimm.s32 $0xEFCDAB89;
	_ =	strace $0x80000047;
	[dreg:$0x8] =	wrdreg s12;
	s12 =	smul.u32 $0x2710, s4  }
0xe: {  	v1 =	vimm.s32 $0x67452301;
	s1 =	sadd.s32 $0x50EC00, s1;
	p0 =	seq.s32 s16, $0xF;
	s14 =	smul.u32 $0x27100, s4  }
0xf: {  	v0 =	vunpack.c.l.s4.s8 v0;
	v1 =	vunpack.c.l.s4.s8 v1;
	s15 =	sshrl.u32 s13, $0x1;
	s7 =	sshrl.u32 s7, $0x2;
	s4 =	smul.u32 $0x4E20, s4  }
0x10: {  	s13 =	ssub.s32 s13, s15;
	s7 =	sadd.s32 s7, s6;
	s26 =	sadd.s32 s24, s3  }
0x11: {  	v3 =	vimm.s32 $0xDCFE98BA;
	v0 =	vunpack.c.0.s8.s32 v0;
	v1 =	vunpack.c.0.s8.s32 v1;
	s3 =	sshrl.u32 s3, $0x3;
	s15 =	simm.s32 $0x8C00;
	[dreg:$0x9] =	wrdreg s7  }
0x12: {  	v2 =	vlaneseq.u32;
	v5 =	vimm.s32 $0x32107654;
	v3 =	vunpack.c.l.s4.s8 v3;
	s7 =	sadd.s32 $0x124800, s6;
	s28 =	smax.u32 s13, $0x1;
	s13 =	simm.s32 $0x2  }
0x13: {  	v6 =	vimm.s32 $0xFEDCBA98;
	v4 =	vcombine.low v1, v0;
	v1 =	vimm.s32 $0x54761032;
	s4 =	sshrl.u32 s4, $0x3;
	s11 =	sadd.s32 s2, s11;
	s25 =	sadd.s32 s10, s14  }
0x14: {  	v0 =	vunpack.c.0.s8.s32 v3;
	v3 =	vimm.s32 $0xBA98FEDC;
	s17 =	sadd.s32 $0x28, s12;
	[dreg:$0xf] =	wrdreg s28;
	v1 =	vunpack.c.l.s4.s8 v1;
	s4 =	sadd.s32 s2, s4  }
0x15: {  	v7 =	vimm.s32 $0x76543210;
	v5 =	vunpack.c.l.s4.s8 v5;
	s18 =	sadd.s32 $0x78, s12;
	v3 =	vunpack.c.l.s4.s8 v3;
	[dreg:$0xa] =	wrdreg s11;
	s4 =	sadd.s32 $0xA, s4  }
0x16: {  	v2 =	vand.u32 $0x7, v2;
	v6 =	vunpack.c.l.s4.s8 v6;
	s21 =	sshrl.u32 @p0 s7, $0x3;
	v1 =	vunpack.c.0.s8.s32 v1;
	[dreg:$0xc] =	wrdreg s4;
	s4 =	sshrl.u32 s26, $0x3  }
0x17: {  	v7 =	vunpack.c.l.s4.s8 v7;
	v5 =	vunpack.c.0.s8.s32 v5;
	[dreg:$0xb] =	wrdreg s25;
	v3 =	vunpack.c.0.s8.s32 v3;
	s4 =	sadd.s32 s1, s4;
	s1 =	sadd.s32 s1, s3  }
0x18: {  	v6 =	vunpack.c.0.s8.s32 v6;
	s7 =	simm.s32 $0x6400;
	[dreg:$0x11] =	wrdreg s21;
	v8 =	vcombine.low v1, v0;
	v0 =	vmul.u32 $0x2, v2;
	s1 =	sadd.s32 $0x24900, s1  }
0x19: {  	vm0 =	vmmov $0xff;
	v7 =	vunpack.c.0.s8.s32 v7;
	s14 =	simm.s32 $0x5;
	v5 =	vcombine.low v5, v3;
	[dreg:$0xe] =	wrdreg s1;
	s1 =	sshll.u32 @!p0 s16, $0x6  }
0x1a: {  	v6 =	vand.u32 $0xF, v6;
	s3 =	simm.s32 $0x7800;
	v2 =	vand.u32 $0xF, v4;
	[dreg:$0xd] =	wrdreg s4;
	[tilespmem:$0x1FFE0] =	vst v0;
	v0 =	vor.u32 $0x1, v0;
	s20 =	sor.u32 @!p0 $0x1C09, s1  }
0x1b: {  	s4 =	simm.s32 $0x1;
	s16 =	simm.s32 $0x3;
	v3 =	vand.u32 $0xF, v8;
	v4 =	vand.u32 $0xF, v5;
	v5 =	vcombine.low v6, v7;
	[tilespmem:$0x1FFF0] =	vst v0;
	[dreg:$0x10] =	wrdreg s20  }
.LBB2_1:
0x1c: {  	[dreg:$0x12] =	wrdreg s22  }
0x1d: {  	s1 =	simm.s32 @p0 $0x1FC9;
	s11 =	rddreg [dreg:$0x8]  }
0x1e: {  	[spmem:s21], [sflag:s1] =	dma.local @p0 [hbm:s11], $0x2800  }
0x1f: {  	s1 =	simm.s32 @p0 $0x9  }
0x20: {  	_ =	swait.ge @p0 [sflag:s1], $0x2800  }
0x21: {  	[sflag:s1] =	ssyncset.done @p0 $0x0  }
0x22: {  	[sflag:s1] =	ssyncadd.s32 @p0 $0xFFFFD800;
	s1 =	rddreg [dreg:$0x9]  }
0x23: {  	s1 =	sshrl.u32 @!p0 s1, $0x3  }
0x24: {  	[dreg:$0x13] =	wrdreg s1  }
0x25: {  	[spmem:s1], [sflag:s20] =	dma.local @!p0 [hbm:s11], $0x2700  }
0x26: {  	s1 =	simm.s32 @!p0 $0x9  }
0x27: {  	_ =	swait.ge @!p0 [sflag:s1], $0x2700  }
0x28: {  	[sflag:s1] =	ssyncset.done @!p0 $0x0  }
0x29: {  	[sflag:s1] =	ssyncadd.s32 @!p0 $0xFFFFD900  }
0x2a: {  	s22 =	simm.s32 $0x9;
	s21 =	simm.s32 $0xA300;
	s1 =	rddreg [dreg:$0x3]  }
0x2b: {  	[tilespmem:s21], [sflag:$0x9] =	stream.linear.gather [hbm4b:s1+s8], $0x80, $0x38;
	[tilespmem:$0x1DC80] =	vst v63  }
0x2c: {  	_ =	swait.ge [sflag:s22], $0x80  }
0x2d: {  	[sflag:s22] =	ssyncset.done $0x0  }
0x2e: {  	[sflag:s22] =	ssyncadd.s32 $0xFFFFFF80  }
0x2f: {  	s25 =	simm.s32 $0xA380;
	s24 =	rddreg [dreg:$0x4]  }
0x30: {  	[tilespmem:s25], [sflag:$0x9] =	stream.linear.gather [hbm4b:s24+s8], $0x80, $0x38;
	[tilespmem:$0x1DC80] =	vst v63  }
0x31: {  	_ =	swait.ge [sflag:s22], $0x80  }
0x32: {  	[sflag:s22] =	ssyncset.done $0x0  }
0x33: {  	[sflag:s22] =	ssyncadd.s32 $0xFFFFFF80  }
0x34: {  	[bflag:$0x0] =	sbarrier.arrive $0xFFFF  }
0x35: {  	v7 =	vld [tilespmem:$0xA300]  }
0x36: {  	v8 =	vld [tilespmem:$0xA310]  }
0x37: {  	v9 =	vld [tilespmem:$0xA320]  }
0x38: {  	v10 =	vld [tilespmem:$0xA330]  }
0x39: {  	v11 =	vld [tilespmem:$0xA340]  }
0x3a: {  	v12 =	vld [tilespmem:$0xA350]  }
0x3b: {  	v13 =	vld [tilespmem:$0xA360]  }
0x3c: {  	v6 =	vld [tilespmem:$0xA370]  }
0x3d: {  	v15 =	vld [tilespmem:$0xA380]  }
0x3e: {  	v16 =	vld [tilespmem:$0xA390]  }
0x3f: {  	v17 =	vld [tilespmem:$0xA3A0]  }
0x40: {  	v18 =	vld [tilespmem:$0xA3B0]  }
0x41: {  	v19 =	vld [tilespmem:$0xA3C0]  }
0x42: {  	v20 =	vld [tilespmem:$0xA3D0]  }
0x43: {  	s28 =	simm.s32 $0xA000;
	v21 =	vld [tilespmem:$0xA3E0];
	s26 =	rddreg [dreg:$0xa]  }
0x44: {  	v14 =	vld [tilespmem:$0xA3F0];
	[tilespmem:s28], [sflag:$0x9] =	stream.linear.gather [hbm4b:s26+s8], $0x50, $0x38  }
0x45: {  	_ =	swait.ge [sflag:s22], $0x50  }
0x46: {  	[sflag:s22] =	ssyncset.done $0x0;
	v0 =	vld [tilespmem:$0x1FFE0]  }
0x47: {  	v1 =	vld [tilespmem:$0x1FFF0];
	[sflag:s22] =	ssyncadd.s32 $0xFFFFFFB0  }
0x48: {  	v22 =	vld [tilespmem:$0xA000]  }
0x49: {  	v23 =	vld [tilespmem:$0xA010]  }
0x4a: {  	v24 =	vld [tilespmem:$0xA020]  }
0x4b: {  	v25 =	vld [tilespmem:$0xA030]  }
0x4c: {  	v26 =	vld [tilespmem:$0xA030]  }
0x4d: {  	v27 =	vld [tilespmem:$0xA040]  }
0x4e: {  	v28 =	vperm.xlane v22, v0;
	v29 =	vperm.xlane v23, v0  }
0x4f: {  	v22 =	vperm.xlane v22, v1;
	v23 =	vperm.xlane v23, v1  }
0x50: {  	[tilespmem:$0x1FFA0] =	vst v19;
	v55 =	vperm.xlane v24, v0;
	v30 =	vperm.xlane v25, v0;
	v28 =	vsel vm0, v28, v29  }
0x51: {  	v56 =	vperm.xlane v24, v1;
	v57 =	vperm.xlane v25, v1;
	v22 =	vsel vm0, v22, v23;
	[tilespmem:$0xA100] =	vst v28  }
0x52: {  	v59 =	vperm.xlane v26, v0;
	v60 =	vperm.xlane v27, v0;
	v58 =	vsel vm0, v55, v30;
	[tilespmem:$0xA200] =	vst v22  }
0x53: {  	v61 =	vperm.xlane v26, v1;
	v62 =	vperm.xlane v27, v1;
	v23 =	vsel vm0, v56, v57;
	[tilespmem:$0xA110] =	vst v58  }
0x54: {  	v63 =	vsel vm0, v59, v60;
	[tilespmem:$0xA210] =	vst v23  }
0x55: {  	v22 =	vsel vm0, v61, v62;
	[tilespmem:$0xA118] =	vst v63  }
0x56: {  	s21 =	simm.s32 $0xA100;
	[tilespmem:$0xA218] =	vst v22  }
0x57: {  	[tilespmem:s8], [sflag:$0x1] =	stream.indirect.gather [hbm4b:s0+s29], $0x80, s21, s29, $0xb8;
	[tilespmem:$0x1DC80] =	vst v63  }
0x58: {  	s22 =	simm.s32 $0x2800;
	[tilespmem:$0x1FFB0] =	vst v20  }
0x59: {  	[tilespmem:s22], [sflag:$0x1] =	stream.indirect.gather [hbm4b:s9+s29], $0x80, s31, s29, $0xb8;
	[tilespmem:$0x1DC80] =	vst v63  }
0x5a: {  	s25 =	simm.s32 $0x5000;
	s24 =	rddreg [dreg:$0xb];
	[tilespmem:$0x1FFC0] =	vst v21  }
0x5b: {  	[tilespmem:s25], [sflag:$0x1] =	stream.linear.gather [hbm4b:s24+s8], $0x1400, $0x38;
	[tilespmem:$0x1DC80] =	vst v63  }
0x5c: {  	s11 =	simm.s32 $0x0;
	s28 =	simm.s32 $0xA080;
	s26 =	rddreg [dreg:$0xc];
	[tilespmem:$0x1FFD0] =	vst v6  }
0x5d: {  	[tilespmem:s28], [sflag:$0x8] =	stream.linear.gather [hbm4b:s26+s8], $0x50, $0x38;
	[tilespmem:$0x1DC80] =	vst v63  }
.LBB2_2:
0x5e: {  	_ =	swait.ge [sflag:s4], $0x1400  }
0x5f: {  	[sflag:s4] =	ssyncset.done $0x0  }
0x60: {  	[sflag:s4] =	ssyncadd.s32 $0xFFFFEC00  }
0x61: {  	_ =	swait.ge [sflag:s4], $0x1400  }
0x62: {  	[sflag:s4] =	ssyncset.done $0x0  }
0x63: {  	[sflag:s4] =	ssyncadd.s32 $0xFFFFEC00  }
0x64: {  	_ =	swait.ge [sflag:s4], $0x1400  }
0x65: {  	p1 =	seq.s32 s11, $0x0;
	[sflag:s4] =	ssyncset.done $0x0  }
0x66: {  	s1 =	simm.s32 @!p1 $0x6;
	[sflag:s4] =	ssyncadd.s32 $0xFFFFEC00  }
0x67: {  	_ =	swait.ge @!p1 [sflag:s1], $0x1400  }
0x68: {  	[sflag:s1] =	ssyncset.done @!p1 $0x0  }
0x69: {  	[sflag:s1] =	ssyncadd.s32 @!p1 $0xFFFFEC00  }
0x6a: {  	_ =	swait.ge [sflag:s23], $0x50  }
0x6b: {  	[sflag:s23] =	ssyncset.done $0x0;
	v0 =	vld [tilespmem:$0x1FFE0]  }
0x6c: {  	v1 =	vld [tilespmem:$0x1FFF0];
	[sflag:s23] =	ssyncadd.s32 $0xFFFFFFB0  }
0x6d: {  	v22 =	vld [tilespmem:$0xA080]  }
0x6e: {  	v23 =	vld [tilespmem:$0xA090]  }
0x6f: {  	v24 =	vld [tilespmem:$0xA0A0]  }
0x70: {  	v25 =	vld [tilespmem:$0xA0B0]  }
0x71: {  	v26 =	vld [tilespmem:$0xA0B0]  }
0x72: {  	v27 =	vld [tilespmem:$0xA0C0]  }
0x73: {  	v28 =	vperm.xlane v22, v0;
	v29 =	vperm.xlane v23, v0  }
0x74: {  	v22 =	vperm.xlane v22, v1;
	v23 =	vperm.xlane v23, v1  }
0x75: {  	v30 =	vperm.xlane v25, v0;
	v28 =	vsel vm0, v28, v29;
	v29 =	vperm.xlane v24, v0  }
0x76: {  	v22 =	vsel vm0, v22, v23;
	v23 =	vperm.xlane v24, v1;
	v24 =	vperm.xlane v25, v1;
	[tilespmem:$0xA180] =	vst v28  }
0x77: {  	v25 =	vperm.xlane v26, v0;
	[tilespmem:$0xA280] =	vst v22;
	v28 =	vperm.xlane v27, v0;
	v22 =	vsel vm0, v29, v30  }
0x78: {  	v23 =	vsel vm0, v23, v24;
	v24 =	vperm.xlane v27, v1;
	[tilespmem:$0xA190] =	vst v22;
	v22 =	vperm.xlane v26, v1  }
0x79: {  	[tilespmem:$0xA290] =	vst v23;
	v23 =	vsel vm0, v25, v28  }
0x7a: {  	[tilespmem:$0xA198] =	vst v23;
	v22 =	vsel vm0, v22, v24  }
0x7b: {  	s21 =	simm.s32 $0xA180;
	s20 =	simm.s32 $0x1400;
	s25 =	smul.u32 $0x50, s11;
	[tilespmem:$0xA298] =	vst v22  }
0x7c: {  	[tilespmem:s20], [sflag:$0x2] =	stream.indirect.gather [hbm4b:s0+s29], $0x80, s21, s29, $0xb8;
	[tilespmem:$0x1DC80] =	vst v63  }
0x7d: {  	s22 =	simm.s32 $0x3C00;
	s24 =	sshll.u32 s11, $0x1;
	s26 =	sadd.s32 s25, s17  }
0x7e: {  	[tilespmem:s22], [sflag:$0x2] =	stream.indirect.gather [hbm4b:s9+s29], $0x80, s30, s29, $0xb8;
	[tilespmem:$0x1DC80] =	vst v63  }
0x7f: {  	s1 =	sadd.s32 $0x2, s24;
	p1 =	seq.s32 s11, $0x7C;
	s22 =	sshll.u32 s26, $0x4  }
0x80: {  	s1 =	smul.u32 @!p1 $0x28, s1;
	s20 =	sadd.s32 s10, s22  }
0x81: {  	[tilespmem:s7], [sflag:$0x2] =	stream.linear.gather [hbm4b:s20+s8], $0x1400, $0x38;
	[tilespmem:$0x1DC80] =	vst v63  }
0x82: {  	s20 =	sadd.s32 @!p1 s12, s1  }
0x83: {  	p2 =	seq.s32 @!p1 s11, $0x0;
	s24 =	simm.s32 @!p1 $0xA000;
	s1 =	sshrl.u32 @!p1 s20, $0x2  }
0x84: {  	p2 =	por p1, !p2;
	s21 =	simm.s32 @!p1 $0x0;
	s1 =	sadd.s32 @!p1 s2, s1  }
0x85: {  	[tilespmem:s24], [sflag:$0x7] =	stream.linear.gather @!p1 [hbm4b:s1+s21], $0x50, $0x38;
	[tilespmem:$0x1DC80] =	vst v63  }
0x86: {  	_ =	swait.ge @p2 [sflag:s16], $0x1400  }
0x87: {  	[sflag:s16] =	ssyncset.done @p2 $0x0  }
0x88: {  	s24 =	simm.s32 $0xF0;
	[sflag:s16] =	ssyncadd.s32 @p2 $0xFFFFEC00  }
0x89: {  	v22 =	vld [tilespmem:s24+$0x4F90]  }
0x8a: {  	v23 =	vld [tilespmem:s24+$0x4FA0]  }
0x8b: {  	v24 =	vld [tilespmem:s24+$0x4FB0]  }
0x8c: {  	v25 =	vld [tilespmem:s24+$0x4FC0]  }
0x8d: {  	v26 =	vld [tilespmem:s24+$0xFFFFFF90]  }
0x8e: {  	v27 =	vld [tilespmem:s24+$0x2790]  }
0x8f: {  	v28 =	vld [tilespmem:s24+$0xFFFFFFA0]  }
0x90: {  	v29 =	vld [tilespmem:s24+$0x27A0]  }
0x91: {  	v30 =	vld [tilespmem:s24+$0xFFFFFFB0]  }
0x92: {  	v31 =	vld [tilespmem:s24+$0x27B0]  }
0x93: {  	v32 =	vld [tilespmem:s24+$0xFFFFFFC0]  }
0x94: {  	v33 =	vld [tilespmem:s24+$0x27C0]  }
0x95: {  	v34 =	vld [tilespmem:s24+$0xFFFFFFD0]  }
0x96: {  	v35 =	vld [tilespmem:s24+$0x27D0]  }
0x97: {  	v36 =	vld [tilespmem:s24+$0xFFFFFFE0]  }
0x98: {  	v37 =	vld [tilespmem:s24+$0x27E0]  }
0x99: {  	v38 =	vld [tilespmem:s24+$0xFFFFFFF0]  }
0x9a: {  	v39 =	vld [tilespmem:s24+$0x27F0]  }
0x9b: {  	v40 =	vld [tilespmem:s24+$0x0]  }
0x9c: {  	v41 =	vld [tilespmem:s24+$0x2800]  }
0x9d: {  	v51 =	vld [tilespmem:s24+$0x4FF0];
	v26 =	vadd.f32 v27, v26;
	v28 =	vadd.f32 v29, v28  }
0x9e: {  	v54 =	vld [tilespmem:s24+$0x5000];
	v29 =	vadd.f32 v31, v30;
	v31 =	vadd.f32 v33, v32  }
0x9f: {  	v27 =	vld [tilespmem:s24+$0x4FD0];
	v50 =	vadd.f32 v35, v34;
	v52 =	vadd.f32 v37, v36  }
0xa0: {  	v30 =	vld [tilespmem:s24+$0x4FE0];
	v53 =	vadd.f32 v39, v38;
	v22 =	vadd.f32 v22, v26  }
0xa1: {  	v26 =	vadd.f32 v41, v40;
	v23 =	vadd.f32 v23, v28  }
0xa2: {  	v24 =	vadd.f32 v24, v29;
	v29 =	vadd.f32 v25, v31  }
0xa3: {  	v55 =	vadd.f32 v51, v53;
	v56 =	vadd.f32 v54, v26  }
0xa4: {  	v63 =	vld [tilespmem:s24+$0xFFFFFF30];
	v28 =	vmax.f32 v22, $0.0e+00;
	v25 =	vmax.f32 v23, $0.0e+00;
	v26 =	vmax.f32 v29, $0.0e+00  }
0xa5: {  	v44 =	vld [tilespmem:s24+$0x2730];
	v23 =	vmax.f32 v55, $0.0e+00;
	v31 =	vadd.f32 v27, v50;
	v30 =	vadd.f32 v30, v52  }
0xa6: {  	v47 =	vld [tilespmem:s24+$0xFFFFFF40];
	v27 =	vmax.f32 v24, $0.0e+00;
	v59 =	vmul.f32 v28, v28;
	v61 =	vmul.f32 v25, v25  }
0xa7: {  	v34 =	vld [tilespmem:s24+$0xFFFFFF10];
	v57 =	vadd.f32 v25, v28;
	v42 =	vmul.f32 v26, v26;
	v46 =	vmul.f32 v23, v23  }
0xa8: {  	v36 =	vld [tilespmem:s24+$0x2720];
	v29 =	vmax.f32 v56, $0.0e+00;
	v58 =	vadd.f32 v26, v27;
	v62 =	vmul.f32 v27, v27  }
0xa9: {  	v39 =	vld [tilespmem:s24+$0xFFFFFF50];
	v22 =	vmax.f32 v31, $0.0e+00;
	v24 =	vmax.f32 v30, $0.0e+00;
	v48 =	vadd.f32 v29, v23  }
0xaa: {  	v41 =	vld [tilespmem:s24+$0x2740];
	v50 =	vmul.f32 v29, v29;
	v35 =	vadd.f32 v61, v59;
	v60 =	vadd.f32 v24, v22  }
0xab: {  	v53 =	vld [tilespmem:s24+$0x2750];
	v43 =	vmul.f32 v22, v22;
	v45 =	vmul.f32 v24, v24;
	v32 =	vadd.f32 v58, v57  }
0xac: {  	v54 =	vld [tilespmem:s24+$0xFFFFFF60];
	v51 =	vadd.f32 v42, v62;
	v37 =	vadd.f32 v50, v46  }
0xad: {  	v55 =	vld [tilespmem:s24+$0x2760];
	v49 =	vadd.f32 v48, v60;
	v52 =	vadd.f32 v45, v43  }
0xae: {  	v56 =	vld [tilespmem:s24+$0xFFFFFF70];
	v35 =	vadd.f32 v51, v35  }
0xaf: {  	v31 =	vld [tilespmem:s24+$0x2710];
	v32 =	vadd.f32 v49, v32;
	v37 =	vadd.f32 v37, v52  }
0xb0: {  	v30 =	vld [tilespmem:s24+$0xFFFFFF20]  }
0xb1: {  	v59 =	vld [tilespmem:s24+$0xFFFFFF80];
	v57 =	vperm.xlane v32, v2;
	v35 =	vadd.f32 v37, v35  }
0xb2: {  	v61 =	vld [tilespmem:s24+$0x4F20]  }
0xb3: {  	v58 =	vld [tilespmem:s24+$0x2770];
	v32 =	vadd.f32 v32, v57;
	v60 =	vperm.xlane v35, v2  }
0xb4: {  	v62 =	vadd.f32 v44, v63;
	v63 =	vld [tilespmem:s24+$0x4F30]  }
0xb5: {  	v33 =	vadd.f32 v55, v54;
	v55 =	vld [tilespmem:s24+$0x4F60];
	v50 =	vperm.xlane v32, v3;
	v35 =	vadd.f32 v35, v60  }
0xb6: {  	v41 =	vadd.f32 v41, v47;
	v48 =	vld [tilespmem:s24+$0x2780]  }
0xb7: {  	v39 =	vadd.f32 v53, v39;
	v51 =	vld [tilespmem:s24+$0x4F40];
	v32 =	vadd.f32 v32, v50;
	v50 =	vperm.xlane v35, v3  }
0xb8: {  	v49 =	vld [tilespmem:s24+$0x4F10];
	v31 =	vadd.f32 v31, v34;
	v30 =	vadd.f32 v36, v30  }
0xb9: {  	v52 =	vld [tilespmem:s24+$0x4F50];
	v37 =	vadd.f32 v58, v56;
	v53 =	vperm.xlane v32, v4;
	v35 =	vadd.f32 v35, v50  }
0xba: {  	v30 =	vadd.f32 v61, v30;
	v58 =	vadd.f32 v63, v62  }
0xbb: {  	v56 =	vld [tilespmem:s24+$0x4F70];
	v33 =	vadd.f32 v55, v33;
	v32 =	vadd.f32 v32, v53;
	v57 =	vperm.xlane v35, v4  }
0xbc: {  	v54 =	vadd.f32 v48, v59;
	v30 =	vmax.f32 v30, $0.0e+00;
	v34 =	vmax.f32 v58, $0.0e+00  }
0xbd: {  	v59 =	vld [tilespmem:s24+$0x4F80];
	v31 =	vadd.f32 v49, v31;
	v61 =	vperm.xlane v32, v5;
	v35 =	vadd.f32 v35, v57  }
0xbe: {  	v33 =	vmax.f32 v33, $0.0e+00;
	v38 =	vadd.f32 v52, v39;
	v60 =	vadd.f32 v51, v41  }
0xbf: {  	v31 =	vmax.f32 v31, $0.0e+00;
	v32 =	vadd.f32 v32, v61;
	v62 =	vperm.xlane v35, v5  }
0xc0: {  	v37 =	vadd.f32 v56, v37;
	v41 =	vmax.f32 v38, $0.0e+00;
	v40 =	vmax.f32 v60, $0.0e+00  }
0xc1: {  	v52 =	vmul.f32 v31, v31;
	v32 =	vmul.f32 $7.812500000e-03, v32;
	v35 =	vadd.f32 v35, v62  }
0xc2: {  	v36 =	vadd.f32 v59, v54;
	v54 =	vmul.f32 v34, v34;
	v56 =	vmul.f32 v41, v41  }
0xc3: {  	v63 =	vadd.f32 v30, v31;
	v35 =	vmul.f32 $7.812500000e-03, v35;
	v48 =	vmul.f32 v32, v32  }
0xc4: {  	v42 =	vmax.f32 v37, $0.0e+00;
	v49 =	vadd.f32 v40, v34;
	v55 =	vmul.f32 v40, v40  }
0xc5: {  	v36 =	vmax.f32 v36, $0.0e+00;
	v50 =	vadd.f32 v33, v41;
	v35 =	vsub.f32 v35, v48  }
0xc6: {  	v58 =	vmul.f32 v42, v42;
	v51 =	vadd.f32 v36, v42;
	v37 =	vadd.f32 v49, v63  }
0xc7: {  	v59 =	vmul.f32 v36, v36;
	v53 =	vmul.f32 v30, v30;
	v35 =	vadd.f32 $1.000000050e-03, v35  }
0xc8: {  	v39 =	vadd.f32 v55, v54;
	v43 =	vadd.f32 v51, v50;
	v57 =	vmul.f32 v33, v33  }
0xc9: {  	v38 =	vadd.f32 v53, v52;
	v60 =	vshra.s32 v35, $0x1;
	v35 =	vmul.f32 $5.000000000e-01, v35  }
0xca: {  	v44 =	vadd.f32 v57, v56;
	v62 =	vadd.f32 v59, v58;
	v61 =	vsub.s32 $0x5F3759DF, v60  }
0xcb: {  	v37 =	vadd.f32 v43, v37;
	v63 =	vmul.f32 v61, v35  }
0xcc: {  	v38 =	vadd.f32 v39, v38;
	v48 =	vadd.f32 v62, v44  }
0xcd: {  	v49 =	vmul.f32 v61, v63  }
0xce: {  	v50 =	vperm.xlane v37, v2;
	v38 =	vadd.f32 v48, v38  }
0xcf: {  	v51 =	vsub.f32 $1.500000000e+00, v49  }
0xd0: {  	v37 =	vadd.f32 v37, v50;
	v52 =	vperm.xlane v38, v2  }
0xd1: {  	v39 =	vmul.f32 v61, v51  }
0xd2: {  	v44 =	vperm.xlane v37, v3;
	v38 =	vadd.f32 v38, v52  }
0xd3: {  	v53 =	vmul.f32 v39, v35  }
0xd4: {  	v37 =	vadd.f32 v37, v44;
	v54 =	vperm.xlane v38, v3  }
0xd5: {  	v43 =	vmul.f32 v53, v39  }
0xd6: {  	v55 =	vperm.xlane v37, v4;
	v44 =	vadd.f32 v38, v54  }
0xd7: {  	v19 =	vld [tilespmem:$0x1FFA0];
	v56 =	vsub.f32 $1.500000000e+00, v43  }
0xd8: {  	v20 =	vld [tilespmem:$0x1FFB0];
	v57 =	vadd.f32 v37, v55;
	v58 =	vperm.xlane v44, v4  }
0xd9: {  	s21 =	simm.s32 $0x1F0;
	v21 =	vld [tilespmem:$0x1FFC0];
	v59 =	vmul.f32 v56, v39  }
0xda: {  	v47 =	vld [tilespmem:s21+$0x27A0];
	v60 =	vperm.xlane v57, v5;
	v44 =	vadd.f32 v44, v58  }
0xdb: {  	v46 =	vld [tilespmem:s21+$0x27B0];
	v35 =	vmul.f32 v59, v35  }
0xdc: {  	v51 =	vld [tilespmem:s21+$0xFFFFFFB0];
	v61 =	vperm.xlane v44, v5;
	v43 =	vadd.f32 v57, v60  }
0xdd: {  	v45 =	vld [tilespmem:s21+$0xFFFFFF90];
	v28 =	vsub.f32 v28, v32;
	v35 =	vmul.f32 v35, v59  }
0xde: {  	v50 =	vld [tilespmem:s21+$0x27C0];
	v29 =	vsub.f32 v29, v32;
	v44 =	vadd.f32 v44, v61;
	v43 =	vmul.f32 $7.812500000e-03, v43  }
0xdf: {  	v48 =	vld [tilespmem:s21+$0x2790];
	v54 =	vsub.f32 v27, v32;
	v35 =	vsub.f32 $1.500000000e+00, v35  }
0xe0: {  	v52 =	vld [tilespmem:s21+$0x4F90];
	v58 =	vsub.f32 v23, v32;
	v44 =	vmul.f32 $7.812500000e-03, v44;
	v62 =	vmul.f32 v43, v43  }
0xe1: {  	v37 =	vld [tilespmem:s21+$0x4FA0];
	v53 =	vsub.f32 v25, v32;
	v46 =	vadd.f32 v46, v51;
	v35 =	vmul.f32 v35, v59  }
0xe2: {  	v55 =	vld [tilespmem:s21+$0xFFFFFFC0];
	v25 =	vsub.f32 v44, v62;
	v44 =	vsub.f32 v24, v32  }
0xe3: {  	v38 =	vld [tilespmem:s21+$0x4FB0];
	v56 =	vsub.f32 v26, v32;
	v27 =	vsub.f32 v31, v43;
	v26 =	vmul.f32 v35, v29  }
0xe4: {  	v49 =	vld [tilespmem:s21+$0xFFFFFFA0];
	v29 =	vsub.f32 v22, v32;
	v22 =	vadd.f32 $1.000000050e-03, v25;
	v44 =	vmul.f32 v35, v44  }
0xe5: {  	v57 =	vld [tilespmem:s21+$0xFFFFFFD0];
	v24 =	vsub.f32 v30, v43;
	v58 =	vmul.f32 v35, v58;
	v23 =	vmul.f32 v26, v6  }
0xe6: {  	v60 =	vld [tilespmem:s21+$0xFFFFFFE0];
	v25 =	vshra.s32 v22, $0x1;
	v32 =	vmul.f32 $5.000000000e-01, v22;
	v22 =	vsub.f32 v34, v43  }
0xe7: {  	v61 =	vld [tilespmem:s21+$0x27E0];
	v26 =	vmul.f32 v35, v28;
	v28 =	vmul.f32 v35, v53;
	v30 =	vsub.s32 $0x5F3759DF, v25  }
0xe8: {  	v39 =	vld [tilespmem:s21+$0x4FC0];
	v34 =	vmul.f32 v35, v54;
	v23 =	vadd.f32 v23, v14;
	v31 =	vmul.f32 v30, v32  }
0xe9: {  	v62 =	vld [tilespmem:s21+$0xFFFFFFF0];
	v54 =	vmul.f32 v35, v29;
	v25 =	vsub.f32 v40, v43;
	v63 =	vmul.f32 v26, v7  }
0xea: {  	v59 =	vld [tilespmem:s21+$0x27D0];
	v26 =	vsub.f32 v33, v43;
	v29 =	vmul.f32 v28, v8;
	[tilespmem:s24+$0x7800] =	vst v23;
	v31 =	vmul.f32 v30, v31  }
0xeb: {  	v33 =	vmul.f32 v35, v56;
	v23 =	vsub.f32 v41, v43;
	v28 =	vadd.f32 v63, v15;
	v41 =	vld [tilespmem:s21+$0x27F0]  }
0xec: {  	v63 =	vmul.f32 v34, v9;
	v0 =	vadd.f32 v29, v16;
	v53 =	vld [tilespmem:s21+$0x0];
	v31 =	vsub.f32 $1.500000000e+00, v31  }
0xed: {  	v29 =	vsub.f32 v36, v43;
	v40 =	vmul.f32 v33, v10;
	v33 =	vmul.f32 v54, v11;
	v56 =	vld [tilespmem:s21+$0x2800]  }
0xee: {  	v54 =	vadd.f32 v48, v45;
	v35 =	vld [tilespmem:s21+$0x4FD0];
	[tilespmem:s24+$0x7790] =	vst v28;
	v34 =	vmul.f32 v30, v31;
	v31 =	vadd.f32 v63, v17  }
0xef: {  	v48 =	vadd.f32 v59, v57;
	v28 =	vsub.f32 v42, v43;
	v42 =	vld [tilespmem:s21+$0x4FE0];
	[tilespmem:s24+$0x77A0] =	vst v0;
	v30 =	vmul.f32 v44, v12  }
0xf0: {  	v44 =	vadd.f32 v47, v49;
	v43 =	vld [tilespmem:s21+$0x4FF0];
	v47 =	vadd.f32 v50, v55;
	v0 =	vmul.f32 v34, v32;
	[tilespmem:s24+$0x77B0] =	vst v31  }
0xf1: {  	v50 =	vadd.f32 v61, v60;
	v31 =	vmul.f32 v58, v13;
	v51 =	vadd.f32 v41, v62;
	v49 =	vld [tilespmem:s21+$0x5000]  }
0xf2: {  	s28 =	simm.s32 $0xBC0;
	s26 =	sadd.s32 s12, s25;
	v41 =	vadd.f32 v52, v54;
	v52 =	vadd.f32 v56, v53;
	v45 =	vld [tilespmem:s21+$0xFFFFFF10];
	v36 =	vmul.f32 v0, v34  }
.LBB2_3:
0xf3: {  	v37 =	vadd.f32 v37, v44  }
0xf4: {  	v0 =	vld [tilespmem:s21+$0x2710];
	v38 =	vadd.f32 v38, v46;
	v39 =	vadd.f32 v39, v47  }
0xf5: {  	v53 =	vld [tilespmem:s21+$0xFFFFFF40];
	v35 =	vadd.f32 v35, v48;
	v44 =	vmax.f32 v41, $0.0e+00;
	v61 =	vadd.f32 v42, v50  }
0xf6: {  	v55 =	vld [tilespmem:s21+$0xFFFFFF50];
	v54 =	vmul.f32 v44, v44;
	v62 =	vadd.f32 v43, v51;
	v43 =	vmax.f32 v37, $0.0e+00  }
0xf7: {  	v59 =	vld [tilespmem:s21+$0x2750];
	v42 =	vmax.f32 v38, $0.0e+00;
	v41 =	vmax.f32 v39, $0.0e+00;
	v38 =	vmax.f32 v35, $0.0e+00  }
0xf8: {  	v6 =	vld [tilespmem:s21+$0x2760];
	v49 =	vadd.f32 v49, v52;
	v39 =	vmax.f32 v61, $0.0e+00;
	v57 =	vmul.f32 v43, v43  }
0xf9: {  	v46 =	vld [tilespmem:s21+$0xFFFFFF20];
	v50 =	vadd.f32 v41, v42;
	v58 =	vmul.f32 v42, v42;
	v61 =	vmul.f32 v41, v41  }
0xfa: {  	v47 =	vld [tilespmem:s21+$0x2720];
	v37 =	vmax.f32 v62, $0.0e+00;
	v56 =	vadd.f32 v39, v38;
	v35 =	vmax.f32 v49, $0.0e+00  }
0xfb: {  	v48 =	vld [tilespmem:s21+$0x2740];
	v62 =	vmul.f32 v38, v38;
	v49 =	vadd.f32 v43, v44;
	v60 =	vadd.f32 v35, v37  }
0xfc: {  	v51 =	vld [tilespmem:s21+$0xFFFFFF30];
	v0 =	vadd.f32 v0, v45;
	v63 =	vmul.f32 v39, v39;
	v1 =	vmul.f32 v37, v37  }
0xfd: {  	v52 =	vld [tilespmem:s21+$0x2730];
	v49 =	vadd.f32 v50, v49;
	v50 =	vadd.f32 v60, v56;
	v56 =	vmul.f32 v35, v35  }
0xfe: {  	v45 =	vld [tilespmem:s21+$0xFFFFFF60];
	v54 =	vadd.f32 v57, v54;
	v57 =	vadd.f32 v61, v58  }
0xff: {  	v58 =	vld [tilespmem:s21+$0x2770];
	v61 =	vadd.f32 v63, v62;
	v1 =	vadd.f32 v56, v1  }
0x100: {  	v46 =	vadd.f32 v47, v46;
	v47 =	vld [tilespmem:s21+$0xFFFFFF80];
	v54 =	vadd.f32 v57, v54  }
0x101: {  	v57 =	vld [tilespmem:s21+$0x4F40];
	v49 =	vadd.f32 v50, v49;
	v1 =	vadd.f32 v1, v61  }
0x102: {  	v60 =	vld [tilespmem:s21+$0xFFFFFF70]  }
0x103: {  	v51 =	vadd.f32 v52, v51;
	v52 =	vld [tilespmem:s21+$0x4F20];
	v63 =	vperm.xlane v49, v2;
	v1 =	vadd.f32 v1, v54  }
0x104: {  	v40 =	vadd.f32 v40, v18;
	v50 =	vld [tilespmem:s21+$0x2780]  }
0x105: {  	v36 =	vsub.f32 $1.500000000e+00, v36;
	v56 =	vld [tilespmem:s21+$0x4F10];
	v49 =	vadd.f32 v49, v63;
	v62 =	vperm.xlane v1, v2  }
0x106: {  	v48 =	vadd.f32 v48, v53;
	v6 =	vadd.f32 v6, v45;
	v61 =	vld [tilespmem:s21+$0x4F30]  }
0x107: {  	v45 =	vadd.f32 v58, v60;
	v58 =	vld [tilespmem:s21+$0x4F50];
	v63 =	vperm.xlane v49, v3;
	v1 =	vadd.f32 v1, v62  }
0x108: {  	v53 =	vadd.f32 v59, v55;
	v46 =	vadd.f32 v52, v46;
	v52 =	vld [tilespmem:s21+$0x4F70]  }
0x109: {  	v47 =	vadd.f32 v50, v47;
	v50 =	vld [tilespmem:s21+$0x4F60];
	v49 =	vadd.f32 v49, v63;
	v62 =	vperm.xlane v1, v3  }
0x10a: {  	v55 =	vmul.f32 v36, v34;
	v60 =	vadd.f32 v33, v19;
	v0 =	vadd.f32 v56, v0;
	[tilespmem:s24+$0x77C0] =	vst v40  }
0x10b: {  	v61 =	vadd.f32 v61, v51;
	v51 =	vld [tilespmem:s21+$0x4F80];
	v59 =	vperm.xlane v49, v4;
	v1 =	vadd.f32 v1, v62  }
0x10c: {  	v33 =	vmax.f32 v0, $0.0e+00;
	v63 =	vadd.f32 v57, v48;
	v0 =	vadd.f32 v58, v53  }
0x10d: {  	v48 =	vmax.f32 v61, $0.0e+00;
	v61 =	vadd.f32 v49, v59;
	v62 =	vperm.xlane v1, v4  }
0x10e: {  	v34 =	vmax.f32 v46, $0.0e+00;
	[tilespmem:s24+$0x77D0] =	vst v60;
	v60 =	vadd.f32 v52, v45;
	v6 =	vadd.f32 v50, v6  }
0x10f: {  	v49 =	vmax.f32 v0, $0.0e+00;
	v0 =	vperm.xlane v61, v5;
	v1 =	vadd.f32 v1, v62  }
0x110: {  	v54 =	vmul.f32 v33, v33;
	v40 =	vmax.f32 v60, $0.0e+00;
	v47 =	vadd.f32 v51, v47  }
0x111: {  	v46 =	vmax.f32 v6, $0.0e+00;
	v0 =	vadd.f32 v61, v0;
	v60 =	vperm.xlane v1, v5  }
0x112: {  	v36 =	vmax.f32 v63, $0.0e+00;
	v63 =	vadd.f32 v46, v49;
	v47 =	vmax.f32 v47, $0.0e+00  }
0x113: {  	v61 =	vadd.f32 v47, v40;
	v45 =	vmul.f32 $7.812500000e-03, v0;
	v0 =	vadd.f32 v1, v60  }
0x114: {  	v57 =	vmul.f32 v48, v48;
	v50 =	vadd.f32 v36, v48;
	v6 =	vadd.f32 v34, v33  }
0x115: {  	v51 =	vadd.f32 v61, v63;
	v63 =	vmul.f32 v45, v45;
	v0 =	vmul.f32 $7.812500000e-03, v0  }
0x116: {  	v62 =	vmul.f32 v34, v34;
	v61 =	vmul.f32 v40, v40  }
0x117: {  	v1 =	vadd.f32 v50, v6;
	v6 =	vmul.f32 v36, v36;
	v0 =	vsub.f32 v0, v63  }
0x118: {  	v50 =	vmul.f32 v49, v49;
	v60 =	vmul.f32 v46, v46  }
0x119: {  	v54 =	vadd.f32 v62, v54;
	v62 =	vmul.f32 v47, v47;
	v0 =	vadd.f32 $1.000000050e-03, v0  }
0x11a: {  	v32 =	vmul.f32 v55, v32;
	v6 =	vadd.f32 v6, v57;
	v50 =	vadd.f32 v60, v50  }
0x11b: {  	v63 =	vadd.f32 v62, v61;
	v57 =	vshra.s32 v0, $0x1;
	v0 =	vmul.f32 $5.000000000e-01, v0  }
0x11c: {  	v32 =	vmul.f32 v32, v55;
	v1 =	vadd.f32 v51, v1;
	v51 =	vsub.s32 $0x5F3759DF, v57  }
0x11d: {  	v6 =	vadd.f32 v6, v54;
	v50 =	vadd.f32 v63, v50;
	v58 =	vmul.f32 v51, v0  }
0x11e: {  	v32 =	vsub.f32 $1.500000000e+00, v32;
	v56 =	vperm.xlane v1, v2  }
0x11f: {  	v6 =	vadd.f32 v50, v6;
	v50 =	vmul.f32 v51, v58  }
0x120: {  	v32 =	vmul.f32 v32, v55;
	v1 =	vadd.f32 v1, v56  }
0x121: {  	v60 =	vsub.f32 $1.500000000e+00, v50  }
0x122: {  	v55 =	vmul.f32 v32, v25;
	v52 =	vperm.xlane v1, v3  }
0x123: {  	v25 =	vadd.f32 v30, v20;
	v59 =	vperm.xlane v6, v2;
	v63 =	vmul.f32 v51, v60  }
0x124: {  	v24 =	vmul.f32 v32, v24;
	v30 =	vadd.f32 v31, v21;
	v1 =	vadd.f32 v1, v52  }
0x125: {  	v6 =	vadd.f32 v6, v59;
	v60 =	vmul.f32 v32, v22;
	v22 =	vmul.f32 v63, v0  }
0x126: {  	[tilespmem:s24+$0x77F0] =	vst v30;
	v30 =	vmul.f32 v24, v8;
	v61 =	vperm.xlane v1, v4  }
0x127: {  	v62 =	vperm.xlane v6, v3;
	v22 =	vmul.f32 v22, v63  }
0x128: {  	v27 =	vmul.f32 v32, v27;
	v30 =	vadd.f32 v30, v16;
	v1 =	vadd.f32 v1, v61  }
0x129: {  	v57 =	vmul.f32 v32, v26;
	v6 =	vadd.f32 v6, v62;
	v22 =	vsub.f32 $1.500000000e+00, v22  }
0x12a: {  	v44 =	vsub.f32 v44, v45;
	v61 =	vmul.f32 v32, v23;
	v23 =	vperm.xlane v1, v5  }
0x12b: {  	v43 =	vsub.f32 v43, v45;
	v26 =	vperm.xlane v6, v4;
	v62 =	vmul.f32 v22, v63  }
0x12c: {  	v42 =	vsub.f32 v42, v45;
	v1 =	vadd.f32 v1, v23;
	v23 =	vmul.f32 v27, v7  }
0x12d: {  	s1 =	sshra.s32 s28, $0x2;
	[tilespmem:s24+$0x77E0] =	vst v25;
	v53 =	vsub.f32 v38, v45;
	v6 =	vadd.f32 v6, v26;
	v0 =	vmul.f32 v62, v0  }
0x12e: {  	v38 =	vld [tilespmem:s1+$0x4FB0];
	v35 =	vsub.f32 v35, v45;
	v23 =	vadd.f32 v23, v15  }
0x12f: {  	v52 =	vsub.f32 v41, v45;
	v41 =	vld [tilespmem:s1+$0x4F90];
	v25 =	vperm.xlane v6, v5;
	v0 =	vmul.f32 v0, v62  }
0x130: {  	v54 =	vsub.f32 v39, v45;
	v51 =	vsub.f32 v37, v45;
	v37 =	vld [tilespmem:s1+$0x4FA0];
	v1 =	vmul.f32 $7.812500000e-03, v1;
	[tilespmem:s24+$0x7710] =	vst v23  }
0x131: {  	v31 =	vmul.f32 v32, v28;
	v39 =	vld [tilespmem:s1+$0x4FC0];
	v6 =	vadd.f32 v6, v25;
	v0 =	vsub.f32 $1.500000000e+00, v0  }
0x132: {  	v27 =	vsub.f32 v33, v1;
	v26 =	vsub.f32 v46, v1;
	v46 =	vld [tilespmem:s1+$0x2790];
	v63 =	vmul.f32 v1, v1  }
0x133: {  	v24 =	vsub.f32 v34, v1;
	v6 =	vmul.f32 $7.812500000e-03, v6;
	v0 =	vmul.f32 v0, v62;
	v62 =	vld [tilespmem:$0x1FFD0]  }
0x134: {  	v32 =	vmul.f32 v32, v29;
	v23 =	vsub.f32 v49, v1;
	v29 =	vsub.f32 v47, v1;
	v47 =	vld [tilespmem:s1+$0xFFFFFFA0]  }
0x135: {  	v60 =	vmul.f32 v60, v9;
	v28 =	vsub.f32 v40, v1;
	v49 =	vld [tilespmem:s1+$0xFFFFFFB0];
	v6 =	vsub.f32 v6, v63  }
0x136: {  	v45 =	vld [tilespmem:s1+$0x27B0];
	v22 =	vsub.f32 v48, v1;
	v25 =	vsub.f32 v36, v1;
	v1 =	vmul.f32 v55, v10  }
0x137: {  	v61 =	vmul.f32 v61, v11;
	v40 =	vmul.f32 v57, v12;
	v36 =	vld [tilespmem:s1+$0xFFFFFF90];
	v6 =	vadd.f32 $1.000000050e-03, v6  }
0x138: {  	v48 =	vld [tilespmem:s1+$0x27A0];
	[tilespmem:s24+$0x7720] =	vst v30;
	v30 =	vadd.f32 v60, v17;
	v1 =	vadd.f32 v1, v18;
	v63 =	vmul.f32 v32, v62  }
0x139: {  	v50 =	vld [tilespmem:s1+$0xFFFFFFC0];
	v60 =	vshra.s32 v6, $0x1;
	v32 =	vmul.f32 $5.000000000e-01, v6;
	v6 =	vmul.f32 v0, v35  }
0x13a: {  	v31 =	vmul.f32 v31, v13;
	v40 =	vadd.f32 v40, v20;
	v56 =	vld [tilespmem:s1+$0x27C0];
	[tilespmem:s24+$0x7730] =	vst v30;
	v44 =	vmul.f32 v0, v44  }
0x13b: {  	v55 =	vld [tilespmem:s1+$0xFFFFFFD0];
	[tilespmem:s24+$0x7740] =	vst v1;
	v1 =	vadd.f32 v61, v19;
	v43 =	vmul.f32 v0, v43;
	v6 =	vmul.f32 v6, v62  }
0x13c: {  	v57 =	vld [tilespmem:s1+$0x27D0];
	v61 =	vmul.f32 v0, v42;
	v53 =	vmul.f32 v0, v53;
	v35 =	vsub.s32 $0x5F3759DF, v60  }
0x13d: {  	v30 =	vmul.f32 v35, v32;
	v62 =	vmul.f32 v0, v52;
	v52 =	vld [tilespmem:s1+$0xFFFFFFE0];
	[tilespmem:s24+$0x7750] =	vst v1;
	v6 =	vadd.f32 v6, v14  }
0x13e: {  	v31 =	vadd.f32 v31, v21;
	v54 =	vmul.f32 v0, v54;
	v44 =	vmul.f32 v44, v7;
	v1 =	vld [tilespmem:s1+$0x27E0];
	[tilespmem:s24+$0x7760] =	vst v40  }
0x13f: {  	v0 =	vmul.f32 v0, v51;
	v30 =	vmul.f32 v35, v30;
	v51 =	vld [tilespmem:s1+$0xFFFFFFF0];
	[tilespmem:s21+$0x7800] =	vst v6  }
0x140: {  	v43 =	vmul.f32 v43, v8;
	v63 =	vadd.f32 v63, v14;
	v6 =	vld [tilespmem:s1+$0x27F0];
	[tilespmem:s24+$0x7770] =	vst v31  }
0x141: {  	v58 =	vmul.f32 v61, v9;
	v44 =	vadd.f32 v44, v15;
	v30 =	vsub.f32 $1.500000000e+00, v30;
	v60 =	vld [tilespmem:s1+$0x0]  }
0x142: {  	p3 =	sne.s32 s28, $0x4FC0;
	v33 =	vmul.f32 v53, v11;
	v43 =	vadd.f32 v43, v16;
	v31 =	vmul.f32 v0, v13;
	v61 =	vld [tilespmem:s1+$0x2800];
	[tilespmem:s24+$0x7780] =	vst v63;
	s24 =	smov.u32 s21;
	s21 =	smov.u32 s1  }
.Ltmp0:
0x143: {  	v0 =	vadd.f32 v46, v36;
	v34 =	vmul.f32 v35, v30;
	v63 =	vadd.f32 v58, v17;
	v35 =	vld [tilespmem:s21+$0x4FD0];
	[tilespmem:s24+$0x7790] =	vst v44;
	(pc) =	sbr.rel @p3 .LBB2_3-.Ltmp0, $4  }
0x144: {  	v40 =	vmul.f32 v62, v10;
	v46 =	vadd.f32 v45, v49;
	v44 =	vadd.f32 v48, v47;
	v42 =	vld [tilespmem:s21+$0x4FE0];
	[tilespmem:s24+$0x77A0] =	vst v43  }
0x145: {  	v47 =	vadd.f32 v56, v50;
	v48 =	vadd.f32 v57, v55;
	v62 =	vmul.f32 v34, v32;
	v43 =	vld [tilespmem:s21+$0x4FF0];
	[tilespmem:s24+$0x77B0] =	vst v63  }
0x146: {  	v30 =	vmul.f32 v54, v12;
	v50 =	vadd.f32 v1, v52;
	v41 =	vadd.f32 v41, v0;
	v49 =	vld [tilespmem:s21+$0x5000]  }
0x147: {  	s28 =	sadd.s32 $0x400, s28;
	v36 =	vmul.f32 v62, v34;
	v51 =	vadd.f32 v6, v51;
	v45 =	vld [tilespmem:s21+$0xFFFFFF10];
	v52 =	vadd.f32 v61, v60  }
0x148: {  	v0 =	vld [tilespmem:s21+$0x2710]  }
0x149: {  	v1 =	vld [tilespmem:s21+$0xFFFFFF20]  }
0x14a: {  	v53 =	vld [tilespmem:s21+$0x2720]  }
0x14b: {  	v38 =	vadd.f32 v38, v46;
	v46 =	vld [tilespmem:s21+$0x2730]  }
0x14c: {  	v39 =	vadd.f32 v39, v47;
	v47 =	vld [tilespmem:s21+$0xFFFFFF40]  }
0x14d: {  	v54 =	vld [tilespmem:s21+$0x2750]  }
0x14e: {  	v37 =	vadd.f32 v37, v44;
	v35 =	vadd.f32 v35, v48;
	v44 =	vmax.f32 v41, $0.0e+00;
	[tilespmem:$0x1FF60] =	vst v1;
	v1 =	vld [tilespmem:s21+$0xFFFFFF30]  }
0x14f: {  	v48 =	vld [tilespmem:s21+$0xFFFFFF60];
	v60 =	vadd.f32 v42, v50;
	v55 =	vmul.f32 v44, v44;
	v61 =	vadd.f32 v43, v51  }
0x150: {  	v56 =	vld [tilespmem:s21+$0x2760];
	v43 =	vmax.f32 v37, $0.0e+00;
	v42 =	vmax.f32 v38, $0.0e+00;
	v41 =	vmax.f32 v39, $0.0e+00  }
0x151: {  	v51 =	vld [tilespmem:s21+$0x2740];
	v6 =	vmax.f32 v35, $0.0e+00;
	v49 =	vadd.f32 v49, v52;
	v39 =	vmax.f32 v60, $0.0e+00  }
0x152: {  	v35 =	vld [tilespmem:s21+$0xFFFFFF80];
	v50 =	vadd.f32 v41, v42;
	v58 =	vmul.f32 v43, v43;
	v59 =	vmul.f32 v42, v42  }
0x153: {  	v52 =	vld [tilespmem:s21+$0xFFFFFF50];
	v38 =	vmax.f32 v61, $0.0e+00;
	v57 =	vadd.f32 v39, v6;
	[tilespmem:$0x1FF70] =	vst v1;
	v1 =	vmax.f32 v49, $0.0e+00  }
0x154: {  	v60 =	vld [tilespmem:s21+$0xFFFFFF70];
	v62 =	vmul.f32 v41, v41;
	v49 =	vadd.f32 v43, v44;
	v61 =	vadd.f32 v1, v38  }
0x155: {  	[tilespmem:$0x1FF80] =	vst v6;
	v63 =	vmul.f32 v6, v6;
	v6 =	vld [tilespmem:s21+$0x2770];
	v37 =	vadd.f32 v0, v45;
	v45 =	vmul.f32 v39, v39  }
0x156: {  	[tilespmem:$0x1FF90] =	vst v1;
	v49 =	vadd.f32 v50, v49;
	v50 =	vadd.f32 v61, v57;
	v57 =	vmul.f32 v1, v1;
	v1 =	vld [tilespmem:$0x1FF60]  }
0x157: {  	v0 =	vmul.f32 v38, v38;
	v62 =	vadd.f32 v62, v59;
	v59 =	vld [tilespmem:s21+$0x4F10]  }
0x158: {  	v55 =	vadd.f32 v58, v55;
	v58 =	vld [tilespmem:s21+$0x4F50];
	v45 =	vadd.f32 v45, v63  }
0x159: {  	v47 =	vadd.f32 v51, v47;
	v51 =	vld [tilespmem:s21+$0x4F70];
	v0 =	vadd.f32 v57, v0  }
0x15a: {  	v55 =	vadd.f32 v62, v55;
	v57 =	vld [tilespmem:s21+$0x4F20];
	v49 =	vadd.f32 v50, v49  }
0x15b: {  	v0 =	vadd.f32 v0, v45;
	v53 =	vadd.f32 v53, v1;
	v1 =	vld [tilespmem:$0x1FF70]  }
0x15c: {  	v40 =	vadd.f32 v40, v18;
	v48 =	vadd.f32 v56, v48;
	v61 =	vld [tilespmem:s21+$0x2780];
	v63 =	vperm.xlane v49, v2  }
0x15d: {  	v6 =	vadd.f32 v6, v60;
	v45 =	vld [tilespmem:s21+$0x4F40];
	v0 =	vadd.f32 v0, v55  }
0x15e: {  	v52 =	vadd.f32 v54, v52;
	v55 =	vld [tilespmem:s21+$0x4F60];
	v49 =	vadd.f32 v49, v63  }
0x15f: {  	v6 =	vadd.f32 v51, v6;
	v50 =	vld [tilespmem:s21+$0x4F30];
	[tilespmem:s24+$0x77C0] =	vst v40;
	v63 =	vadd.f32 v59, v37;
	v62 =	vperm.xlane v0, v2  }
0x160: {  	v60 =	vld [tilespmem:s21+$0x4F80];
	v53 =	vadd.f32 v57, v53;
	v37 =	vperm.xlane v49, v3;
	v46 =	vadd.f32 v46, v1  }
0x161: {  	v6 =	vmax.f32 v6, $0.0e+00;
	v1 =	vadd.f32 v61, v35;
	v0 =	vadd.f32 v0, v62  }
0x162: {  	v49 =	vadd.f32 v49, v37;
	v61 =	vadd.f32 v45, v47;
	v35 =	vmax.f32 v63, $0.0e+00  }
0x163: {  	v62 =	vadd.f32 v58, v52;
	v47 =	vmax.f32 v53, $0.0e+00;
	v48 =	vadd.f32 v55, v48  }
0x164: {  	v53 =	vmul.f32 v35, v35;
	v54 =	vmul.f32 v47, v47;
	v46 =	vadd.f32 v50, v46  }
0x165: {  	v50 =	vmax.f32 v61, $0.0e+00;
	v1 =	vadd.f32 v60, v1;
	v45 =	vmax.f32 v62, $0.0e+00  }
0x166: {  	v48 =	vmax.f32 v48, $0.0e+00;
	v62 =	vmul.f32 v50, v50;
	v46 =	vmax.f32 v46, $0.0e+00  }
0x167: {  	v40 =	vmax.f32 v1, $0.0e+00;
	v1 =	vadd.f32 v47, v35;
	v63 =	vadd.f32 v50, v46  }
0x168: {  	v51 =	vmul.f32 v45, v45;
	v37 =	vadd.f32 v48, v45;
	v60 =	vadd.f32 v40, v6  }
0x169: {  	v61 =	vmul.f32 v46, v46;
	v1 =	vadd.f32 v63, v1;
	v63 =	vmul.f32 v48, v48  }
0x16a: {  	v52 =	vadd.f32 v60, v37;
	v37 =	vmul.f32 v6, v6;
	v60 =	vmul.f32 v40, v40  }
0x16b: {  	v53 =	vadd.f32 v54, v53;
	v61 =	vadd.f32 v62, v61  }
0x16c: {  	v51 =	vadd.f32 v63, v51;
	v55 =	vadd.f32 v60, v37  }
0x16d: {  	v1 =	vadd.f32 v52, v1  }
0x16e: {  	v53 =	vadd.f32 v61, v53;
	v51 =	vadd.f32 v55, v51  }
0x16f: {  	v62 =	vperm.xlane v0, v3  }
0x170: {  	v57 =	vperm.xlane v1, v2;
	v51 =	vadd.f32 v51, v53  }
0x171: {  	v0 =	vadd.f32 v0, v62;
	v63 =	vperm.xlane v49, v4  }
0x172: {  	v1 =	vadd.f32 v1, v57;
	v59 =	vperm.xlane v51, v2  }
0x173: {  	v49 =	vadd.f32 v49, v63;
	v37 =	vperm.xlane v0, v4  }
0x174: {  	v54 =	vperm.xlane v1, v3;
	v51 =	vadd.f32 v51, v59  }
0x175: {  	v58 =	vperm.xlane v49, v5;
	v0 =	vadd.f32 v0, v37  }
0x176: {  	v1 =	vadd.f32 v1, v54;
	v52 =	vperm.xlane v51, v3  }
0x177: {  	v49 =	vadd.f32 v49, v58;
	v60 =	vperm.xlane v0, v5  }
0x178: {  	v54 =	vperm.xlane v1, v4;
	v51 =	vadd.f32 v51, v52  }
0x179: {  	v49 =	vmul.f32 $7.812500000e-03, v49;
	v0 =	vadd.f32 v0, v60  }
0x17a: {  	v1 =	vadd.f32 v1, v54;
	v52 =	vperm.xlane v51, v4  }
0x17b: {  	v0 =	vmul.f32 $7.812500000e-03, v0;
	v61 =	vmul.f32 v49, v49  }
0x17c: {  	v62 =	vperm.xlane v1, v5;
	v51 =	vadd.f32 v51, v52  }
0x17d: {  	v0 =	vsub.f32 v0, v61  }
0x17e: {  	v1 =	vadd.f32 v1, v62;
	v37 =	vperm.xlane v51, v5  }
0x17f: {  	v0 =	vadd.f32 $1.000000050e-03, v0  }
0x180: {  	v1 =	vmul.f32 $7.812500000e-03, v1;
	v51 =	vadd.f32 v51, v37  }
0x181: {  	v63 =	vshra.s32 v0, $0x1;
	v0 =	vmul.f32 $5.000000000e-01, v0  }
0x182: {  	v52 =	vsub.s32 $0x5F3759DF, v63;
	v59 =	vmul.f32 v1, v1;
	v51 =	vmul.f32 $7.812500000e-03, v51  }
0x183: {  	v57 =	vmul.f32 v52, v0  }
0x184: {  	v51 =	vsub.f32 v51, v59  }
0x185: {  	v36 =	vsub.f32 $1.500000000e+00, v36;
	v58 =	vmul.f32 v52, v57  }
0x186: {  	v51 =	vadd.f32 $1.000000050e-03, v51  }
0x187: {  	v34 =	vmul.f32 v36, v34;
	v53 =	vsub.f32 $1.500000000e+00, v58  }
0x188: {  	v61 =	vshra.s32 v51, $0x1;
	v51 =	vmul.f32 $5.000000000e-01, v51  }
0x189: {  	v32 =	vmul.f32 v34, v32;
	v60 =	vmul.f32 v52, v53;
	v53 =	vsub.s32 $0x5F3759DF, v61  }
0x18a: {  	v62 =	vmul.f32 v53, v51  }
0x18b: {  	v32 =	vmul.f32 v32, v34  }
0x18c: {  	v54 =	vmul.f32 v53, v62  }
0x18d: {  	v32 =	vsub.f32 $1.500000000e+00, v32  }
0x18e: {  	v52 =	vmul.f32 v60, v0;
	v56 =	vsub.f32 $1.500000000e+00, v54  }
0x18f: {  	v32 =	vmul.f32 v32, v34  }
0x190: {  	v52 =	vmul.f32 v52, v60;
	v36 =	vmul.f32 v53, v56  }
0x191: {  	v27 =	vmul.f32 v32, v27  }
0x192: {  	v24 =	vmul.f32 v32, v24;
	v52 =	vsub.f32 $1.500000000e+00, v52;
	v57 =	vmul.f32 v36, v51  }
0x193: {  	v22 =	vmul.f32 v32, v22;
	v25 =	vmul.f32 v32, v25  }
0x194: {  	v58 =	vld [tilespmem:$0x1FF80];
	v63 =	vmul.f32 v52, v60;
	v52 =	vmul.f32 v57, v36  }
0x195: {  	v23 =	vmul.f32 v32, v23;
	v26 =	vmul.f32 v32, v26;
	v44 =	vsub.f32 v44, v49;
	v62 =	vld [tilespmem:$0x1FF90]  }
0x196: {  	v43 =	vsub.f32 v43, v49;
	v0 =	vmul.f32 v63, v0;
	v61 =	vsub.f32 $1.500000000e+00, v52  }
0x197: {  	v28 =	vmul.f32 v32, v28;
	v42 =	vsub.f32 v42, v49;
	v41 =	vsub.f32 v41, v49  }
0x198: {  	v59 =	vsub.f32 v39, v49;
	v0 =	vmul.f32 v0, v63;
	v36 =	vmul.f32 v61, v36  }
0x199: {  	v29 =	vmul.f32 v32, v29;
	v32 =	vsub.f32 v58, v49;
	v60 =	vsub.f32 v38, v49  }
0x19a: {  	v39 =	vsub.f32 v62, v49;
	v0 =	vsub.f32 $1.500000000e+00, v0;
	v49 =	vmul.f32 v36, v51  }
0x19b: {  	v31 =	vadd.f32 v31, v21;
	v24 =	vmul.f32 v24, v8;
	v22 =	vmul.f32 v22, v9  }
0x19c: {  	v0 =	vmul.f32 v0, v63;
	v63 =	vsub.f32 v47, v1;
	v47 =	vmul.f32 v49, v36  }
0x19d: {  	v25 =	vmul.f32 v25, v10;
	v24 =	vadd.f32 v24, v16  }
0x19e: {  	v22 =	vadd.f32 v22, v17;
	[tilespmem:s24+$0x77F0] =	vst v31;
	v31 =	vsub.f32 $1.500000000e+00, v47  }
0x19f: {  	v27 =	vmul.f32 v27, v7;
	v25 =	vadd.f32 v25, v18;
	[tilespmem:s24+$0x7720] =	vst v24  }
0x1a0: {  	v33 =	vadd.f32 v33, v19;
	v23 =	vmul.f32 v23, v11;
	[tilespmem:s24+$0x7730] =	vst v22;
	v22 =	vmul.f32 v31, v36;
	v31 =	vld [tilespmem:$0x1FFD0]  }
0x1a1: {  	v27 =	vadd.f32 v27, v15;
	v24 =	vmul.f32 v26, v12;
	[tilespmem:s24+$0x7740] =	vst v25;
	v25 =	vmul.f32 v28, v13  }
0x1a2: {  	v30 =	vadd.f32 v30, v20;
	v23 =	vadd.f32 v23, v19  }
0x1a3: {  	[tilespmem:s24+$0x7710] =	vst v27;
	v24 =	vadd.f32 v24, v20;
	v25 =	vadd.f32 v25, v21;
	v27 =	vmul.f32 v0, v39  }
0x1a4: {  	v35 =	vsub.f32 v35, v1;
	v46 =	vsub.f32 v46, v1  }
0x1a5: {  	[tilespmem:s24+$0x77E0] =	vst v30;
	v45 =	vsub.f32 v45, v1;
	v28 =	vmul.f32 v0, v43;
	v26 =	vmul.f32 v27, v31  }
0x1a6: {  	[tilespmem:s24+$0x7760] =	vst v24;
	v30 =	vsub.f32 v48, v1;
	v24 =	vmul.f32 v0, v42;
	v27 =	vmul.f32 v0, v44  }
0x1a7: {  	[tilespmem:s24+$0x7750] =	vst v23;
	v28 =	vmul.f32 v28, v8;
	v23 =	vmul.f32 v29, v31;
	v26 =	vadd.f32 v26, v14  }
0x1a8: {  	[tilespmem:s24+$0x77D0] =	vst v33;
	v6 =	vsub.f32 v6, v1;
	v24 =	vmul.f32 v24, v9;
	v27 =	vmul.f32 v27, v7  }
0x1a9: {  	v51 =	vsub.f32 v50, v1;
	v23 =	vadd.f32 v23, v14;
	[tilespmem:s21+$0x7800] =	vst v26;
	v26 =	vmul.f32 v0, v41  }
0x1aa: {  	v1 =	vsub.f32 v40, v1;
	v27 =	vadd.f32 v27, v15;
	[tilespmem:s24+$0x7770] =	vst v25;
	v25 =	vmul.f32 v0, v32  }
0x1ab: {  	v28 =	vadd.f32 v28, v16;
	[tilespmem:s24+$0x7780] =	vst v23;
	v23 =	vmul.f32 v0, v59;
	v26 =	vmul.f32 v26, v10  }
0x1ac: {  	v24 =	vadd.f32 v24, v17;
	v0 =	vmul.f32 v0, v60;
	[tilespmem:s21+$0x7790] =	vst v27;
	v25 =	vmul.f32 v25, v11  }
0x1ad: {  	v6 =	vmul.f32 v22, v6;
	[tilespmem:s21+$0x77A0] =	vst v28;
	v23 =	vmul.f32 v23, v12;
	v26 =	vadd.f32 v26, v18  }
0x1ae: {  	v27 =	vmul.f32 v22, v35;
	[tilespmem:s21+$0x77B0] =	vst v24;
	v0 =	vmul.f32 v0, v13;
	v24 =	vadd.f32 v25, v19  }
0x1af: {  	v6 =	vmul.f32 v6, v13;
	v25 =	vmul.f32 v22, v63;
	v23 =	vadd.f32 v23, v20;
	[tilespmem:s21+$0x77C0] =	vst v26  }
0x1b0: {  	v27 =	vmul.f32 v27, v7;
	v0 =	vadd.f32 v0, v21;
	[tilespmem:s21+$0x77D0] =	vst v24;
	v24 =	vmul.f32 v22, v51  }
0x1b1: {  	v6 =	vadd.f32 v6, v21;
	v26 =	vmul.f32 v22, v46;
	v25 =	vmul.f32 v25, v8;
	[tilespmem:s21+$0x77E0] =	vst v23  }
0x1b2: {  	v23 =	vadd.f32 v27, v15;
	v27 =	vmul.f32 v22, v30;
	[tilespmem:s21+$0x77F0] =	vst v0;
	v0 =	vmul.f32 v24, v10  }
0x1b3: {  	v28 =	vmul.f32 v22, v45;
	[tilespmem:s21+$0x7770] =	vst v6;
	v26 =	vmul.f32 v26, v9;
	v24 =	vadd.f32 v25, v16  }
0x1b4: {  	v1 =	vmul.f32 v22, v1;
	[tilespmem:s21+$0x7710] =	vst v23;
	v22 =	vmul.f32 v27, v12;
	v0 =	vadd.f32 v0, v18  }
0x1b5: {  	v23 =	vmul.f32 v28, v11;
	v25 =	vadd.f32 v26, v17;
	[tilespmem:s21+$0x7720] =	vst v24  }
0x1b6: {  	v1 =	vmul.f32 v1, v31;
	[tilespmem:s21+$0x7740] =	vst v0;
	v0 =	vadd.f32 v22, v20  }
0x1b7: {  	v23 =	vadd.f32 v23, v19;
	[tilespmem:s21+$0x7730] =	vst v25  }
0x1b8: {  	[tilespmem:s21+$0x7760] =	vst v0;
	v0 =	vadd.f32 v1, v14  }
0x1b9: {  	s1 =	sshll.u32 s26, $0x4;
	[tilespmem:s21+$0x7750] =	vst v23  }
0x1ba: {  	s1 =	sadd.s32 s5, s1;
	[tilespmem:s21+$0x7780] =	vst v0  }
0x1bb: {  	[hbm4b:s1+s8] =	stream.linear.scatter [tilespmem:s3], [sflag:$0x3], $0x1400, $0x38;
	[tilespmem:$0x1DC80] =	vst v63  }
0x1bc: {  	_ = 	snop  }
0x1bd: {  	[spmem:s6] =	stream.indirect.scatter.add.f32 [tilespmem:s3], [sflag:$0x5], $0x80, s31, s29, $0xb8;
	[tilespmem:$0x1DC80] =	vst v63  }
0x1be: {  	_ =	swait.ge [sflag:s13], $0x1400  }
0x1bf: {  	[sflag:s13] =	ssyncset.done $0x0  }
0x1c0: {  	[sflag:s13] =	ssyncadd.s32 $0xFFFFEC00  }
0x1c1: {  	_ =	swait.ge [sflag:s13], $0x1400  }
0x1c2: {  	[sflag:s13] =	ssyncset.done $0x0  }
0x1c3: {  	[sflag:s13] =	ssyncadd.s32 $0xFFFFEC00  }
0x1c4: {  	_ =	swait.ge [sflag:s13], $0x1400  }
0x1c5: {  	[sflag:s13] =	ssyncset.done $0x0  }
0x1c6: {  	[sflag:s13] =	ssyncadd.s32 $0xFFFFEC00  }
0x1c7: {  	_ =	swait.ge [sflag:s14], $0x1400  }
0x1c8: {  	[sflag:s14] =	ssyncset.done $0x0  }
0x1c9: {  	s1 =	simm.s32 @!p1 $0x7;
	[sflag:s14] =	ssyncadd.s32 $0xFFFFEC00  }
0x1ca: {  	_ =	swait.ge @!p1 [sflag:s1], $0x50  }
0x1cb: {  	[sflag:s1] =	ssyncset.done @!p1 $0x0  }
0x1cc: {  	[sflag:s1] =	ssyncadd.s32 @!p1 $0xFFFFFFB0  }
0x1cd: {  	v0 =	vld @!p1 [tilespmem:$0xA000]  }
0x1ce: {  	v1 =	vld @!p1 [tilespmem:$0xA010]  }
0x1cf: {  	v6 =	vlaneseq.u32 @!p1;
	v22 =	vld @!p1 [tilespmem:$0xA020]  }
0x1d0: {  	v6 =	vand.u32 @!p1 $0x7, v6;
	v23 =	vld @!p1 [tilespmem:$0xA030]  }
0x1d1: {  	v6 =	vmul.u32 @!p1 $0x2, v6;
	v24 =	vld @!p1 [tilespmem:$0xA030]  }
0x1d2: {  	v25 =	vld @!p1 [tilespmem:$0xA040]  }
0x1d3: {  	v28 =	vor.u32 @!p1 $0x1, v6;
	v26 =	vperm.xlane @!p1 v0, v6;
	v27 =	vperm.xlane @!p1 v1, v6  }
0x1d4: {  	vm1 =	vmmov @!p1 $0xff;
	v0 =	vperm.xlane @!p1 v0, v28;
	v1 =	vperm.xlane @!p1 v1, v28  }
0x1d5: {  	v29 =	vperm.xlane @!p1 v23, v6;
	v26 =	vsel @!p1 vm1, v26, v27;
	v27 =	vperm.xlane @!p1 v22, v6  }
0x1d6: {  	v0 =	vsel @!p1 vm1, v0, v1;
	v1 =	vperm.xlane @!p1 v22, v28;
	v22 =	vperm.xlane @!p1 v23, v28;
	[tilespmem:$0xA100] =	vst @!p1 v26  }
0x1d7: {  	v23 =	vperm.xlane @!p1 v24, v6;
	v6 =	vperm.xlane @!p1 v25, v6;
	[tilespmem:$0xA200] =	vst @!p1 v0;
	v0 =	vsel @!p1 vm1, v27, v29  }
0x1d8: {  	v1 =	vsel @!p1 vm1, v1, v22;
	v22 =	vperm.xlane @!p1 v25, v28;
	[tilespmem:$0xA110] =	vst @!p1 v0;
	v0 =	vperm.xlane @!p1 v24, v28  }
0x1d9: {  	[tilespmem:$0xA210] =	vst @!p1 v1;
	v1 =	vsel @!p1 vm1, v23, v6  }
0x1da: {  	[tilespmem:$0xA118] =	vst @!p1 v1;
	v0 =	vsel @!p1 vm1, v0, v22  }
0x1db: {  	s24 =	simm.s32 @!p1 $0x0;
	s21 =	simm.s32 @!p1 $0xA100;
	s1 =	simm.s32 @!p1 $0x28;
	[tilespmem:$0xA218] =	vst @!p1 v0  }
0x1dc: {  	[tilespmem:s24], [sflag:$0x1] =	stream.indirect.gather @!p1 [hbm4b:s0+s1], $0x80, s21, s1, $0xb8;
	[tilespmem:$0x1DC80] =	vst v63  }
0x1dd: {  	s26 =	simm.s32 @!p1 $0x2800;
	s21 =	simm.s32 @!p1 $0xA200  }
0x1de: {  	[tilespmem:s26], [sflag:$0x1] =	stream.indirect.gather @!p1 [hbm4b:s9+s1], $0x80, s21, s1, $0xb8;
	[tilespmem:$0x1DC80] =	vst v63  }
0x1df: {  	s1 =	sshll.u32 @!p1 s20, $0x4  }
0x1e0: {  	s20 =	simm.s32 @!p1 $0x5000;
	s1 =	sadd.s32 @!p1 s10, s1  }
0x1e1: {  	[tilespmem:s20], [sflag:$0x1] =	stream.linear.gather @!p1 [hbm4b:s1+s24], $0x1400, $0x38;
	[tilespmem:$0x1DC80] =	vst v63  }
0x1e2: {  	s1 =	sadd.s32 @!p1 s25, s18  }
0x1e3: {  	s1 =	sshrl.u32 @!p1 s1, $0x2  }
0x1e4: {  	s20 =	simm.s32 @!p1 $0xA080;
	s1 =	sadd.s32 @!p1 s2, s1  }
0x1e5: {  	[tilespmem:s20], [sflag:$0x8] =	stream.linear.gather @!p1 [hbm4b:s1+s24], $0x50, $0x38;
	[tilespmem:$0x1DC80] =	vst v63  }
0x1e6: {  	_ =	swait.ge @p2 [sflag:s19], $0x1400  }
0x1e7: {  	[sflag:s19] =	ssyncset.done @p2 $0x0  }
0x1e8: {  	s20 =	simm.s32 $0xF0;
	[sflag:s19] =	ssyncadd.s32 @p2 $0xFFFFEC00  }
0x1e9: {  	v0 =	vld [tilespmem:s20+$0x6390]  }
0x1ea: {  	v1 =	vld [tilespmem:s20+$0x63A0]  }
0x1eb: {  	v6 =	vld [tilespmem:s20+$0x63B0]  }
0x1ec: {  	v22 =	vld [tilespmem:s20+$0x63C0]  }
0x1ed: {  	v23 =	vld [tilespmem:s20+$0x1390]  }
0x1ee: {  	v24 =	vld [tilespmem:s20+$0x3B90]  }
0x1ef: {  	v25 =	vld [tilespmem:s20+$0x13A0]  }
0x1f0: {  	v26 =	vld [tilespmem:s20+$0x3BA0]  }
0x1f1: {  	v27 =	vld [tilespmem:s20+$0x13B0]  }
0x1f2: {  	v28 =	vld [tilespmem:s20+$0x3BB0]  }
0x1f3: {  	v29 =	vld [tilespmem:s20+$0x13C0]  }
0x1f4: {  	v30 =	vld [tilespmem:s20+$0x3BC0]  }
0x1f5: {  	v19 =	vmov v31;
	v31 =	vld [tilespmem:s20+$0x13D0]  }
0x1f6: {  	v52 =	vld [tilespmem:s20+$0x3BD0]  }
0x1f7: {  	v53 =	vld [tilespmem:s20+$0x13E0]  }
0x1f8: {  	v54 =	vld [tilespmem:s20+$0x3BE0]  }
0x1f9: {  	v55 =	vld [tilespmem:s20+$0x13F0]  }
0x1fa: {  	v56 =	vld [tilespmem:s20+$0x3BF0]  }
0x1fb: {  	v57 =	vld [tilespmem:s20+$0x1400]  }
0x1fc: {  	v58 =	vld [tilespmem:s20+$0x3C00]  }
0x1fd: {  	v60 =	vld [tilespmem:s20+$0x6400];
	v23 =	vadd.f32 v24, v23  }
0x1fe: {  	v24 =	vld [tilespmem:s20+$0x63D0];
	v25 =	vadd.f32 v26, v25;
	v26 =	vadd.f32 v28, v27  }
0x1ff: {  	v27 =	vld [tilespmem:s20+$0x63E0];
	v28 =	vadd.f32 v30, v29;
	v29 =	vadd.f32 v52, v31  }
0x200: {  	v30 =	vld [tilespmem:s20+$0x63F0];
	v31 =	vadd.f32 v54, v53;
	v59 =	vadd.f32 v56, v55  }
0x201: {  	v0 =	vadd.f32 v0, v23;
	v1 =	vadd.f32 v1, v25  }
0x202: {  	v23 =	vadd.f32 v58, v57;
	v22 =	vadd.f32 v22, v28  }
0x203: {  	v6 =	vadd.f32 v6, v26;
	v28 =	vmax.f32 v0, $0.0e+00;
	v25 =	vmax.f32 v1, $0.0e+00  }
0x204: {  	v26 =	vmax.f32 v22, $0.0e+00;
	v24 =	vadd.f32 v24, v29;
	v29 =	vadd.f32 v27, v31  }
0x205: {  	v33 =	vld [tilespmem:s20+$0x3B20];
	v30 =	vadd.f32 v30, v59;
	v31 =	vadd.f32 v60, v23;
	v61 =	vmul.f32 v28, v28  }
0x206: {  	v37 =	vld [tilespmem:s20+$0x1330];
	v27 =	vmax.f32 v6, $0.0e+00;
	v63 =	vmul.f32 v25, v25;
	v50 =	vmul.f32 v26, v26  }
0x207: {  	v41 =	vld [tilespmem:s20+$0x3B30];
	v22 =	vmax.f32 v24, $0.0e+00;
	v24 =	vmax.f32 v29, $0.0e+00;
	v23 =	vmax.f32 v30, $0.0e+00  }
0x208: {  	v44 =	vld [tilespmem:s20+$0x1340];
	v29 =	vmax.f32 v31, $0.0e+00;
	v30 =	vadd.f32 v25, v28;
	v31 =	vadd.f32 v26, v27  }
0x209: {  	v38 =	vld [tilespmem:s20+$0x3B40];
	v48 =	vmul.f32 v27, v27;
	v32 =	vadd.f32 v63, v61;
	v62 =	vadd.f32 v24, v22  }
0x20a: {  	v56 =	vld [tilespmem:s20+$0x1350];
	v49 =	vadd.f32 v29, v23;
	v51 =	vmul.f32 v22, v22;
	v52 =	vmul.f32 v24, v24  }
0x20b: {  	v58 =	vld [tilespmem:s20+$0x3B50];
	v53 =	vmul.f32 v23, v23;
	v54 =	vmul.f32 v29, v29;
	v55 =	vadd.f32 v50, v48  }
0x20c: {  	v0 =	vld [tilespmem:s20+$0x1310];
	v30 =	vadd.f32 v31, v30;
	v31 =	vadd.f32 v49, v62  }
0x20d: {  	v1 =	vld [tilespmem:s20+$0x3B10];
	v57 =	vadd.f32 v52, v51;
	v34 =	vadd.f32 v54, v53  }
0x20e: {  	v6 =	vld [tilespmem:s20+$0x1320];
	v32 =	vadd.f32 v55, v32  }
0x20f: {  	v59 =	vld [tilespmem:s20+$0x3B60];
	v30 =	vadd.f32 v31, v30;
	v34 =	vadd.f32 v34, v57  }
0x210: {  	v60 =	vld [tilespmem:s20+$0x1370]  }
0x211: {  	v63 =	vld [tilespmem:s20+$0x1380];
	v61 =	vperm.xlane v30, v2;
	v32 =	vadd.f32 v34, v32  }
0x212: {  	v36 =	vadd.f32 v58, v56;
	v56 =	vld [tilespmem:s20+$0x6350]  }
0x213: {  	v50 =	vld [tilespmem:s20+$0x6310];
	v30 =	vadd.f32 v30, v61;
	v48 =	vperm.xlane v32, v2  }
0x214: {  	v62 =	vld [tilespmem:s20+$0x3B70]  }
0x215: {  	v49 =	vld [tilespmem:s20+$0x3B80];
	v51 =	vperm.xlane v30, v3;
	v32 =	vadd.f32 v32, v48  }
0x216: {  	v0 =	vadd.f32 v1, v0;
	v1 =	vadd.f32 v33, v6;
	v6 =	vld [tilespmem:s20+$0x6320]  }
0x217: {  	v53 =	vld [tilespmem:s20+$0x6330];
	v30 =	vadd.f32 v30, v51;
	v54 =	vperm.xlane v32, v3  }
0x218: {  	v38 =	vadd.f32 v38, v44;
	v31 =	vld [tilespmem:s20+$0x1360];
	v35 =	vadd.f32 v56, v36  }
0x219: {  	v52 =	vadd.f32 v41, v37;
	v55 =	vld [tilespmem:s20+$0x6340];
	v57 =	vperm.xlane v30, v4;
	v32 =	vadd.f32 v32, v54  }
0x21a: {  	v0 =	vadd.f32 v50, v0;
	v35 =	vmax.f32 v35, $0.0e+00;
	v34 =	vadd.f32 v62, v60  }
0x21b: {  	v58 =	vadd.f32 v49, v63;
	v60 =	vld [tilespmem:s20+$0x6370];
	v30 =	vadd.f32 v30, v57;
	v61 =	vperm.xlane v32, v4  }
0x21c: {  	v1 =	vadd.f32 v6, v1;
	v6 =	vadd.f32 v53, v52;
	v62 =	vld [tilespmem:s20+$0x6380];
	v0 =	vmax.f32 v0, $0.0e+00  }
0x21d: {  	v31 =	vadd.f32 v59, v31;
	v59 =	vld [tilespmem:s20+$0x6360];
	v40 =	vperm.xlane v30, v5;
	v32 =	vadd.f32 v32, v61  }
0x21e: {  	v63 =	vadd.f32 v55, v38;
	v50 =	vmul.f32 v0, v0;
	v1 =	vmax.f32 v1, $0.0e+00  }
0x21f: {  	v6 =	vmax.f32 v6, $0.0e+00;
	v30 =	vadd.f32 v30, v40;
	v44 =	vperm.xlane v32, v5  }
0x220: {  	v45 =	vadd.f32 v1, v0;
	v52 =	vmul.f32 v6, v6;
	v34 =	vadd.f32 v60, v34  }
0x221: {  	v33 =	vadd.f32 v62, v58;
	v30 =	vmul.f32 $7.812500000e-03, v30;
	v32 =	vadd.f32 v32, v44  }
0x222: {  	v51 =	vmul.f32 v1, v1;
	v31 =	vadd.f32 v59, v31;
	v34 =	vmax.f32 v34, $0.0e+00  }
0x223: {  	v33 =	vmax.f32 v33, $0.0e+00;
	v32 =	vmul.f32 $7.812500000e-03, v32;
	v46 =	vmul.f32 v30, v30  }
0x224: {  	v54 =	vmul.f32 v35, v35;
	v37 =	vadd.f32 v51, v50;
	v56 =	vmul.f32 v34, v34  }
0x225: {  	v31 =	vmax.f32 v31, $0.0e+00;
	v57 =	vmul.f32 v33, v33;
	v32 =	vsub.f32 v32, v46  }
0x226: {  	v49 =	vadd.f32 v33, v34;
	v48 =	vadd.f32 v31, v35;
	v55 =	vmul.f32 v31, v31  }
0x227: {  	v60 =	vadd.f32 v57, v56;
	v40 =	vmax.f32 v63, $0.0e+00;
	v32 =	vadd.f32 $1.000000050e-03, v32  }
0x228: {  	v39 =	vadd.f32 v49, v48;
	v47 =	vadd.f32 v40, v6;
	v53 =	vmul.f32 v40, v40  }
0x229: {  	v41 =	vadd.f32 v55, v54;
	v58 =	vshra.s32 v32, $0x1;
	v32 =	vmul.f32 $5.000000000e-01, v32  }
0x22a: {  	v36 =	vadd.f32 v47, v45;
	v38 =	vadd.f32 v53, v52;
	v59 =	vsub.s32 $0x5F3759DF, v58  }
0x22b: {  	v62 =	vadd.f32 v60, v41;
	v61 =	vmul.f32 v59, v32  }
0x22c: {  	v36 =	vadd.f32 v39, v36;
	v37 =	vadd.f32 v38, v37  }
0x22d: {  	v63 =	vmul.f32 v59, v61  }
0x22e: {  	v44 =	vperm.xlane v36, v2;
	v37 =	vadd.f32 v62, v37  }
0x22f: {  	v45 =	vsub.f32 $1.500000000e+00, v63  }
0x230: {  	v36 =	vadd.f32 v36, v44;
	v46 =	vperm.xlane v37, v2  }
0x231: {  	v38 =	vmul.f32 v59, v45  }
0x232: {  	v41 =	vperm.xlane v36, v3;
	v37 =	vadd.f32 v37, v46  }
0x233: {  	v47 =	vmul.f32 v38, v32  }
0x234: {  	v36 =	vadd.f32 v36, v41;
	v48 =	vperm.xlane v37, v3  }
0x235: {  	v39 =	vmul.f32 v47, v38  }
0x236: {  	v49 =	vperm.xlane v36, v4;
	v41 =	vadd.f32 v37, v48  }
0x237: {  	v50 =	vsub.f32 $1.500000000e+00, v39  }
0x238: {  	s21 =	simm.s32 $0x1F0;
	v20 =	vld [tilespmem:$0x1FFB0];
	v36 =	vadd.f32 v36, v49;
	v55 =	vperm.xlane v41, v4  }
0x239: {  	v43 =	vld [tilespmem:s21+$0x1390];
	v56 =	vmul.f32 v50, v38  }
0x23a: {  	v52 =	vld [tilespmem:s21+$0x6390];
	v57 =	vperm.xlane v36, v5;
	v41 =	vadd.f32 v41, v55  }
0x23b: {  	v53 =	vld [tilespmem:s21+$0x13C0];
	v32 =	vmul.f32 v56, v32  }
0x23c: {  	v44 =	vld [tilespmem:s21+$0x3BA0];
	v36 =	vadd.f32 v36, v57;
	v58 =	vperm.xlane v41, v5  }
0x23d: {  	v46 =	vld [tilespmem:s21+$0x13A0];
	v32 =	vmul.f32 v32, v56  }
0x23e: {  	v37 =	vld [tilespmem:s21+$0x63A0];
	v36 =	vmul.f32 $7.812500000e-03, v36;
	v41 =	vadd.f32 v41, v58  }
0x23f: {  	v28 =	vsub.f32 v28, v30;
	v48 =	vld [tilespmem:s21+$0x13B0];
	v32 =	vsub.f32 $1.500000000e+00, v32  }
0x240: {  	v29 =	vsub.f32 v29, v30;
	v49 =	vld [tilespmem:s21+$0x3BB0];
	v59 =	vmul.f32 v36, v36;
	v41 =	vmul.f32 $7.812500000e-03, v41  }
0x241: {  	v60 =	vsub.f32 v25, v30;
	v62 =	vsub.f32 v26, v30;
	v45 =	vld [tilespmem:s21+$0x3B90];
	v42 =	vmul.f32 v32, v56  }
0x242: {  	v61 =	vsub.f32 v27, v30;
	v55 =	vld [tilespmem:s21+$0x13D0];
	v25 =	vsub.f32 v41, v59  }
0x243: {  	v44 =	vadd.f32 v44, v46;
	v57 =	vld [tilespmem:s21+$0x3BE0];
	v47 =	vsub.f32 v24, v30;
	v26 =	vmul.f32 v42, v29  }
0x244: {  	v58 =	vld [tilespmem:s21+$0x13F0];
	v29 =	vsub.f32 v22, v30;
	v22 =	vadd.f32 $1.000000050e-03, v25  }
0x245: {  	v39 =	vld [tilespmem:s21+$0x63C0];
	v27 =	vsub.f32 v0, v36;
	v30 =	vsub.f32 v23, v30;
	v23 =	vmul.f32 v26, v19  }
0x246: {  	v24 =	vsub.f32 v1, v36;
	v0 =	vld [tilespmem:s21+$0x13E0];
	v1 =	vshra.s32 v22, $0x1;
	v32 =	vmul.f32 $5.000000000e-01, v22  }
0x247: {  	v38 =	vld [tilespmem:s21+$0x63B0];
	v22 =	vsub.f32 v6, v36;
	v6 =	vmul.f32 v42, v28;
	v23 =	vadd.f32 v23, v14  }
0x248: {  	v46 =	vadd.f32 v49, v48;
	v41 =	vld [tilespmem:s21+$0x3BC0];
	v50 =	vmul.f32 v42, v61;
	v1 =	vsub.s32 $0x5F3759DF, v1  }
0x249: {  	v56 =	vld [tilespmem:s21+$0x3BD0];
	v25 =	vsub.f32 v40, v36;
	v63 =	vmul.f32 v1, v32;
	v6 =	vmul.f32 v6, v7;
	[tilespmem:s20+$0x8C00] =	vst v23  }
0x24a: {  	v47 =	vmul.f32 v42, v47;
	v28 =	vmul.f32 v42, v60;
	v26 =	vsub.f32 v31, v36;
	v51 =	vld [tilespmem:s21+$0x3BF0]  }
0x24b: {  	v59 =	vmul.f32 v42, v29;
	v40 =	vmul.f32 v1, v63;
	v6 =	vadd.f32 v6, v15;
	v54 =	vld [tilespmem:s21+$0x1400]  }
0x24c: {  	v61 =	vmul.f32 v42, v30;
	v29 =	vmul.f32 v28, v8;
	v28 =	vsub.f32 v34, v36;
	v60 =	vld [tilespmem:s21+$0x3C00]  }
0x24d: {  	v23 =	vsub.f32 v35, v36;
	v35 =	vld [tilespmem:s21+$0x63D0];
	v30 =	vsub.f32 $1.500000000e+00, v40;
	[tilespmem:s20+$0x8B90] =	vst v6;
	v6 =	vmul.f32 v50, v9  }
0x24e: {  	v21 =	vld [tilespmem:$0x1FFC0];
	v31 =	vmul.f32 v42, v62;
	v62 =	vadd.f32 v29, v16;
	v29 =	vsub.f32 v33, v36  }
0x24f: {  	v19 =	vld [tilespmem:$0x1FFA0];
	v33 =	vmul.f32 v59, v11;
	v34 =	vmul.f32 v1, v30;
	v6 =	vadd.f32 v6, v17  }
0x250: {  	v48 =	vadd.f32 v56, v55;
	v40 =	vmul.f32 v31, v10;
	v31 =	vmul.f32 v61, v13;
	v42 =	vld [tilespmem:s21+$0x63E0];
	[tilespmem:s20+$0x8BA0] =	vst v62  }
0x251: {  	v50 =	vadd.f32 v57, v0;
	v1 =	vadd.f32 v45, v43;
	v43 =	vld [tilespmem:s21+$0x63F0];
	v63 =	vmul.f32 v34, v32;
	[tilespmem:s20+$0x8BB0] =	vst v6  }
0x252: {  	v30 =	vmul.f32 v47, v12;
	v47 =	vadd.f32 v41, v53;
	v51 =	vadd.f32 v51, v58;
	v49 =	vld [tilespmem:s21+$0x6400]  }
0x253: {  	s24 =	simm.s32 $0xBC0;
	v41 =	vadd.f32 v52, v1;
	v52 =	vadd.f32 v60, v54;
	v45 =	vld [tilespmem:s21+$0x1310];
	v36 =	vmul.f32 v63, v34  }
.LBB2_5:
0x254: {  	v0 =	vld [tilespmem:s21+$0x3B10];
	v1 =	vadd.f32 v37, v44;
	v6 =	vadd.f32 v38, v46  }
0x255: {  	v53 =	vld [tilespmem:s21+$0x1350];
	v57 =	vadd.f32 v39, v47;
	v35 =	vadd.f32 v35, v48  }
0x256: {  	v63 =	vld [tilespmem:s21+$0x3B60];
	v44 =	vmax.f32 v41, $0.0e+00;
	v58 =	vadd.f32 v42, v50;
	v59 =	vadd.f32 v43, v51  }
0x257: {  	v46 =	vld [tilespmem:s21+$0x1320];
	v43 =	vmax.f32 v1, $0.0e+00;
	v42 =	vmax.f32 v6, $0.0e+00;
	v41 =	vmax.f32 v57, $0.0e+00  }
0x258: {  	v47 =	vld [tilespmem:s21+$0x3B20];
	v38 =	vmax.f32 v35, $0.0e+00;
	v49 =	vadd.f32 v49, v52;
	v39 =	vmax.f32 v58, $0.0e+00  }
0x259: {  	v48 =	vld [tilespmem:s21+$0x3B40];
	v51 =	vadd.f32 v41, v42;
	v52 =	vmul.f32 v44, v44;
	v55 =	vmul.f32 v43, v43  }
0x25a: {  	v50 =	vld [tilespmem:s21+$0x1330];
	v56 =	vmul.f32 v42, v42;
	v60 =	vmul.f32 v38, v38;
	v37 =	vmax.f32 v59, $0.0e+00  }
0x25b: {  	v1 =	vld [tilespmem:s21+$0x3B30];
	v54 =	vadd.f32 v39, v38;
	v0 =	vadd.f32 v0, v45;
	v35 =	vmax.f32 v49, $0.0e+00  }
0x25c: {  	v6 =	vld [tilespmem:s21+$0x1340];
	v59 =	vmul.f32 v41, v41;
	v49 =	vadd.f32 v43, v44;
	v58 =	vadd.f32 v35, v37  }
0x25d: {  	v57 =	vld [tilespmem:s21+$0x3B50];
	v61 =	vmul.f32 v39, v39;
	v62 =	vmul.f32 v37, v37;
	v52 =	vadd.f32 v55, v52  }
0x25e: {  	v45 =	vld [tilespmem:s21+$0x1360];
	v49 =	vadd.f32 v51, v49;
	v51 =	vadd.f32 v58, v54;
	v54 =	vmul.f32 v35, v35  }
0x25f: {  	v46 =	vadd.f32 v47, v46;
	v47 =	vld [tilespmem:s21+$0x1380];
	v55 =	vadd.f32 v59, v56  }
0x260: {  	v56 =	vld [tilespmem:s21+$0x3B70];
	v60 =	vadd.f32 v61, v60;
	v54 =	vadd.f32 v54, v62  }
0x261: {  	v61 =	vld [tilespmem:s21+$0x6310];
	v6 =	vadd.f32 v48, v6;
	v52 =	vadd.f32 v55, v52  }
0x262: {  	v48 =	vld [tilespmem:s21+$0x6320];
	v49 =	vadd.f32 v51, v49;
	v54 =	vadd.f32 v54, v60  }
0x263: {  	v1 =	vadd.f32 v1, v50;
	v50 =	vadd.f32 v57, v53;
	v57 =	vld [tilespmem:s21+$0x6340]  }
0x264: {  	v51 =	vld [tilespmem:s21+$0x3B80];
	v62 =	vperm.xlane v49, v2;
	v52 =	vadd.f32 v54, v52  }
0x265: {  	v58 =	vld [tilespmem:s21+$0x1370]  }
0x266: {  	v45 =	vadd.f32 v63, v45;
	v54 =	vld [tilespmem:s21+$0x6330];
	v49 =	vadd.f32 v49, v62;
	v63 =	vperm.xlane v52, v2  }
0x267: {  	v40 =	vadd.f32 v40, v18;
	v36 =	vsub.f32 $1.500000000e+00, v36;
	v60 =	vld [tilespmem:s21+$0x6350]  }
0x268: {  	v0 =	vadd.f32 v61, v0;
	v62 =	vld [tilespmem:s21+$0x6370];
	v61 =	vperm.xlane v49, v3;
	v52 =	vadd.f32 v52, v63  }
0x269: {  	v59 =	vmul.f32 v36, v34;
	v6 =	vadd.f32 v57, v6;
	v47 =	vadd.f32 v51, v47;
	v51 =	vld [tilespmem:s21+$0x6360];
	[tilespmem:s20+$0x8BC0] =	vst v40  }
0x26a: {  	v56 =	vadd.f32 v56, v58;
	v40 =	vld [tilespmem:s21+$0x6380];
	v49 =	vadd.f32 v49, v61;
	v55 =	vperm.xlane v52, v3  }
0x26b: {  	v63 =	vadd.f32 v33, v19;
	v33 =	vmax.f32 v0, $0.0e+00;
	v1 =	vadd.f32 v54, v1  }
0x26c: {  	v0 =	vadd.f32 v60, v50;
	v60 =	vperm.xlane v49, v4;
	v61 =	vadd.f32 v52, v55  }
0x26d: {  	v46 =	vadd.f32 v48, v46;
	v36 =	vmax.f32 v6, $0.0e+00;
	v48 =	vmax.f32 v1, $0.0e+00  }
0x26e: {  	v1 =	vadd.f32 v62, v56;
	v6 =	vadd.f32 v49, v60;
	v62 =	vperm.xlane v61, v4  }
0x26f: {  	v47 =	vadd.f32 v40, v47;
	v49 =	vmax.f32 v0, $0.0e+00  }
0x270: {  	v40 =	vmax.f32 v1, $0.0e+00;
	v0 =	vperm.xlane v6, v5;
	v1 =	vadd.f32 v61, v62  }
0x271: {  	v45 =	vadd.f32 v51, v45  }
0x272: {  	v34 =	vmax.f32 v46, $0.0e+00;
	v0 =	vadd.f32 v6, v0;
	v6 =	vperm.xlane v1, v5  }
0x273: {  	v50 =	vadd.f32 v34, v33;
	[tilespmem:s20+$0x8BD0] =	vst v63;
	v46 =	vmax.f32 v45, $0.0e+00;
	v63 =	vadd.f32 v36, v48  }
0x274: {  	v47 =	vmax.f32 v47, $0.0e+00;
	v45 =	vmul.f32 $7.812500000e-03, v0;
	v0 =	vadd.f32 v1, v6  }
0x275: {  	v54 =	vmul.f32 v33, v33;
	v60 =	vadd.f32 v46, v49;
	v61 =	vadd.f32 v47, v40  }
0x276: {  	v1 =	vadd.f32 v63, v50;
	v63 =	vmul.f32 v45, v45;
	v0 =	vmul.f32 $7.812500000e-03, v0  }
0x277: {  	v56 =	vmul.f32 v48, v48;
	v62 =	vmul.f32 v34, v34;
	v51 =	vadd.f32 v61, v60  }
0x278: {  	v60 =	vmul.f32 v46, v46;
	v61 =	vmul.f32 v40, v40;
	v0 =	vsub.f32 v0, v63  }
0x279: {  	v6 =	vmul.f32 v36, v36;
	v50 =	vmul.f32 v49, v49  }
0x27a: {  	v54 =	vadd.f32 v62, v54;
	v62 =	vmul.f32 v47, v47;
	v0 =	vadd.f32 $1.000000050e-03, v0  }
0x27b: {  	v32 =	vmul.f32 v59, v32;
	v6 =	vadd.f32 v6, v56;
	v50 =	vadd.f32 v60, v50  }
0x27c: {  	v63 =	vadd.f32 v62, v61;
	v57 =	vshra.s32 v0, $0x1;
	v0 =	vmul.f32 $5.000000000e-01, v0  }
0x27d: {  	v32 =	vmul.f32 v32, v59;
	v1 =	vadd.f32 v51, v1;
	v51 =	vsub.s32 $0x5F3759DF, v57  }
0x27e: {  	v6 =	vadd.f32 v6, v54;
	v50 =	vadd.f32 v63, v50;
	v58 =	vmul.f32 v51, v0  }
0x27f: {  	v32 =	vsub.f32 $1.500000000e+00, v32;
	v56 =	vperm.xlane v1, v2  }
0x280: {  	v6 =	vadd.f32 v50, v6;
	v50 =	vmul.f32 v51, v58  }
0x281: {  	v32 =	vmul.f32 v32, v59;
	v1 =	vadd.f32 v1, v56  }
0x282: {  	v60 =	vsub.f32 $1.500000000e+00, v50  }
0x283: {  	v55 =	vmul.f32 v32, v25;
	v52 =	vperm.xlane v1, v3  }
0x284: {  	v25 =	vadd.f32 v30, v20;
	v59 =	vperm.xlane v6, v2;
	v63 =	vmul.f32 v51, v60  }
0x285: {  	v24 =	vmul.f32 v32, v24;
	v30 =	vadd.f32 v31, v21;
	v1 =	vadd.f32 v1, v52  }
0x286: {  	v6 =	vadd.f32 v6, v59;
	v60 =	vmul.f32 v32, v22;
	v22 =	vmul.f32 v63, v0  }
0x287: {  	[tilespmem:s20+$0x8BF0] =	vst v30;
	v30 =	vmul.f32 v24, v8;
	v61 =	vperm.xlane v1, v4  }
0x288: {  	v62 =	vperm.xlane v6, v3;
	v22 =	vmul.f32 v22, v63  }
0x289: {  	v27 =	vmul.f32 v32, v27;
	v30 =	vadd.f32 v30, v16;
	v1 =	vadd.f32 v1, v61  }
0x28a: {  	v57 =	vmul.f32 v32, v26;
	v6 =	vadd.f32 v6, v62;
	v22 =	vsub.f32 $1.500000000e+00, v22  }
0x28b: {  	v44 =	vsub.f32 v44, v45;
	v61 =	vmul.f32 v32, v23;
	v23 =	vperm.xlane v1, v5  }
0x28c: {  	v43 =	vsub.f32 v43, v45;
	v26 =	vperm.xlane v6, v4;
	v62 =	vmul.f32 v22, v63  }
0x28d: {  	v42 =	vsub.f32 v42, v45;
	v1 =	vadd.f32 v1, v23;
	v23 =	vmul.f32 v27, v7  }
0x28e: {  	s1 =	sshra.s32 s24, $0x2;
	[tilespmem:s20+$0x8BE0] =	vst v25;
	v53 =	vsub.f32 v38, v45;
	v6 =	vadd.f32 v6, v26;
	v0 =	vmul.f32 v62, v0  }
0x28f: {  	v38 =	vld [tilespmem:s1+$0x63B0];
	v35 =	vsub.f32 v35, v45;
	v23 =	vadd.f32 v23, v15  }
0x290: {  	v52 =	vsub.f32 v41, v45;
	v41 =	vld [tilespmem:s1+$0x6390];
	v25 =	vperm.xlane v6, v5;
	v0 =	vmul.f32 v0, v62  }
0x291: {  	v54 =	vsub.f32 v39, v45;
	v51 =	vsub.f32 v37, v45;
	v37 =	vld [tilespmem:s1+$0x63A0];
	v1 =	vmul.f32 $7.812500000e-03, v1;
	[tilespmem:s20+$0x8B10] =	vst v23  }
0x292: {  	v31 =	vmul.f32 v32, v28;
	v39 =	vld [tilespmem:s1+$0x63C0];
	v6 =	vadd.f32 v6, v25;
	v0 =	vsub.f32 $1.500000000e+00, v0  }
0x293: {  	v27 =	vsub.f32 v33, v1;
	v26 =	vsub.f32 v46, v1;
	v46 =	vld [tilespmem:s1+$0x3B90];
	v63 =	vmul.f32 v1, v1  }
0x294: {  	v24 =	vsub.f32 v34, v1;
	v6 =	vmul.f32 $7.812500000e-03, v6;
	v0 =	vmul.f32 v0, v62;
	v62 =	vld [tilespmem:$0x1FFD0]  }
0x295: {  	v32 =	vmul.f32 v32, v29;
	v23 =	vsub.f32 v49, v1;
	v29 =	vsub.f32 v47, v1;
	v47 =	vld [tilespmem:s1+$0x13A0]  }
0x296: {  	v60 =	vmul.f32 v60, v9;
	v28 =	vsub.f32 v40, v1;
	v49 =	vld [tilespmem:s1+$0x13B0];
	v6 =	vsub.f32 v6, v63  }
0x297: {  	v45 =	vld [tilespmem:s1+$0x3BB0];
	v22 =	vsub.f32 v48, v1;
	v25 =	vsub.f32 v36, v1;
	v1 =	vmul.f32 v55, v10  }
0x298: {  	v61 =	vmul.f32 v61, v11;
	v40 =	vmul.f32 v57, v12;
	v36 =	vld [tilespmem:s1+$0x1390];
	v6 =	vadd.f32 $1.000000050e-03, v6  }
0x299: {  	v48 =	vld [tilespmem:s1+$0x3BA0];
	[tilespmem:s20+$0x8B20] =	vst v30;
	v30 =	vadd.f32 v60, v17;
	v1 =	vadd.f32 v1, v18;
	v63 =	vmul.f32 v32, v62  }
0x29a: {  	v50 =	vld [tilespmem:s1+$0x13C0];
	v60 =	vshra.s32 v6, $0x1;
	v32 =	vmul.f32 $5.000000000e-01, v6;
	v6 =	vmul.f32 v0, v35  }
0x29b: {  	v31 =	vmul.f32 v31, v13;
	v40 =	vadd.f32 v40, v20;
	v56 =	vld [tilespmem:s1+$0x3BC0];
	[tilespmem:s20+$0x8B30] =	vst v30;
	v44 =	vmul.f32 v0, v44  }
0x29c: {  	v55 =	vld [tilespmem:s1+$0x13D0];
	[tilespmem:s20+$0x8B40] =	vst v1;
	v1 =	vadd.f32 v61, v19;
	v43 =	vmul.f32 v0, v43;
	v6 =	vmul.f32 v6, v62  }
0x29d: {  	v57 =	vld [tilespmem:s1+$0x3BD0];
	v61 =	vmul.f32 v0, v42;
	v53 =	vmul.f32 v0, v53;
	v35 =	vsub.s32 $0x5F3759DF, v60  }
0x29e: {  	v30 =	vmul.f32 v35, v32;
	v62 =	vmul.f32 v0, v52;
	v52 =	vld [tilespmem:s1+$0x13E0];
	[tilespmem:s20+$0x8B50] =	vst v1;
	v6 =	vadd.f32 v6, v14  }
0x29f: {  	v31 =	vadd.f32 v31, v21;
	v54 =	vmul.f32 v0, v54;
	v44 =	vmul.f32 v44, v7;
	v1 =	vld [tilespmem:s1+$0x3BE0];
	[tilespmem:s20+$0x8B60] =	vst v40  }
0x2a0: {  	v0 =	vmul.f32 v0, v51;
	v30 =	vmul.f32 v35, v30;
	v51 =	vld [tilespmem:s1+$0x13F0];
	[tilespmem:s21+$0x8C00] =	vst v6  }
0x2a1: {  	v43 =	vmul.f32 v43, v8;
	v63 =	vadd.f32 v63, v14;
	v6 =	vld [tilespmem:s1+$0x3BF0];
	[tilespmem:s20+$0x8B70] =	vst v31  }
0x2a2: {  	v58 =	vmul.f32 v61, v9;
	v44 =	vadd.f32 v44, v15;
	v30 =	vsub.f32 $1.500000000e+00, v30;
	v60 =	vld [tilespmem:s1+$0x1400]  }
0x2a3: {  	p1 =	sne.s32 s24, $0x4FC0;
	v33 =	vmul.f32 v53, v11;
	v43 =	vadd.f32 v43, v16;
	v31 =	vmul.f32 v0, v13;
	v61 =	vld [tilespmem:s1+$0x3C00];
	[tilespmem:s20+$0x8B80] =	vst v63;
	s20 =	smov.u32 s21;
	s21 =	smov.u32 s1  }
.Ltmp1:
0x2a4: {  	v0 =	vadd.f32 v46, v36;
	v34 =	vmul.f32 v35, v30;
	v63 =	vadd.f32 v58, v17;
	v35 =	vld [tilespmem:s21+$0x63D0];
	[tilespmem:s20+$0x8B90] =	vst v44;
	(pc) =	sbr.rel @p1 .LBB2_5-.Ltmp1, $4  }
0x2a5: {  	v40 =	vmul.f32 v62, v10;
	v46 =	vadd.f32 v45, v49;
	v44 =	vadd.f32 v48, v47;
	v42 =	vld [tilespmem:s21+$0x63E0];
	[tilespmem:s20+$0x8BA0] =	vst v43  }
0x2a6: {  	v47 =	vadd.f32 v56, v50;
	v48 =	vadd.f32 v57, v55;
	v62 =	vmul.f32 v34, v32;
	v43 =	vld [tilespmem:s21+$0x63F0];
	[tilespmem:s20+$0x8BB0] =	vst v63  }
0x2a7: {  	v30 =	vmul.f32 v54, v12;
	v50 =	vadd.f32 v1, v52;
	v41 =	vadd.f32 v41, v0;
	v49 =	vld [tilespmem:s21+$0x6400]  }
0x2a8: {  	s24 =	sadd.s32 $0x400, s24;
	v36 =	vmul.f32 v62, v34;
	v51 =	vadd.f32 v6, v51;
	v45 =	vld [tilespmem:s21+$0x1310];
	v52 =	vadd.f32 v61, v60  }
0x2a9: {  	v0 =	vld [tilespmem:s21+$0x3B10]  }
0x2aa: {  	v1 =	vld [tilespmem:s21+$0x1320]  }
0x2ab: {  	v53 =	vld [tilespmem:s21+$0x3B20]  }
0x2ac: {  	v38 =	vadd.f32 v38, v46;
	v46 =	vld [tilespmem:s21+$0x3B30]  }
0x2ad: {  	v39 =	vadd.f32 v39, v47;
	v47 =	vld [tilespmem:s21+$0x1340]  }
0x2ae: {  	v37 =	vadd.f32 v37, v44;
	v44 =	vmax.f32 v41, $0.0e+00;
	v54 =	vld [tilespmem:s21+$0x3B50]  }
0x2af: {  	v35 =	vadd.f32 v35, v48;
	v60 =	vadd.f32 v42, v50;
	v55 =	vmul.f32 v44, v44;
	[tilespmem:$0x1FF20] =	vst v1;
	v1 =	vld [tilespmem:s21+$0x1330]  }
0x2b0: {  	v48 =	vld [tilespmem:s21+$0x1360];
	v61 =	vadd.f32 v43, v51;
	v43 =	vmax.f32 v37, $0.0e+00;
	v42 =	vmax.f32 v38, $0.0e+00  }
0x2b1: {  	v56 =	vld [tilespmem:s21+$0x3B60];
	v41 =	vmax.f32 v39, $0.0e+00;
	v6 =	vmax.f32 v35, $0.0e+00;
	v49 =	vadd.f32 v49, v52  }
0x2b2: {  	v51 =	vld [tilespmem:s21+$0x3B40];
	v39 =	vmax.f32 v60, $0.0e+00;
	v50 =	vadd.f32 v41, v42;
	v58 =	vmul.f32 v43, v43  }
0x2b3: {  	v35 =	vld [tilespmem:s21+$0x1380];
	v59 =	vmul.f32 v42, v42;
	v62 =	vmul.f32 v41, v41;
	v38 =	vmax.f32 v61, $0.0e+00  }
0x2b4: {  	v52 =	vld [tilespmem:s21+$0x1350];
	v57 =	vadd.f32 v39, v6;
	v37 =	vadd.f32 v0, v45;
	[tilespmem:$0x1FF30] =	vst v1;
	v1 =	vmax.f32 v49, $0.0e+00  }
0x2b5: {  	v60 =	vld [tilespmem:s21+$0x1370];
	v63 =	vmul.f32 v6, v6;
	v49 =	vadd.f32 v43, v44;
	v61 =	vadd.f32 v1, v38  }
0x2b6: {  	[tilespmem:$0x1FF40] =	vst v6;
	v6 =	vld [tilespmem:s21+$0x3B70];
	v45 =	vmul.f32 v39, v39;
	v55 =	vadd.f32 v58, v55;
	v58 =	vadd.f32 v62, v59  }
0x2b7: {  	[tilespmem:$0x1FF50] =	vst v1;
	v49 =	vadd.f32 v50, v49;
	v50 =	vadd.f32 v61, v57;
	v57 =	vmul.f32 v1, v1;
	v1 =	vld [tilespmem:$0x1FF20]  }
0x2b8: {  	v0 =	vmul.f32 v38, v38;
	v62 =	vld [tilespmem:s21+$0x6310]  }
0x2b9: {  	v45 =	vadd.f32 v45, v63;
	v55 =	vadd.f32 v58, v55;
	v58 =	vld [tilespmem:s21+$0x6350]  }
0x2ba: {  	v47 =	vadd.f32 v51, v47;
	v51 =	vld [tilespmem:s21+$0x6370];
	v0 =	vadd.f32 v57, v0  }
0x2bb: {  	v57 =	vld [tilespmem:s21+$0x6320];
	v49 =	vadd.f32 v50, v49  }
0x2bc: {  	v0 =	vadd.f32 v0, v45;
	v53 =	vadd.f32 v53, v1;
	v1 =	vld [tilespmem:$0x1FF30]  }
0x2bd: {  	v40 =	vadd.f32 v40, v18;
	v48 =	vadd.f32 v56, v48;
	v61 =	vld [tilespmem:s21+$0x3B80];
	v63 =	vperm.xlane v49, v2  }
0x2be: {  	v6 =	vadd.f32 v6, v60;
	v45 =	vld [tilespmem:s21+$0x6340];
	v0 =	vadd.f32 v0, v55  }
0x2bf: {  	v52 =	vadd.f32 v54, v52;
	v55 =	vld [tilespmem:s21+$0x6360];
	v49 =	vadd.f32 v49, v63  }
0x2c0: {  	v62 =	vadd.f32 v62, v37;
	v6 =	vadd.f32 v51, v6;
	v50 =	vld [tilespmem:s21+$0x6330];
	[tilespmem:s20+$0x8BC0] =	vst v40;
	v60 =	vperm.xlane v0, v2  }
0x2c1: {  	v37 =	vld [tilespmem:s21+$0x6380];
	v53 =	vadd.f32 v57, v53;
	v63 =	vperm.xlane v49, v3;
	v46 =	vadd.f32 v46, v1  }
0x2c2: {  	v6 =	vmax.f32 v6, $0.0e+00;
	v1 =	vadd.f32 v61, v35;
	v0 =	vadd.f32 v0, v60  }
0x2c3: {  	v49 =	vadd.f32 v49, v63;
	v60 =	vadd.f32 v45, v47;
	v35 =	vmax.f32 v62, $0.0e+00  }
0x2c4: {  	v61 =	vadd.f32 v58, v52;
	v47 =	vmax.f32 v53, $0.0e+00;
	v48 =	vadd.f32 v55, v48  }
0x2c5: {  	v53 =	vmul.f32 v35, v35;
	v54 =	vmul.f32 v47, v47;
	v46 =	vadd.f32 v50, v46  }
0x2c6: {  	v50 =	vmax.f32 v60, $0.0e+00;
	v1 =	vadd.f32 v37, v1;
	v45 =	vmax.f32 v61, $0.0e+00  }
0x2c7: {  	v48 =	vmax.f32 v48, $0.0e+00;
	v61 =	vmul.f32 v50, v50;
	v46 =	vmax.f32 v46, $0.0e+00  }
0x2c8: {  	v40 =	vmax.f32 v1, $0.0e+00;
	v1 =	vadd.f32 v47, v35;
	v62 =	vadd.f32 v50, v46  }
0x2c9: {  	v51 =	vmul.f32 v45, v45;
	v63 =	vadd.f32 v48, v45;
	v37 =	vadd.f32 v40, v6  }
0x2ca: {  	v60 =	vmul.f32 v46, v46;
	v1 =	vadd.f32 v62, v1;
	v62 =	vmul.f32 v48, v48  }
0x2cb: {  	v52 =	vadd.f32 v37, v63;
	v63 =	vmul.f32 v6, v6;
	v37 =	vmul.f32 v40, v40  }
0x2cc: {  	v53 =	vadd.f32 v54, v53;
	v60 =	vadd.f32 v61, v60  }
0x2cd: {  	v51 =	vadd.f32 v62, v51;
	v55 =	vadd.f32 v37, v63  }
0x2ce: {  	v1 =	vadd.f32 v52, v1  }
0x2cf: {  	v53 =	vadd.f32 v60, v53;
	v51 =	vadd.f32 v55, v51  }
0x2d0: {  	v61 =	vperm.xlane v0, v3  }
0x2d1: {  	v37 =	vperm.xlane v1, v2;
	v51 =	vadd.f32 v51, v53  }
0x2d2: {  	v0 =	vadd.f32 v0, v61;
	v62 =	vperm.xlane v49, v4  }
0x2d3: {  	v1 =	vadd.f32 v1, v37;
	v58 =	vperm.xlane v51, v2  }
0x2d4: {  	v49 =	vadd.f32 v49, v62;
	v63 =	vperm.xlane v0, v4  }
0x2d5: {  	v54 =	vperm.xlane v1, v3;
	v51 =	vadd.f32 v51, v58  }
0x2d6: {  	v57 =	vperm.xlane v49, v5;
	v0 =	vadd.f32 v0, v63  }
0x2d7: {  	v1 =	vadd.f32 v1, v54;
	v52 =	vperm.xlane v51, v3  }
0x2d8: {  	v49 =	vadd.f32 v49, v57;
	v59 =	vperm.xlane v0, v5  }
0x2d9: {  	v54 =	vperm.xlane v1, v4;
	v51 =	vadd.f32 v51, v52  }
0x2da: {  	v49 =	vmul.f32 $7.812500000e-03, v49;
	v0 =	vadd.f32 v0, v59  }
0x2db: {  	v1 =	vadd.f32 v1, v54;
	v52 =	vperm.xlane v51, v4  }
0x2dc: {  	v0 =	vmul.f32 $7.812500000e-03, v0;
	v60 =	vmul.f32 v49, v49  }
0x2dd: {  	v61 =	vperm.xlane v1, v5;
	v51 =	vadd.f32 v51, v52  }
0x2de: {  	v0 =	vsub.f32 v0, v60  }
0x2df: {  	v1 =	vadd.f32 v1, v61;
	v63 =	vperm.xlane v51, v5  }
0x2e0: {  	v0 =	vadd.f32 $1.000000050e-03, v0  }
0x2e1: {  	v1 =	vmul.f32 $7.812500000e-03, v1;
	v51 =	vadd.f32 v51, v63  }
0x2e2: {  	v36 =	vsub.f32 $1.500000000e+00, v36;
	v62 =	vshra.s32 v0, $0x1;
	v0 =	vmul.f32 $5.000000000e-01, v0  }
0x2e3: {  	v52 =	vsub.s32 $0x5F3759DF, v62;
	v58 =	vmul.f32 v1, v1;
	v51 =	vmul.f32 $7.812500000e-03, v51  }
0x2e4: {  	v37 =	vmul.f32 v52, v0  }
0x2e5: {  	v34 =	vmul.f32 v36, v34;
	v51 =	vsub.f32 v51, v58  }
0x2e6: {  	v57 =	vmul.f32 v52, v37  }
0x2e7: {  	v32 =	vmul.f32 v34, v32;
	v51 =	vadd.f32 $1.000000050e-03, v51  }
0x2e8: {  	v53 =	vsub.f32 $1.500000000e+00, v57  }
0x2e9: {  	v32 =	vmul.f32 v32, v34;
	v60 =	vshra.s32 v51, $0x1;
	v51 =	vmul.f32 $5.000000000e-01, v51  }
0x2ea: {  	v59 =	vmul.f32 v52, v53;
	v53 =	vsub.s32 $0x5F3759DF, v60  }
0x2eb: {  	v32 =	vsub.f32 $1.500000000e+00, v32;
	v61 =	vmul.f32 v53, v51;
	_ =	sdelay $0x1  }
0x2ec: {  	v32 =	vmul.f32 v32, v34;
	v54 =	vmul.f32 v53, v61;
	_ =	sdelay $0x1  }
0x2ed: {  	v27 =	vmul.f32 v32, v27;
	v52 =	vmul.f32 v59, v0;
	v63 =	vsub.f32 $1.500000000e+00, v54  }
0x2ee: {  	v24 =	vmul.f32 v32, v24;
	v22 =	vmul.f32 v32, v22  }
0x2ef: {  	v52 =	vmul.f32 v52, v59;
	v36 =	vmul.f32 v53, v63  }
0x2f0: {  	v25 =	vmul.f32 v32, v25;
	v23 =	vmul.f32 v32, v23  }
0x2f1: {  	v26 =	vmul.f32 v32, v26;
	v52 =	vsub.f32 $1.500000000e+00, v52;
	v37 =	vmul.f32 v36, v51  }
0x2f2: {  	v33 =	vadd.f32 v33, v19;
	v28 =	vmul.f32 v32, v28;
	v29 =	vmul.f32 v32, v29  }
0x2f3: {  	v30 =	vadd.f32 v30, v20;
	v62 =	vmul.f32 v52, v59;
	v52 =	vmul.f32 v37, v36  }
0x2f4: {  	v31 =	vadd.f32 v31, v21;
	v27 =	vmul.f32 v27, v7;
	v24 =	vmul.f32 v24, v8  }
0x2f5: {  	v22 =	vmul.f32 v22, v9;
	v25 =	vmul.f32 v25, v10;
	v55 =	vld [tilespmem:$0x1FF40];
	v57 =	vsub.f32 $1.500000000e+00, v52  }
0x2f6: {  	v23 =	vmul.f32 v23, v11;
	v27 =	vadd.f32 v27, v15;
	v24 =	vadd.f32 v24, v16  }
0x2f7: {  	v22 =	vadd.f32 v22, v17;
	v25 =	vadd.f32 v25, v18;
	v36 =	vmul.f32 v57, v36  }
0x2f8: {  	v23 =	vadd.f32 v23, v19;
	v44 =	vsub.f32 v44, v49;
	v0 =	vmul.f32 v62, v0  }
0x2f9: {  	v43 =	vsub.f32 v43, v49;
	v42 =	vsub.f32 v42, v49;
	v58 =	vld [tilespmem:$0x1FF50];
	v60 =	vmul.f32 v36, v51  }
0x2fa: {  	v41 =	vsub.f32 v41, v49;
	v32 =	vsub.f32 v55, v49;
	v0 =	vmul.f32 v0, v62  }
0x2fb: {  	v56 =	vsub.f32 v39, v49;
	v59 =	vsub.f32 v47, v1;
	v47 =	vmul.f32 v60, v36  }
0x2fc: {  	v34 =	vsub.f32 v38, v49;
	v0 =	vsub.f32 $1.500000000e+00, v0  }
0x2fd: {  	[tilespmem:s20+$0x8BD0] =	vst v33;
	v35 =	vsub.f32 v35, v1;
	v63 =	vsub.f32 $1.500000000e+00, v47;
	v47 =	vld [tilespmem:$0x1FFD0]  }
0x2fe: {  	[tilespmem:s20+$0x8BE0] =	vst v30;
	v46 =	vsub.f32 v46, v1;
	v39 =	vsub.f32 v58, v49;
	v0 =	vmul.f32 v0, v62  }
0x2ff: {  	[tilespmem:s20+$0x8BF0] =	vst v31;
	v45 =	vsub.f32 v45, v1;
	v30 =	vsub.f32 v48, v1;
	v49 =	vmul.f32 v28, v13  }
0x300: {  	[tilespmem:s20+$0x8B10] =	vst v27;
	v6 =	vsub.f32 v6, v1;
	v62 =	vmul.f32 v0, v39;
	v39 =	vmul.f32 v26, v12  }
0x301: {  	[tilespmem:s20+$0x8B20] =	vst v24;
	v61 =	vsub.f32 v50, v1;
	v50 =	vmul.f32 v0, v44;
	v52 =	vmul.f32 v0, v43  }
0x302: {  	[tilespmem:s20+$0x8B40] =	vst v25;
	v25 =	vadd.f32 v49, v21;
	v53 =	vmul.f32 v0, v42;
	v48 =	vmul.f32 v62, v47  }
0x303: {  	[tilespmem:s20+$0x8B30] =	vst v22;
	v54 =	vmul.f32 v0, v41;
	v55 =	vmul.f32 v0, v32;
	v24 =	vadd.f32 v39, v20  }
0x304: {  	[tilespmem:s20+$0x8B50] =	vst v23;
	v56 =	vmul.f32 v0, v56;
	v51 =	vmul.f32 v29, v47;
	v26 =	vadd.f32 v48, v14  }
0x305: {  	v1 =	vsub.f32 v40, v1;
	v27 =	vmul.f32 v50, v7;
	[tilespmem:s20+$0x8B60] =	vst v24;
	v40 =	vmul.f32 v63, v36  }
0x306: {  	v0 =	vmul.f32 v0, v34;
	v28 =	vmul.f32 v52, v8;
	v23 =	vadd.f32 v51, v14;
	[tilespmem:s21+$0x8C00] =	vst v26  }
0x307: {  	v24 =	vmul.f32 v53, v9;
	v27 =	vadd.f32 v27, v15;
	v6 =	vmul.f32 v40, v6;
	[tilespmem:s20+$0x8B70] =	vst v25  }
0x308: {  	v0 =	vmul.f32 v0, v13;
	v28 =	vadd.f32 v28, v16;
	[tilespmem:s20+$0x8B80] =	vst v23  }
0x309: {  	v24 =	vadd.f32 v24, v17;
	v6 =	vmul.f32 v6, v13;
	[tilespmem:s21+$0x8B90] =	vst v27  }
0x30a: {  	v0 =	vadd.f32 v0, v21;
	v26 =	vmul.f32 v54, v10;
	[tilespmem:s21+$0x8BA0] =	vst v28  }
0x30b: {  	v57 =	vmul.f32 v40, v35;
	v6 =	vadd.f32 v6, v21;
	v25 =	vmul.f32 v55, v11;
	[tilespmem:s21+$0x8BB0] =	vst v24  }
0x30c: {  	v61 =	vmul.f32 v40, v61;
	v23 =	vmul.f32 v56, v12;
	v26 =	vadd.f32 v26, v18;
	[tilespmem:s21+$0x8BF0] =	vst v0  }
0x30d: {  	v59 =	vmul.f32 v40, v59;
	v27 =	vmul.f32 v57, v7;
	[tilespmem:s21+$0x8B70] =	vst v6;
	v58 =	vadd.f32 v25, v19  }
0x30e: {  	v60 =	vmul.f32 v40, v46;
	v24 =	vmul.f32 v61, v10;
	v23 =	vadd.f32 v23, v20;
	[tilespmem:s21+$0x8BC0] =	vst v26  }
0x30f: {  	v0 =	vmul.f32 v40, v30;
	v25 =	vmul.f32 v59, v8;
	v27 =	vadd.f32 v27, v15;
	[tilespmem:s21+$0x8BD0] =	vst v58  }
0x310: {  	v62 =	vmul.f32 v40, v45;
	v26 =	vmul.f32 v60, v9;
	v63 =	vadd.f32 v24, v18;
	[tilespmem:s21+$0x8BE0] =	vst v23  }
0x311: {  	v1 =	vmul.f32 v40, v1;
	v0 =	vmul.f32 v0, v12;
	v25 =	vadd.f32 v25, v16;
	[tilespmem:s21+$0x8B10] =	vst v27  }
0x312: {  	v23 =	vmul.f32 v62, v11;
	v26 =	vadd.f32 v26, v17;
	[tilespmem:s21+$0x8B40] =	vst v63  }
0x313: {  	v1 =	vmul.f32 v1, v47;
	v0 =	vadd.f32 v0, v20;
	[tilespmem:s21+$0x8B20] =	vst v25  }
0x314: {  	s11 =	sadd.s32 $0x1, s11;
	v23 =	vadd.f32 v23, v19;
	[tilespmem:s21+$0x8B30] =	vst v26  }
0x315: {  	p1 =	sne.s32 s11, $0x7D;
	[tilespmem:s21+$0x8B60] =	vst v0;
	v0 =	vadd.f32 v1, v14  }
.Ltmp2:
0x316: {  	[tilespmem:s21+$0x8B50] =	vst v23;
	(pc) =	sbr.rel @p1 .LBB2_2-.Ltmp2, $4  }
0x317: {  	s1 =	sadd.s32 s5, s22;
	[tilespmem:s21+$0x8B80] =	vst v0  }
0x318: {  	[hbm4b:s1+s8] =	stream.linear.scatter [tilespmem:s15], [sflag:$0x4], $0x1400, $0x38;
	[tilespmem:$0x1DC80] =	vst v63  }
0x319: {  	_ = 	snop  }
0x31a: {  	v6 =	vmov v47;
	[spmem:s6] =	stream.indirect.scatter.add.f32 [tilespmem:s15], [sflag:$0x6], $0x80, s30, s29, $0xb8;
	[tilespmem:$0x1DC80] =	vst v63  }
0x31b: {  	_ =	swait.ge [sflag:s16], $0x1400  }
0x31c: {  	[sflag:s16] =	ssyncset.done $0x0  }
0x31d: {  	[sflag:s16] =	ssyncadd.s32 $0xFFFFEC00  }
0x31e: {  	_ =	swait.ge [sflag:s19], $0x1400  }
0x31f: {  	[sflag:s19] =	ssyncset.done $0x0  }
0x320: {  	s1 =	simm.s32 $0x6;
	[sflag:s19] =	ssyncadd.s32 $0xFFFFEC00  }
0x321: {  	_ =	swait.ge [sflag:s1], $0x1400  }
0x322: {  	[sflag:s1] =	ssyncset.done $0x0  }
0x323: {  	[sflag:s1] =	ssyncadd.s32 $0xFFFFEC00  }
0x324: {  	[bflag:$0x0] =	sbarrier.arrive $0xFFFF  }
0x325: {  	s11 =	rddreg [dreg:$0xe]  }
0x326: {  	s1 =	simm.s32 @p0 $0x1FC9;
	s21 =	rddreg [dreg:$0x11]  }
0x327: {  	[hbm:s11], [sflag:s1] =	dma.local @p0 [spmem:s21], $0x2800  }
0x328: {  	s1 =	simm.s32 @p0 $0x9  }
0x329: {  	_ =	swait.ge @p0 [sflag:s1], $0x2800  }
0x32a: {  	s20 =	rddreg [dreg:$0x10]  }
0x32b: {  	[sflag:s1] =	ssyncset.done @p0 $0x0;
	s11 =	rddreg [dreg:$0x13]  }
0x32c: {  	[sflag:s1] =	ssyncadd.s32 @p0 $0xFFFFD800;
	s1 =	rddreg [dreg:$0xd]  }
0x32d: {  	[hbm:s1], [sflag:s20] =	dma.local @!p0 [spmem:s11], $0x2700  }
0x32e: {  	s1 =	simm.s32 @!p0 $0x9  }
0x32f: {  	_ =	swait.ge @!p0 [sflag:s1], $0x2700  }
0x330: {  	s22 =	rddreg [dreg:$0x12]  }
0x331: {  	s28 =	rddreg [dreg:$0xf];
	s22 =	sadd.s32 $0x1, s22  }
0x332: {  	p1 =	sne.s32 s22, s28  }
.Ltmp3:
0x333: {  	_ = 	snop;
	(pc) =	sbr.rel @p1 .LBB2_1-.Ltmp3, $3  }
0x334: {  	_ =	sdelay $0x1  }
0x335: {  	[sflag:s1] =	ssyncset.done @!p0 $0x0  }
0x336: {  	[sflag:s1] =	ssyncadd.s32 @!p0 $0xFFFFD900  }
0x337: {  	_ =	sfence.sel $0x180000  }
0x338: {  	[bflag:$0x0] =	sbarrier.arrive $0xFFFF  }
0x339: {  	_ =	strace $0x90000047  }
0x33a: {  	s0 =	stileid.u32;
	[bflag:$0x2] =	sbarrier.arrive $0xFFFF  }
0x33b: {  	p0 =	sne.s32 s0, $0x0;
	s0 =	rddreg [dreg:$0x7]  }
0x33c: {  	s0 =	sadd.s32 @!p0 $0x100000, s0  }
0x33d: {  	[sflag:s0] =	ssyncadd.tile.s32 @!p0 $0x1;
	_ =	shalt  }
.Lfunc_end2:
_tile_overlayer_lowered:
.L_overlay_start_2:
0x33e: {  	(tag) =	ssettag $0x2  }
0x33f: {  	s0 =	rddreg [dreg:$0x0];
	s2 =	stileid.u32  }
0x340: {  	s1 =	rddreg [dreg:$0x1];
	p0 =	sne.s32 s2, $0x0  }
0x341: {  	s3 =	rddreg [dreg:$0x2];
	[bflag:$0x3] =	sbarrier.arrive $0xFFFF;
	s2 =	simm.s32 @!p0 $0x1C09  }
0x342: {  	[timem:s3], [sflag:s2] =	dma.local @!p0 [hbm:s0], s1  }
0x343: {  	s0 =	simm.s32 @!p0 $0x9  }
0x344: {  	_ =	swait.ge @!p0 [sflag:s0], s1  }
0x345: {  	s1 =	ssub.s32 @!p0 $0x0, s1;
	[sflag:s0] =	ssyncset.done @!p0 $0x0  }
0x346: {  	[sflag:s0] =	ssyncadd.s32 @!p0 s1  }
0x347: {  	[bflag:$0x3] =	sbarrier.arrive $0xFFFF  }
0x348: {  	_ =	shalt  }

</sc_bundles>
